<compile_context>
chip_gen: v7x
topology: tpu7x:2x2x1
jax: 0.10.2.dev20260603
libtpu: 0.0.44.dev20260713+nightly
codegen_flags: <defaults>
</compile_context>

<pallas_src>
import functools

import jax
import jax.numpy as jnp
from jax import lax
from jax.experimental import pallas as pl
from jax.experimental.pallas import tpu as pltpu
from jax.experimental.pallas import tpu_sc as plsc

NIMG = 16
ROWS = 512
COLS = 512
K_SC = 4
K_TC = NIMG - K_SC
NC = 2
NS = 16
L = 16
NW = NC * NS
ROWS_W = K_SC * ROWS // NW
CHUNKR = 8
NCHUNK = ROWS_W // CHUNKR
BANKS = 4
STEP = BANKS * L

_mesh = plsc.VectorSubcoreMesh(core_axis_name="c", subcore_axis_name="s")


@functools.partial(
    pl.kernel,
    mesh=_mesh,
    out_type=jax.ShapeDtypeStruct((NW, 4, L), jnp.float32),
    scratch_types=[
        pltpu.VMEM((2, CHUNKR, COLS), jnp.float32),
        pltpu.VMEM((2, CHUNKR, COLS), jnp.float32),
        pltpu.VMEM((4, L), jnp.float32),
        pltpu.SemaphoreType.DMA,
        pltpu.SemaphoreType.DMA,
        pltpu.SemaphoreType.DMA,
        pltpu.SemaphoreType.DMA,
    ],
)
def _flood_mse_sc(a_hbm, b_hbm, out_hbm, a_v, b_v, res_v,
                  sa0, sa1, sb0, sb1):
    wid = lax.axis_index("s") * NC + lax.axis_index("c")
    grow0 = wid * ROWS_W
    sems_a = (sa0, sa1)
    sems_b = (sb0, sb1)

    def dma_pair(c, slot):
        gr = grow0 + c * CHUNKR
        img = gr // ROWS
        r = gr % ROWS
        ca = pltpu.make_async_copy(
            a_hbm.at[img, 0, pl.ds(r, CHUNKR), :], a_v.at[slot],
            sems_a[slot])
        cb = pltpu.make_async_copy(
            b_hbm.at[img, 0, pl.ds(r, CHUNKR), :], b_v.at[slot],
            sems_b[slot])
        return ca, cb

    for c in (0, 1):
        ca, cb = dma_pair(c, c)
        ca.start()
        cb.start()

    zf = jnp.zeros((L,), jnp.float32)
    zi = jnp.zeros((L,), jnp.int32)
    accs = tuple((zf, zi, zf, zi) for _ in range(BANKS))

    for c in range(NCHUNK):
        slot = c % 2
        ca, cb = dma_pair(c, slot)
        ca.wait()
        cb.wait()
        av = a_v.at[slot]
        bv = b_v.at[slot]

        @plsc.parallel_loop(0, CHUNKR * COLS, STEP, unroll=2, carry=accs)
        def accs(i, banks):
            r = jax.lax.shift_right_logical(i, 9)
            col = pl.multiple_of(jax.lax.bitwise_and(i, COLS - 1), STEP)
            out = []
            for j in range(BANKS):
                sl, cl, sp, cp = banks[j]
                a = av[r, pl.ds(col + j * L, L)]
                b = bv[r, pl.ds(col + j * L, L)]
                d = a - b
                sq = d * d
                ml = b > 0.0
                mp = a > 0.0
                sl = sl + jnp.where(ml, sq, 0.0)
                sp = sp + jnp.where(mp, sq, 0.0)
                cl = cl + jnp.where(ml, 1, 0)
                cp = cp + jnp.where(mp, 1, 0)
                out.append((sl, cl, sp, cp))
            return tuple(out)

        if c + 2 < NCHUNK:
            na, nb = dma_pair(c + 2, slot)
            na.start()
            nb.start()

    sl, cl, sp, cp = accs[0]
    for j in range(1, BANKS):
        sl = sl + accs[j][0]
        cl = cl + accs[j][1]
        sp = sp + accs[j][2]
        cp = cp + accs[j][3]
    res_v[0, :] = sl
    res_v[1, :] = cl.astype(jnp.float32)
    res_v[2, :] = sp
    res_v[3, :] = cp.astype(jnp.float32)
    pltpu.sync_copy(res_v, out_hbm.at[wid])


IMG_B = 2


def _flood_mse_tc_body(a_ref, b_ref, o_ref):
    i = pl.program_id(0)
    a = a_ref[...].reshape(IMG_B * ROWS, COLS)
    b = b_ref[...].reshape(IMG_B * ROWS, COLS)
    d = a - b
    sq = d * d
    mlf = (b > 0.0).astype(jnp.float32)
    mpf = (a > 0.0).astype(jnp.float32)
    ones = jnp.ones((1, IMG_B * ROWS), jnp.float32)

    def colsum(x):
        return jax.lax.dot_general(
            ones, x, (((1,), (0,)), ((), ())),
            preferred_element_type=jnp.float32)

    sl = jnp.sum(colsum(sq * mlf))
    cl = jnp.sum(colsum(mlf))
    sp = jnp.sum(colsum(sq * mpf))
    cp = jnp.sum(colsum(mpf))

    @pl.when(i == 0)
    def _():
        o_ref[0] = 0.0
        o_ref[1] = 0.0
        o_ref[2] = 0.0
        o_ref[3] = 0.0

    o_ref[0] += sl
    o_ref[1] += cl
    o_ref[2] += sp
    o_ref[3] += cp


_flood_mse_tc = pl.pallas_call(
    _flood_mse_tc_body,
    grid=(K_TC // IMG_B,),
    in_specs=[
        pl.BlockSpec((IMG_B, 1, ROWS, COLS),
                     lambda i: (K_SC // IMG_B + i, 0, 0, 0)),
        pl.BlockSpec((IMG_B, 1, ROWS, COLS),
                     lambda i: (K_SC // IMG_B + i, 0, 0, 0)),
    ],
    out_specs=pl.BlockSpec(memory_space=pltpu.SMEM),
    out_shape=jax.ShapeDtypeStruct((4,), jnp.float32),
)


def kernel(inputs, targets):
    parts_tc = _flood_mse_tc(inputs, targets)
    parts_sc = _flood_mse_sc(inputs, targets)
    sums = jnp.sum(parts_sc, axis=(0, 2)) + parts_tc
    loss_label = sums[0] / sums[1]
    loss_pred = sums[2] / sums[3]
    return (loss_label + loss_pred, loss_label, loss_pred)

# --- scband reference (transcript-rebuilt; emitter-appended) ---
"""Pipeline reference for scband-flood-mseloss-17377437680323 (READ-ONLY COPY).

The authoritative reference and input builder live on the scoring server;
editing this copy changes nothing except your own understanding.
"""

import jax, jax.numpy as jnp
import numpy as np


def setup_inputs(seed: int = 0) -> dict:
    key = jax.random.key(seed)
    k1, k2 = jax.random.split(key)
    inputs = jax.random.normal(k1, (16, 1, 512, 512), dtype=jnp.float32)
    targets = jax.random.normal(k2, (16, 1, 512, 512), dtype=jnp.float32)
    return {"inputs": inputs, "targets": targets}


def _masked_mse(a, b, mask):
    # Equivalent to F.mse_loss(masked_select(a, mask), masked_select(b, mask), reduction='mean')
    sq = (a - b) ** 2
    num = jnp.sum(jnp.where(mask, sq, 0.0))
    cnt = jnp.sum(mask.astype(jnp.float32))
    return num / cnt


def reference(inputs, targets):
    # mask 1: cells where the ground truth says there is flood (target > 0)
    mask_label = targets > 0
    # mask 2: cells where the model predicts flood (input > 0)
    mask_pred = inputs > 0
    loss_label = _masked_mse(inputs, targets, mask_label)
    loss_pred = _masked_mse(inputs, targets, mask_pred)
    loss = loss_label + loss_pred
    return (loss, loss_label, loss_pred)

if __name__ == "__main__":
    import jax
    _d = setup_inputs()
    print(jax.jit(kernel)(*tuple(_d.values())))

</pallas_src>

<mosaic_0001>
#map = affine_map<(d0, d1) -> (0, 0, 0, 0)>
#map1 = affine_map<(d0, d1) -> (0, 0, 0)>
module attributes {stable_mosaic.version = 14 : i64} {
  func.func @_flood_mse_sc(%arg0: i32, %arg1: i32, %arg2: memref<16x1x512x512xf32, #tpu.memory_space<hbm>>, %arg3: memref<16x1x512x512xf32, #tpu.memory_space<hbm>>, %arg4: memref<32x4x16xf32, #tpu.memory_space<hbm>>, %arg5: memref<2x8x512xf32, #tpu.memory_space<vmem>>, %arg6: memref<2x8x512xf32, #tpu.memory_space<vmem>>, %arg7: memref<4x16xf32, #tpu.memory_space<vmem>>, %arg8: memref<!tpu.dma_semaphore, #tpu.memory_space<semaphore_mem>>, %arg9: memref<!tpu.dma_semaphore, #tpu.memory_space<semaphore_mem>>, %arg10: memref<!tpu.dma_semaphore, #tpu.memory_space<semaphore_mem>>, %arg11: memref<!tpu.dma_semaphore, #tpu.memory_space<semaphore_mem>>) attributes {dimension_semantics = [#tpu.dimension_semantics<core_parallel>, #tpu.dimension_semantics<subcore_parallel>], iteration_bounds = array<i64: 2, 16>, scalar_prefetch = 0 : i64, scratch_operands = 7 : i64, tpu.core_type = #tpu.core_type<sc_vector_subcore>, window_params = [{transform_indices = #map}, {transform_indices = #map}, {transform_indices = #map1}]} {
    %mul3A = arith.constant 2 : i32
    %mul3A_0 = arith.muli %arg1, %mul3A : i32
    %add3A = arith.addi %mul3A_0, %arg0 : i32
    %mul3A_1 = arith.constant 64 : i32
    %mul3A_2 = arith.muli %add3A, %mul3A_1 : i32
    %add3A_3 = arith.constant 0 : i32
    %add3A_4 = arith.addi %mul3A_2, %add3A_3 : i32
    %jit3A = arith.constant 512 : i32
    %div3A = arith.divsi %add3A_4, %jit3A : i32
    %sign3A = arith.constant 0 : i32
    %sign3A_5 = arith.cmpi sgt, %add3A_4, %sign3A : i32
    %sign3A_6 = arith.extui %sign3A_5 : i1 to i32
    %sign3A_7 = arith.constant 0 : i32
    %sign3A_8 = arith.cmpi slt, %add3A_4, %sign3A_7 : i32
    %sign3A_9 = arith.extui %sign3A_8 : i1 to i32
    %sign3A_10 = arith.subi %sign3A_6, %sign3A_9 : i32
    %sign3A_11 = arith.constant 0 : i32
    %sign3A_12 = arith.cmpi sgt, %jit3A, %sign3A_11 : i32
    %sign3A_13 = arith.extui %sign3A_12 : i1 to i32
    %sign3A_14 = arith.constant 0 : i32
    %sign3A_15 = arith.cmpi slt, %jit3A, %sign3A_14 : i32
    %sign3A_16 = arith.extui %sign3A_15 : i1 to i32
    %sign3A_17 = arith.subi %sign3A_13, %sign3A_16 : i32
    %ne3A = arith.cmpi ne, %sign3A_10, %sign3A_17 : i32
    %rem3A = arith.remsi %add3A_4, %jit3A : i32
    %ne3A_18 = arith.constant 0 : i32
    %ne3A_19 = arith.cmpi ne, %rem3A, %ne3A_18 : i32
    %and3A = arith.andi %ne3A, %ne3A_19 : i1
    %sub3A = arith.constant 1 : i32
    %sub3A_20 = arith.subi %div3A, %sub3A : i32
    %select_n3A = arith.select %and3A, %sub3A_20, %div3A : i32
    %jit3A_21 = arith.constant 512 : i32
    %eq3A = arith.constant 0 : i32
    %eq3A_22 = arith.cmpi eq, %jit3A_21, %eq3A : i32
    %jit3A_23 = arith.constant 1 : i32
    %select_n3A_24 = arith.select %eq3A_22, %jit3A_23, %jit3A_21 : i32
    %rem3A_25 = arith.remsi %add3A_4, %select_n3A_24 : i32
    %ne3A_26 = arith.constant 0 : i32
    %ne3A_27 = arith.cmpi ne, %rem3A_25, %ne3A_26 : i32
    %lt3A = arith.constant 0 : i32
    %lt3A_28 = arith.cmpi slt, %rem3A_25, %lt3A : i32
    %lt3A_29 = arith.constant 0 : i32
    %lt3A_30 = arith.cmpi slt, %select_n3A_24, %lt3A_29 : i32
    %ne3A_31 = arith.xori %lt3A_28, %lt3A_30 : i1
    %and3A_32 = arith.andi %ne3A_31, %ne3A_27 : i1
    %add3A_33 = arith.addi %rem3A_25, %select_n3A_24 : i32
    %select_n3A_34 = arith.select %and3A_32, %add3A_33, %rem3A_25 : i32
    %dma_start3A = arith.constant 0 : i32
    %dma_start3A_35 = arith.constant 0 : i32
    %dma_start3A_36 = arith.constant 0 : i32
    %dma_start3A_37 = arith.constant 0 : i32
    %dma_start3A_38 = tpu.memref_slice %arg5[%dma_start3A_35, %dma_start3A_36, %dma_start3A_37] : memref<2x8x512xf32, #tpu.memory_space<vmem>> -> memref<1x8x512xf32, #tpu.memory_space<vmem>>
    %dma_start3A_39 = tpu.memref_squeeze %dma_start3A_38 : memref<1x8x512xf32, #tpu.memory_space<vmem>> -> memref<8x512xf32, #tpu.memory_space<vmem>>
    %dma_start3A_40 = arith.constant 0 : i32
    %dma_start3A_41 = tpu.memref_slice %arg2[%select_n3A, %dma_start3A, %select_n3A_34, %dma_start3A_40] : memref<16x1x512x512xf32, #tpu.memory_space<hbm>> -> memref<1x1x8x512xf32, #tpu.memory_space<hbm>>
    %dma_start3A_42 = tpu.memref_squeeze %dma_start3A_41 : memref<1x1x8x512xf32, #tpu.memory_space<hbm>> -> memref<8x512xf32, #tpu.memory_space<hbm>>
    %dma_start3A_43 = arith.constant 0 : i32
    %dma_start3A_44 = arith.constant 0 : i32
    %dma_start3A_45 = tpu.memref_slice %arg5[%dma_start3A_35, %dma_start3A_43, %dma_start3A_44] : memref<2x8x512xf32, #tpu.memory_space<vmem>> -> memref<1x8x512xf32, #tpu.memory_space<vmem>>
    %dma_start3A_46 = tpu.memref_squeeze %dma_start3A_45 : memref<1x8x512xf32, #tpu.memory_space<vmem>> -> memref<8x512xf32, #tpu.memory_space<vmem>>
    %dma_start3A_47 = arith.constant 0 : i32
    %dma_start3A_48 = tpu.memref_slice %arg2[%select_n3A, %dma_start3A, %select_n3A_34, %dma_start3A_47] : memref<16x1x512x512xf32, #tpu.memory_space<hbm>> -> memref<1x1x8x512xf32, #tpu.memory_space<hbm>>
    %dma_start3A_49 = tpu.memref_squeeze %dma_start3A_48 : memref<1x1x8x512xf32, #tpu.memory_space<hbm>> -> memref<8x512xf32, #tpu.memory_space<hbm>>
    tpu.enqueue_dma source(%dma_start3A_49 : memref<8x512xf32, #tpu.memory_space<hbm>>) target(%dma_start3A_46 : memref<8x512xf32, #tpu.memory_space<vmem>>) target_semaphore(%arg8 : memref<!tpu.dma_semaphore, #tpu.memory_space<semaphore_mem>>)
    %dma_start3A_50 = arith.constant 0 : i32
    %dma_start3A_51 = arith.constant 0 : i32
    %dma_start3A_52 = arith.constant 0 : i32
    %dma_start3A_53 = arith.constant 0 : i32
    %dma_start3A_54 = tpu.memref_slice %arg6[%dma_start3A_51, %dma_start3A_52, %dma_start3A_53] : memref<2x8x512xf32, #tpu.memory_space<vmem>> -> memref<1x8x512xf32, #tpu.memory_space<vmem>>
    %dma_start3A_55 = tpu.memref_squeeze %dma_start3A_54 : memref<1x8x512xf32, #tpu.memory_space<vmem>> -> memref<8x512xf32, #tpu.memory_space<vmem>>
    %dma_start3A_56 = arith.constant 0 : i32
    %dma_start3A_57 = tpu.memref_slice %arg3[%select_n3A, %dma_start3A_50, %select_n3A_34, %dma_start3A_56] : memref<16x1x512x512xf32, #tpu.memory_space<hbm>> -> memref<1x1x8x512xf32, #tpu.memory_space<hbm>>
    %dma_start3A_58 = tpu.memref_squeeze %dma_start3A_57 : memref<1x1x8x512xf32, #tpu.memory_space<hbm>> -> memref<8x512xf32, #tpu.memory_space<hbm>>
    %dma_start3A_59 = arith.constant 0 : i32
    %dma_start3A_60 = arith.constant 0 : i32
    %dma_start3A_61 = tpu.memref_slice %arg6[%dma_start3A_51, %dma_start3A_59, %dma_start3A_60] : memref<2x8x512xf32, #tpu.memory_space<vmem>> -> memref<1x8x512xf32, #tpu.memory_space<vmem>>
    %dma_start3A_62 = tpu.memref_squeeze %dma_start3A_61 : memref<1x8x512xf32, #tpu.memory_space<vmem>> -> memref<8x512xf32, #tpu.memory_space<vmem>>
    %dma_start3A_63 = arith.constant 0 : i32
    %dma_start3A_64 = tpu.memref_slice %arg3[%select_n3A, %dma_start3A_50, %select_n3A_34, %dma_start3A_63] : memref<16x1x512x512xf32, #tpu.memory_space<hbm>> -> memref<1x1x8x512xf32, #tpu.memory_space<hbm>>
    %dma_start3A_65 = tpu.memref_squeeze %dma_start3A_64 : memref<1x1x8x512xf32, #tpu.memory_space<hbm>> -> memref<8x512xf32, #tpu.memory_space<hbm>>
    tpu.enqueue_dma source(%dma_start3A_65 : memref<8x512xf32, #tpu.memory_space<hbm>>) target(%dma_start3A_62 : memref<8x512xf32, #tpu.memory_space<vmem>>) target_semaphore(%arg10 : memref<!tpu.dma_semaphore, #tpu.memory_space<semaphore_mem>>)
    %add3A_66 = arith.constant 8 : i32
    %add3A_67 = arith.addi %mul3A_2, %add3A_66 : i32
    %jit3A_68 = arith.constant 512 : i32
    %div3A_69 = arith.divsi %add3A_67, %jit3A_68 : i32
    %sign3A_70 = arith.constant 0 : i32
    %sign3A_71 = arith.cmpi sgt, %add3A_67, %sign3A_70 : i32
    %sign3A_72 = arith.extui %sign3A_71 : i1 to i32
    %sign3A_73 = arith.constant 0 : i32
    %sign3A_74 = arith.cmpi slt, %add3A_67, %sign3A_73 : i32
    %sign3A_75 = arith.extui %sign3A_74 : i1 to i32
    %sign3A_76 = arith.subi %sign3A_72, %sign3A_75 : i32
    %sign3A_77 = arith.constant 0 : i32
    %sign3A_78 = arith.cmpi sgt, %jit3A_68, %sign3A_77 : i32
    %sign3A_79 = arith.extui %sign3A_78 : i1 to i32
    %sign3A_80 = arith.constant 0 : i32
    %sign3A_81 = arith.cmpi slt, %jit3A_68, %sign3A_80 : i32
    %sign3A_82 = arith.extui %sign3A_81 : i1 to i32
    %sign3A_83 = arith.subi %sign3A_79, %sign3A_82 : i32
    %ne3A_84 = arith.cmpi ne, %sign3A_76, %sign3A_83 : i32
    %rem3A_85 = arith.remsi %add3A_67, %jit3A_68 : i32
    %ne3A_86 = arith.constant 0 : i32
    %ne3A_87 = arith.cmpi ne, %rem3A_85, %ne3A_86 : i32
    %and3A_88 = arith.andi %ne3A_84, %ne3A_87 : i1
    %sub3A_89 = arith.constant 1 : i32
    %sub3A_90 = arith.subi %div3A_69, %sub3A_89 : i32
    %select_n3A_91 = arith.select %and3A_88, %sub3A_90, %div3A_69 : i32
    %jit3A_92 = arith.constant 512 : i32
    %eq3A_93 = arith.constant 0 : i32
    %eq3A_94 = arith.cmpi eq, %jit3A_92, %eq3A_93 : i32
    %jit3A_95 = arith.constant 1 : i32
    %select_n3A_96 = arith.select %eq3A_94, %jit3A_95, %jit3A_92 : i32
    %rem3A_97 = arith.remsi %add3A_67, %select_n3A_96 : i32
    %ne3A_98 = arith.constant 0 : i32
    %ne3A_99 = arith.cmpi ne, %rem3A_97, %ne3A_98 : i32
    %lt3A_100 = arith.constant 0 : i32
    %lt3A_101 = arith.cmpi slt, %rem3A_97, %lt3A_100 : i32
    %lt3A_102 = arith.constant 0 : i32
    %lt3A_103 = arith.cmpi slt, %select_n3A_96, %lt3A_102 : i32
    %ne3A_104 = arith.xori %lt3A_101, %lt3A_103 : i1
    %and3A_105 = arith.andi %ne3A_104, %ne3A_99 : i1
    %add3A_106 = arith.addi %rem3A_97, %select_n3A_96 : i32
    %select_n3A_107 = arith.select %and3A_105, %add3A_106, %rem3A_97 : i32
    %dma_start3A_108 = arith.constant 0 : i32
    %dma_start3A_109 = arith.constant 1 : i32
    %dma_start3A_110 = arith.constant 0 : i32
    %dma_start3A_111 = arith.constant 0 : i32
    %dma_start3A_112 = tpu.memref_slice %arg5[%dma_start3A_109, %dma_start3A_110, %dma_start3A_111] : memref<2x8x512xf32, #tpu.memory_space<vmem>> -> memref<1x8x512xf32, #tpu.memory_space<vmem>>
    %dma_start3A_113 = tpu.memref_squeeze %dma_start3A_112 : memref<1x8x512xf32, #tpu.memory_space<vmem>> -> memref<8x512xf32, #tpu.memory_space<vmem>>
    %dma_start3A_114 = arith.constant 0 : i32
    %dma_start3A_115 = tpu.memref_slice %arg2[%select_n3A_91, %dma_start3A_108, %select_n3A_107, %dma_start3A_114] : memref<16x1x512x512xf32, #tpu.memory_space<hbm>> -> memref<1x1x8x512xf32, #tpu.memory_space<hbm>>
    %dma_start3A_116 = tpu.memref_squeeze %dma_start3A_115 : memref<1x1x8x512xf32, #tpu.memory_space<hbm>> -> memref<8x512xf32, #tpu.memory_space<hbm>>
    %dma_start3A_117 = arith.constant 0 : i32
    %dma_start3A_118 = arith.constant 0 : i32
    %dma_start3A_119 = tpu.memref_slice %arg5[%dma_start3A_109, %dma_start3A_117, %dma_start3A_118] : memref<2x8x512xf32, #tpu.memory_space<vmem>> -> memref<1x8x512xf32, #tpu.memory_space<vmem>>
    %dma_start3A_120 = tpu.memref_squeeze %dma_start3A_119 : memref<1x8x512xf32, #tpu.memory_space<vmem>> -> memref<8x512xf32, #tpu.memory_space<vmem>>
    %dma_start3A_121 = arith.constant 0 : i32
    %dma_start3A_122 = tpu.memref_slice %arg2[%select_n3A_91, %dma_start3A_108, %select_n3A_107, %dma_start3A_121] : memref<16x1x512x512xf32, #tpu.memory_space<hbm>> -> memref<1x1x8x512xf32, #tpu.memory_space<hbm>>
    %dma_start3A_123 = tpu.memref_squeeze %dma_start3A_122 : memref<1x1x8x512xf32, #tpu.memory_space<hbm>> -> memref<8x512xf32, #tpu.memory_space<hbm>>
    tpu.enqueue_dma source(%dma_start3A_123 : memref<8x512xf32, #tpu.memory_space<hbm>>) target(%dma_start3A_120 : memref<8x512xf32, #tpu.memory_space<vmem>>) target_semaphore(%arg9 : memref<!tpu.dma_semaphore, #tpu.memory_space<semaphore_mem>>)
    %dma_start3A_124 = arith.constant 0 : i32
    %dma_start3A_125 = arith.constant 1 : i32
    %dma_start3A_126 = arith.constant 0 : i32
    %dma_start3A_127 = arith.constant 0 : i32
    %dma_start3A_128 = tpu.memref_slice %arg6[%dma_start3A_125, %dma_start3A_126, %dma_start3A_127] : memref<2x8x512xf32, #tpu.memory_space<vmem>> -> memref<1x8x512xf32, #tpu.memory_space<vmem>>
    %dma_start3A_129 = tpu.memref_squeeze %dma_start3A_128 : memref<1x8x512xf32, #tpu.memory_space<vmem>> -> memref<8x512xf32, #tpu.memory_space<vmem>>
    %dma_start3A_130 = arith.constant 0 : i32
    %dma_start3A_131 = tpu.memref_slice %arg3[%select_n3A_91, %dma_start3A_124, %select_n3A_107, %dma_start3A_130] : memref<16x1x512x512xf32, #tpu.memory_space<hbm>> -> memref<1x1x8x512xf32, #tpu.memory_space<hbm>>
    %dma_start3A_132 = tpu.memref_squeeze %dma_start3A_131 : memref<1x1x8x512xf32, #tpu.memory_space<hbm>> -> memref<8x512xf32, #tpu.memory_space<hbm>>
    %dma_start3A_133 = arith.constant 0 : i32
    %dma_start3A_134 = arith.constant 0 : i32
    %dma_start3A_135 = tpu.memref_slice %arg6[%dma_start3A_125, %dma_start3A_133, %dma_start3A_134] : memref<2x8x512xf32, #tpu.memory_space<vmem>> -> memref<1x8x512xf32, #tpu.memory_space<vmem>>
    %dma_start3A_136 = tpu.memref_squeeze %dma_start3A_135 : memref<1x8x512xf32, #tpu.memory_space<vmem>> -> memref<8x512xf32, #tpu.memory_space<vmem>>
    %dma_start3A_137 = arith.constant 0 : i32
    %dma_start3A_138 = tpu.memref_slice %arg3[%select_n3A_91, %dma_start3A_124, %select_n3A_107, %dma_start3A_137] : memref<16x1x512x512xf32, #tpu.memory_space<hbm>> -> memref<1x1x8x512xf32, #tpu.memory_space<hbm>>
    %dma_start3A_139 = tpu.memref_squeeze %dma_start3A_138 : memref<1x1x8x512xf32, #tpu.memory_space<hbm>> -> memref<8x512xf32, #tpu.memory_space<hbm>>
    tpu.enqueue_dma source(%dma_start3A_139 : memref<8x512xf32, #tpu.memory_space<hbm>>) target(%dma_start3A_136 : memref<8x512xf32, #tpu.memory_space<vmem>>) target_semaphore(%arg11 : memref<!tpu.dma_semaphore, #tpu.memory_space<semaphore_mem>>)
    %broadcast_in_dim3A = arith.constant 0.000000e+00 : f32
    %broadcast_in_dim3A_140 = vector.broadcast %broadcast_in_dim3A : f32 to vector<16xf32>
    %broadcast_in_dim3A_141 = arith.constant 0 : i32
    %broadcast_in_dim3A_142 = vector.broadcast %broadcast_in_dim3A_141 : i32 to vector<16xi32>
    %add3A_143 = arith.constant 0 : i32
    %add3A_144 = arith.addi %mul3A_2, %add3A_143 : i32
    %jit3A_145 = arith.constant 512 : i32
    %div3A_146 = arith.divsi %add3A_144, %jit3A_145 : i32
    %sign3A_147 = arith.constant 0 : i32
    %sign3A_148 = arith.cmpi sgt, %add3A_144, %sign3A_147 : i32
    %sign3A_149 = arith.extui %sign3A_148 : i1 to i32
    %sign3A_150 = arith.constant 0 : i32
    %sign3A_151 = arith.cmpi slt, %add3A_144, %sign3A_150 : i32
    %sign3A_152 = arith.extui %sign3A_151 : i1 to i32
    %sign3A_153 = arith.subi %sign3A_149, %sign3A_152 : i32
    %sign3A_154 = arith.constant 0 : i32
    %sign3A_155 = arith.cmpi sgt, %jit3A_145, %sign3A_154 : i32
    %sign3A_156 = arith.extui %sign3A_155 : i1 to i32
    %sign3A_157 = arith.constant 0 : i32
    %sign3A_158 = arith.cmpi slt, %jit3A_145, %sign3A_157 : i32
    %sign3A_159 = arith.extui %sign3A_158 : i1 to i32
    %sign3A_160 = arith.subi %sign3A_156, %sign3A_159 : i32
    %ne3A_161 = arith.cmpi ne, %sign3A_153, %sign3A_160 : i32
    %rem3A_162 = arith.remsi %add3A_144, %jit3A_145 : i32
    %ne3A_163 = arith.constant 0 : i32
    %ne3A_164 = arith.cmpi ne, %rem3A_162, %ne3A_163 : i32
    %and3A_165 = arith.andi %ne3A_161, %ne3A_164 : i1
    %sub3A_166 = arith.constant 1 : i32
    %sub3A_167 = arith.subi %div3A_146, %sub3A_166 : i32
    %select_n3A_168 = arith.select %and3A_165, %sub3A_167, %div3A_146 : i32
    %jit3A_169 = arith.constant 512 : i32
    %eq3A_170 = arith.constant 0 : i32
    %eq3A_171 = arith.cmpi eq, %jit3A_169, %eq3A_170 : i32
    %jit3A_172 = arith.constant 1 : i32
    %select_n3A_173 = arith.select %eq3A_171, %jit3A_172, %jit3A_169 : i32
    %rem3A_174 = arith.remsi %add3A_144, %select_n3A_173 : i32
    %ne3A_175 = arith.constant 0 : i32
    %ne3A_176 = arith.cmpi ne, %rem3A_174, %ne3A_175 : i32
    %lt3A_177 = arith.constant 0 : i32
    %lt3A_178 = arith.cmpi slt, %rem3A_174, %lt3A_177 : i32
    %lt3A_179 = arith.constant 0 : i32
    %lt3A_180 = arith.cmpi slt, %select_n3A_173, %lt3A_179 : i32
    %ne3A_181 = arith.xori %lt3A_178, %lt3A_180 : i1
    %and3A_182 = arith.andi %ne3A_181, %ne3A_176 : i1
    %add3A_183 = arith.addi %rem3A_174, %select_n3A_173 : i32
    %select_n3A_184 = arith.select %and3A_182, %add3A_183, %rem3A_174 : i32
    %dma_wait3A = arith.constant 0 : i32
    %dma_wait3A_185 = arith.constant 0 : i32
    %dma_wait3A_186 = arith.constant 0 : i32
    %dma_wait3A_187 = arith.constant 0 : i32
    %dma_wait3A_188 = tpu.memref_slice %arg5[%dma_wait3A_185, %dma_wait3A_186, %dma_wait3A_187] : memref<2x8x512xf32, #tpu.memory_space<vmem>> -> memref<1x8x512xf32, #tpu.memory_space<vmem>>
    %dma_wait3A_189 = tpu.memref_squeeze %dma_wait3A_188 : memref<1x8x512xf32, #tpu.memory_space<vmem>> -> memref<8x512xf32, #tpu.memory_space<vmem>>
    %dma_wait3A_190 = arith.constant 0 : i32
    %dma_wait3A_191 = tpu.memref_slice %arg2[%select_n3A_168, %dma_wait3A, %select_n3A_184, %dma_wait3A_190] : memref<16x1x512x512xf32, #tpu.memory_space<hbm>> -> memref<1x1x8x512xf32, #tpu.memory_space<hbm>>
    %dma_wait3A_192 = tpu.memref_squeeze %dma_wait3A_191 : memref<1x1x8x512xf32, #tpu.memory_space<hbm>> -> memref<8x512xf32, #tpu.memory_space<hbm>>
    %dma_wait3A_193 = arith.constant 0 : i32
    %dma_wait3A_194 = arith.constant 0 : i32
    %dma_wait3A_195 = tpu.memref_slice %arg5[%dma_wait3A_185, %dma_wait3A_193, %dma_wait3A_194] : memref<2x8x512xf32, #tpu.memory_space<vmem>> -> memref<1x8x512xf32, #tpu.memory_space<vmem>>
    %dma_wait3A_196 = tpu.memref_squeeze %dma_wait3A_195 : memref<1x8x512xf32, #tpu.memory_space<vmem>> -> memref<8x512xf32, #tpu.memory_space<vmem>>
    %dma_wait3A_197 = arith.constant 0 : i32
    %dma_wait3A_198 = tpu.memref_slice %arg2[%select_n3A_168, %dma_wait3A, %select_n3A_184, %dma_wait3A_197] : memref<16x1x512x512xf32, #tpu.memory_space<hbm>> -> memref<1x1x8x512xf32, #tpu.memory_space<hbm>>
    %dma_wait3A_199 = tpu.memref_squeeze %dma_wait3A_198 : memref<1x1x8x512xf32, #tpu.memory_space<hbm>> -> memref<8x512xf32, #tpu.memory_space<hbm>>
    tpu.wait_dma2 semaphore(%arg8 : memref<!tpu.dma_semaphore, #tpu.memory_space<semaphore_mem>>) src(%dma_wait3A_199 : memref<8x512xf32, #tpu.memory_space<hbm>>) dst(%dma_wait3A_196 : memref<8x512xf32, #tpu.memory_space<vmem>>)
    %dma_wait3A_200 = arith.constant 0 : i32
    %dma_wait3A_201 = arith.constant 0 : i32
    %dma_wait3A_202 = arith.constant 0 : i32
    %dma_wait3A_203 = arith.constant 0 : i32
    %dma_wait3A_204 = tpu.memref_slice %arg6[%dma_wait3A_201, %dma_wait3A_202, %dma_wait3A_203] : memref<2x8x512xf32, #tpu.memory_space<vmem>> -> memref<1x8x512xf32, #tpu.memory_space<vmem>>
    %dma_wait3A_205 = tpu.memref_squeeze %dma_wait3A_204 : memref<1x8x512xf32, #tpu.memory_space<vmem>> -> memref<8x512xf32, #tpu.memory_space<vmem>>
    %dma_wait3A_206 = arith.constant 0 : i32
    %dma_wait3A_207 = tpu.memref_slice %arg3[%select_n3A_168, %dma_wait3A_200, %select_n3A_184, %dma_wait3A_206] : memref<16x1x512x512xf32, #tpu.memory_space<hbm>> -> memref<1x1x8x512xf32, #tpu.memory_space<hbm>>
    %dma_wait3A_208 = tpu.memref_squeeze %dma_wait3A_207 : memref<1x1x8x512xf32, #tpu.memory_space<hbm>> -> memref<8x512xf32, #tpu.memory_space<hbm>>
    %dma_wait3A_209 = arith.constant 0 : i32
    %dma_wait3A_210 = arith.constant 0 : i32
    %dma_wait3A_211 = tpu.memref_slice %arg6[%dma_wait3A_201, %dma_wait3A_209, %dma_wait3A_210] : memref<2x8x512xf32, #tpu.memory_space<vmem>> -> memref<1x8x512xf32, #tpu.memory_space<vmem>>
    %dma_wait3A_212 = tpu.memref_squeeze %dma_wait3A_211 : memref<1x8x512xf32, #tpu.memory_space<vmem>> -> memref<8x512xf32, #tpu.memory_space<vmem>>
    %dma_wait3A_213 = arith.constant 0 : i32
    %dma_wait3A_214 = tpu.memref_slice %arg3[%select_n3A_168, %dma_wait3A_200, %select_n3A_184, %dma_wait3A_213] : memref<16x1x512x512xf32, #tpu.memory_space<hbm>> -> memref<1x1x8x512xf32, #tpu.memory_space<hbm>>
    %dma_wait3A_215 = tpu.memref_squeeze %dma_wait3A_214 : memref<1x1x8x512xf32, #tpu.memory_space<hbm>> -> memref<8x512xf32, #tpu.memory_space<hbm>>
    tpu.wait_dma2 semaphore(%arg10 : memref<!tpu.dma_semaphore, #tpu.memory_space<semaphore_mem>>) src(%dma_wait3A_215 : memref<8x512xf32, #tpu.memory_space<hbm>>) dst(%dma_wait3A_212 : memref<8x512xf32, #tpu.memory_space<vmem>>)
    %parallel_loop3A = arith.constant 0 : i32
    %parallel_loop3A_216 = arith.constant 4096 : i32
    %parallel_loop3A_217 = arith.constant 64 : i32
    %parallel_loop3A_218 = arith.constant 0 : i32
    %parallel_loop3A_219 = arith.constant 0 : i32
    %parallel_loop3A_220:16 = scf.for %parallel_loop3A_1261 = %parallel_loop3A to %parallel_loop3A_216 step %parallel_loop3A_217 iter_args(%parallel_loop3A_1262 = %broadcast_in_dim3A_140, %parallel_loop3A_1263 = %broadcast_in_dim3A_142, %parallel_loop3A_1264 = %broadcast_in_dim3A_140, %parallel_loop3A_1265 = %broadcast_in_dim3A_142, %parallel_loop3A_1266 = %broadcast_in_dim3A_140, %parallel_loop3A_1267 = %broadcast_in_dim3A_142, %parallel_loop3A_1268 = %broadcast_in_dim3A_140, %parallel_loop3A_1269 = %broadcast_in_dim3A_142, %parallel_loop3A_1270 = %broadcast_in_dim3A_140, %parallel_loop3A_1271 = %broadcast_in_dim3A_142, %parallel_loop3A_1272 = %broadcast_in_dim3A_140, %parallel_loop3A_1273 = %broadcast_in_dim3A_142, %parallel_loop3A_1274 = %broadcast_in_dim3A_140, %parallel_loop3A_1275 = %broadcast_in_dim3A_142, %parallel_loop3A_1276 = %broadcast_in_dim3A_140, %parallel_loop3A_1277 = %broadcast_in_dim3A_142) -> (vector<16xf32>, vector<16xi32>, vector<16xf32>, vector<16xi32>, vector<16xf32>, vector<16xi32>, vector<16xf32>, vector<16xi32>, vector<16xf32>, vector<16xi32>, vector<16xf32>, vector<16xi32>, vector<16xf32>, vector<16xi32>, vector<16xf32>, vector<16xi32>)  : i32 {
      %parallel_loop3A_1278 = arith.constant 9 : i32
      %parallel_loop3A_1279 = arith.shrui %parallel_loop3A_1261, %parallel_loop3A_1278 : i32
      %parallel_loop3A_1280 = arith.constant 511 : i32
      %parallel_loop3A_1281 = arith.andi %parallel_loop3A_1261, %parallel_loop3A_1280 : i32
      %parallel_loop3A_1282 = tpu.assume_multiple %parallel_loop3A_1281, 64 : i32
      %parallel_loop3A_1283 = arith.constant 0 : i32
      %parallel_loop3A_1284 = arith.addi %parallel_loop3A_1282, %parallel_loop3A_1283 : i32
      %parallel_loop3A_1285 = arith.constant 0 : i32
      %parallel_loop3A_1286 = arith.constant 0 : i32
      %parallel_loop3A_1287 = tpu.memref_slice %arg5[%parallel_loop3A_218, %parallel_loop3A_1285, %parallel_loop3A_1286] : memref<2x8x512xf32, #tpu.memory_space<vmem>> -> memref<1x8x512xf32, #tpu.memory_space<vmem>>
      %parallel_loop3A_1288 = tpu.memref_squeeze %parallel_loop3A_1287 : memref<1x8x512xf32, #tpu.memory_space<vmem>> -> memref<8x512xf32, #tpu.memory_space<vmem>>
      %parallel_loop3A_1289 = arith.index_cast %parallel_loop3A_1279 : i32 to index
      %parallel_loop3A_1290 = arith.index_cast %parallel_loop3A_1284 : i32 to index
      %parallel_loop3A_1291 = tpu.vector_load %parallel_loop3A_1288[%parallel_loop3A_1289, %parallel_loop3A_1290] {strides = array<i32>} : memref<8x512xf32, #tpu.memory_space<vmem>>, vector<1x16xf32>,
      %parallel_loop3A_1292 = vector.shape_cast %parallel_loop3A_1291 : vector<1x16xf32> to vector<16xf32>
      %parallel_loop3A_1293 = arith.constant 0 : i32
      %parallel_loop3A_1294 = arith.addi %parallel_loop3A_1282, %parallel_loop3A_1293 : i32
      %parallel_loop3A_1295 = arith.constant 0 : i32
      %parallel_loop3A_1296 = arith.constant 0 : i32
      %parallel_loop3A_1297 = tpu.memref_slice %arg6[%parallel_loop3A_219, %parallel_loop3A_1295, %parallel_loop3A_1296] : memref<2x8x512xf32, #tpu.memory_space<vmem>> -> memref<1x8x512xf32, #tpu.memory_space<vmem>>
      %parallel_loop3A_1298 = tpu.memref_squeeze %parallel_loop3A_1297 : memref<1x8x512xf32, #tpu.memory_space<vmem>> -> memref<8x512xf32, #tpu.memory_space<vmem>>
      %parallel_loop3A_1299 = arith.index_cast %parallel_loop3A_1279 : i32 to index
      %parallel_loop3A_1300 = arith.index_cast %parallel_loop3A_1294 : i32 to index
      %parallel_loop3A_1301 = tpu.vector_load %parallel_loop3A_1298[%parallel_loop3A_1299, %parallel_loop3A_1300] {strides = array<i32>} : memref<8x512xf32, #tpu.memory_space<vmem>>, vector<1x16xf32>,
      %parallel_loop3A_1302 = vector.shape_cast %parallel_loop3A_1301 : vector<1x16xf32> to vector<16xf32>
      %parallel_loop3A_1303 = arith.subf %parallel_loop3A_1292, %parallel_loop3A_1302 : vector<16xf32>
      %parallel_loop3A_1304 = arith.mulf %parallel_loop3A_1303, %parallel_loop3A_1303 : vector<16xf32>
      %parallel_loop3A_1305 = arith.constant 0.000000e+00 : f32
      %parallel_loop3A_1306 = vector.broadcast %parallel_loop3A_1305 : f32 to vector<16xf32>
      %parallel_loop3A_1307 = arith.cmpf ogt, %parallel_loop3A_1302, %parallel_loop3A_1306 : vector<16xf32>
      %parallel_loop3A_1308 = arith.constant 0.000000e+00 : f32
      %parallel_loop3A_1309 = vector.broadcast %parallel_loop3A_1308 : f32 to vector<16xf32>
      %parallel_loop3A_1310 = arith.cmpf ogt, %parallel_loop3A_1292, %parallel_loop3A_1309 : vector<16xf32>
      %parallel_loop3A_1311 = arith.constant 0.000000e+00 : f32
      %parallel_loop3A_1312 = vector.broadcast %parallel_loop3A_1311 : f32 to vector<16xf32>
      %parallel_loop3A_1313 = arith.select %parallel_loop3A_1307, %parallel_loop3A_1304, %parallel_loop3A_1312 : vector<16xi1>, vector<16xf32>
      %parallel_loop3A_1314 = arith.addf %parallel_loop3A_1262, %parallel_loop3A_1313 : vector<16xf32>
      %parallel_loop3A_1315 = arith.constant 0.000000e+00 : f32
      %parallel_loop3A_1316 = vector.broadcast %parallel_loop3A_1315 : f32 to vector<16xf32>
      %parallel_loop3A_1317 = arith.select %parallel_loop3A_1310, %parallel_loop3A_1304, %parallel_loop3A_1316 : vector<16xi1>, vector<16xf32>
      %parallel_loop3A_1318 = arith.addf %parallel_loop3A_1264, %parallel_loop3A_1317 : vector<16xf32>
      %parallel_loop3A_1319 = arith.constant 1 : i32
      %parallel_loop3A_1320 = arith.constant 0 : i32
      %parallel_loop3A_1321 = vector.broadcast %parallel_loop3A_1319 : i32 to vector<16xi32>
      %parallel_loop3A_1322 = vector.broadcast %parallel_loop3A_1320 : i32 to vector<16xi32>
      %parallel_loop3A_1323 = arith.select %parallel_loop3A_1307, %parallel_loop3A_1321, %parallel_loop3A_1322 : vector<16xi1>, vector<16xi32>
      %parallel_loop3A_1324 = arith.addi %parallel_loop3A_1263, %parallel_loop3A_1323 : vector<16xi32>
      %parallel_loop3A_1325 = arith.constant 1 : i32
      %parallel_loop3A_1326 = arith.constant 0 : i32
      %parallel_loop3A_1327 = vector.broadcast %parallel_loop3A_1325 : i32 to vector<16xi32>
      %parallel_loop3A_1328 = vector.broadcast %parallel_loop3A_1326 : i32 to vector<16xi32>
      %parallel_loop3A_1329 = arith.select %parallel_loop3A_1310, %parallel_loop3A_1327, %parallel_loop3A_1328 : vector<16xi1>, vector<16xi32>
      %parallel_loop3A_1330 = arith.addi %parallel_loop3A_1265, %parallel_loop3A_1329 : vector<16xi32>
      %parallel_loop3A_1331 = arith.constant 16 : i32
      %parallel_loop3A_1332 = arith.addi %parallel_loop3A_1282, %parallel_loop3A_1331 : i32
      %parallel_loop3A_1333 = arith.constant 0 : i32
      %parallel_loop3A_1334 = arith.constant 0 : i32
      %parallel_loop3A_1335 = tpu.memref_slice %arg5[%parallel_loop3A_218, %parallel_loop3A_1333, %parallel_loop3A_1334] : memref<2x8x512xf32, #tpu.memory_space<vmem>> -> memref<1x8x512xf32, #tpu.memory_space<vmem>>
      %parallel_loop3A_1336 = tpu.memref_squeeze %parallel_loop3A_1335 : memref<1x8x512xf32, #tpu.memory_space<vmem>> -> memref<8x512xf32, #tpu.memory_space<vmem>>
      %parallel_loop3A_1337 = arith.index_cast %parallel_loop3A_1279 : i32 to index
      %parallel_loop3A_1338 = arith.index_cast %parallel_loop3A_1332 : i32 to index
      %parallel_loop3A_1339 = tpu.vector_load %parallel_loop3A_1336[%parallel_loop3A_1337, %parallel_loop3A_1338] {strides = array<i32>} : memref<8x512xf32, #tpu.memory_space<vmem>>, vector<1x16xf32>,
      %parallel_loop3A_1340 = vector.shape_cast %parallel_loop3A_1339 : vector<1x16xf32> to vector<16xf32>
      %parallel_loop3A_1341 = arith.constant 16 : i32
      %parallel_loop3A_1342 = arith.addi %parallel_loop3A_1282, %parallel_loop3A_1341 : i32
      %parallel_loop3A_1343 = arith.constant 0 : i32
      %parallel_loop3A_1344 = arith.constant 0 : i32
      %parallel_loop3A_1345 = tpu.memref_slice %arg6[%parallel_loop3A_219, %parallel_loop3A_1343, %parallel_loop3A_1344] : memref<2x8x512xf32, #tpu.memory_space<vmem>> -> memref<1x8x512xf32, #tpu.memory_space<vmem>>
      %parallel_loop3A_1346 = tpu.memref_squeeze %parallel_loop3A_1345 : memref<1x8x512xf32, #tpu.memory_space<vmem>> -> memref<8x512xf32, #tpu.memory_space<vmem>>
      %parallel_loop3A_1347 = arith.index_cast %parallel_loop3A_1279 : i32 to index
      %parallel_loop3A_1348 = arith.index_cast %parallel_loop3A_1342 : i32 to index
      %parallel_loop3A_1349 = tpu.vector_load %parallel_loop3A_1346[%parallel_loop3A_1347, %parallel_loop3A_1348] {strides = array<i32>} : memref<8x512xf32, #tpu.memory_space<vmem>>, vector<1x16xf32>,
      %parallel_loop3A_1350 = vector.shape_cast %parallel_loop3A_1349 : vector<1x16xf32> to vector<16xf32>
      %parallel_loop3A_1351 = arith.subf %parallel_loop3A_1340, %parallel_loop3A_1350 : vector<16xf32>
      %parallel_loop3A_1352 = arith.mulf %parallel_loop3A_1351, %parallel_loop3A_1351 : vector<16xf32>
      %parallel_loop3A_1353 = arith.constant 0.000000e+00 : f32
      %parallel_loop3A_1354 = vector.broadcast %parallel_loop3A_1353 : f32 to vector<16xf32>
      %parallel_loop3A_1355 = arith.cmpf ogt, %parallel_loop3A_1350, %parallel_loop3A_1354 : vector<16xf32>
      %parallel_loop3A_1356 = arith.constant 0.000000e+00 : f32
      %parallel_loop3A_1357 = vector.broadcast %parallel_loop3A_1356 : f32 to vector<16xf32>
      %parallel_loop3A_1358 = arith.cmpf ogt, %parallel_loop3A_1340, %parallel_loop3A_1357 : vector<16xf32>
      %parallel_loop3A_1359 = arith.constant 0.000000e+00 : f32
      %parallel_loop3A_1360 = vector.broadcast %parallel_loop3A_1359 : f32 to vector<16xf32>
      %parallel_loop3A_1361 = arith.select %parallel_loop3A_1355, %parallel_loop3A_1352, %parallel_loop3A_1360 : vector<16xi1>, vector<16xf32>
      %parallel_loop3A_1362 = arith.addf %parallel_loop3A_1266, %parallel_loop3A_1361 : vector<16xf32>
      %parallel_loop3A_1363 = arith.constant 0.000000e+00 : f32
      %parallel_loop3A_1364 = vector.broadcast %parallel_loop3A_1363 : f32 to vector<16xf32>
      %parallel_loop3A_1365 = arith.select %parallel_loop3A_1358, %parallel_loop3A_1352, %parallel_loop3A_1364 : vector<16xi1>, vector<16xf32>
      %parallel_loop3A_1366 = arith.addf %parallel_loop3A_1268, %parallel_loop3A_1365 : vector<16xf32>
      %parallel_loop3A_1367 = arith.constant 1 : i32
      %parallel_loop3A_1368 = arith.constant 0 : i32
      %parallel_loop3A_1369 = vector.broadcast %parallel_loop3A_1367 : i32 to vector<16xi32>
      %parallel_loop3A_1370 = vector.broadcast %parallel_loop3A_1368 : i32 to vector<16xi32>
      %parallel_loop3A_1371 = arith.select %parallel_loop3A_1355, %parallel_loop3A_1369, %parallel_loop3A_1370 : vector<16xi1>, vector<16xi32>
      %parallel_loop3A_1372 = arith.addi %parallel_loop3A_1267, %parallel_loop3A_1371 : vector<16xi32>
      %parallel_loop3A_1373 = arith.constant 1 : i32
      %parallel_loop3A_1374 = arith.constant 0 : i32
      %parallel_loop3A_1375 = vector.broadcast %parallel_loop3A_1373 : i32 to vector<16xi32>
      %parallel_loop3A_1376 = vector.broadcast %parallel_loop3A_1374 : i32 to vector<16xi32>
      %parallel_loop3A_1377 = arith.select %parallel_loop3A_1358, %parallel_loop3A_1375, %parallel_loop3A_1376 : vector<16xi1>, vector<16xi32>
      %parallel_loop3A_1378 = arith.addi %parallel_loop3A_1269, %parallel_loop3A_1377 : vector<16xi32>
      %parallel_loop3A_1379 = arith.constant 32 : i32
      %parallel_loop3A_1380 = arith.addi %parallel_loop3A_1282, %parallel_loop3A_1379 : i32
      %parallel_loop3A_1381 = arith.constant 0 : i32
      %parallel_loop3A_1382 = arith.constant 0 : i32
      %parallel_loop3A_1383 = tpu.memref_slice %arg5[%parallel_loop3A_218, %parallel_loop3A_1381, %parallel_loop3A_1382] : memref<2x8x512xf32, #tpu.memory_space<vmem>> -> memref<1x8x512xf32, #tpu.memory_space<vmem>>
      %parallel_loop3A_1384 = tpu.memref_squeeze %parallel_loop3A_1383 : memref<1x8x512xf32, #tpu.memory_space<vmem>> -> memref<8x512xf32, #tpu.memory_space<vmem>>
      %parallel_loop3A_1385 = arith.index_cast %parallel_loop3A_1279 : i32 to index
      %parallel_loop3A_1386 = arith.index_cast %parallel_loop3A_1380 : i32 to index
      %parallel_loop3A_1387 = tpu.vector_load %parallel_loop3A_1384[%parallel_loop3A_1385, %parallel_loop3A_1386] {strides = array<i32>} : memref<8x512xf32, #tpu.memory_space<vmem>>, vector<1x16xf32>,
      %parallel_loop3A_1388 = vector.shape_cast %parallel_loop3A_1387 : vector<1x16xf32> to vector<16xf32>
      %parallel_loop3A_1389 = arith.constant 32 : i32
      %parallel_loop3A_1390 = arith.addi %parallel_loop3A_1282, %parallel_loop3A_1389 : i32
      %parallel_loop3A_1391 = arith.constant 0 : i32
      %parallel_loop3A_1392 = arith.constant 0 : i32
      %parallel_loop3A_1393 = tpu.memref_slice %arg6[%parallel_loop3A_219, %parallel_loop3A_1391, %parallel_loop3A_1392] : memref<2x8x512xf32, #tpu.memory_space<vmem>> -> memref<1x8x512xf32, #tpu.memory_space<vmem>>
      %parallel_loop3A_1394 = tpu.memref_squeeze %parallel_loop3A_1393 : memref<1x8x512xf32, #tpu.memory_space<vmem>> -> memref<8x512xf32, #tpu.memory_space<vmem>>
      %parallel_loop3A_1395 = arith.index_cast %parallel_loop3A_1279 : i32 to index
      %parallel_loop3A_1396 = arith.index_cast %parallel_loop3A_1390 : i32 to index
      %parallel_loop3A_1397 = tpu.vector_load %parallel_loop3A_1394[%parallel_loop3A_1395, %parallel_loop3A_1396] {strides = array<i32>} : memref<8x512xf32, #tpu.memory_space<vmem>>, vector<1x16xf32>,
      %parallel_loop3A_1398 = vector.shape_cast %parallel_loop3A_1397 : vector<1x16xf32> to vector<16xf32>
      %parallel_loop3A_1399 = arith.subf %parallel_loop3A_1388, %parallel_loop3A_1398 : vector<16xf32>
      %parallel_loop3A_1400 = arith.mulf %parallel_loop3A_1399, %parallel_loop3A_1399 : vector<16xf32>
      %parallel_loop3A_1401 = arith.constant 0.000000e+00 : f32
      %parallel_loop3A_1402 = vector.broadcast %parallel_loop3A_1401 : f32 to vector<16xf32>
      %parallel_loop3A_1403 = arith.cmpf ogt, %parallel_loop3A_1398, %parallel_loop3A_1402 : vector<16xf32>
      %parallel_loop3A_1404 = arith.constant 0.000000e+00 : f32
      %parallel_loop3A_1405 = vector.broadcast %parallel_loop3A_1404 : f32 to vector<16xf32>
      %parallel_loop3A_1406 = arith.cmpf ogt, %parallel_loop3A_1388, %parallel_loop3A_1405 : vector<16xf32>
      %parallel_loop3A_1407 = arith.constant 0.000000e+00 : f32
      %parallel_loop3A_1408 = vector.broadcast %parallel_loop3A_1407 : f32 to vector<16xf32>
      %parallel_loop3A_1409 = arith.select %parallel_loop3A_1403, %parallel_loop3A_1400, %parallel_loop3A_1408 : vector<16xi1>, vector<16xf32>
      %parallel_loop3A_1410 = arith.addf %parallel_loop3A_1270, %parallel_loop3A_1409 : vector<16xf32>
      %parallel_loop3A_1411 = arith.constant 0.000000e+00 : f32
      %parallel_loop3A_1412 = vector.broadcast %parallel_loop3A_1411 : f32 to vector<16xf32>
      %parallel_loop3A_1413 = arith.select %parallel_loop3A_1406, %parallel_loop3A_1400, %parallel_loop3A_1412 : vector<16xi1>, vector<16xf32>
      %parallel_loop3A_1414 = arith.addf %parallel_loop3A_1272, %parallel_loop3A_1413 : vector<16xf32>
      %parallel_loop3A_1415 = arith.constant 1 : i32
      %parallel_loop3A_1416 = arith.constant 0 : i32
      %parallel_loop3A_1417 = vector.broadcast %parallel_loop3A_1415 : i32 to vector<16xi32>
      %parallel_loop3A_1418 = vector.broadcast %parallel_loop3A_1416 : i32 to vector<16xi32>
      %parallel_loop3A_1419 = arith.select %parallel_loop3A_1403, %parallel_loop3A_1417, %parallel_loop3A_1418 : vector<16xi1>, vector<16xi32>
      %parallel_loop3A_1420 = arith.addi %parallel_loop3A_1271, %parallel_loop3A_1419 : vector<16xi32>
      %parallel_loop3A_1421 = arith.constant 1 : i32
      %parallel_loop3A_1422 = arith.constant 0 : i32
      %parallel_loop3A_1423 = vector.broadcast %parallel_loop3A_1421 : i32 to vector<16xi32>
      %parallel_loop3A_1424 = vector.broadcast %parallel_loop3A_1422 : i32 to vector<16xi32>
      %parallel_loop3A_1425 = arith.select %parallel_loop3A_1406, %parallel_loop3A_1423, %parallel_loop3A_1424 : vector<16xi1>, vector<16xi32>
      %parallel_loop3A_1426 = arith.addi %parallel_loop3A_1273, %parallel_loop3A_1425 : vector<16xi32>
      %parallel_loop3A_1427 = arith.constant 48 : i32
      %parallel_loop3A_1428 = arith.addi %parallel_loop3A_1282, %parallel_loop3A_1427 : i32
      %parallel_loop3A_1429 = arith.constant 0 : i32
      %parallel_loop3A_1430 = arith.constant 0 : i32
      %parallel_loop3A_1431 = tpu.memref_slice %arg5[%parallel_loop3A_218, %parallel_loop3A_1429, %parallel_loop3A_1430] : memref<2x8x512xf32, #tpu.memory_space<vmem>> -> memref<1x8x512xf32, #tpu.memory_space<vmem>>
      %parallel_loop3A_1432 = tpu.memref_squeeze %parallel_loop3A_1431 : memref<1x8x512xf32, #tpu.memory_space<vmem>> -> memref<8x512xf32, #tpu.memory_space<vmem>>
      %parallel_loop3A_1433 = arith.index_cast %parallel_loop3A_1279 : i32 to index
      %parallel_loop3A_1434 = arith.index_cast %parallel_loop3A_1428 : i32 to index
      %parallel_loop3A_1435 = tpu.vector_load %parallel_loop3A_1432[%parallel_loop3A_1433, %parallel_loop3A_1434] {strides = array<i32>} : memref<8x512xf32, #tpu.memory_space<vmem>>, vector<1x16xf32>,
      %parallel_loop3A_1436 = vector.shape_cast %parallel_loop3A_1435 : vector<1x16xf32> to vector<16xf32>
      %parallel_loop3A_1437 = arith.constant 48 : i32
      %parallel_loop3A_1438 = arith.addi %parallel_loop3A_1282, %parallel_loop3A_1437 : i32
      %parallel_loop3A_1439 = arith.constant 0 : i32
      %parallel_loop3A_1440 = arith.constant 0 : i32
      %parallel_loop3A_1441 = tpu.memref_slice %arg6[%parallel_loop3A_219, %parallel_loop3A_1439, %parallel_loop3A_1440] : memref<2x8x512xf32, #tpu.memory_space<vmem>> -> memref<1x8x512xf32, #tpu.memory_space<vmem>>
      %parallel_loop3A_1442 = tpu.memref_squeeze %parallel_loop3A_1441 : memref<1x8x512xf32, #tpu.memory_space<vmem>> -> memref<8x512xf32, #tpu.memory_space<vmem>>
      %parallel_loop3A_1443 = arith.index_cast %parallel_loop3A_1279 : i32 to index
      %parallel_loop3A_1444 = arith.index_cast %parallel_loop3A_1438 : i32 to index
      %parallel_loop3A_1445 = tpu.vector_load %parallel_loop3A_1442[%parallel_loop3A_1443, %parallel_loop3A_1444] {strides = array<i32>} : memref<8x512xf32, #tpu.memory_space<vmem>>, vector<1x16xf32>,
      %parallel_loop3A_1446 = vector.shape_cast %parallel_loop3A_1445 : vector<1x16xf32> to vector<16xf32>
      %parallel_loop3A_1447 = arith.subf %parallel_loop3A_1436, %parallel_loop3A_1446 : vector<16xf32>
      %parallel_loop3A_1448 = arith.mulf %parallel_loop3A_1447, %parallel_loop3A_1447 : vector<16xf32>
      %parallel_loop3A_1449 = arith.constant 0.000000e+00 : f32
      %parallel_loop3A_1450 = vector.broadcast %parallel_loop3A_1449 : f32 to vector<16xf32>
      %parallel_loop3A_1451 = arith.cmpf ogt, %parallel_loop3A_1446, %parallel_loop3A_1450 : vector<16xf32>
      %parallel_loop3A_1452 = arith.constant 0.000000e+00 : f32
      %parallel_loop3A_1453 = vector.broadcast %parallel_loop3A_1452 : f32 to vector<16xf32>
      %parallel_loop3A_1454 = arith.cmpf ogt, %parallel_loop3A_1436, %parallel_loop3A_1453 : vector<16xf32>
      %parallel_loop3A_1455 = arith.constant 0.000000e+00 : f32
      %parallel_loop3A_1456 = vector.broadcast %parallel_loop3A_1455 : f32 to vector<16xf32>
      %parallel_loop3A_1457 = arith.select %parallel_loop3A_1451, %parallel_loop3A_1448, %parallel_loop3A_1456 : vector<16xi1>, vector<16xf32>
      %parallel_loop3A_1458 = arith.addf %parallel_loop3A_1274, %parallel_loop3A_1457 : vector<16xf32>
      %parallel_loop3A_1459 = arith.constant 0.000000e+00 : f32
      %parallel_loop3A_1460 = vector.broadcast %parallel_loop3A_1459 : f32 to vector<16xf32>
      %parallel_loop3A_1461 = arith.select %parallel_loop3A_1454, %parallel_loop3A_1448, %parallel_loop3A_1460 : vector<16xi1>, vector<16xf32>
      %parallel_loop3A_1462 = arith.addf %parallel_loop3A_1276, %parallel_loop3A_1461 : vector<16xf32>
      %parallel_loop3A_1463 = arith.constant 1 : i32
      %parallel_loop3A_1464 = arith.constant 0 : i32
      %parallel_loop3A_1465 = vector.broadcast %parallel_loop3A_1463 : i32 to vector<16xi32>
      %parallel_loop3A_1466 = vector.broadcast %parallel_loop3A_1464 : i32 to vector<16xi32>
      %parallel_loop3A_1467 = arith.select %parallel_loop3A_1451, %parallel_loop3A_1465, %parallel_loop3A_1466 : vector<16xi1>, vector<16xi32>
      %parallel_loop3A_1468 = arith.addi %parallel_loop3A_1275, %parallel_loop3A_1467 : vector<16xi32>
      %parallel_loop3A_1469 = arith.constant 1 : i32
      %parallel_loop3A_1470 = arith.constant 0 : i32
      %parallel_loop3A_1471 = vector.broadcast %parallel_loop3A_1469 : i32 to vector<16xi32>
      %parallel_loop3A_1472 = vector.broadcast %parallel_loop3A_1470 : i32 to vector<16xi32>
      %parallel_loop3A_1473 = arith.select %parallel_loop3A_1454, %parallel_loop3A_1471, %parallel_loop3A_1472 : vector<16xi1>, vector<16xi32>
      %parallel_loop3A_1474 = arith.addi %parallel_loop3A_1277, %parallel_loop3A_1473 : vector<16xi32>
      scf.yield %parallel_loop3A_1314, %parallel_loop3A_1324, %parallel_loop3A_1318, %parallel_loop3A_1330, %parallel_loop3A_1362, %parallel_loop3A_1372, %parallel_loop3A_1366, %parallel_loop3A_1378, %parallel_loop3A_1410, %parallel_loop3A_1420, %parallel_loop3A_1414, %parallel_loop3A_1426, %parallel_loop3A_1458, %parallel_loop3A_1468, %parallel_loop3A_1462, %parallel_loop3A_1474 : vector<16xf32>, vector<16xi32>, vector<16xf32>, vector<16xi32>, vector<16xf32>, vector<16xi32>, vector<16xf32>, vector<16xi32>, vector<16xf32>, vector<16xi32>, vector<16xf32>, vector<16xi32>, vector<16xf32>, vector<16xi32>, vector<16xf32>, vector<16xi32>
    } {sc.loop_unroll_factor = 2 : i64, sc.parallel_access}
    %add3A_221 = arith.constant 16 : i32
    %add3A_222 = arith.addi %mul3A_2, %add3A_221 : i32
    %jit3A_223 = arith.constant 512 : i32
    %div3A_224 = arith.divsi %add3A_222, %jit3A_223 : i32
    %sign3A_225 = arith.constant 0 : i32
    %sign3A_226 = arith.cmpi sgt, %add3A_222, %sign3A_225 : i32
    %sign3A_227 = arith.extui %sign3A_226 : i1 to i32
    %sign3A_228 = arith.constant 0 : i32
    %sign3A_229 = arith.cmpi slt, %add3A_222, %sign3A_228 : i32
    %sign3A_230 = arith.extui %sign3A_229 : i1 to i32
    %sign3A_231 = arith.subi %sign3A_227, %sign3A_230 : i32
    %sign3A_232 = arith.constant 0 : i32
    %sign3A_233 = arith.cmpi sgt, %jit3A_223, %sign3A_232 : i32
    %sign3A_234 = arith.extui %sign3A_233 : i1 to i32
    %sign3A_235 = arith.constant 0 : i32
    %sign3A_236 = arith.cmpi slt, %jit3A_223, %sign3A_235 : i32
    %sign3A_237 = arith.extui %sign3A_236 : i1 to i32
    %sign3A_238 = arith.subi %sign3A_234, %sign3A_237 : i32
    %ne3A_239 = arith.cmpi ne, %sign3A_231, %sign3A_238 : i32
    %rem3A_240 = arith.remsi %add3A_222, %jit3A_223 : i32
    %ne3A_241 = arith.constant 0 : i32
    %ne3A_242 = arith.cmpi ne, %rem3A_240, %ne3A_241 : i32
    %and3A_243 = arith.andi %ne3A_239, %ne3A_242 : i1
    %sub3A_244 = arith.constant 1 : i32
    %sub3A_245 = arith.subi %div3A_224, %sub3A_244 : i32
    %select_n3A_246 = arith.select %and3A_243, %sub3A_245, %div3A_224 : i32
    %jit3A_247 = arith.constant 512 : i32
    %eq3A_248 = arith.constant 0 : i32
    %eq3A_249 = arith.cmpi eq, %jit3A_247, %eq3A_248 : i32
    %jit3A_250 = arith.constant 1 : i32
    %select_n3A_251 = arith.select %eq3A_249, %jit3A_250, %jit3A_247 : i32
    %rem3A_252 = arith.remsi %add3A_222, %select_n3A_251 : i32
    %ne3A_253 = arith.constant 0 : i32
    %ne3A_254 = arith.cmpi ne, %rem3A_252, %ne3A_253 : i32
    %lt3A_255 = arith.constant 0 : i32
    %lt3A_256 = arith.cmpi slt, %rem3A_252, %lt3A_255 : i32
    %lt3A_257 = arith.constant 0 : i32
    %lt3A_258 = arith.cmpi slt, %select_n3A_251, %lt3A_257 : i32
    %ne3A_259 = arith.xori %lt3A_256, %lt3A_258 : i1
    %and3A_260 = arith.andi %ne3A_259, %ne3A_254 : i1
    %add3A_261 = arith.addi %rem3A_252, %select_n3A_251 : i32
    %select_n3A_262 = arith.select %and3A_260, %add3A_261, %rem3A_252 : i32
    %dma_start3A_263 = arith.constant 0 : i32
    %dma_start3A_264 = arith.constant 0 : i32
    %dma_start3A_265 = arith.constant 0 : i32
    %dma_start3A_266 = arith.constant 0 : i32
    %dma_start3A_267 = tpu.memref_slice %arg5[%dma_start3A_264, %dma_start3A_265, %dma_start3A_266] : memref<2x8x512xf32, #tpu.memory_space<vmem>> -> memref<1x8x512xf32, #tpu.memory_space<vmem>>
    %dma_start3A_268 = tpu.memref_squeeze %dma_start3A_267 : memref<1x8x512xf32, #tpu.memory_space<vmem>> -> memref<8x512xf32, #tpu.memory_space<vmem>>
    %dma_start3A_269 = arith.constant 0 : i32
    %dma_start3A_270 = tpu.memref_slice %arg2[%select_n3A_246, %dma_start3A_263, %select_n3A_262, %dma_start3A_269] : memref<16x1x512x512xf32, #tpu.memory_space<hbm>> -> memref<1x1x8x512xf32, #tpu.memory_space<hbm>>
    %dma_start3A_271 = tpu.memref_squeeze %dma_start3A_270 : memref<1x1x8x512xf32, #tpu.memory_space<hbm>> -> memref<8x512xf32, #tpu.memory_space<hbm>>
    %dma_start3A_272 = arith.constant 0 : i32
    %dma_start3A_273 = arith.constant 0 : i32
    %dma_start3A_274 = tpu.memref_slice %arg5[%dma_start3A_264, %dma_start3A_272, %dma_start3A_273] : memref<2x8x512xf32, #tpu.memory_space<vmem>> -> memref<1x8x512xf32, #tpu.memory_space<vmem>>
    %dma_start3A_275 = tpu.memref_squeeze %dma_start3A_274 : memref<1x8x512xf32, #tpu.memory_space<vmem>> -> memref<8x512xf32, #tpu.memory_space<vmem>>
    %dma_start3A_276 = arith.constant 0 : i32
    %dma_start3A_277 = tpu.memref_slice %arg2[%select_n3A_246, %dma_start3A_263, %select_n3A_262, %dma_start3A_276] : memref<16x1x512x512xf32, #tpu.memory_space<hbm>> -> memref<1x1x8x512xf32, #tpu.memory_space<hbm>>
    %dma_start3A_278 = tpu.memref_squeeze %dma_start3A_277 : memref<1x1x8x512xf32, #tpu.memory_space<hbm>> -> memref<8x512xf32, #tpu.memory_space<hbm>>
    tpu.enqueue_dma source(%dma_start3A_278 : memref<8x512xf32, #tpu.memory_space<hbm>>) target(%dma_start3A_275 : memref<8x512xf32, #tpu.memory_space<vmem>>) target_semaphore(%arg8 : memref<!tpu.dma_semaphore, #tpu.memory_space<semaphore_mem>>)
    %dma_start3A_279 = arith.constant 0 : i32
    %dma_start3A_280 = arith.constant 0 : i32
    %dma_start3A_281 = arith.constant 0 : i32
    %dma_start3A_282 = arith.constant 0 : i32
    %dma_start3A_283 = tpu.memref_slice %arg6[%dma_start3A_280, %dma_start3A_281, %dma_start3A_282] : memref<2x8x512xf32, #tpu.memory_space<vmem>> -> memref<1x8x512xf32, #tpu.memory_space<vmem>>
    %dma_start3A_284 = tpu.memref_squeeze %dma_start3A_283 : memref<1x8x512xf32, #tpu.memory_space<vmem>> -> memref<8x512xf32, #tpu.memory_space<vmem>>
    %dma_start3A_285 = arith.constant 0 : i32
    %dma_start3A_286 = tpu.memref_slice %arg3[%select_n3A_246, %dma_start3A_279, %select_n3A_262, %dma_start3A_285] : memref<16x1x512x512xf32, #tpu.memory_space<hbm>> -> memref<1x1x8x512xf32, #tpu.memory_space<hbm>>
    %dma_start3A_287 = tpu.memref_squeeze %dma_start3A_286 : memref<1x1x8x512xf32, #tpu.memory_space<hbm>> -> memref<8x512xf32, #tpu.memory_space<hbm>>
    %dma_start3A_288 = arith.constant 0 : i32
    %dma_start3A_289 = arith.constant 0 : i32
    %dma_start3A_290 = tpu.memref_slice %arg6[%dma_start3A_280, %dma_start3A_288, %dma_start3A_289] : memref<2x8x512xf32, #tpu.memory_space<vmem>> -> memref<1x8x512xf32, #tpu.memory_space<vmem>>
    %dma_start3A_291 = tpu.memref_squeeze %dma_start3A_290 : memref<1x8x512xf32, #tpu.memory_space<vmem>> -> memref<8x512xf32, #tpu.memory_space<vmem>>
    %dma_start3A_292 = arith.constant 0 : i32
    %dma_start3A_293 = tpu.memref_slice %arg3[%select_n3A_246, %dma_start3A_279, %select_n3A_262, %dma_start3A_292] : memref<16x1x512x512xf32, #tpu.memory_space<hbm>> -> memref<1x1x8x512xf32, #tpu.memory_space<hbm>>
    %dma_start3A_294 = tpu.memref_squeeze %dma_start3A_293 : memref<1x1x8x512xf32, #tpu.memory_space<hbm>> -> memref<8x512xf32, #tpu.memory_space<hbm>>
    tpu.enqueue_dma source(%dma_start3A_294 : memref<8x512xf32, #tpu.memory_space<hbm>>) target(%dma_start3A_291 : memref<8x512xf32, #tpu.memory_space<vmem>>) target_semaphore(%arg10 : memref<!tpu.dma_semaphore, #tpu.memory_space<semaphore_mem>>)
    %add3A_295 = arith.constant 8 : i32
    %add3A_296 = arith.addi %mul3A_2, %add3A_295 : i32
    %jit3A_297 = arith.constant 512 : i32
    %div3A_298 = arith.divsi %add3A_296, %jit3A_297 : i32
    %sign3A_299 = arith.constant 0 : i32
    %sign3A_300 = arith.cmpi sgt, %add3A_296, %sign3A_299 : i32
    %sign3A_301 = arith.extui %sign3A_300 : i1 to i32
    %sign3A_302 = arith.constant 0 : i32
    %sign3A_303 = arith.cmpi slt, %add3A_296, %sign3A_302 : i32
    %sign3A_304 = arith.extui %sign3A_303 : i1 to i32
    %sign3A_305 = arith.subi %sign3A_301, %sign3A_304 : i32
    %sign3A_306 = arith.constant 0 : i32
    %sign3A_307 = arith.cmpi sgt, %jit3A_297, %sign3A_306 : i32
    %sign3A_308 = arith.extui %sign3A_307 : i1 to i32
    %sign3A_309 = arith.constant 0 : i32
    %sign3A_310 = arith.cmpi slt, %jit3A_297, %sign3A_309 : i32
    %sign3A_311 = arith.extui %sign3A_310 : i1 to i32
    %sign3A_312 = arith.subi %sign3A_308, %sign3A_311 : i32
    %ne3A_313 = arith.cmpi ne, %sign3A_305, %sign3A_312 : i32
    %rem3A_314 = arith.remsi %add3A_296, %jit3A_297 : i32
    %ne3A_315 = arith.constant 0 : i32
    %ne3A_316 = arith.cmpi ne, %rem3A_314, %ne3A_315 : i32
    %and3A_317 = arith.andi %ne3A_313, %ne3A_316 : i1
    %sub3A_318 = arith.constant 1 : i32
    %sub3A_319 = arith.subi %div3A_298, %sub3A_318 : i32
    %select_n3A_320 = arith.select %and3A_317, %sub3A_319, %div3A_298 : i32
    %jit3A_321 = arith.constant 512 : i32
    %eq3A_322 = arith.constant 0 : i32
    %eq3A_323 = arith.cmpi eq, %jit3A_321, %eq3A_322 : i32
    %jit3A_324 = arith.constant 1 : i32
    %select_n3A_325 = arith.select %eq3A_323, %jit3A_324, %jit3A_321 : i32
    %rem3A_326 = arith.remsi %add3A_296, %select_n3A_325 : i32
    %ne3A_327 = arith.constant 0 : i32
    %ne3A_328 = arith.cmpi ne, %rem3A_326, %ne3A_327 : i32
    %lt3A_329 = arith.constant 0 : i32
    %lt3A_330 = arith.cmpi slt, %rem3A_326, %lt3A_329 : i32
    %lt3A_331 = arith.constant 0 : i32
    %lt3A_332 = arith.cmpi slt, %select_n3A_325, %lt3A_331 : i32
    %ne3A_333 = arith.xori %lt3A_330, %lt3A_332 : i1
    %and3A_334 = arith.andi %ne3A_333, %ne3A_328 : i1
    %add3A_335 = arith.addi %rem3A_326, %select_n3A_325 : i32
    %select_n3A_336 = arith.select %and3A_334, %add3A_335, %rem3A_326 : i32
    %dma_wait3A_337 = arith.constant 0 : i32
    %dma_wait3A_338 = arith.constant 1 : i32
    %dma_wait3A_339 = arith.constant 0 : i32
    %dma_wait3A_340 = arith.constant 0 : i32
    %dma_wait3A_341 = tpu.memref_slice %arg5[%dma_wait3A_338, %dma_wait3A_339, %dma_wait3A_340] : memref<2x8x512xf32, #tpu.memory_space<vmem>> -> memref<1x8x512xf32, #tpu.memory_space<vmem>>
    %dma_wait3A_342 = tpu.memref_squeeze %dma_wait3A_341 : memref<1x8x512xf32, #tpu.memory_space<vmem>> -> memref<8x512xf32, #tpu.memory_space<vmem>>
    %dma_wait3A_343 = arith.constant 0 : i32
    %dma_wait3A_344 = tpu.memref_slice %arg2[%select_n3A_320, %dma_wait3A_337, %select_n3A_336, %dma_wait3A_343] : memref<16x1x512x512xf32, #tpu.memory_space<hbm>> -> memref<1x1x8x512xf32, #tpu.memory_space<hbm>>
    %dma_wait3A_345 = tpu.memref_squeeze %dma_wait3A_344 : memref<1x1x8x512xf32, #tpu.memory_space<hbm>> -> memref<8x512xf32, #tpu.memory_space<hbm>>
    %dma_wait3A_346 = arith.constant 0 : i32
    %dma_wait3A_347 = arith.constant 0 : i32
    %dma_wait3A_348 = tpu.memref_slice %arg5[%dma_wait3A_338, %dma_wait3A_346, %dma_wait3A_347] : memref<2x8x512xf32, #tpu.memory_space<vmem>> -> memref<1x8x512xf32, #tpu.memory_space<vmem>>
    %dma_wait3A_349 = tpu.memref_squeeze %dma_wait3A_348 : memref<1x8x512xf32, #tpu.memory_space<vmem>> -> memref<8x512xf32, #tpu.memory_space<vmem>>
    %dma_wait3A_350 = arith.constant 0 : i32
    %dma_wait3A_351 = tpu.memref_slice %arg2[%select_n3A_320, %dma_wait3A_337, %select_n3A_336, %dma_wait3A_350] : memref<16x1x512x512xf32, #tpu.memory_space<hbm>> -> memref<1x1x8x512xf32, #tpu.memory_space<hbm>>
    %dma_wait3A_352 = tpu.memref_squeeze %dma_wait3A_351 : memref<1x1x8x512xf32, #tpu.memory_space<hbm>> -> memref<8x512xf32, #tpu.memory_space<hbm>>
    tpu.wait_dma2 semaphore(%arg9 : memref<!tpu.dma_semaphore, #tpu.memory_space<semaphore_mem>>) src(%dma_wait3A_352 : memref<8x512xf32, #tpu.memory_space<hbm>>) dst(%dma_wait3A_349 : memref<8x512xf32, #tpu.memory_space<vmem>>)
    %dma_wait3A_353 = arith.constant 0 : i32
    %dma_wait3A_354 = arith.constant 1 : i32
    %dma_wait3A_355 = arith.constant 0 : i32
    %dma_wait3A_356 = arith.constant 0 : i32
    %dma_wait3A_357 = tpu.memref_slice %arg6[%dma_wait3A_354, %dma_wait3A_355, %dma_wait3A_356] : memref<2x8x512xf32, #tpu.memory_space<vmem>> -> memref<1x8x512xf32, #tpu.memory_space<vmem>>
    %dma_wait3A_358 = tpu.memref_squeeze %dma_wait3A_357 : memref<1x8x512xf32, #tpu.memory_space<vmem>> -> memref<8x512xf32, #tpu.memory_space<vmem>>
    %dma_wait3A_359 = arith.constant 0 : i32
    %dma_wait3A_360 = tpu.memref_slice %arg3[%select_n3A_320, %dma_wait3A_353, %select_n3A_336, %dma_wait3A_359] : memref<16x1x512x512xf32, #tpu.memory_space<hbm>> -> memref<1x1x8x512xf32, #tpu.memory_space<hbm>>
    %dma_wait3A_361 = tpu.memref_squeeze %dma_wait3A_360 : memref<1x1x8x512xf32, #tpu.memory_space<hbm>> -> memref<8x512xf32, #tpu.memory_space<hbm>>
    %dma_wait3A_362 = arith.constant 0 : i32
    %dma_wait3A_363 = arith.constant 0 : i32
    %dma_wait3A_364 = tpu.memref_slice %arg6[%dma_wait3A_354, %dma_wait3A_362, %dma_wait3A_363] : memref<2x8x512xf32, #tpu.memory_space<vmem>> -> memref<1x8x512xf32, #tpu.memory_space<vmem>>
    %dma_wait3A_365 = tpu.memref_squeeze %dma_wait3A_364 : memref<1x8x512xf32, #tpu.memory_space<vmem>> -> memref<8x512xf32, #tpu.memory_space<vmem>>
    %dma_wait3A_366 = arith.constant 0 : i32
    %dma_wait3A_367 = tpu.memref_slice %arg3[%select_n3A_320, %dma_wait3A_353, %select_n3A_336, %dma_wait3A_366] : memref<16x1x512x512xf32, #tpu.memory_space<hbm>> -> memref<1x1x8x512xf32, #tpu.memory_space<hbm>>
    %dma_wait3A_368 = tpu.memref_squeeze %dma_wait3A_367 : memref<1x1x8x512xf32, #tpu.memory_space<hbm>> -> memref<8x512xf32, #tpu.memory_space<hbm>>
    tpu.wait_dma2 semaphore(%arg11 : memref<!tpu.dma_semaphore, #tpu.memory_space<semaphore_mem>>) src(%dma_wait3A_368 : memref<8x512xf32, #tpu.memory_space<hbm>>) dst(%dma_wait3A_365 : memref<8x512xf32, #tpu.memory_space<vmem>>)
    %parallel_loop3A_369 = arith.constant 0 : i32
    %parallel_loop3A_370 = arith.constant 4096 : i32
    %parallel_loop3A_371 = arith.constant 64 : i32
    %parallel_loop3A_372 = arith.constant 1 : i32
    %parallel_loop3A_373 = arith.constant 1 : i32
    %parallel_loop3A_374:16 = scf.for %parallel_loop3A_1261 = %parallel_loop3A_369 to %parallel_loop3A_370 step %parallel_loop3A_371 iter_args(%parallel_loop3A_1262 = %parallel_loop3A_220#0, %parallel_loop3A_1263 = %parallel_loop3A_220#1, %parallel_loop3A_1264 = %parallel_loop3A_220#2, %parallel_loop3A_1265 = %parallel_loop3A_220#3, %parallel_loop3A_1266 = %parallel_loop3A_220#4, %parallel_loop3A_1267 = %parallel_loop3A_220#5, %parallel_loop3A_1268 = %parallel_loop3A_220#6, %parallel_loop3A_1269 = %parallel_loop3A_220#7, %parallel_loop3A_1270 = %parallel_loop3A_220#8, %parallel_loop3A_1271 = %parallel_loop3A_220#9, %parallel_loop3A_1272 = %parallel_loop3A_220#10, %parallel_loop3A_1273 = %parallel_loop3A_220#11, %parallel_loop3A_1274 = %parallel_loop3A_220#12, %parallel_loop3A_1275 = %parallel_loop3A_220#13, %parallel_loop3A_1276 = %parallel_loop3A_220#14, %parallel_loop3A_1277 = %parallel_loop3A_220#15) -> (vector<16xf32>, vector<16xi32>, vector<16xf32>, vector<16xi32>, vector<16xf32>, vector<16xi32>, vector<16xf32>, vector<16xi32>, vector<16xf32>, vector<16xi32>, vector<16xf32>, vector<16xi32>, vector<16xf32>, vector<16xi32>, vector<16xf32>, vector<16xi32>)  : i32 {
      %parallel_loop3A_1278 = arith.constant 9 : i32
      %parallel_loop3A_1279 = arith.shrui %parallel_loop3A_1261, %parallel_loop3A_1278 : i32
      %parallel_loop3A_1280 = arith.constant 511 : i32
      %parallel_loop3A_1281 = arith.andi %parallel_loop3A_1261, %parallel_loop3A_1280 : i32
      %parallel_loop3A_1282 = tpu.assume_multiple %parallel_loop3A_1281, 64 : i32
      %parallel_loop3A_1283 = arith.constant 0 : i32
      %parallel_loop3A_1284 = arith.addi %parallel_loop3A_1282, %parallel_loop3A_1283 : i32
      %parallel_loop3A_1285 = arith.constant 0 : i32
      %parallel_loop3A_1286 = arith.constant 0 : i32
      %parallel_loop3A_1287 = tpu.memref_slice %arg5[%parallel_loop3A_372, %parallel_loop3A_1285, %parallel_loop3A_1286] : memref<2x8x512xf32, #tpu.memory_space<vmem>> -> memref<1x8x512xf32, #tpu.memory_space<vmem>>
      %parallel_loop3A_1288 = tpu.memref_squeeze %parallel_loop3A_1287 : memref<1x8x512xf32, #tpu.memory_space<vmem>> -> memref<8x512xf32, #tpu.memory_space<vmem>>
      %parallel_loop3A_1289 = arith.index_cast %parallel_loop3A_1279 : i32 to index
      %parallel_loop3A_1290 = arith.index_cast %parallel_loop3A_1284 : i32 to index
      %parallel_loop3A_1291 = tpu.vector_load %parallel_loop3A_1288[%parallel_loop3A_1289, %parallel_loop3A_1290] {strides = array<i32>} : memref<8x512xf32, #tpu.memory_space<vmem>>, vector<1x16xf32>,
      %parallel_loop3A_1292 = vector.shape_cast %parallel_loop3A_1291 : vector<1x16xf32> to vector<16xf32>
      %parallel_loop3A_1293 = arith.constant 0 : i32
      %parallel_loop3A_1294 = arith.addi %parallel_loop3A_1282, %parallel_loop3A_1293 : i32
      %parallel_loop3A_1295 = arith.constant 0 : i32
      %parallel_loop3A_1296 = arith.constant 0 : i32
      %parallel_loop3A_1297 = tpu.memref_slice %arg6[%parallel_loop3A_373, %parallel_loop3A_1295, %parallel_loop3A_1296] : memref<2x8x512xf32, #tpu.memory_space<vmem>> -> memref<1x8x512xf32, #tpu.memory_space<vmem>>
      %parallel_loop3A_1298 = tpu.memref_squeeze %parallel_loop3A_1297 : memref<1x8x512xf32, #tpu.memory_space<vmem>> -> memref<8x512xf32, #tpu.memory_space<vmem>>
      %parallel_loop3A_1299 = arith.index_cast %parallel_loop3A_1279 : i32 to index
      %parallel_loop3A_1300 = arith.index_cast %parallel_loop3A_1294 : i32 to index
      %parallel_loop3A_1301 = tpu.vector_load %parallel_loop3A_1298[%parallel_loop3A_1299, %parallel_loop3A_1300] {strides = array<i32>} : memref<8x512xf32, #tpu.memory_space<vmem>>, vector<1x16xf32>,
      %parallel_loop3A_1302 = vector.shape_cast %parallel_loop3A_1301 : vector<1x16xf32> to vector<16xf32>
      %parallel_loop3A_1303 = arith.subf %parallel_loop3A_1292, %parallel_loop3A_1302 : vector<16xf32>
      %parallel_loop3A_1304 = arith.mulf %parallel_loop3A_1303, %parallel_loop3A_1303 : vector<16xf32>
      %parallel_loop3A_1305 = arith.constant 0.000000e+00 : f32
      %parallel_loop3A_1306 = vector.broadcast %parallel_loop3A_1305 : f32 to vector<16xf32>
      %parallel_loop3A_1307 = arith.cmpf ogt, %parallel_loop3A_1302, %parallel_loop3A_1306 : vector<16xf32>
      %parallel_loop3A_1308 = arith.constant 0.000000e+00 : f32
      %parallel_loop3A_1309 = vector.broadcast %parallel_loop3A_1308 : f32 to vector<16xf32>
      %parallel_loop3A_1310 = arith.cmpf ogt, %parallel_loop3A_1292, %parallel_loop3A_1309 : vector<16xf32>
      %parallel_loop3A_1311 = arith.constant 0.000000e+00 : f32
      %parallel_loop3A_1312 = vector.broadcast %parallel_loop3A_1311 : f32 to vector<16xf32>
      %parallel_loop3A_1313 = arith.select %parallel_loop3A_1307, %parallel_loop3A_1304, %parallel_loop3A_1312 : vector<16xi1>, vector<16xf32>
      %parallel_loop3A_1314 = arith.addf %parallel_loop3A_1262, %parallel_loop3A_1313 : vector<16xf32>
      %parallel_loop3A_1315 = arith.constant 0.000000e+00 : f32
      %parallel_loop3A_1316 = vector.broadcast %parallel_loop3A_1315 : f32 to vector<16xf32>
      %parallel_loop3A_1317 = arith.select %parallel_loop3A_1310, %parallel_loop3A_1304, %parallel_loop3A_1316 : vector<16xi1>, vector<16xf32>
      %parallel_loop3A_1318 = arith.addf %parallel_loop3A_1264, %parallel_loop3A_1317 : vector<16xf32>
      %parallel_loop3A_1319 = arith.constant 1 : i32
      %parallel_loop3A_1320 = arith.constant 0 : i32
      %parallel_loop3A_1321 = vector.broadcast %parallel_loop3A_1319 : i32 to vector<16xi32>
      %parallel_loop3A_1322 = vector.broadcast %parallel_loop3A_1320 : i32 to vector<16xi32>
      %parallel_loop3A_1323 = arith.select %parallel_loop3A_1307, %parallel_loop3A_1321, %parallel_loop3A_1322 : vector<16xi1>, vector<16xi32>
      %parallel_loop3A_1324 = arith.addi %parallel_loop3A_1263, %parallel_loop3A_1323 : vector<16xi32>
      %parallel_loop3A_1325 = arith.constant 1 : i32
      %parallel_loop3A_1326 = arith.constant 0 : i32
      %parallel_loop3A_1327 = vector.broadcast %parallel_loop3A_1325 : i32 to vector<16xi32>
      %parallel_loop3A_1328 = vector.broadcast %parallel_loop3A_1326 : i32 to vector<16xi32>
      %parallel_loop3A_1329 = arith.select %parallel_loop3A_1310, %parallel_loop3A_1327, %parallel_loop3A_1328 : vector<16xi1>, vector<16xi32>
      %parallel_loop3A_1330 = arith.addi %parallel_loop3A_1265, %parallel_loop3A_1329 : vector<16xi32>
      %parallel_loop3A_1331 = arith.constant 16 : i32
      %parallel_loop3A_1332 = arith.addi %parallel_loop3A_1282, %parallel_loop3A_1331 : i32
      %parallel_loop3A_1333 = arith.constant 0 : i32
      %parallel_loop3A_1334 = arith.constant 0 : i32
      %parallel_loop3A_1335 = tpu.memref_slice %arg5[%parallel_loop3A_372, %parallel_loop3A_1333, %parallel_loop3A_1334] : memref<2x8x512xf32, #tpu.memory_space<vmem>> -> memref<1x8x512xf32, #tpu.memory_space<vmem>>
      %parallel_loop3A_1336 = tpu.memref_squeeze %parallel_loop3A_1335 : memref<1x8x512xf32, #tpu.memory_space<vmem>> -> memref<8x512xf32, #tpu.memory_space<vmem>>
      %parallel_loop3A_1337 = arith.index_cast %parallel_loop3A_1279 : i32 to index
      %parallel_loop3A_1338 = arith.index_cast %parallel_loop3A_1332 : i32 to index
      %parallel_loop3A_1339 = tpu.vector_load %parallel_loop3A_1336[%parallel_loop3A_1337, %parallel_loop3A_1338] {strides = array<i32>} : memref<8x512xf32, #tpu.memory_space<vmem>>, vector<1x16xf32>,
      %parallel_loop3A_1340 = vector.shape_cast %parallel_loop3A_1339 : vector<1x16xf32> to vector<16xf32>
      %parallel_loop3A_1341 = arith.constant 16 : i32
      %parallel_loop3A_1342 = arith.addi %parallel_loop3A_1282, %parallel_loop3A_1341 : i32
      %parallel_loop3A_1343 = arith.constant 0 : i32
      %parallel_loop3A_1344 = arith.constant 0 : i32
      %parallel_loop3A_1345 = tpu.memref_slice %arg6[%parallel_loop3A_373, %parallel_loop3A_1343, %parallel_loop3A_1344] : memref<2x8x512xf32, #tpu.memory_space<vmem>> -> memref<1x8x512xf32, #tpu.memory_space<vmem>>
      %parallel_loop3A_1346 = tpu.memref_squeeze %parallel_loop3A_1345 : memref<1x8x512xf32, #tpu.memory_space<vmem>> -> memref<8x512xf32, #tpu.memory_space<vmem>>
      %parallel_loop3A_1347 = arith.index_cast %parallel_loop3A_1279 : i32 to index
      %parallel_loop3A_1348 = arith.index_cast %parallel_loop3A_1342 : i32 to index
      %parallel_loop3A_1349 = tpu.vector_load %parallel_loop3A_1346[%parallel_loop3A_1347, %parallel_loop3A_1348] {strides = array<i32>} : memref<8x512xf32, #tpu.memory_space<vmem>>, vector<1x16xf32>,
      %parallel_loop3A_1350 = vector.shape_cast %parallel_loop3A_1349 : vector<1x16xf32> to vector<16xf32>
      %parallel_loop3A_1351 = arith.subf %parallel_loop3A_1340, %parallel_loop3A_1350 : vector<16xf32>
      %parallel_loop3A_1352 = arith.mulf %parallel_loop3A_1351, %parallel_loop3A_1351 : vector<16xf32>
      %parallel_loop3A_1353 = arith.constant 0.000000e+00 : f32
      %parallel_loop3A_1354 = vector.broadcast %parallel_loop3A_1353 : f32 to vector<16xf32>
      %parallel_loop3A_1355 = arith.cmpf ogt, %parallel_loop3A_1350, %parallel_loop3A_1354 : vector<16xf32>
      %parallel_loop3A_1356 = arith.constant 0.000000e+00 : f32
      %parallel_loop3A_1357 = vector.broadcast %parallel_loop3A_1356 : f32 to vector<16xf32>
      %parallel_loop3A_1358 = arith.cmpf ogt, %parallel_loop3A_1340, %parallel_loop3A_1357 : vector<16xf32>
      %parallel_loop3A_1359 = arith.constant 0.000000e+00 : f32
      %parallel_loop3A_1360 = vector.broadcast %parallel_loop3A_1359 : f32 to vector<16xf32>
      %parallel_loop3A_1361 = arith.select %parallel_loop3A_1355, %parallel_loop3A_1352, %parallel_loop3A_1360 : vector<16xi1>, vector<16xf32>
      %parallel_loop3A_1362 = arith.addf %parallel_loop3A_1266, %parallel_loop3A_1361 : vector<16xf32>
      %parallel_loop3A_1363 = arith.constant 0.000000e+00 : f32
      %parallel_loop3A_1364 = vector.broadcast %parallel_loop3A_1363 : f32 to vector<16xf32>
      %parallel_loop3A_1365 = arith.select %parallel_loop3A_1358, %parallel_loop3A_1352, %parallel_loop3A_1364 : vector<16xi1>, vector<16xf32>
      %parallel_loop3A_1366 = arith.addf %parallel_loop3A_1268, %parallel_loop3A_1365 : vector<16xf32>
      %parallel_loop3A_1367 = arith.constant 1 : i32
      %parallel_loop3A_1368 = arith.constant 0 : i32
      %parallel_loop3A_1369 = vector.broadcast %parallel_loop3A_1367 : i32 to vector<16xi32>
      %parallel_loop3A_1370 = vector.broadcast %parallel_loop3A_1368 : i32 to vector<16xi32>
      %parallel_loop3A_1371 = arith.select %parallel_loop3A_1355, %parallel_loop3A_1369, %parallel_loop3A_1370 : vector<16xi1>, vector<16xi32>
      %parallel_loop3A_1372 = arith.addi %parallel_loop3A_1267, %parallel_loop3A_1371 : vector<16xi32>
      %parallel_loop3A_1373 = arith.constant 1 : i32
      %parallel_loop3A_1374 = arith.constant 0 : i32
      %parallel_loop3A_1375 = vector.broadcast %parallel_loop3A_1373 : i32 to vector<16xi32>
      %parallel_loop3A_1376 = vector.broadcast %parallel_loop3A_1374 : i32 to vector<16xi32>
      %parallel_loop3A_1377 = arith.select %parallel_loop3A_1358, %parallel_loop3A_1375, %parallel_loop3A_1376 : vector<16xi1>, vector<16xi32>
      %parallel_loop3A_1378 = arith.addi %parallel_loop3A_1269, %parallel_loop3A_1377 : vector<16xi32>
      %parallel_loop3A_1379 = arith.constant 32 : i32
      %parallel_loop3A_1380 = arith.addi %parallel_loop3A_1282, %parallel_loop3A_1379 : i32
      %parallel_loop3A_1381 = arith.constant 0 : i32
      %parallel_loop3A_1382 = arith.constant 0 : i32
      %parallel_loop3A_1383 = tpu.memref_slice %arg5[%parallel_loop3A_372, %parallel_loop3A_1381, %parallel_loop3A_1382] : memref<2x8x512xf32, #tpu.memory_space<vmem>> -> memref<1x8x512xf32, #tpu.memory_space<vmem>>
      %parallel_loop3A_1384 = tpu.memref_squeeze %parallel_loop3A_1383 : memref<1x8x512xf32, #tpu.memory_space<vmem>> -> memref<8x512xf32, #tpu.memory_space<vmem>>
      %parallel_loop3A_1385 = arith.index_cast %parallel_loop3A_1279 : i32 to index
      %parallel_loop3A_1386 = arith.index_cast %parallel_loop3A_1380 : i32 to index
      %parallel_loop3A_1387 = tpu.vector_load %parallel_loop3A_1384[%parallel_loop3A_1385, %parallel_loop3A_1386] {strides = array<i32>} : memref<8x512xf32, #tpu.memory_space<vmem>>, vector<1x16xf32>,
      %parallel_loop3A_1388 = vector.shape_cast %parallel_loop3A_1387 : vector<1x16xf32> to vector<16xf32>
      %parallel_loop3A_1389 = arith.constant 32 : i32
      %parallel_loop3A_1390 = arith.addi %parallel_loop3A_1282, %parallel_loop3A_1389 : i32
      %parallel_loop3A_1391 = arith.constant 0 : i32
      %parallel_loop3A_1392 = arith.constant 0 : i32
      %parallel_loop3A_1393 = tpu.memref_slice %arg6[%parallel_loop3A_373, %parallel_loop3A_1391, %parallel_loop3A_1392] : memref<2x8x512xf32, #tpu.memory_space<vmem>> -> memref<1x8x512xf32, #tpu.memory_space<vmem>>
      %parallel_loop3A_1394 = tpu.memref_squeeze %parallel_loop3A_1393 : memref<1x8x512xf32, #tpu.memory_space<vmem>> -> memref<8x512xf32, #tpu.memory_space<vmem>>
      %parallel_loop3A_1395 = arith.index_cast %parallel_loop3A_1279 : i32 to index
      %parallel_loop3A_1396 = arith.index_cast %parallel_loop3A_1390 : i32 to index
      %parallel_loop3A_1397 = tpu.vector_load %parallel_loop3A_1394[%parallel_loop3A_1395, %parallel_loop3A_1396] {strides = array<i32>} : memref<8x512xf32, #tpu.memory_space<vmem>>, vector<1x16xf32>,
      %parallel_loop3A_1398 = vector.shape_cast %parallel_loop3A_1397 : vector<1x16xf32> to vector<16xf32>
      %parallel_loop3A_1399 = arith.subf %parallel_loop3A_1388, %parallel_loop3A_1398 : vector<16xf32>
      %parallel_loop3A_1400 = arith.mulf %parallel_loop3A_1399, %parallel_loop3A_1399 : vector<16xf32>
      %parallel_loop3A_1401 = arith.constant 0.000000e+00 : f32
      %parallel_loop3A_1402 = vector.broadcast %parallel_loop3A_1401 : f32 to vector<16xf32>
      %parallel_loop3A_1403 = arith.cmpf ogt, %parallel_loop3A_1398, %parallel_loop3A_1402 : vector<16xf32>
      %parallel_loop3A_1404 = arith.constant 0.000000e+00 : f32
      %parallel_loop3A_1405 = vector.broadcast %parallel_loop3A_1404 : f32 to vector<16xf32>
      %parallel_loop3A_1406 = arith.cmpf ogt, %parallel_loop3A_1388, %parallel_loop3A_1405 : vector<16xf32>
      %parallel_loop3A_1407 = arith.constant 0.000000e+00 : f32
      %parallel_loop3A_1408 = vector.broadcast %parallel_loop3A_1407 : f32 to vector<16xf32>
      %parallel_loop3A_1409 = arith.select %parallel_loop3A_1403, %parallel_loop3A_1400, %parallel_loop3A_1408 : vector<16xi1>, vector<16xf32>
      %parallel_loop3A_1410 = arith.addf %parallel_loop3A_1270, %parallel_loop3A_1409 : vector<16xf32>
      %parallel_loop3A_1411 = arith.constant 0.000000e+00 : f32
      %parallel_loop3A_1412 = vector.broadcast %parallel_loop3A_1411 : f32 to vector<16xf32>
      %parallel_loop3A_1413 = arith.select %parallel_loop3A_1406, %parallel_loop3A_1400, %parallel_loop3A_1412 : vector<16xi1>, vector<16xf32>
      %parallel_loop3A_1414 = arith.addf %parallel_loop3A_1272, %parallel_loop3A_1413 : vector<16xf32>
      %parallel_loop3A_1415 = arith.constant 1 : i32
      %parallel_loop3A_1416 = arith.constant 0 : i32
      %parallel_loop3A_1417 = vector.broadcast %parallel_loop3A_1415 : i32 to vector<16xi32>
      %parallel_loop3A_1418 = vector.broadcast %parallel_loop3A_1416 : i32 to vector<16xi32>
      %parallel_loop3A_1419 = arith.select %parallel_loop3A_1403, %parallel_loop3A_1417, %parallel_loop3A_1418 : vector<16xi1>, vector<16xi32>
      %parallel_loop3A_1420 = arith.addi %parallel_loop3A_1271, %parallel_loop3A_1419 : vector<16xi32>
      %parallel_loop3A_1421 = arith.constant 1 : i32
      %parallel_loop3A_1422 = arith.constant 0 : i32
      %parallel_loop3A_1423 = vector.broadcast %parallel_loop3A_1421 : i32 to vector<16xi32>
      %parallel_loop3A_1424 = vector.broadcast %parallel_loop3A_1422 : i32 to vector<16xi32>
      %parallel_loop3A_1425 = arith.select %parallel_loop3A_1406, %parallel_loop3A_1423, %parallel_loop3A_1424 : vector<16xi1>, vector<16xi32>
      %parallel_loop3A_1426 = arith.addi %parallel_loop3A_1273, %parallel_loop3A_1425 : vector<16xi32>
      %parallel_loop3A_1427 = arith.constant 48 : i32
      %parallel_loop3A_1428 = arith.addi %parallel_loop3A_1282, %parallel_loop3A_1427 : i32
      %parallel_loop3A_1429 = arith.constant 0 : i32
      %parallel_loop3A_1430 = arith.constant 0 : i32
      %parallel_loop3A_1431 = tpu.memref_slice %arg5[%parallel_loop3A_372, %parallel_loop3A_1429, %parallel_loop3A_1430] : memref<2x8x512xf32, #tpu.memory_space<vmem>> -> memref<1x8x512xf32, #tpu.memory_space<vmem>>
      %parallel_loop3A_1432 = tpu.memref_squeeze %parallel_loop3A_1431 : memref<1x8x512xf32, #tpu.memory_space<vmem>> -> memref<8x512xf32, #tpu.memory_space<vmem>>
      %parallel_loop3A_1433 = arith.index_cast %parallel_loop3A_1279 : i32 to index
      %parallel_loop3A_1434 = arith.index_cast %parallel_loop3A_1428 : i32 to index
      %parallel_loop3A_1435 = tpu.vector_load %parallel_loop3A_1432[%parallel_loop3A_1433, %parallel_loop3A_1434] {strides = array<i32>} : memref<8x512xf32, #tpu.memory_space<vmem>>, vector<1x16xf32>,
      %parallel_loop3A_1436 = vector.shape_cast %parallel_loop3A_1435 : vector<1x16xf32> to vector<16xf32>
      %parallel_loop3A_1437 = arith.constant 48 : i32
      %parallel_loop3A_1438 = arith.addi %parallel_loop3A_1282, %parallel_loop3A_1437 : i32
      %parallel_loop3A_1439 = arith.constant 0 : i32
      %parallel_loop3A_1440 = arith.constant 0 : i32
      %parallel_loop3A_1441 = tpu.memref_slice %arg6[%parallel_loop3A_373, %parallel_loop3A_1439, %parallel_loop3A_1440] : memref<2x8x512xf32, #tpu.memory_space<vmem>> -> memref<1x8x512xf32, #tpu.memory_space<vmem>>
      %parallel_loop3A_1442 = tpu.memref_squeeze %parallel_loop3A_1441 : memref<1x8x512xf32, #tpu.memory_space<vmem>> -> memref<8x512xf32, #tpu.memory_space<vmem>>
      %parallel_loop3A_1443 = arith.index_cast %parallel_loop3A_1279 : i32 to index
      %parallel_loop3A_1444 = arith.index_cast %parallel_loop3A_1438 : i32 to index
      %parallel_loop3A_1445 = tpu.vector_load %parallel_loop3A_1442[%parallel_loop3A_1443, %parallel_loop3A_1444] {strides = array<i32>} : memref<8x512xf32, #tpu.memory_space<vmem>>, vector<1x16xf32>,
      %parallel_loop3A_1446 = vector.shape_cast %parallel_loop3A_1445 : vector<1x16xf32> to vector<16xf32>
      %parallel_loop3A_1447 = arith.subf %parallel_loop3A_1436, %parallel_loop3A_1446 : vector<16xf32>
      %parallel_loop3A_1448 = arith.mulf %parallel_loop3A_1447, %parallel_loop3A_1447 : vector<16xf32>
      %parallel_loop3A_1449 = arith.constant 0.000000e+00 : f32
      %parallel_loop3A_1450 = vector.broadcast %parallel_loop3A_1449 : f32 to vector<16xf32>
      %parallel_loop3A_1451 = arith.cmpf ogt, %parallel_loop3A_1446, %parallel_loop3A_1450 : vector<16xf32>
      %parallel_loop3A_1452 = arith.constant 0.000000e+00 : f32
      %parallel_loop3A_1453 = vector.broadcast %parallel_loop3A_1452 : f32 to vector<16xf32>
      %parallel_loop3A_1454 = arith.cmpf ogt, %parallel_loop3A_1436, %parallel_loop3A_1453 : vector<16xf32>
      %parallel_loop3A_1455 = arith.constant 0.000000e+00 : f32
      %parallel_loop3A_1456 = vector.broadcast %parallel_loop3A_1455 : f32 to vector<16xf32>
      %parallel_loop3A_1457 = arith.select %parallel_loop3A_1451, %parallel_loop3A_1448, %parallel_loop3A_1456 : vector<16xi1>, vector<16xf32>
      %parallel_loop3A_1458 = arith.addf %parallel_loop3A_1274, %parallel_loop3A_1457 : vector<16xf32>
      %parallel_loop3A_1459 = arith.constant 0.000000e+00 : f32
      %parallel_loop3A_1460 = vector.broadcast %parallel_loop3A_1459 : f32 to vector<16xf32>
      %parallel_loop3A_1461 = arith.select %parallel_loop3A_1454, %parallel_loop3A_1448, %parallel_loop3A_1460 : vector<16xi1>, vector<16xf32>
      %parallel_loop3A_1462 = arith.addf %parallel_loop3A_1276, %parallel_loop3A_1461 : vector<16xf32>
      %parallel_loop3A_1463 = arith.constant 1 : i32
      %parallel_loop3A_1464 = arith.constant 0 : i32
      %parallel_loop3A_1465 = vector.broadcast %parallel_loop3A_1463 : i32 to vector<16xi32>
      %parallel_loop3A_1466 = vector.broadcast %parallel_loop3A_1464 : i32 to vector<16xi32>
      %parallel_loop3A_1467 = arith.select %parallel_loop3A_1451, %parallel_loop3A_1465, %parallel_loop3A_1466 : vector<16xi1>, vector<16xi32>
      %parallel_loop3A_1468 = arith.addi %parallel_loop3A_1275, %parallel_loop3A_1467 : vector<16xi32>
      %parallel_loop3A_1469 = arith.constant 1 : i32
      %parallel_loop3A_1470 = arith.constant 0 : i32
      %parallel_loop3A_1471 = vector.broadcast %parallel_loop3A_1469 : i32 to vector<16xi32>
      %parallel_loop3A_1472 = vector.broadcast %parallel_loop3A_1470 : i32 to vector<16xi32>
      %parallel_loop3A_1473 = arith.select %parallel_loop3A_1454, %parallel_loop3A_1471, %parallel_loop3A_1472 : vector<16xi1>, vector<16xi32>
      %parallel_loop3A_1474 = arith.addi %parallel_loop3A_1277, %parallel_loop3A_1473 : vector<16xi32>
      scf.yield %parallel_loop3A_1314, %parallel_loop3A_1324, %parallel_loop3A_1318, %parallel_loop3A_1330, %parallel_loop3A_1362, %parallel_loop3A_1372, %parallel_loop3A_1366, %parallel_loop3A_1378, %parallel_loop3A_1410, %parallel_loop3A_1420, %parallel_loop3A_1414, %parallel_loop3A_1426, %parallel_loop3A_1458, %parallel_loop3A_1468, %parallel_loop3A_1462, %parallel_loop3A_1474 : vector<16xf32>, vector<16xi32>, vector<16xf32>, vector<16xi32>, vector<16xf32>, vector<16xi32>, vector<16xf32>, vector<16xi32>, vector<16xf32>, vector<16xi32>, vector<16xf32>, vector<16xi32>, vector<16xf32>, vector<16xi32>, vector<16xf32>, vector<16xi32>
    } {sc.loop_unroll_factor = 2 : i64, sc.parallel_access}
    %add3A_375 = arith.constant 24 : i32
    %add3A_376 = arith.addi %mul3A_2, %add3A_375 : i32
    %jit3A_377 = arith.constant 512 : i32
    %div3A_378 = arith.divsi %add3A_376, %jit3A_377 : i32
    %sign3A_379 = arith.constant 0 : i32
    %sign3A_380 = arith.cmpi sgt, %add3A_376, %sign3A_379 : i32
    %sign3A_381 = arith.extui %sign3A_380 : i1 to i32
    %sign3A_382 = arith.constant 0 : i32
    %sign3A_383 = arith.cmpi slt, %add3A_376, %sign3A_382 : i32
    %sign3A_384 = arith.extui %sign3A_383 : i1 to i32
    %sign3A_385 = arith.subi %sign3A_381, %sign3A_384 : i32
    %sign3A_386 = arith.constant 0 : i32
    %sign3A_387 = arith.cmpi sgt, %jit3A_377, %sign3A_386 : i32
    %sign3A_388 = arith.extui %sign3A_387 : i1 to i32
    %sign3A_389 = arith.constant 0 : i32
    %sign3A_390 = arith.cmpi slt, %jit3A_377, %sign3A_389 : i32
    %sign3A_391 = arith.extui %sign3A_390 : i1 to i32
    %sign3A_392 = arith.subi %sign3A_388, %sign3A_391 : i32
    %ne3A_393 = arith.cmpi ne, %sign3A_385, %sign3A_392 : i32
    %rem3A_394 = arith.remsi %add3A_376, %jit3A_377 : i32
    %ne3A_395 = arith.constant 0 : i32
    %ne3A_396 = arith.cmpi ne, %rem3A_394, %ne3A_395 : i32
    %and3A_397 = arith.andi %ne3A_393, %ne3A_396 : i1
    %sub3A_398 = arith.constant 1 : i32
    %sub3A_399 = arith.subi %div3A_378, %sub3A_398 : i32
    %select_n3A_400 = arith.select %and3A_397, %sub3A_399, %div3A_378 : i32
    %jit3A_401 = arith.constant 512 : i32
    %eq3A_402 = arith.constant 0 : i32
    %eq3A_403 = arith.cmpi eq, %jit3A_401, %eq3A_402 : i32
    %jit3A_404 = arith.constant 1 : i32
    %select_n3A_405 = arith.select %eq3A_403, %jit3A_404, %jit3A_401 : i32
    %rem3A_406 = arith.remsi %add3A_376, %select_n3A_405 : i32
    %ne3A_407 = arith.constant 0 : i32
    %ne3A_408 = arith.cmpi ne, %rem3A_406, %ne3A_407 : i32
    %lt3A_409 = arith.constant 0 : i32
    %lt3A_410 = arith.cmpi slt, %rem3A_406, %lt3A_409 : i32
    %lt3A_411 = arith.constant 0 : i32
    %lt3A_412 = arith.cmpi slt, %select_n3A_405, %lt3A_411 : i32
    %ne3A_413 = arith.xori %lt3A_410, %lt3A_412 : i1
    %and3A_414 = arith.andi %ne3A_413, %ne3A_408 : i1
    %add3A_415 = arith.addi %rem3A_406, %select_n3A_405 : i32
    %select_n3A_416 = arith.select %and3A_414, %add3A_415, %rem3A_406 : i32
    %dma_start3A_417 = arith.constant 0 : i32
    %dma_start3A_418 = arith.constant 1 : i32
    %dma_start3A_419 = arith.constant 0 : i32
    %dma_start3A_420 = arith.constant 0 : i32
    %dma_start3A_421 = tpu.memref_slice %arg5[%dma_start3A_418, %dma_start3A_419, %dma_start3A_420] : memref<2x8x512xf32, #tpu.memory_space<vmem>> -> memref<1x8x512xf32, #tpu.memory_space<vmem>>
    %dma_start3A_422 = tpu.memref_squeeze %dma_start3A_421 : memref<1x8x512xf32, #tpu.memory_space<vmem>> -> memref<8x512xf32, #tpu.memory_space<vmem>>
    %dma_start3A_423 = arith.constant 0 : i32
    %dma_start3A_424 = tpu.memref_slice %arg2[%select_n3A_400, %dma_start3A_417, %select_n3A_416, %dma_start3A_423] : memref<16x1x512x512xf32, #tpu.memory_space<hbm>> -> memref<1x1x8x512xf32, #tpu.memory_space<hbm>>
    %dma_start3A_425 = tpu.memref_squeeze %dma_start3A_424 : memref<1x1x8x512xf32, #tpu.memory_space<hbm>> -> memref<8x512xf32, #tpu.memory_space<hbm>>
    %dma_start3A_426 = arith.constant 0 : i32
    %dma_start3A_427 = arith.constant 0 : i32
    %dma_start3A_428 = tpu.memref_slice %arg5[%dma_start3A_418, %dma_start3A_426, %dma_start3A_427] : memref<2x8x512xf32, #tpu.memory_space<vmem>> -> memref<1x8x512xf32, #tpu.memory_space<vmem>>
    %dma_start3A_429 = tpu.memref_squeeze %dma_start3A_428 : memref<1x8x512xf32, #tpu.memory_space<vmem>> -> memref<8x512xf32, #tpu.memory_space<vmem>>
    %dma_start3A_430 = arith.constant 0 : i32
    %dma_start3A_431 = tpu.memref_slice %arg2[%select_n3A_400, %dma_start3A_417, %select_n3A_416, %dma_start3A_430] : memref<16x1x512x512xf32, #tpu.memory_space<hbm>> -> memref<1x1x8x512xf32, #tpu.memory_space<hbm>>
    %dma_start3A_432 = tpu.memref_squeeze %dma_start3A_431 : memref<1x1x8x512xf32, #tpu.memory_space<hbm>> -> memref<8x512xf32, #tpu.memory_space<hbm>>
    tpu.enqueue_dma source(%dma_start3A_432 : memref<8x512xf32, #tpu.memory_space<hbm>>) target(%dma_start3A_429 : memref<8x512xf32, #tpu.memory_space<vmem>>) target_semaphore(%arg9 : memref<!tpu.dma_semaphore, #tpu.memory_space<semaphore_mem>>)
    %dma_start3A_433 = arith.constant 0 : i32
    %dma_start3A_434 = arith.constant 1 : i32
    %dma_start3A_435 = arith.constant 0 : i32
    %dma_start3A_436 = arith.constant 0 : i32
    %dma_start3A_437 = tpu.memref_slice %arg6[%dma_start3A_434, %dma_start3A_435, %dma_start3A_436] : memref<2x8x512xf32, #tpu.memory_space<vmem>> -> memref<1x8x512xf32, #tpu.memory_space<vmem>>
    %dma_start3A_438 = tpu.memref_squeeze %dma_start3A_437 : memref<1x8x512xf32, #tpu.memory_space<vmem>> -> memref<8x512xf32, #tpu.memory_space<vmem>>
    %dma_start3A_439 = arith.constant 0 : i32
    %dma_start3A_440 = tpu.memref_slice %arg3[%select_n3A_400, %dma_start3A_433, %select_n3A_416, %dma_start3A_439] : memref<16x1x512x512xf32, #tpu.memory_space<hbm>> -> memref<1x1x8x512xf32, #tpu.memory_space<hbm>>
    %dma_start3A_441 = tpu.memref_squeeze %dma_start3A_440 : memref<1x1x8x512xf32, #tpu.memory_space<hbm>> -> memref<8x512xf32, #tpu.memory_space<hbm>>
    %dma_start3A_442 = arith.constant 0 : i32
    %dma_start3A_443 = arith.constant 0 : i32
    %dma_start3A_444 = tpu.memref_slice %arg6[%dma_start3A_434, %dma_start3A_442, %dma_start3A_443] : memref<2x8x512xf32, #tpu.memory_space<vmem>> -> memref<1x8x512xf32, #tpu.memory_space<vmem>>
    %dma_start3A_445 = tpu.memref_squeeze %dma_start3A_444 : memref<1x8x512xf32, #tpu.memory_space<vmem>> -> memref<8x512xf32, #tpu.memory_space<vmem>>
    %dma_start3A_446 = arith.constant 0 : i32
    %dma_start3A_447 = tpu.memref_slice %arg3[%select_n3A_400, %dma_start3A_433, %select_n3A_416, %dma_start3A_446] : memref<16x1x512x512xf32, #tpu.memory_space<hbm>> -> memref<1x1x8x512xf32, #tpu.memory_space<hbm>>
    %dma_start3A_448 = tpu.memref_squeeze %dma_start3A_447 : memref<1x1x8x512xf32, #tpu.memory_space<hbm>> -> memref<8x512xf32, #tpu.memory_space<hbm>>
    tpu.enqueue_dma source(%dma_start3A_448 : memref<8x512xf32, #tpu.memory_space<hbm>>) target(%dma_start3A_445 : memref<8x512xf32, #tpu.memory_space<vmem>>) target_semaphore(%arg11 : memref<!tpu.dma_semaphore, #tpu.memory_space<semaphore_mem>>)
    %add3A_449 = arith.constant 16 : i32
    %add3A_450 = arith.addi %mul3A_2, %add3A_449 : i32
    %jit3A_451 = arith.constant 512 : i32
    %div3A_452 = arith.divsi %add3A_450, %jit3A_451 : i32
    %sign3A_453 = arith.constant 0 : i32
    %sign3A_454 = arith.cmpi sgt, %add3A_450, %sign3A_453 : i32
    %sign3A_455 = arith.extui %sign3A_454 : i1 to i32
    %sign3A_456 = arith.constant 0 : i32
    %sign3A_457 = arith.cmpi slt, %add3A_450, %sign3A_456 : i32
    %sign3A_458 = arith.extui %sign3A_457 : i1 to i32
    %sign3A_459 = arith.subi %sign3A_455, %sign3A_458 : i32
    %sign3A_460 = arith.constant 0 : i32
    %sign3A_461 = arith.cmpi sgt, %jit3A_451, %sign3A_460 : i32
    %sign3A_462 = arith.extui %sign3A_461 : i1 to i32
    %sign3A_463 = arith.constant 0 : i32
    %sign3A_464 = arith.cmpi slt, %jit3A_451, %sign3A_463 : i32
    %sign3A_465 = arith.extui %sign3A_464 : i1 to i32
    %sign3A_466 = arith.subi %sign3A_462, %sign3A_465 : i32
    %ne3A_467 = arith.cmpi ne, %sign3A_459, %sign3A_466 : i32
    %rem3A_468 = arith.remsi %add3A_450, %jit3A_451 : i32
    %ne3A_469 = arith.constant 0 : i32
    %ne3A_470 = arith.cmpi ne, %rem3A_468, %ne3A_469 : i32
    %and3A_471 = arith.andi %ne3A_467, %ne3A_470 : i1
    %sub3A_472 = arith.constant 1 : i32
    %sub3A_473 = arith.subi %div3A_452, %sub3A_472 : i32
    %select_n3A_474 = arith.select %and3A_471, %sub3A_473, %div3A_452 : i32
    %jit3A_475 = arith.constant 512 : i32
    %eq3A_476 = arith.constant 0 : i32
    %eq3A_477 = arith.cmpi eq, %jit3A_475, %eq3A_476 : i32
    %jit3A_478 = arith.constant 1 : i32
    %select_n3A_479 = arith.select %eq3A_477, %jit3A_478, %jit3A_475 : i32
    %rem3A_480 = arith.remsi %add3A_450, %select_n3A_479 : i32
    %ne3A_481 = arith.constant 0 : i32
    %ne3A_482 = arith.cmpi ne, %rem3A_480, %ne3A_481 : i32
    %lt3A_483 = arith.constant 0 : i32
    %lt3A_484 = arith.cmpi slt, %rem3A_480, %lt3A_483 : i32
    %lt3A_485 = arith.constant 0 : i32
    %lt3A_486 = arith.cmpi slt, %select_n3A_479, %lt3A_485 : i32
    %ne3A_487 = arith.xori %lt3A_484, %lt3A_486 : i1
    %and3A_488 = arith.andi %ne3A_487, %ne3A_482 : i1
    %add3A_489 = arith.addi %rem3A_480, %select_n3A_479 : i32
    %select_n3A_490 = arith.select %and3A_488, %add3A_489, %rem3A_480 : i32
    %dma_wait3A_491 = arith.constant 0 : i32
    %dma_wait3A_492 = arith.constant 0 : i32
    %dma_wait3A_493 = arith.constant 0 : i32
    %dma_wait3A_494 = arith.constant 0 : i32
    %dma_wait3A_495 = tpu.memref_slice %arg5[%dma_wait3A_492, %dma_wait3A_493, %dma_wait3A_494] : memref<2x8x512xf32, #tpu.memory_space<vmem>> -> memref<1x8x512xf32, #tpu.memory_space<vmem>>
    %dma_wait3A_496 = tpu.memref_squeeze %dma_wait3A_495 : memref<1x8x512xf32, #tpu.memory_space<vmem>> -> memref<8x512xf32, #tpu.memory_space<vmem>>
    %dma_wait3A_497 = arith.constant 0 : i32
    %dma_wait3A_498 = tpu.memref_slice %arg2[%select_n3A_474, %dma_wait3A_491, %select_n3A_490, %dma_wait3A_497] : memref<16x1x512x512xf32, #tpu.memory_space<hbm>> -> memref<1x1x8x512xf32, #tpu.memory_space<hbm>>
    %dma_wait3A_499 = tpu.memref_squeeze %dma_wait3A_498 : memref<1x1x8x512xf32, #tpu.memory_space<hbm>> -> memref<8x512xf32, #tpu.memory_space<hbm>>
    %dma_wait3A_500 = arith.constant 0 : i32
    %dma_wait3A_501 = arith.constant 0 : i32
    %dma_wait3A_502 = tpu.memref_slice %arg5[%dma_wait3A_492, %dma_wait3A_500, %dma_wait3A_501] : memref<2x8x512xf32, #tpu.memory_space<vmem>> -> memref<1x8x512xf32, #tpu.memory_space<vmem>>
    %dma_wait3A_503 = tpu.memref_squeeze %dma_wait3A_502 : memref<1x8x512xf32, #tpu.memory_space<vmem>> -> memref<8x512xf32, #tpu.memory_space<vmem>>
    %dma_wait3A_504 = arith.constant 0 : i32
    %dma_wait3A_505 = tpu.memref_slice %arg2[%select_n3A_474, %dma_wait3A_491, %select_n3A_490, %dma_wait3A_504] : memref<16x1x512x512xf32, #tpu.memory_space<hbm>> -> memref<1x1x8x512xf32, #tpu.memory_space<hbm>>
    %dma_wait3A_506 = tpu.memref_squeeze %dma_wait3A_505 : memref<1x1x8x512xf32, #tpu.memory_space<hbm>> -> memref<8x512xf32, #tpu.memory_space<hbm>>
    tpu.wait_dma2 semaphore(%arg8 : memref<!tpu.dma_semaphore, #tpu.memory_space<semaphore_mem>>) src(%dma_wait3A_506 : memref<8x512xf32, #tpu.memory_space<hbm>>) dst(%dma_wait3A_503 : memref<8x512xf32, #tpu.memory_space<vmem>>)
    %dma_wait3A_507 = arith.constant 0 : i32
    %dma_wait3A_508 = arith.constant 0 : i32
    %dma_wait3A_509 = arith.constant 0 : i32
    %dma_wait3A_510 = arith.constant 0 : i32
    %dma_wait3A_511 = tpu.memref_slice %arg6[%dma_wait3A_508, %dma_wait3A_509, %dma_wait3A_510] : memref<2x8x512xf32, #tpu.memory_space<vmem>> -> memref<1x8x512xf32, #tpu.memory_space<vmem>>
    %dma_wait3A_512 = tpu.memref_squeeze %dma_wait3A_511 : memref<1x8x512xf32, #tpu.memory_space<vmem>> -> memref<8x512xf32, #tpu.memory_space<vmem>>
    %dma_wait3A_513 = arith.constant 0 : i32
    %dma_wait3A_514 = tpu.memref_slice %arg3[%select_n3A_474, %dma_wait3A_507, %select_n3A_490, %dma_wait3A_513] : memref<16x1x512x512xf32, #tpu.memory_space<hbm>> -> memref<1x1x8x512xf32, #tpu.memory_space<hbm>>
    %dma_wait3A_515 = tpu.memref_squeeze %dma_wait3A_514 : memref<1x1x8x512xf32, #tpu.memory_space<hbm>> -> memref<8x512xf32, #tpu.memory_space<hbm>>
    %dma_wait3A_516 = arith.constant 0 : i32
    %dma_wait3A_517 = arith.constant 0 : i32
    %dma_wait3A_518 = tpu.memref_slice %arg6[%dma_wait3A_508, %dma_wait3A_516, %dma_wait3A_517] : memref<2x8x512xf32, #tpu.memory_space<vmem>> -> memref<1x8x512xf32, #tpu.memory_space<vmem>>
    %dma_wait3A_519 = tpu.memref_squeeze %dma_wait3A_518 : memref<1x8x512xf32, #tpu.memory_space<vmem>> -> memref<8x512xf32, #tpu.memory_space<vmem>>
    %dma_wait3A_520 = arith.constant 0 : i32
    %dma_wait3A_521 = tpu.memref_slice %arg3[%select_n3A_474, %dma_wait3A_507, %select_n3A_490, %dma_wait3A_520] : memref<16x1x512x512xf32, #tpu.memory_space<hbm>> -> memref<1x1x8x512xf32, #tpu.memory_space<hbm>>
    %dma_wait3A_522 = tpu.memref_squeeze %dma_wait3A_521 : memref<1x1x8x512xf32, #tpu.memory_space<hbm>> -> memref<8x512xf32, #tpu.memory_space<hbm>>
    tpu.wait_dma2 semaphore(%arg10 : memref<!tpu.dma_semaphore, #tpu.memory_space<semaphore_mem>>) src(%dma_wait3A_522 : memref<8x512xf32, #tpu.memory_space<hbm>>) dst(%dma_wait3A_519 : memref<8x512xf32, #tpu.memory_space<vmem>>)
    %parallel_loop3A_523 = arith.constant 0 : i32
    %parallel_loop3A_524 = arith.constant 4096 : i32
    %parallel_loop3A_525 = arith.constant 64 : i32
    %parallel_loop3A_526 = arith.constant 0 : i32
    %parallel_loop3A_527 = arith.constant 0 : i32
    %parallel_loop3A_528:16 = scf.for %parallel_loop3A_1261 = %parallel_loop3A_523 to %parallel_loop3A_524 step %parallel_loop3A_525 iter_args(%parallel_loop3A_1262 = %parallel_loop3A_374#0, %parallel_loop3A_1263 = %parallel_loop3A_374#1, %parallel_loop3A_1264 = %parallel_loop3A_374#2, %parallel_loop3A_1265 = %parallel_loop3A_374#3, %parallel_loop3A_1266 = %parallel_loop3A_374#4, %parallel_loop3A_1267 = %parallel_loop3A_374#5, %parallel_loop3A_1268 = %parallel_loop3A_374#6, %parallel_loop3A_1269 = %parallel_loop3A_374#7, %parallel_loop3A_1270 = %parallel_loop3A_374#8, %parallel_loop3A_1271 = %parallel_loop3A_374#9, %parallel_loop3A_1272 = %parallel_loop3A_374#10, %parallel_loop3A_1273 = %parallel_loop3A_374#11, %parallel_loop3A_1274 = %parallel_loop3A_374#12, %parallel_loop3A_1275 = %parallel_loop3A_374#13, %parallel_loop3A_1276 = %parallel_loop3A_374#14, %parallel_loop3A_1277 = %parallel_loop3A_374#15) -> (vector<16xf32>, vector<16xi32>, vector<16xf32>, vector<16xi32>, vector<16xf32>, vector<16xi32>, vector<16xf32>, vector<16xi32>, vector<16xf32>, vector<16xi32>, vector<16xf32>, vector<16xi32>, vector<16xf32>, vector<16xi32>, vector<16xf32>, vector<16xi32>)  : i32 {
      %parallel_loop3A_1278 = arith.constant 9 : i32
      %parallel_loop3A_1279 = arith.shrui %parallel_loop3A_1261, %parallel_loop3A_1278 : i32
      %parallel_loop3A_1280 = arith.constant 511 : i32
      %parallel_loop3A_1281 = arith.andi %parallel_loop3A_1261, %parallel_loop3A_1280 : i32
      %parallel_loop3A_1282 = tpu.assume_multiple %parallel_loop3A_1281, 64 : i32
      %parallel_loop3A_1283 = arith.constant 0 : i32
      %parallel_loop3A_1284 = arith.addi %parallel_loop3A_1282, %parallel_loop3A_1283 : i32
      %parallel_loop3A_1285 = arith.constant 0 : i32
      %parallel_loop3A_1286 = arith.constant 0 : i32
      %parallel_loop3A_1287 = tpu.memref_slice %arg5[%parallel_loop3A_526, %parallel_loop3A_1285, %parallel_loop3A_1286] : memref<2x8x512xf32, #tpu.memory_space<vmem>> -> memref<1x8x512xf32, #tpu.memory_space<vmem>>
      %parallel_loop3A_1288 = tpu.memref_squeeze %parallel_loop3A_1287 : memref<1x8x512xf32, #tpu.memory_space<vmem>> -> memref<8x512xf32, #tpu.memory_space<vmem>>
      %parallel_loop3A_1289 = arith.index_cast %parallel_loop3A_1279 : i32 to index
      %parallel_loop3A_1290 = arith.index_cast %parallel_loop3A_1284 : i32 to index
      %parallel_loop3A_1291 = tpu.vector_load %parallel_loop3A_1288[%parallel_loop3A_1289, %parallel_loop3A_1290] {strides = array<i32>} : memref<8x512xf32, #tpu.memory_space<vmem>>, vector<1x16xf32>,
      %parallel_loop3A_1292 = vector.shape_cast %parallel_loop3A_1291 : vector<1x16xf32> to vector<16xf32>
      %parallel_loop3A_1293 = arith.constant 0 : i32
      %parallel_loop3A_1294 = arith.addi %parallel_loop3A_1282, %parallel_loop3A_1293 : i32
      %parallel_loop3A_1295 = arith.constant 0 : i32
      %parallel_loop3A_1296 = arith.constant 0 : i32
      %parallel_loop3A_1297 = tpu.memref_slice %arg6[%parallel_loop3A_527, %parallel_loop3A_1295, %parallel_loop3A_1296] : memref<2x8x512xf32, #tpu.memory_space<vmem>> -> memref<1x8x512xf32, #tpu.memory_space<vmem>>
      %parallel_loop3A_1298 = tpu.memref_squeeze %parallel_loop3A_1297 : memref<1x8x512xf32, #tpu.memory_space<vmem>> -> memref<8x512xf32, #tpu.memory_space<vmem>>
      %parallel_loop3A_1299 = arith.index_cast %parallel_loop3A_1279 : i32 to index
      %parallel_loop3A_1300 = arith.index_cast %parallel_loop3A_1294 : i32 to index
      %parallel_loop3A_1301 = tpu.vector_load %parallel_loop3A_1298[%parallel_loop3A_1299, %parallel_loop3A_1300] {strides = array<i32>} : memref<8x512xf32, #tpu.memory_space<vmem>>, vector<1x16xf32>,
      %parallel_loop3A_1302 = vector.shape_cast %parallel_loop3A_1301 : vector<1x16xf32> to vector<16xf32>
      %parallel_loop3A_1303 = arith.subf %parallel_loop3A_1292, %parallel_loop3A_1302 : vector<16xf32>
      %parallel_loop3A_1304 = arith.mulf %parallel_loop3A_1303, %parallel_loop3A_1303 : vector<16xf32>
      %parallel_loop3A_1305 = arith.constant 0.000000e+00 : f32
      %parallel_loop3A_1306 = vector.broadcast %parallel_loop3A_1305 : f32 to vector<16xf32>
      %parallel_loop3A_1307 = arith.cmpf ogt, %parallel_loop3A_1302, %parallel_loop3A_1306 : vector<16xf32>
      %parallel_loop3A_1308 = arith.constant 0.000000e+00 : f32
      %parallel_loop3A_1309 = vector.broadcast %parallel_loop3A_1308 : f32 to vector<16xf32>
      %parallel_loop3A_1310 = arith.cmpf ogt, %parallel_loop3A_1292, %parallel_loop3A_1309 : vector<16xf32>
      %parallel_loop3A_1311 = arith.constant 0.000000e+00 : f32
      %parallel_loop3A_1312 = vector.broadcast %parallel_loop3A_1311 : f32 to vector<16xf32>
      %parallel_loop3A_1313 = arith.select %parallel_loop3A_1307, %parallel_loop3A_1304, %parallel_loop3A_1312 : vector<16xi1>, vector<16xf32>
      %parallel_loop3A_1314 = arith.addf %parallel_loop3A_1262, %parallel_loop3A_1313 : vector<16xf32>
      %parallel_loop3A_1315 = arith.constant 0.000000e+00 : f32
      %parallel_loop3A_1316 = vector.broadcast %parallel_loop3A_1315 : f32 to vector<16xf32>
      %parallel_loop3A_1317 = arith.select %parallel_loop3A_1310, %parallel_loop3A_1304, %parallel_loop3A_1316 : vector<16xi1>, vector<16xf32>
      %parallel_loop3A_1318 = arith.addf %parallel_loop3A_1264, %parallel_loop3A_1317 : vector<16xf32>
      %parallel_loop3A_1319 = arith.constant 1 : i32
      %parallel_loop3A_1320 = arith.constant 0 : i32
      %parallel_loop3A_1321 = vector.broadcast %parallel_loop3A_1319 : i32 to vector<16xi32>
      %parallel_loop3A_1322 = vector.broadcast %parallel_loop3A_1320 : i32 to vector<16xi32>
      %parallel_loop3A_1323 = arith.select %parallel_loop3A_1307, %parallel_loop3A_1321, %parallel_loop3A_1322 : vector<16xi1>, vector<16xi32>
      %parallel_loop3A_1324 = arith.addi %parallel_loop3A_1263, %parallel_loop3A_1323 : vector<16xi32>
      %parallel_loop3A_1325 = arith.constant 1 : i32
      %parallel_loop3A_1326 = arith.constant 0 : i32
      %parallel_loop3A_1327 = vector.broadcast %parallel_loop3A_1325 : i32 to vector<16xi32>
      %parallel_loop3A_1328 = vector.broadcast %parallel_loop3A_1326 : i32 to vector<16xi32>
      %parallel_loop3A_1329 = arith.select %parallel_loop3A_1310, %parallel_loop3A_1327, %parallel_loop3A_1328 : vector<16xi1>, vector<16xi32>
      %parallel_loop3A_1330 = arith.addi %parallel_loop3A_1265, %parallel_loop3A_1329 : vector<16xi32>
      %parallel_loop3A_1331 = arith.constant 16 : i32
      %parallel_loop3A_1332 = arith.addi %parallel_loop3A_1282, %parallel_loop3A_1331 : i32
      %parallel_loop3A_1333 = arith.constant 0 : i32
      %parallel_loop3A_1334 = arith.constant 0 : i32
      %parallel_loop3A_1335 = tpu.memref_slice %arg5[%parallel_loop3A_526, %parallel_loop3A_1333, %parallel_loop3A_1334] : memref<2x8x512xf32, #tpu.memory_space<vmem>> -> memref<1x8x512xf32, #tpu.memory_space<vmem>>
      %parallel_loop3A_1336 = tpu.memref_squeeze %parallel_loop3A_1335 : memref<1x8x512xf32, #tpu.memory_space<vmem>> -> memref<8x512xf32, #tpu.memory_space<vmem>>
      %parallel_loop3A_1337 = arith.index_cast %parallel_loop3A_1279 : i32 to index
      %parallel_loop3A_1338 = arith.index_cast %parallel_loop3A_1332 : i32 to index
      %parallel_loop3A_1339 = tpu.vector_load %parallel_loop3A_1336[%parallel_loop3A_1337, %parallel_loop3A_1338] {strides = array<i32>} : memref<8x512xf32, #tpu.memory_space<vmem>>, vector<1x16xf32>,
      %parallel_loop3A_1340 = vector.shape_cast %parallel_loop3A_1339 : vector<1x16xf32> to vector<16xf32>
      %parallel_loop3A_1341 = arith.constant 16 : i32
      %parallel_loop3A_1342 = arith.addi %parallel_loop3A_1282, %parallel_loop3A_1341 : i32
      %parallel_loop3A_1343 = arith.constant 0 : i32
      %parallel_loop3A_1344 = arith.constant 0 : i32
      %parallel_loop3A_1345 = tpu.memref_slice %arg6[%parallel_loop3A_527, %parallel_loop3A_1343, %parallel_loop3A_1344] : memref<2x8x512xf32, #tpu.memory_space<vmem>> -> memref<1x8x512xf32, #tpu.memory_space<vmem>>
      %parallel_loop3A_1346 = tpu.memref_squeeze %parallel_loop3A_1345 : memref<1x8x512xf32, #tpu.memory_space<vmem>> -> memref<8x512xf32, #tpu.memory_space<vmem>>
      %parallel_loop3A_1347 = arith.index_cast %parallel_loop3A_1279 : i32 to index
      %parallel_loop3A_1348 = arith.index_cast %parallel_loop3A_1342 : i32 to index
      %parallel_loop3A_1349 = tpu.vector_load %parallel_loop3A_1346[%parallel_loop3A_1347, %parallel_loop3A_1348] {strides = array<i32>} : memref<8x512xf32, #tpu.memory_space<vmem>>, vector<1x16xf32>,
      %parallel_loop3A_1350 = vector.shape_cast %parallel_loop3A_1349 : vector<1x16xf32> to vector<16xf32>
      %parallel_loop3A_1351 = arith.subf %parallel_loop3A_1340, %parallel_loop3A_1350 : vector<16xf32>
      %parallel_loop3A_1352 = arith.mulf %parallel_loop3A_1351, %parallel_loop3A_1351 : vector<16xf32>
      %parallel_loop3A_1353 = arith.constant 0.000000e+00 : f32
      %parallel_loop3A_1354 = vector.broadcast %parallel_loop3A_1353 : f32 to vector<16xf32>
      %parallel_loop3A_1355 = arith.cmpf ogt, %parallel_loop3A_1350, %parallel_loop3A_1354 : vector<16xf32>
      %parallel_loop3A_1356 = arith.constant 0.000000e+00 : f32
      %parallel_loop3A_1357 = vector.broadcast %parallel_loop3A_1356 : f32 to vector<16xf32>
      %parallel_loop3A_1358 = arith.cmpf ogt, %parallel_loop3A_1340, %parallel_loop3A_1357 : vector<16xf32>
      %parallel_loop3A_1359 = arith.constant 0.000000e+00 : f32
      %parallel_loop3A_1360 = vector.broadcast %parallel_loop3A_1359 : f32 to vector<16xf32>
      %parallel_loop3A_1361 = arith.select %parallel_loop3A_1355, %parallel_loop3A_1352, %parallel_loop3A_1360 : vector<16xi1>, vector<16xf32>
      %parallel_loop3A_1362 = arith.addf %parallel_loop3A_1266, %parallel_loop3A_1361 : vector<16xf32>
      %parallel_loop3A_1363 = arith.constant 0.000000e+00 : f32
      %parallel_loop3A_1364 = vector.broadcast %parallel_loop3A_1363 : f32 to vector<16xf32>
      %parallel_loop3A_1365 = arith.select %parallel_loop3A_1358, %parallel_loop3A_1352, %parallel_loop3A_1364 : vector<16xi1>, vector<16xf32>
      %parallel_loop3A_1366 = arith.addf %parallel_loop3A_1268, %parallel_loop3A_1365 : vector<16xf32>
      %parallel_loop3A_1367 = arith.constant 1 : i32
      %parallel_loop3A_1368 = arith.constant 0 : i32
      %parallel_loop3A_1369 = vector.broadcast %parallel_loop3A_1367 : i32 to vector<16xi32>
      %parallel_loop3A_1370 = vector.broadcast %parallel_loop3A_1368 : i32 to vector<16xi32>
      %parallel_loop3A_1371 = arith.select %parallel_loop3A_1355, %parallel_loop3A_1369, %parallel_loop3A_1370 : vector<16xi1>, vector<16xi32>
      %parallel_loop3A_1372 = arith.addi %parallel_loop3A_1267, %parallel_loop3A_1371 : vector<16xi32>
      %parallel_loop3A_1373 = arith.constant 1 : i32
      %parallel_loop3A_1374 = arith.constant 0 : i32
      %parallel_loop3A_1375 = vector.broadcast %parallel_loop3A_1373 : i32 to vector<16xi32>
      %parallel_loop3A_1376 = vector.broadcast %parallel_loop3A_1374 : i32 to vector<16xi32>
      %parallel_loop3A_1377 = arith.select %parallel_loop3A_1358, %parallel_loop3A_1375, %parallel_loop3A_1376 : vector<16xi1>, vector<16xi32>
      %parallel_loop3A_1378 = arith.addi %parallel_loop3A_1269, %parallel_loop3A_1377 : vector<16xi32>
      %parallel_loop3A_1379 = arith.constant 32 : i32
      %parallel_loop3A_1380 = arith.addi %parallel_loop3A_1282, %parallel_loop3A_1379 : i32
      %parallel_loop3A_1381 = arith.constant 0 : i32
      %parallel_loop3A_1382 = arith.constant 0 : i32
      %parallel_loop3A_1383 = tpu.memref_slice %arg5[%parallel_loop3A_526, %parallel_loop3A_1381, %parallel_loop3A_1382] : memref<2x8x512xf32, #tpu.memory_space<vmem>> -> memref<1x8x512xf32, #tpu.memory_space<vmem>>
      %parallel_loop3A_1384 = tpu.memref_squeeze %parallel_loop3A_1383 : memref<1x8x512xf32, #tpu.memory_space<vmem>> -> memref<8x512xf32, #tpu.memory_space<vmem>>
      %parallel_loop3A_1385 = arith.index_cast %parallel_loop3A_1279 : i32 to index
      %parallel_loop3A_1386 = arith.index_cast %parallel_loop3A_1380 : i32 to index
      %parallel_loop3A_1387 = tpu.vector_load %parallel_loop3A_1384[%parallel_loop3A_1385, %parallel_loop3A_1386] {strides = array<i32>} : memref<8x512xf32, #tpu.memory_space<vmem>>, vector<1x16xf32>,
      %parallel_loop3A_1388 = vector.shape_cast %parallel_loop3A_1387 : vector<1x16xf32> to vector<16xf32>
      %parallel_loop3A_1389 = arith.constant 32 : i32
      %parallel_loop3A_1390 = arith.addi %parallel_loop3A_1282, %parallel_loop3A_1389 : i32
      %parallel_loop3A_1391 = arith.constant 0 : i32
      %parallel_loop3A_1392 = arith.constant 0 : i32
      %parallel_loop3A_1393 = tpu.memref_slice %arg6[%parallel_loop3A_527, %parallel_loop3A_1391, %parallel_loop3A_1392] : memref<2x8x512xf32, #tpu.memory_space<vmem>> -> memref<1x8x512xf32, #tpu.memory_space<vmem>>
      %parallel_loop3A_1394 = tpu.memref_squeeze %parallel_loop3A_1393 : memref<1x8x512xf32, #tpu.memory_space<vmem>> -> memref<8x512xf32, #tpu.memory_space<vmem>>
      %parallel_loop3A_1395 = arith.index_cast %parallel_loop3A_1279 : i32 to index
      %parallel_loop3A_1396 = arith.index_cast %parallel_loop3A_1390 : i32 to index
      %parallel_loop3A_1397 = tpu.vector_load %parallel_loop3A_1394[%parallel_loop3A_1395, %parallel_loop3A_1396] {strides = array<i32>} : memref<8x512xf32, #tpu.memory_space<vmem>>, vector<1x16xf32>,
      %parallel_loop3A_1398 = vector.shape_cast %parallel_loop3A_1397 : vector<1x16xf32> to vector<16xf32>
      %parallel_loop3A_1399 = arith.subf %parallel_loop3A_1388, %parallel_loop3A_1398 : vector<16xf32>
      %parallel_loop3A_1400 = arith.mulf %parallel_loop3A_1399, %parallel_loop3A_1399 : vector<16xf32>
      %parallel_loop3A_1401 = arith.constant 0.000000e+00 : f32
      %parallel_loop3A_1402 = vector.broadcast %parallel_loop3A_1401 : f32 to vector<16xf32>
      %parallel_loop3A_1403 = arith.cmpf ogt, %parallel_loop3A_1398, %parallel_loop3A_1402 : vector<16xf32>
      %parallel_loop3A_1404 = arith.constant 0.000000e+00 : f32
      %parallel_loop3A_1405 = vector.broadcast %parallel_loop3A_1404 : f32 to vector<16xf32>
      %parallel_loop3A_1406 = arith.cmpf ogt, %parallel_loop3A_1388, %parallel_loop3A_1405 : vector<16xf32>
      %parallel_loop3A_1407 = arith.constant 0.000000e+00 : f32
      %parallel_loop3A_1408 = vector.broadcast %parallel_loop3A_1407 : f32 to vector<16xf32>
      %parallel_loop3A_1409 = arith.select %parallel_loop3A_1403, %parallel_loop3A_1400, %parallel_loop3A_1408 : vector<16xi1>, vector<16xf32>
      %parallel_loop3A_1410 = arith.addf %parallel_loop3A_1270, %parallel_loop3A_1409 : vector<16xf32>
      %parallel_loop3A_1411 = arith.constant 0.000000e+00 : f32
      %parallel_loop3A_1412 = vector.broadcast %parallel_loop3A_1411 : f32 to vector<16xf32>
      %parallel_loop3A_1413 = arith.select %parallel_loop3A_1406, %parallel_loop3A_1400, %parallel_loop3A_1412 : vector<16xi1>, vector<16xf32>
      %parallel_loop3A_1414 = arith.addf %parallel_loop3A_1272, %parallel_loop3A_1413 : vector<16xf32>
      %parallel_loop3A_1415 = arith.constant 1 : i32
      %parallel_loop3A_1416 = arith.constant 0 : i32
      %parallel_loop3A_1417 = vector.broadcast %parallel_loop3A_1415 : i32 to vector<16xi32>
      %parallel_loop3A_1418 = vector.broadcast %parallel_loop3A_1416 : i32 to vector<16xi32>
      %parallel_loop3A_1419 = arith.select %parallel_loop3A_1403, %parallel_loop3A_1417, %parallel_loop3A_1418 : vector<16xi1>, vector<16xi32>
      %parallel_loop3A_1420 = arith.addi %parallel_loop3A_1271, %parallel_loop3A_1419 : vector<16xi32>
      %parallel_loop3A_1421 = arith.constant 1 : i32
      %parallel_loop3A_1422 = arith.constant 0 : i32
      %parallel_loop3A_1423 = vector.broadcast %parallel_loop3A_1421 : i32 to vector<16xi32>
      %parallel_loop3A_1424 = vector.broadcast %parallel_loop3A_1422 : i32 to vector<16xi32>
      %parallel_loop3A_1425 = arith.select %parallel_loop3A_1406, %parallel_loop3A_1423, %parallel_loop3A_1424 : vector<16xi1>, vector<16xi32>
      %parallel_loop3A_1426 = arith.addi %parallel_loop3A_1273, %parallel_loop3A_1425 : vector<16xi32>
      %parallel_loop3A_1427 = arith.constant 48 : i32
      %parallel_loop3A_1428 = arith.addi %parallel_loop3A_1282, %parallel_loop3A_1427 : i32
      %parallel_loop3A_1429 = arith.constant 0 : i32
      %parallel_loop3A_1430 = arith.constant 0 : i32
      %parallel_loop3A_1431 = tpu.memref_slice %arg5[%parallel_loop3A_526, %parallel_loop3A_1429, %parallel_loop3A_1430] : memref<2x8x512xf32, #tpu.memory_space<vmem>> -> memref<1x8x512xf32, #tpu.memory_space<vmem>>
      %parallel_loop3A_1432 = tpu.memref_squeeze %parallel_loop3A_1431 : memref<1x8x512xf32, #tpu.memory_space<vmem>> -> memref<8x512xf32, #tpu.memory_space<vmem>>
      %parallel_loop3A_1433 = arith.index_cast %parallel_loop3A_1279 : i32 to index
      %parallel_loop3A_1434 = arith.index_cast %parallel_loop3A_1428 : i32 to index
      %parallel_loop3A_1435 = tpu.vector_load %parallel_loop3A_1432[%parallel_loop3A_1433, %parallel_loop3A_1434] {strides = array<i32>} : memref<8x512xf32, #tpu.memory_space<vmem>>, vector<1x16xf32>,
      %parallel_loop3A_1436 = vector.shape_cast %parallel_loop3A_1435 : vector<1x16xf32> to vector<16xf32>
      %parallel_loop3A_1437 = arith.constant 48 : i32
      %parallel_loop3A_1438 = arith.addi %parallel_loop3A_1282, %parallel_loop3A_1437 : i32
      %parallel_loop3A_1439 = arith.constant 0 : i32
      %parallel_loop3A_1440 = arith.constant 0 : i32
      %parallel_loop3A_1441 = tpu.memref_slice %arg6[%parallel_loop3A_527, %parallel_loop3A_1439, %parallel_loop3A_1440] : memref<2x8x512xf32, #tpu.memory_space<vmem>> -> memref<1x8x512xf32, #tpu.memory_space<vmem>>
      %parallel_loop3A_1442 = tpu.memref_squeeze %parallel_loop3A_1441 : memref<1x8x512xf32, #tpu.memory_space<vmem>> -> memref<8x512xf32, #tpu.memory_space<vmem>>
      %parallel_loop3A_1443 = arith.index_cast %parallel_loop3A_1279 : i32 to index
      %parallel_loop3A_1444 = arith.index_cast %parallel_loop3A_1438 : i32 to index
      %parallel_loop3A_1445 = tpu.vector_load %parallel_loop3A_1442[%parallel_loop3A_1443, %parallel_loop3A_1444] {strides = array<i32>} : memref<8x512xf32, #tpu.memory_space<vmem>>, vector<1x16xf32>,
      %parallel_loop3A_1446 = vector.shape_cast %parallel_loop3A_1445 : vector<1x16xf32> to vector<16xf32>
      %parallel_loop3A_1447 = arith.subf %parallel_loop3A_1436, %parallel_loop3A_1446 : vector<16xf32>
      %parallel_loop3A_1448 = arith.mulf %parallel_loop3A_1447, %parallel_loop3A_1447 : vector<16xf32>
      %parallel_loop3A_1449 = arith.constant 0.000000e+00 : f32
      %parallel_loop3A_1450 = vector.broadcast %parallel_loop3A_1449 : f32 to vector<16xf32>
      %parallel_loop3A_1451 = arith.cmpf ogt, %parallel_loop3A_1446, %parallel_loop3A_1450 : vector<16xf32>
      %parallel_loop3A_1452 = arith.constant 0.000000e+00 : f32
      %parallel_loop3A_1453 = vector.broadcast %parallel_loop3A_1452 : f32 to vector<16xf32>
      %parallel_loop3A_1454 = arith.cmpf ogt, %parallel_loop3A_1436, %parallel_loop3A_1453 : vector<16xf32>
      %parallel_loop3A_1455 = arith.constant 0.000000e+00 : f32
      %parallel_loop3A_1456 = vector.broadcast %parallel_loop3A_1455 : f32 to vector<16xf32>
      %parallel_loop3A_1457 = arith.select %parallel_loop3A_1451, %parallel_loop3A_1448, %parallel_loop3A_1456 : vector<16xi1>, vector<16xf32>
      %parallel_loop3A_1458 = arith.addf %parallel_loop3A_1274, %parallel_loop3A_1457 : vector<16xf32>
      %parallel_loop3A_1459 = arith.constant 0.000000e+00 : f32
      %parallel_loop3A_1460 = vector.broadcast %parallel_loop3A_1459 : f32 to vector<16xf32>
      %parallel_loop3A_1461 = arith.select %parallel_loop3A_1454, %parallel_loop3A_1448, %parallel_loop3A_1460 : vector<16xi1>, vector<16xf32>
      %parallel_loop3A_1462 = arith.addf %parallel_loop3A_1276, %parallel_loop3A_1461 : vector<16xf32>
      %parallel_loop3A_1463 = arith.constant 1 : i32
      %parallel_loop3A_1464 = arith.constant 0 : i32
      %parallel_loop3A_1465 = vector.broadcast %parallel_loop3A_1463 : i32 to vector<16xi32>
      %parallel_loop3A_1466 = vector.broadcast %parallel_loop3A_1464 : i32 to vector<16xi32>
      %parallel_loop3A_1467 = arith.select %parallel_loop3A_1451, %parallel_loop3A_1465, %parallel_loop3A_1466 : vector<16xi1>, vector<16xi32>
      %parallel_loop3A_1468 = arith.addi %parallel_loop3A_1275, %parallel_loop3A_1467 : vector<16xi32>
      %parallel_loop3A_1469 = arith.constant 1 : i32
      %parallel_loop3A_1470 = arith.constant 0 : i32
      %parallel_loop3A_1471 = vector.broadcast %parallel_loop3A_1469 : i32 to vector<16xi32>
      %parallel_loop3A_1472 = vector.broadcast %parallel_loop3A_1470 : i32 to vector<16xi32>
      %parallel_loop3A_1473 = arith.select %parallel_loop3A_1454, %parallel_loop3A_1471, %parallel_loop3A_1472 : vector<16xi1>, vector<16xi32>
      %parallel_loop3A_1474 = arith.addi %parallel_loop3A_1277, %parallel_loop3A_1473 : vector<16xi32>
      scf.yield %parallel_loop3A_1314, %parallel_loop3A_1324, %parallel_loop3A_1318, %parallel_loop3A_1330, %parallel_loop3A_1362, %parallel_loop3A_1372, %parallel_loop3A_1366, %parallel_loop3A_1378, %parallel_loop3A_1410, %parallel_loop3A_1420, %parallel_loop3A_1414, %parallel_loop3A_1426, %parallel_loop3A_1458, %parallel_loop3A_1468, %parallel_loop3A_1462, %parallel_loop3A_1474 : vector<16xf32>, vector<16xi32>, vector<16xf32>, vector<16xi32>, vector<16xf32>, vector<16xi32>, vector<16xf32>, vector<16xi32>, vector<16xf32>, vector<16xi32>, vector<16xf32>, vector<16xi32>, vector<16xf32>, vector<16xi32>, vector<16xf32>, vector<16xi32>
    } {sc.loop_unroll_factor = 2 : i64, sc.parallel_access}
    %add3A_529 = arith.constant 32 : i32
    %add3A_530 = arith.addi %mul3A_2, %add3A_529 : i32
    %jit3A_531 = arith.constant 512 : i32
    %div3A_532 = arith.divsi %add3A_530, %jit3A_531 : i32
    %sign3A_533 = arith.constant 0 : i32
    %sign3A_534 = arith.cmpi sgt, %add3A_530, %sign3A_533 : i32
    %sign3A_535 = arith.extui %sign3A_534 : i1 to i32
    %sign3A_536 = arith.constant 0 : i32
    %sign3A_537 = arith.cmpi slt, %add3A_530, %sign3A_536 : i32
    %sign3A_538 = arith.extui %sign3A_537 : i1 to i32
    %sign3A_539 = arith.subi %sign3A_535, %sign3A_538 : i32
    %sign3A_540 = arith.constant 0 : i32
    %sign3A_541 = arith.cmpi sgt, %jit3A_531, %sign3A_540 : i32
    %sign3A_542 = arith.extui %sign3A_541 : i1 to i32
    %sign3A_543 = arith.constant 0 : i32
    %sign3A_544 = arith.cmpi slt, %jit3A_531, %sign3A_543 : i32
    %sign3A_545 = arith.extui %sign3A_544 : i1 to i32
    %sign3A_546 = arith.subi %sign3A_542, %sign3A_545 : i32
    %ne3A_547 = arith.cmpi ne, %sign3A_539, %sign3A_546 : i32
    %rem3A_548 = arith.remsi %add3A_530, %jit3A_531 : i32
    %ne3A_549 = arith.constant 0 : i32
    %ne3A_550 = arith.cmpi ne, %rem3A_548, %ne3A_549 : i32
    %and3A_551 = arith.andi %ne3A_547, %ne3A_550 : i1
    %sub3A_552 = arith.constant 1 : i32
    %sub3A_553 = arith.subi %div3A_532, %sub3A_552 : i32
    %select_n3A_554 = arith.select %and3A_551, %sub3A_553, %div3A_532 : i32
    %jit3A_555 = arith.constant 512 : i32
    %eq3A_556 = arith.constant 0 : i32
    %eq3A_557 = arith.cmpi eq, %jit3A_555, %eq3A_556 : i32
    %jit3A_558 = arith.constant 1 : i32
    %select_n3A_559 = arith.select %eq3A_557, %jit3A_558, %jit3A_555 : i32
    %rem3A_560 = arith.remsi %add3A_530, %select_n3A_559 : i32
    %ne3A_561 = arith.constant 0 : i32
    %ne3A_562 = arith.cmpi ne, %rem3A_560, %ne3A_561 : i32
    %lt3A_563 = arith.constant 0 : i32
    %lt3A_564 = arith.cmpi slt, %rem3A_560, %lt3A_563 : i32
    %lt3A_565 = arith.constant 0 : i32
    %lt3A_566 = arith.cmpi slt, %select_n3A_559, %lt3A_565 : i32
    %ne3A_567 = arith.xori %lt3A_564, %lt3A_566 : i1
    %and3A_568 = arith.andi %ne3A_567, %ne3A_562 : i1
    %add3A_569 = arith.addi %rem3A_560, %select_n3A_559 : i32
    %select_n3A_570 = arith.select %and3A_568, %add3A_569, %rem3A_560 : i32
    %dma_start3A_571 = arith.constant 0 : i32
    %dma_start3A_572 = arith.constant 0 : i32
    %dma_start3A_573 = arith.constant 0 : i32
    %dma_start3A_574 = arith.constant 0 : i32
    %dma_start3A_575 = tpu.memref_slice %arg5[%dma_start3A_572, %dma_start3A_573, %dma_start3A_574] : memref<2x8x512xf32, #tpu.memory_space<vmem>> -> memref<1x8x512xf32, #tpu.memory_space<vmem>>
    %dma_start3A_576 = tpu.memref_squeeze %dma_start3A_575 : memref<1x8x512xf32, #tpu.memory_space<vmem>> -> memref<8x512xf32, #tpu.memory_space<vmem>>
    %dma_start3A_577 = arith.constant 0 : i32
    %dma_start3A_578 = tpu.memref_slice %arg2[%select_n3A_554, %dma_start3A_571, %select_n3A_570, %dma_start3A_577] : memref<16x1x512x512xf32, #tpu.memory_space<hbm>> -> memref<1x1x8x512xf32, #tpu.memory_space<hbm>>
    %dma_start3A_579 = tpu.memref_squeeze %dma_start3A_578 : memref<1x1x8x512xf32, #tpu.memory_space<hbm>> -> memref<8x512xf32, #tpu.memory_space<hbm>>
    %dma_start3A_580 = arith.constant 0 : i32
    %dma_start3A_581 = arith.constant 0 : i32
    %dma_start3A_582 = tpu.memref_slice %arg5[%dma_start3A_572, %dma_start3A_580, %dma_start3A_581] : memref<2x8x512xf32, #tpu.memory_space<vmem>> -> memref<1x8x512xf32, #tpu.memory_space<vmem>>
    %dma_start3A_583 = tpu.memref_squeeze %dma_start3A_582 : memref<1x8x512xf32, #tpu.memory_space<vmem>> -> memref<8x512xf32, #tpu.memory_space<vmem>>
    %dma_start3A_584 = arith.constant 0 : i32
    %dma_start3A_585 = tpu.memref_slice %arg2[%select_n3A_554, %dma_start3A_571, %select_n3A_570, %dma_start3A_584] : memref<16x1x512x512xf32, #tpu.memory_space<hbm>> -> memref<1x1x8x512xf32, #tpu.memory_space<hbm>>
    %dma_start3A_586 = tpu.memref_squeeze %dma_start3A_585 : memref<1x1x8x512xf32, #tpu.memory_space<hbm>> -> memref<8x512xf32, #tpu.memory_space<hbm>>
    tpu.enqueue_dma source(%dma_start3A_586 : memref<8x512xf32, #tpu.memory_space<hbm>>) target(%dma_start3A_583 : memref<8x512xf32, #tpu.memory_space<vmem>>) target_semaphore(%arg8 : memref<!tpu.dma_semaphore, #tpu.memory_space<semaphore_mem>>)
    %dma_start3A_587 = arith.constant 0 : i32
    %dma_start3A_588 = arith.constant 0 : i32
    %dma_start3A_589 = arith.constant 0 : i32
    %dma_start3A_590 = arith.constant 0 : i32
    %dma_start3A_591 = tpu.memref_slice %arg6[%dma_start3A_588, %dma_start3A_589, %dma_start3A_590] : memref<2x8x512xf32, #tpu.memory_space<vmem>> -> memref<1x8x512xf32, #tpu.memory_space<vmem>>
    %dma_start3A_592 = tpu.memref_squeeze %dma_start3A_591 : memref<1x8x512xf32, #tpu.memory_space<vmem>> -> memref<8x512xf32, #tpu.memory_space<vmem>>
    %dma_start3A_593 = arith.constant 0 : i32
    %dma_start3A_594 = tpu.memref_slice %arg3[%select_n3A_554, %dma_start3A_587, %select_n3A_570, %dma_start3A_593] : memref<16x1x512x512xf32, #tpu.memory_space<hbm>> -> memref<1x1x8x512xf32, #tpu.memory_space<hbm>>
    %dma_start3A_595 = tpu.memref_squeeze %dma_start3A_594 : memref<1x1x8x512xf32, #tpu.memory_space<hbm>> -> memref<8x512xf32, #tpu.memory_space<hbm>>
    %dma_start3A_596 = arith.constant 0 : i32
    %dma_start3A_597 = arith.constant 0 : i32
    %dma_start3A_598 = tpu.memref_slice %arg6[%dma_start3A_588, %dma_start3A_596, %dma_start3A_597] : memref<2x8x512xf32, #tpu.memory_space<vmem>> -> memref<1x8x512xf32, #tpu.memory_space<vmem>>
    %dma_start3A_599 = tpu.memref_squeeze %dma_start3A_598 : memref<1x8x512xf32, #tpu.memory_space<vmem>> -> memref<8x512xf32, #tpu.memory_space<vmem>>
    %dma_start3A_600 = arith.constant 0 : i32
    %dma_start3A_601 = tpu.memref_slice %arg3[%select_n3A_554, %dma_start3A_587, %select_n3A_570, %dma_start3A_600] : memref<16x1x512x512xf32, #tpu.memory_space<hbm>> -> memref<1x1x8x512xf32, #tpu.memory_space<hbm>>
    %dma_start3A_602 = tpu.memref_squeeze %dma_start3A_601 : memref<1x1x8x512xf32, #tpu.memory_space<hbm>> -> memref<8x512xf32, #tpu.memory_space<hbm>>
    tpu.enqueue_dma source(%dma_start3A_602 : memref<8x512xf32, #tpu.memory_space<hbm>>) target(%dma_start3A_599 : memref<8x512xf32, #tpu.memory_space<vmem>>) target_semaphore(%arg10 : memref<!tpu.dma_semaphore, #tpu.memory_space<semaphore_mem>>)
    %add3A_603 = arith.constant 24 : i32
    %add3A_604 = arith.addi %mul3A_2, %add3A_603 : i32
    %jit3A_605 = arith.constant 512 : i32
    %div3A_606 = arith.divsi %add3A_604, %jit3A_605 : i32
    %sign3A_607 = arith.constant 0 : i32
    %sign3A_608 = arith.cmpi sgt, %add3A_604, %sign3A_607 : i32
    %sign3A_609 = arith.extui %sign3A_608 : i1 to i32
    %sign3A_610 = arith.constant 0 : i32
    %sign3A_611 = arith.cmpi slt, %add3A_604, %sign3A_610 : i32
    %sign3A_612 = arith.extui %sign3A_611 : i1 to i32
    %sign3A_613 = arith.subi %sign3A_609, %sign3A_612 : i32
    %sign3A_614 = arith.constant 0 : i32
    %sign3A_615 = arith.cmpi sgt, %jit3A_605, %sign3A_614 : i32
    %sign3A_616 = arith.extui %sign3A_615 : i1 to i32
    %sign3A_617 = arith.constant 0 : i32
    %sign3A_618 = arith.cmpi slt, %jit3A_605, %sign3A_617 : i32
    %sign3A_619 = arith.extui %sign3A_618 : i1 to i32
    %sign3A_620 = arith.subi %sign3A_616, %sign3A_619 : i32
    %ne3A_621 = arith.cmpi ne, %sign3A_613, %sign3A_620 : i32
    %rem3A_622 = arith.remsi %add3A_604, %jit3A_605 : i32
    %ne3A_623 = arith.constant 0 : i32
    %ne3A_624 = arith.cmpi ne, %rem3A_622, %ne3A_623 : i32
    %and3A_625 = arith.andi %ne3A_621, %ne3A_624 : i1
    %sub3A_626 = arith.constant 1 : i32
    %sub3A_627 = arith.subi %div3A_606, %sub3A_626 : i32
    %select_n3A_628 = arith.select %and3A_625, %sub3A_627, %div3A_606 : i32
    %jit3A_629 = arith.constant 512 : i32
    %eq3A_630 = arith.constant 0 : i32
    %eq3A_631 = arith.cmpi eq, %jit3A_629, %eq3A_630 : i32
    %jit3A_632 = arith.constant 1 : i32
    %select_n3A_633 = arith.select %eq3A_631, %jit3A_632, %jit3A_629 : i32
    %rem3A_634 = arith.remsi %add3A_604, %select_n3A_633 : i32
    %ne3A_635 = arith.constant 0 : i32
    %ne3A_636 = arith.cmpi ne, %rem3A_634, %ne3A_635 : i32
    %lt3A_637 = arith.constant 0 : i32
    %lt3A_638 = arith.cmpi slt, %rem3A_634, %lt3A_637 : i32
    %lt3A_639 = arith.constant 0 : i32
    %lt3A_640 = arith.cmpi slt, %select_n3A_633, %lt3A_639 : i32
    %ne3A_641 = arith.xori %lt3A_638, %lt3A_640 : i1
    %and3A_642 = arith.andi %ne3A_641, %ne3A_636 : i1
    %add3A_643 = arith.addi %rem3A_634, %select_n3A_633 : i32
    %select_n3A_644 = arith.select %and3A_642, %add3A_643, %rem3A_634 : i32
    %dma_wait3A_645 = arith.constant 0 : i32
    %dma_wait3A_646 = arith.constant 1 : i32
    %dma_wait3A_647 = arith.constant 0 : i32
    %dma_wait3A_648 = arith.constant 0 : i32
    %dma_wait3A_649 = tpu.memref_slice %arg5[%dma_wait3A_646, %dma_wait3A_647, %dma_wait3A_648] : memref<2x8x512xf32, #tpu.memory_space<vmem>> -> memref<1x8x512xf32, #tpu.memory_space<vmem>>
    %dma_wait3A_650 = tpu.memref_squeeze %dma_wait3A_649 : memref<1x8x512xf32, #tpu.memory_space<vmem>> -> memref<8x512xf32, #tpu.memory_space<vmem>>
    %dma_wait3A_651 = arith.constant 0 : i32
    %dma_wait3A_652 = tpu.memref_slice %arg2[%select_n3A_628, %dma_wait3A_645, %select_n3A_644, %dma_wait3A_651] : memref<16x1x512x512xf32, #tpu.memory_space<hbm>> -> memref<1x1x8x512xf32, #tpu.memory_space<hbm>>
    %dma_wait3A_653 = tpu.memref_squeeze %dma_wait3A_652 : memref<1x1x8x512xf32, #tpu.memory_space<hbm>> -> memref<8x512xf32, #tpu.memory_space<hbm>>
    %dma_wait3A_654 = arith.constant 0 : i32
    %dma_wait3A_655 = arith.constant 0 : i32
    %dma_wait3A_656 = tpu.memref_slice %arg5[%dma_wait3A_646, %dma_wait3A_654, %dma_wait3A_655] : memref<2x8x512xf32, #tpu.memory_space<vmem>> -> memref<1x8x512xf32, #tpu.memory_space<vmem>>
    %dma_wait3A_657 = tpu.memref_squeeze %dma_wait3A_656 : memref<1x8x512xf32, #tpu.memory_space<vmem>> -> memref<8x512xf32, #tpu.memory_space<vmem>>
    %dma_wait3A_658 = arith.constant 0 : i32
    %dma_wait3A_659 = tpu.memref_slice %arg2[%select_n3A_628, %dma_wait3A_645, %select_n3A_644, %dma_wait3A_658] : memref<16x1x512x512xf32, #tpu.memory_space<hbm>> -> memref<1x1x8x512xf32, #tpu.memory_space<hbm>>
    %dma_wait3A_660 = tpu.memref_squeeze %dma_wait3A_659 : memref<1x1x8x512xf32, #tpu.memory_space<hbm>> -> memref<8x512xf32, #tpu.memory_space<hbm>>
    tpu.wait_dma2 semaphore(%arg9 : memref<!tpu.dma_semaphore, #tpu.memory_space<semaphore_mem>>) src(%dma_wait3A_660 : memref<8x512xf32, #tpu.memory_space<hbm>>) dst(%dma_wait3A_657 : memref<8x512xf32, #tpu.memory_space<vmem>>)
    %dma_wait3A_661 = arith.constant 0 : i32
    %dma_wait3A_662 = arith.constant 1 : i32
    %dma_wait3A_663 = arith.constant 0 : i32
    %dma_wait3A_664 = arith.constant 0 : i32
    %dma_wait3A_665 = tpu.memref_slice %arg6[%dma_wait3A_662, %dma_wait3A_663, %dma_wait3A_664] : memref<2x8x512xf32, #tpu.memory_space<vmem>> -> memref<1x8x512xf32, #tpu.memory_space<vmem>>
    %dma_wait3A_666 = tpu.memref_squeeze %dma_wait3A_665 : memref<1x8x512xf32, #tpu.memory_space<vmem>> -> memref<8x512xf32, #tpu.memory_space<vmem>>
    %dma_wait3A_667 = arith.constant 0 : i32
    %dma_wait3A_668 = tpu.memref_slice %arg3[%select_n3A_628, %dma_wait3A_661, %select_n3A_644, %dma_wait3A_667] : memref<16x1x512x512xf32, #tpu.memory_space<hbm>> -> memref<1x1x8x512xf32, #tpu.memory_space<hbm>>
    %dma_wait3A_669 = tpu.memref_squeeze %dma_wait3A_668 : memref<1x1x8x512xf32, #tpu.memory_space<hbm>> -> memref<8x512xf32, #tpu.memory_space<hbm>>
    %dma_wait3A_670 = arith.constant 0 : i32
    %dma_wait3A_671 = arith.constant 0 : i32
    %dma_wait3A_672 = tpu.memref_slice %arg6[%dma_wait3A_662, %dma_wait3A_670, %dma_wait3A_671] : memref<2x8x512xf32, #tpu.memory_space<vmem>> -> memref<1x8x512xf32, #tpu.memory_space<vmem>>
    %dma_wait3A_673 = tpu.memref_squeeze %dma_wait3A_672 : memref<1x8x512xf32, #tpu.memory_space<vmem>> -> memref<8x512xf32, #tpu.memory_space<vmem>>
    %dma_wait3A_674 = arith.constant 0 : i32
    %dma_wait3A_675 = tpu.memref_slice %arg3[%select_n3A_628, %dma_wait3A_661, %select_n3A_644, %dma_wait3A_674] : memref<16x1x512x512xf32, #tpu.memory_space<hbm>> -> memref<1x1x8x512xf32, #tpu.memory_space<hbm>>
    %dma_wait3A_676 = tpu.memref_squeeze %dma_wait3A_675 : memref<1x1x8x512xf32, #tpu.memory_space<hbm>> -> memref<8x512xf32, #tpu.memory_space<hbm>>
    tpu.wait_dma2 semaphore(%arg11 : memref<!tpu.dma_semaphore, #tpu.memory_space<semaphore_mem>>) src(%dma_wait3A_676 : memref<8x512xf32, #tpu.memory_space<hbm>>) dst(%dma_wait3A_673 : memref<8x512xf32, #tpu.memory_space<vmem>>)
    %parallel_loop3A_677 = arith.constant 0 : i32
    %parallel_loop3A_678 = arith.constant 4096 : i32
    %parallel_loop3A_679 = arith.constant 64 : i32
    %parallel_loop3A_680 = arith.constant 1 : i32
    %parallel_loop3A_681 = arith.constant 1 : i32
    %parallel_loop3A_682:16 = scf.for %parallel_loop3A_1261 = %parallel_loop3A_677 to %parallel_loop3A_678 step %parallel_loop3A_679 iter_args(%parallel_loop3A_1262 = %parallel_loop3A_528#0, %parallel_loop3A_1263 = %parallel_loop3A_528#1, %parallel_loop3A_1264 = %parallel_loop3A_528#2, %parallel_loop3A_1265 = %parallel_loop3A_528#3, %parallel_loop3A_1266 = %parallel_loop3A_528#4, %parallel_loop3A_1267 = %parallel_loop3A_528#5, %parallel_loop3A_1268 = %parallel_loop3A_528#6, %parallel_loop3A_1269 = %parallel_loop3A_528#7, %parallel_loop3A_1270 = %parallel_loop3A_528#8, %parallel_loop3A_1271 = %parallel_loop3A_528#9, %parallel_loop3A_1272 = %parallel_loop3A_528#10, %parallel_loop3A_1273 = %parallel_loop3A_528#11, %parallel_loop3A_1274 = %parallel_loop3A_528#12, %parallel_loop3A_1275 = %parallel_loop3A_528#13, %parallel_loop3A_1276 = %parallel_loop3A_528#14, %parallel_loop3A_1277 = %parallel_loop3A_528#15) -> (vector<16xf32>, vector<16xi32>, vector<16xf32>, vector<16xi32>, vector<16xf32>, vector<16xi32>, vector<16xf32>, vector<16xi32>, vector<16xf32>, vector<16xi32>, vector<16xf32>, vector<16xi32>, vector<16xf32>, vector<16xi32>, vector<16xf32>, vector<16xi32>)  : i32 {
      %parallel_loop3A_1278 = arith.constant 9 : i32
      %parallel_loop3A_1279 = arith.shrui %parallel_loop3A_1261, %parallel_loop3A_1278 : i32
      %parallel_loop3A_1280 = arith.constant 511 : i32
      %parallel_loop3A_1281 = arith.andi %parallel_loop3A_1261, %parallel_loop3A_1280 : i32
      %parallel_loop3A_1282 = tpu.assume_multiple %parallel_loop3A_1281, 64 : i32
      %parallel_loop3A_1283 = arith.constant 0 : i32
      %parallel_loop3A_1284 = arith.addi %parallel_loop3A_1282, %parallel_loop3A_1283 : i32
      %parallel_loop3A_1285 = arith.constant 0 : i32
      %parallel_loop3A_1286 = arith.constant 0 : i32
      %parallel_loop3A_1287 = tpu.memref_slice %arg5[%parallel_loop3A_680, %parallel_loop3A_1285, %parallel_loop3A_1286] : memref<2x8x512xf32, #tpu.memory_space<vmem>> -> memref<1x8x512xf32, #tpu.memory_space<vmem>>
      %parallel_loop3A_1288 = tpu.memref_squeeze %parallel_loop3A_1287 : memref<1x8x512xf32, #tpu.memory_space<vmem>> -> memref<8x512xf32, #tpu.memory_space<vmem>>
      %parallel_loop3A_1289 = arith.index_cast %parallel_loop3A_1279 : i32 to index
      %parallel_loop3A_1290 = arith.index_cast %parallel_loop3A_1284 : i32 to index
      %parallel_loop3A_1291 = tpu.vector_load %parallel_loop3A_1288[%parallel_loop3A_1289, %parallel_loop3A_1290] {strides = array<i32>} : memref<8x512xf32, #tpu.memory_space<vmem>>, vector<1x16xf32>,
      %parallel_loop3A_1292 = vector.shape_cast %parallel_loop3A_1291 : vector<1x16xf32> to vector<16xf32>
      %parallel_loop3A_1293 = arith.constant 0 : i32
      %parallel_loop3A_1294 = arith.addi %parallel_loop3A_1282, %parallel_loop3A_1293 : i32
      %parallel_loop3A_1295 = arith.constant 0 : i32
      %parallel_loop3A_1296 = arith.constant 0 : i32
      %parallel_loop3A_1297 = tpu.memref_slice %arg6[%parallel_loop3A_681, %parallel_loop3A_1295, %parallel_loop3A_1296] : memref<2x8x512xf32, #tpu.memory_space<vmem>> -> memref<1x8x512xf32, #tpu.memory_space<vmem>>
      %parallel_loop3A_1298 = tpu.memref_squeeze %parallel_loop3A_1297 : memref<1x8x512xf32, #tpu.memory_space<vmem>> -> memref<8x512xf32, #tpu.memory_space<vmem>>
      %parallel_loop3A_1299 = arith.index_cast %parallel_loop3A_1279 : i32 to index
      %parallel_loop3A_1300 = arith.index_cast %parallel_loop3A_1294 : i32 to index
      %parallel_loop3A_1301 = tpu.vector_load %parallel_loop3A_1298[%parallel_loop3A_1299, %parallel_loop3A_1300] {strides = array<i32>} : memref<8x512xf32, #tpu.memory_space<vmem>>, vector<1x16xf32>,
      %parallel_loop3A_1302 = vector.shape_cast %parallel_loop3A_1301 : vector<1x16xf32> to vector<16xf32>
      %parallel_loop3A_1303 = arith.subf %parallel_loop3A_1292, %parallel_loop3A_1302 : vector<16xf32>
      %parallel_loop3A_1304 = arith.mulf %parallel_loop3A_1303, %parallel_loop3A_1303 : vector<16xf32>
      %parallel_loop3A_1305 = arith.constant 0.000000e+00 : f32
      %parallel_loop3A_1306 = vector.broadcast %parallel_loop3A_1305 : f32 to vector<16xf32>
      %parallel_loop3A_1307 = arith.cmpf ogt, %parallel_loop3A_1302, %parallel_loop3A_1306 : vector<16xf32>
      %parallel_loop3A_1308 = arith.constant 0.000000e+00 : f32
      %parallel_loop3A_1309 = vector.broadcast %parallel_loop3A_1308 : f32 to vector<16xf32>
      %parallel_loop3A_1310 = arith.cmpf ogt, %parallel_loop3A_1292, %parallel_loop3A_1309 : vector<16xf32>
      %parallel_loop3A_1311 = arith.constant 0.000000e+00 : f32
      %parallel_loop3A_1312 = vector.broadcast %parallel_loop3A_1311 : f32 to vector<16xf32>
      %parallel_loop3A_1313 = arith.select %parallel_loop3A_1307, %parallel_loop3A_1304, %parallel_loop3A_1312 : vector<16xi1>, vector<16xf32>
      %parallel_loop3A_1314 = arith.addf %parallel_loop3A_1262, %parallel_loop3A_1313 : vector<16xf32>
      %parallel_loop3A_1315 = arith.constant 0.000000e+00 : f32
      %parallel_loop3A_1316 = vector.broadcast %parallel_loop3A_1315 : f32 to vector<16xf32>
      %parallel_loop3A_1317 = arith.select %parallel_loop3A_1310, %parallel_loop3A_1304, %parallel_loop3A_1316 : vector<16xi1>, vector<16xf32>
      %parallel_loop3A_1318 = arith.addf %parallel_loop3A_1264, %parallel_loop3A_1317 : vector<16xf32>
      %parallel_loop3A_1319 = arith.constant 1 : i32
      %parallel_loop3A_1320 = arith.constant 0 : i32
      %parallel_loop3A_1321 = vector.broadcast %parallel_loop3A_1319 : i32 to vector<16xi32>
      %parallel_loop3A_1322 = vector.broadcast %parallel_loop3A_1320 : i32 to vector<16xi32>
      %parallel_loop3A_1323 = arith.select %parallel_loop3A_1307, %parallel_loop3A_1321, %parallel_loop3A_1322 : vector<16xi1>, vector<16xi32>
      %parallel_loop3A_1324 = arith.addi %parallel_loop3A_1263, %parallel_loop3A_1323 : vector<16xi32>
      %parallel_loop3A_1325 = arith.constant 1 : i32
      %parallel_loop3A_1326 = arith.constant 0 : i32
      %parallel_loop3A_1327 = vector.broadcast %parallel_loop3A_1325 : i32 to vector<16xi32>
      %parallel_loop3A_1328 = vector.broadcast %parallel_loop3A_1326 : i32 to vector<16xi32>
      %parallel_loop3A_1329 = arith.select %parallel_loop3A_1310, %parallel_loop3A_1327, %parallel_loop3A_1328 : vector<16xi1>, vector<16xi32>
      %parallel_loop3A_1330 = arith.addi %parallel_loop3A_1265, %parallel_loop3A_1329 : vector<16xi32>
      %parallel_loop3A_1331 = arith.constant 16 : i32
      %parallel_loop3A_1332 = arith.addi %parallel_loop3A_1282, %parallel_loop3A_1331 : i32
      %parallel_loop3A_1333 = arith.constant 0 : i32
      %parallel_loop3A_1334 = arith.constant 0 : i32
      %parallel_loop3A_1335 = tpu.memref_slice %arg5[%parallel_loop3A_680, %parallel_loop3A_1333, %parallel_loop3A_1334] : memref<2x8x512xf32, #tpu.memory_space<vmem>> -> memref<1x8x512xf32, #tpu.memory_space<vmem>>
      %parallel_loop3A_1336 = tpu.memref_squeeze %parallel_loop3A_1335 : memref<1x8x512xf32, #tpu.memory_space<vmem>> -> memref<8x512xf32, #tpu.memory_space<vmem>>
      %parallel_loop3A_1337 = arith.index_cast %parallel_loop3A_1279 : i32 to index
      %parallel_loop3A_1338 = arith.index_cast %parallel_loop3A_1332 : i32 to index
      %parallel_loop3A_1339 = tpu.vector_load %parallel_loop3A_1336[%parallel_loop3A_1337, %parallel_loop3A_1338] {strides = array<i32>} : memref<8x512xf32, #tpu.memory_space<vmem>>, vector<1x16xf32>,
      %parallel_loop3A_1340 = vector.shape_cast %parallel_loop3A_1339 : vector<1x16xf32> to vector<16xf32>
      %parallel_loop3A_1341 = arith.constant 16 : i32
      %parallel_loop3A_1342 = arith.addi %parallel_loop3A_1282, %parallel_loop3A_1341 : i32
      %parallel_loop3A_1343 = arith.constant 0 : i32
      %parallel_loop3A_1344 = arith.constant 0 : i32
      %parallel_loop3A_1345 = tpu.memref_slice %arg6[%parallel_loop3A_681, %parallel_loop3A_1343, %parallel_loop3A_1344] : memref<2x8x512xf32, #tpu.memory_space<vmem>> -> memref<1x8x512xf32, #tpu.memory_space<vmem>>
      %parallel_loop3A_1346 = tpu.memref_squeeze %parallel_loop3A_1345 : memref<1x8x512xf32, #tpu.memory_space<vmem>> -> memref<8x512xf32, #tpu.memory_space<vmem>>
      %parallel_loop3A_1347 = arith.index_cast %parallel_loop3A_1279 : i32 to index
      %parallel_loop3A_1348 = arith.index_cast %parallel_loop3A_1342 : i32 to index
      %parallel_loop3A_1349 = tpu.vector_load %parallel_loop3A_1346[%parallel_loop3A_1347, %parallel_loop3A_1348] {strides = array<i32>} : memref<8x512xf32, #tpu.memory_space<vmem>>, vector<1x16xf32>,
      %parallel_loop3A_1350 = vector.shape_cast %parallel_loop3A_1349 : vector<1x16xf32> to vector<16xf32>
      %parallel_loop3A_1351 = arith.subf %parallel_loop3A_1340, %parallel_loop3A_1350 : vector<16xf32>
      %parallel_loop3A_1352 = arith.mulf %parallel_loop3A_1351, %parallel_loop3A_1351 : vector<16xf32>
      %parallel_loop3A_1353 = arith.constant 0.000000e+00 : f32
      %parallel_loop3A_1354 = vector.broadcast %parallel_loop3A_1353 : f32 to vector<16xf32>
      %parallel_loop3A_1355 = arith.cmpf ogt, %parallel_loop3A_1350, %parallel_loop3A_1354 : vector<16xf32>
      %parallel_loop3A_1356 = arith.constant 0.000000e+00 : f32
      %parallel_loop3A_1357 = vector.broadcast %parallel_loop3A_1356 : f32 to vector<16xf32>
      %parallel_loop3A_1358 = arith.cmpf ogt, %parallel_loop3A_1340, %parallel_loop3A_1357 : vector<16xf32>
      %parallel_loop3A_1359 = arith.constant 0.000000e+00 : f32
      %parallel_loop3A_1360 = vector.broadcast %parallel_loop3A_1359 : f32 to vector<16xf32>
      %parallel_loop3A_1361 = arith.select %parallel_loop3A_1355, %parallel_loop3A_1352, %parallel_loop3A_1360 : vector<16xi1>, vector<16xf32>
      %parallel_loop3A_1362 = arith.addf %parallel_loop3A_1266, %parallel_loop3A_1361 : vector<16xf32>
      %parallel_loop3A_1363 = arith.constant 0.000000e+00 : f32
      %parallel_loop3A_1364 = vector.broadcast %parallel_loop3A_1363 : f32 to vector<16xf32>
      %parallel_loop3A_1365 = arith.select %parallel_loop3A_1358, %parallel_loop3A_1352, %parallel_loop3A_1364 : vector<16xi1>, vector<16xf32>
      %parallel_loop3A_1366 = arith.addf %parallel_loop3A_1268, %parallel_loop3A_1365 : vector<16xf32>
      %parallel_loop3A_1367 = arith.constant 1 : i32
      %parallel_loop3A_1368 = arith.constant 0 : i32
      %parallel_loop3A_1369 = vector.broadcast %parallel_loop3A_1367 : i32 to vector<16xi32>
      %parallel_loop3A_1370 = vector.broadcast %parallel_loop3A_1368 : i32 to vector<16xi32>
      %parallel_loop3A_1371 = arith.select %parallel_loop3A_1355, %parallel_loop3A_1369, %parallel_loop3A_1370 : vector<16xi1>, vector<16xi32>
      %parallel_loop3A_1372 = arith.addi %parallel_loop3A_1267, %parallel_loop3A_1371 : vector<16xi32>
      %parallel_loop3A_1373 = arith.constant 1 : i32
      %parallel_loop3A_1374 = arith.constant 0 : i32
      %parallel_loop3A_1375 = vector.broadcast %parallel_loop3A_1373 : i32 to vector<16xi32>
      %parallel_loop3A_1376 = vector.broadcast %parallel_loop3A_1374 : i32 to vector<16xi32>
      %parallel_loop3A_1377 = arith.select %parallel_loop3A_1358, %parallel_loop3A_1375, %parallel_loop3A_1376 : vector<16xi1>, vector<16xi32>
      %parallel_loop3A_1378 = arith.addi %parallel_loop3A_1269, %parallel_loop3A_1377 : vector<16xi32>
      %parallel_loop3A_1379 = arith.constant 32 : i32
      %parallel_loop3A_1380 = arith.addi %parallel_loop3A_1282, %parallel_loop3A_1379 : i32
      %parallel_loop3A_1381 = arith.constant 0 : i32
      %parallel_loop3A_1382 = arith.constant 0 : i32
      %parallel_loop3A_1383 = tpu.memref_slice %arg5[%parallel_loop3A_680, %parallel_loop3A_1381, %parallel_loop3A_1382] : memref<2x8x512xf32, #tpu.memory_space<vmem>> -> memref<1x8x512xf32, #tpu.memory_space<vmem>>
      %parallel_loop3A_1384 = tpu.memref_squeeze %parallel_loop3A_1383 : memref<1x8x512xf32, #tpu.memory_space<vmem>> -> memref<8x512xf32, #tpu.memory_space<vmem>>
      %parallel_loop3A_1385 = arith.index_cast %parallel_loop3A_1279 : i32 to index
      %parallel_loop3A_1386 = arith.index_cast %parallel_loop3A_1380 : i32 to index
      %parallel_loop3A_1387 = tpu.vector_load %parallel_loop3A_1384[%parallel_loop3A_1385, %parallel_loop3A_1386] {strides = array<i32>} : memref<8x512xf32, #tpu.memory_space<vmem>>, vector<1x16xf32>,
      %parallel_loop3A_1388 = vector.shape_cast %parallel_loop3A_1387 : vector<1x16xf32> to vector<16xf32>
      %parallel_loop3A_1389 = arith.constant 32 : i32
      %parallel_loop3A_1390 = arith.addi %parallel_loop3A_1282, %parallel_loop3A_1389 : i32
      %parallel_loop3A_1391 = arith.constant 0 : i32
      %parallel_loop3A_1392 = arith.constant 0 : i32
      %parallel_loop3A_1393 = tpu.memref_slice %arg6[%parallel_loop3A_681, %parallel_loop3A_1391, %parallel_loop3A_1392] : memref<2x8x512xf32, #tpu.memory_space<vmem>> -> memref<1x8x512xf32, #tpu.memory_space<vmem>>
      %parallel_loop3A_1394 = tpu.memref_squeeze %parallel_loop3A_1393 : memref<1x8x512xf32, #tpu.memory_space<vmem>> -> memref<8x512xf32, #tpu.memory_space<vmem>>
      %parallel_loop3A_1395 = arith.index_cast %parallel_loop3A_1279 : i32 to index
      %parallel_loop3A_1396 = arith.index_cast %parallel_loop3A_1390 : i32 to index
      %parallel_loop3A_1397 = tpu.vector_load %parallel_loop3A_1394[%parallel_loop3A_1395, %parallel_loop3A_1396] {strides = array<i32>} : memref<8x512xf32, #tpu.memory_space<vmem>>, vector<1x16xf32>,
      %parallel_loop3A_1398 = vector.shape_cast %parallel_loop3A_1397 : vector<1x16xf32> to vector<16xf32>
      %parallel_loop3A_1399 = arith.subf %parallel_loop3A_1388, %parallel_loop3A_1398 : vector<16xf32>
      %parallel_loop3A_1400 = arith.mulf %parallel_loop3A_1399, %parallel_loop3A_1399 : vector<16xf32>
      %parallel_loop3A_1401 = arith.constant 0.000000e+00 : f32
      %parallel_loop3A_1402 = vector.broadcast %parallel_loop3A_1401 : f32 to vector<16xf32>
      %parallel_loop3A_1403 = arith.cmpf ogt, %parallel_loop3A_1398, %parallel_loop3A_1402 : vector<16xf32>
      %parallel_loop3A_1404 = arith.constant 0.000000e+00 : f32
      %parallel_loop3A_1405 = vector.broadcast %parallel_loop3A_1404 : f32 to vector<16xf32>
      %parallel_loop3A_1406 = arith.cmpf ogt, %parallel_loop3A_1388, %parallel_loop3A_1405 : vector<16xf32>
      %parallel_loop3A_1407 = arith.constant 0.000000e+00 : f32
      %parallel_loop3A_1408 = vector.broadcast %parallel_loop3A_1407 : f32 to vector<16xf32>
      %parallel_loop3A_1409 = arith.select %parallel_loop3A_1403, %parallel_loop3A_1400, %parallel_loop3A_1408 : vector<16xi1>, vector<16xf32>
      %parallel_loop3A_1410 = arith.addf %parallel_loop3A_1270, %parallel_loop3A_1409 : vector<16xf32>
      %parallel_loop3A_1411 = arith.constant 0.000000e+00 : f32
      %parallel_loop3A_1412 = vector.broadcast %parallel_loop3A_1411 : f32 to vector<16xf32>
      %parallel_loop3A_1413 = arith.select %parallel_loop3A_1406, %parallel_loop3A_1400, %parallel_loop3A_1412 : vector<16xi1>, vector<16xf32>
      %parallel_loop3A_1414 = arith.addf %parallel_loop3A_1272, %parallel_loop3A_1413 : vector<16xf32>
      %parallel_loop3A_1415 = arith.constant 1 : i32
      %parallel_loop3A_1416 = arith.constant 0 : i32
      %parallel_loop3A_1417 = vector.broadcast %parallel_loop3A_1415 : i32 to vector<16xi32>
      %parallel_loop3A_1418 = vector.broadcast %parallel_loop3A_1416 : i32 to vector<16xi32>
      %parallel_loop3A_1419 = arith.select %parallel_loop3A_1403, %parallel_loop3A_1417, %parallel_loop3A_1418 : vector<16xi1>, vector<16xi32>
      %parallel_loop3A_1420 = arith.addi %parallel_loop3A_1271, %parallel_loop3A_1419 : vector<16xi32>
      %parallel_loop3A_1421 = arith.constant 1 : i32
      %parallel_loop3A_1422 = arith.constant 0 : i32
      %parallel_loop3A_1423 = vector.broadcast %parallel_loop3A_1421 : i32 to vector<16xi32>
      %parallel_loop3A_1424 = vector.broadcast %parallel_loop3A_1422 : i32 to vector<16xi32>
      %parallel_loop3A_1425 = arith.select %parallel_loop3A_1406, %parallel_loop3A_1423, %parallel_loop3A_1424 : vector<16xi1>, vector<16xi32>
      %parallel_loop3A_1426 = arith.addi %parallel_loop3A_1273, %parallel_loop3A_1425 : vector<16xi32>
      %parallel_loop3A_1427 = arith.constant 48 : i32
      %parallel_loop3A_1428 = arith.addi %parallel_loop3A_1282, %parallel_loop3A_1427 : i32
      %parallel_loop3A_1429 = arith.constant 0 : i32
      %parallel_loop3A_1430 = arith.constant 0 : i32
      %parallel_loop3A_1431 = tpu.memref_slice %arg5[%parallel_loop3A_680, %parallel_loop3A_1429, %parallel_loop3A_1430] : memref<2x8x512xf32, #tpu.memory_space<vmem>> -> memref<1x8x512xf32, #tpu.memory_space<vmem>>
      %parallel_loop3A_1432 = tpu.memref_squeeze %parallel_loop3A_1431 : memref<1x8x512xf32, #tpu.memory_space<vmem>> -> memref<8x512xf32, #tpu.memory_space<vmem>>
      %parallel_loop3A_1433 = arith.index_cast %parallel_loop3A_1279 : i32 to index
      %parallel_loop3A_1434 = arith.index_cast %parallel_loop3A_1428 : i32 to index
      %parallel_loop3A_1435 = tpu.vector_load %parallel_loop3A_1432[%parallel_loop3A_1433, %parallel_loop3A_1434] {strides = array<i32>} : memref<8x512xf32, #tpu.memory_space<vmem>>, vector<1x16xf32>,
      %parallel_loop3A_1436 = vector.shape_cast %parallel_loop3A_1435 : vector<1x16xf32> to vector<16xf32>
      %parallel_loop3A_1437 = arith.constant 48 : i32
      %parallel_loop3A_1438 = arith.addi %parallel_loop3A_1282, %parallel_loop3A_1437 : i32
      %parallel_loop3A_1439 = arith.constant 0 : i32
      %parallel_loop3A_1440 = arith.constant 0 : i32
      %parallel_loop3A_1441 = tpu.memref_slice %arg6[%parallel_loop3A_681, %parallel_loop3A_1439, %parallel_loop3A_1440] : memref<2x8x512xf32, #tpu.memory_space<vmem>> -> memref<1x8x512xf32, #tpu.memory_space<vmem>>
      %parallel_loop3A_1442 = tpu.memref_squeeze %parallel_loop3A_1441 : memref<1x8x512xf32, #tpu.memory_space<vmem>> -> memref<8x512xf32, #tpu.memory_space<vmem>>
      %parallel_loop3A_1443 = arith.index_cast %parallel_loop3A_1279 : i32 to index
      %parallel_loop3A_1444 = arith.index_cast %parallel_loop3A_1438 : i32 to index
      %parallel_loop3A_1445 = tpu.vector_load %parallel_loop3A_1442[%parallel_loop3A_1443, %parallel_loop3A_1444] {strides = array<i32>} : memref<8x512xf32, #tpu.memory_space<vmem>>, vector<1x16xf32>,
      %parallel_loop3A_1446 = vector.shape_cast %parallel_loop3A_1445 : vector<1x16xf32> to vector<16xf32>
      %parallel_loop3A_1447 = arith.subf %parallel_loop3A_1436, %parallel_loop3A_1446 : vector<16xf32>
      %parallel_loop3A_1448 = arith.mulf %parallel_loop3A_1447, %parallel_loop3A_1447 : vector<16xf32>
      %parallel_loop3A_1449 = arith.constant 0.000000e+00 : f32
      %parallel_loop3A_1450 = vector.broadcast %parallel_loop3A_1449 : f32 to vector<16xf32>
      %parallel_loop3A_1451 = arith.cmpf ogt, %parallel_loop3A_1446, %parallel_loop3A_1450 : vector<16xf32>
      %parallel_loop3A_1452 = arith.constant 0.000000e+00 : f32
      %parallel_loop3A_1453 = vector.broadcast %parallel_loop3A_1452 : f32 to vector<16xf32>
      %parallel_loop3A_1454 = arith.cmpf ogt, %parallel_loop3A_1436, %parallel_loop3A_1453 : vector<16xf32>
      %parallel_loop3A_1455 = arith.constant 0.000000e+00 : f32
      %parallel_loop3A_1456 = vector.broadcast %parallel_loop3A_1455 : f32 to vector<16xf32>
      %parallel_loop3A_1457 = arith.select %parallel_loop3A_1451, %parallel_loop3A_1448, %parallel_loop3A_1456 : vector<16xi1>, vector<16xf32>
      %parallel_loop3A_1458 = arith.addf %parallel_loop3A_1274, %parallel_loop3A_1457 : vector<16xf32>
      %parallel_loop3A_1459 = arith.constant 0.000000e+00 : f32
      %parallel_loop3A_1460 = vector.broadcast %parallel_loop3A_1459 : f32 to vector<16xf32>
      %parallel_loop3A_1461 = arith.select %parallel_loop3A_1454, %parallel_loop3A_1448, %parallel_loop3A_1460 : vector<16xi1>, vector<16xf32>
      %parallel_loop3A_1462 = arith.addf %parallel_loop3A_1276, %parallel_loop3A_1461 : vector<16xf32>
      %parallel_loop3A_1463 = arith.constant 1 : i32
      %parallel_loop3A_1464 = arith.constant 0 : i32
      %parallel_loop3A_1465 = vector.broadcast %parallel_loop3A_1463 : i32 to vector<16xi32>
      %parallel_loop3A_1466 = vector.broadcast %parallel_loop3A_1464 : i32 to vector<16xi32>
      %parallel_loop3A_1467 = arith.select %parallel_loop3A_1451, %parallel_loop3A_1465, %parallel_loop3A_1466 : vector<16xi1>, vector<16xi32>
      %parallel_loop3A_1468 = arith.addi %parallel_loop3A_1275, %parallel_loop3A_1467 : vector<16xi32>
      %parallel_loop3A_1469 = arith.constant 1 : i32
      %parallel_loop3A_1470 = arith.constant 0 : i32
      %parallel_loop3A_1471 = vector.broadcast %parallel_loop3A_1469 : i32 to vector<16xi32>
      %parallel_loop3A_1472 = vector.broadcast %parallel_loop3A_1470 : i32 to vector<16xi32>
      %parallel_loop3A_1473 = arith.select %parallel_loop3A_1454, %parallel_loop3A_1471, %parallel_loop3A_1472 : vector<16xi1>, vector<16xi32>
      %parallel_loop3A_1474 = arith.addi %parallel_loop3A_1277, %parallel_loop3A_1473 : vector<16xi32>
      scf.yield %parallel_loop3A_1314, %parallel_loop3A_1324, %parallel_loop3A_1318, %parallel_loop3A_1330, %parallel_loop3A_1362, %parallel_loop3A_1372, %parallel_loop3A_1366, %parallel_loop3A_1378, %parallel_loop3A_1410, %parallel_loop3A_1420, %parallel_loop3A_1414, %parallel_loop3A_1426, %parallel_loop3A_1458, %parallel_loop3A_1468, %parallel_loop3A_1462, %parallel_loop3A_1474 : vector<16xf32>, vector<16xi32>, vector<16xf32>, vector<16xi32>, vector<16xf32>, vector<16xi32>, vector<16xf32>, vector<16xi32>, vector<16xf32>, vector<16xi32>, vector<16xf32>, vector<16xi32>, vector<16xf32>, vector<16xi32>, vector<16xf32>, vector<16xi32>
    } {sc.loop_unroll_factor = 2 : i64, sc.parallel_access}
    %add3A_683 = arith.constant 40 : i32
    %add3A_684 = arith.addi %mul3A_2, %add3A_683 : i32
    %jit3A_685 = arith.constant 512 : i32
    %div3A_686 = arith.divsi %add3A_684, %jit3A_685 : i32
    %sign3A_687 = arith.constant 0 : i32
    %sign3A_688 = arith.cmpi sgt, %add3A_684, %sign3A_687 : i32
    %sign3A_689 = arith.extui %sign3A_688 : i1 to i32
    %sign3A_690 = arith.constant 0 : i32
    %sign3A_691 = arith.cmpi slt, %add3A_684, %sign3A_690 : i32
    %sign3A_692 = arith.extui %sign3A_691 : i1 to i32
    %sign3A_693 = arith.subi %sign3A_689, %sign3A_692 : i32
    %sign3A_694 = arith.constant 0 : i32
    %sign3A_695 = arith.cmpi sgt, %jit3A_685, %sign3A_694 : i32
    %sign3A_696 = arith.extui %sign3A_695 : i1 to i32
    %sign3A_697 = arith.constant 0 : i32
    %sign3A_698 = arith.cmpi slt, %jit3A_685, %sign3A_697 : i32
    %sign3A_699 = arith.extui %sign3A_698 : i1 to i32
    %sign3A_700 = arith.subi %sign3A_696, %sign3A_699 : i32
    %ne3A_701 = arith.cmpi ne, %sign3A_693, %sign3A_700 : i32
    %rem3A_702 = arith.remsi %add3A_684, %jit3A_685 : i32
    %ne3A_703 = arith.constant 0 : i32
    %ne3A_704 = arith.cmpi ne, %rem3A_702, %ne3A_703 : i32
    %and3A_705 = arith.andi %ne3A_701, %ne3A_704 : i1
    %sub3A_706 = arith.constant 1 : i32
    %sub3A_707 = arith.subi %div3A_686, %sub3A_706 : i32
    %select_n3A_708 = arith.select %and3A_705, %sub3A_707, %div3A_686 : i32
    %jit3A_709 = arith.constant 512 : i32
    %eq3A_710 = arith.constant 0 : i32
    %eq3A_711 = arith.cmpi eq, %jit3A_709, %eq3A_710 : i32
    %jit3A_712 = arith.constant 1 : i32
    %select_n3A_713 = arith.select %eq3A_711, %jit3A_712, %jit3A_709 : i32
    %rem3A_714 = arith.remsi %add3A_684, %select_n3A_713 : i32
    %ne3A_715 = arith.constant 0 : i32
    %ne3A_716 = arith.cmpi ne, %rem3A_714, %ne3A_715 : i32
    %lt3A_717 = arith.constant 0 : i32
    %lt3A_718 = arith.cmpi slt, %rem3A_714, %lt3A_717 : i32
    %lt3A_719 = arith.constant 0 : i32
    %lt3A_720 = arith.cmpi slt, %select_n3A_713, %lt3A_719 : i32
    %ne3A_721 = arith.xori %lt3A_718, %lt3A_720 : i1
    %and3A_722 = arith.andi %ne3A_721, %ne3A_716 : i1
    %add3A_723 = arith.addi %rem3A_714, %select_n3A_713 : i32
    %select_n3A_724 = arith.select %and3A_722, %add3A_723, %rem3A_714 : i32
    %dma_start3A_725 = arith.constant 0 : i32
    %dma_start3A_726 = arith.constant 1 : i32
    %dma_start3A_727 = arith.constant 0 : i32
    %dma_start3A_728 = arith.constant 0 : i32
    %dma_start3A_729 = tpu.memref_slice %arg5[%dma_start3A_726, %dma_start3A_727, %dma_start3A_728] : memref<2x8x512xf32, #tpu.memory_space<vmem>> -> memref<1x8x512xf32, #tpu.memory_space<vmem>>
    %dma_start3A_730 = tpu.memref_squeeze %dma_start3A_729 : memref<1x8x512xf32, #tpu.memory_space<vmem>> -> memref<8x512xf32, #tpu.memory_space<vmem>>
    %dma_start3A_731 = arith.constant 0 : i32
    %dma_start3A_732 = tpu.memref_slice %arg2[%select_n3A_708, %dma_start3A_725, %select_n3A_724, %dma_start3A_731] : memref<16x1x512x512xf32, #tpu.memory_space<hbm>> -> memref<1x1x8x512xf32, #tpu.memory_space<hbm>>
    %dma_start3A_733 = tpu.memref_squeeze %dma_start3A_732 : memref<1x1x8x512xf32, #tpu.memory_space<hbm>> -> memref<8x512xf32, #tpu.memory_space<hbm>>
    %dma_start3A_734 = arith.constant 0 : i32
    %dma_start3A_735 = arith.constant 0 : i32
    %dma_start3A_736 = tpu.memref_slice %arg5[%dma_start3A_726, %dma_start3A_734, %dma_start3A_735] : memref<2x8x512xf32, #tpu.memory_space<vmem>> -> memref<1x8x512xf32, #tpu.memory_space<vmem>>
    %dma_start3A_737 = tpu.memref_squeeze %dma_start3A_736 : memref<1x8x512xf32, #tpu.memory_space<vmem>> -> memref<8x512xf32, #tpu.memory_space<vmem>>
    %dma_start3A_738 = arith.constant 0 : i32
    %dma_start3A_739 = tpu.memref_slice %arg2[%select_n3A_708, %dma_start3A_725, %select_n3A_724, %dma_start3A_738] : memref<16x1x512x512xf32, #tpu.memory_space<hbm>> -> memref<1x1x8x512xf32, #tpu.memory_space<hbm>>
    %dma_start3A_740 = tpu.memref_squeeze %dma_start3A_739 : memref<1x1x8x512xf32, #tpu.memory_space<hbm>> -> memref<8x512xf32, #tpu.memory_space<hbm>>
    tpu.enqueue_dma source(%dma_start3A_740 : memref<8x512xf32, #tpu.memory_space<hbm>>) target(%dma_start3A_737 : memref<8x512xf32, #tpu.memory_space<vmem>>) target_semaphore(%arg9 : memref<!tpu.dma_semaphore, #tpu.memory_space<semaphore_mem>>)
    %dma_start3A_741 = arith.constant 0 : i32
    %dma_start3A_742 = arith.constant 1 : i32
    %dma_start3A_743 = arith.constant 0 : i32
    %dma_start3A_744 = arith.constant 0 : i32
    %dma_start3A_745 = tpu.memref_slice %arg6[%dma_start3A_742, %dma_start3A_743, %dma_start3A_744] : memref<2x8x512xf32, #tpu.memory_space<vmem>> -> memref<1x8x512xf32, #tpu.memory_space<vmem>>
    %dma_start3A_746 = tpu.memref_squeeze %dma_start3A_745 : memref<1x8x512xf32, #tpu.memory_space<vmem>> -> memref<8x512xf32, #tpu.memory_space<vmem>>
    %dma_start3A_747 = arith.constant 0 : i32
    %dma_start3A_748 = tpu.memref_slice %arg3[%select_n3A_708, %dma_start3A_741, %select_n3A_724, %dma_start3A_747] : memref<16x1x512x512xf32, #tpu.memory_space<hbm>> -> memref<1x1x8x512xf32, #tpu.memory_space<hbm>>
    %dma_start3A_749 = tpu.memref_squeeze %dma_start3A_748 : memref<1x1x8x512xf32, #tpu.memory_space<hbm>> -> memref<8x512xf32, #tpu.memory_space<hbm>>
    %dma_start3A_750 = arith.constant 0 : i32
    %dma_start3A_751 = arith.constant 0 : i32
    %dma_start3A_752 = tpu.memref_slice %arg6[%dma_start3A_742, %dma_start3A_750, %dma_start3A_751] : memref<2x8x512xf32, #tpu.memory_space<vmem>> -> memref<1x8x512xf32, #tpu.memory_space<vmem>>
    %dma_start3A_753 = tpu.memref_squeeze %dma_start3A_752 : memref<1x8x512xf32, #tpu.memory_space<vmem>> -> memref<8x512xf32, #tpu.memory_space<vmem>>
    %dma_start3A_754 = arith.constant 0 : i32
    %dma_start3A_755 = tpu.memref_slice %arg3[%select_n3A_708, %dma_start3A_741, %select_n3A_724, %dma_start3A_754] : memref<16x1x512x512xf32, #tpu.memory_space<hbm>> -> memref<1x1x8x512xf32, #tpu.memory_space<hbm>>
    %dma_start3A_756 = tpu.memref_squeeze %dma_start3A_755 : memref<1x1x8x512xf32, #tpu.memory_space<hbm>> -> memref<8x512xf32, #tpu.memory_space<hbm>>
    tpu.enqueue_dma source(%dma_start3A_756 : memref<8x512xf32, #tpu.memory_space<hbm>>) target(%dma_start3A_753 : memref<8x512xf32, #tpu.memory_space<vmem>>) target_semaphore(%arg11 : memref<!tpu.dma_semaphore, #tpu.memory_space<semaphore_mem>>)
    %add3A_757 = arith.constant 32 : i32
    %add3A_758 = arith.addi %mul3A_2, %add3A_757 : i32
    %jit3A_759 = arith.constant 512 : i32
    %div3A_760 = arith.divsi %add3A_758, %jit3A_759 : i32
    %sign3A_761 = arith.constant 0 : i32
    %sign3A_762 = arith.cmpi sgt, %add3A_758, %sign3A_761 : i32
    %sign3A_763 = arith.extui %sign3A_762 : i1 to i32
    %sign3A_764 = arith.constant 0 : i32
    %sign3A_765 = arith.cmpi slt, %add3A_758, %sign3A_764 : i32
    %sign3A_766 = arith.extui %sign3A_765 : i1 to i32
    %sign3A_767 = arith.subi %sign3A_763, %sign3A_766 : i32
    %sign3A_768 = arith.constant 0 : i32
    %sign3A_769 = arith.cmpi sgt, %jit3A_759, %sign3A_768 : i32
    %sign3A_770 = arith.extui %sign3A_769 : i1 to i32
    %sign3A_771 = arith.constant 0 : i32
    %sign3A_772 = arith.cmpi slt, %jit3A_759, %sign3A_771 : i32
    %sign3A_773 = arith.extui %sign3A_772 : i1 to i32
    %sign3A_774 = arith.subi %sign3A_770, %sign3A_773 : i32
    %ne3A_775 = arith.cmpi ne, %sign3A_767, %sign3A_774 : i32
    %rem3A_776 = arith.remsi %add3A_758, %jit3A_759 : i32
    %ne3A_777 = arith.constant 0 : i32
    %ne3A_778 = arith.cmpi ne, %rem3A_776, %ne3A_777 : i32
    %and3A_779 = arith.andi %ne3A_775, %ne3A_778 : i1
    %sub3A_780 = arith.constant 1 : i32
    %sub3A_781 = arith.subi %div3A_760, %sub3A_780 : i32
    %select_n3A_782 = arith.select %and3A_779, %sub3A_781, %div3A_760 : i32
    %jit3A_783 = arith.constant 512 : i32
    %eq3A_784 = arith.constant 0 : i32
    %eq3A_785 = arith.cmpi eq, %jit3A_783, %eq3A_784 : i32
    %jit3A_786 = arith.constant 1 : i32
    %select_n3A_787 = arith.select %eq3A_785, %jit3A_786, %jit3A_783 : i32
    %rem3A_788 = arith.remsi %add3A_758, %select_n3A_787 : i32
    %ne3A_789 = arith.constant 0 : i32
    %ne3A_790 = arith.cmpi ne, %rem3A_788, %ne3A_789 : i32
    %lt3A_791 = arith.constant 0 : i32
    %lt3A_792 = arith.cmpi slt, %rem3A_788, %lt3A_791 : i32
    %lt3A_793 = arith.constant 0 : i32
    %lt3A_794 = arith.cmpi slt, %select_n3A_787, %lt3A_793 : i32
    %ne3A_795 = arith.xori %lt3A_792, %lt3A_794 : i1
    %and3A_796 = arith.andi %ne3A_795, %ne3A_790 : i1
    %add3A_797 = arith.addi %rem3A_788, %select_n3A_787 : i32
    %select_n3A_798 = arith.select %and3A_796, %add3A_797, %rem3A_788 : i32
    %dma_wait3A_799 = arith.constant 0 : i32
    %dma_wait3A_800 = arith.constant 0 : i32
    %dma_wait3A_801 = arith.constant 0 : i32
    %dma_wait3A_802 = arith.constant 0 : i32
    %dma_wait3A_803 = tpu.memref_slice %arg5[%dma_wait3A_800, %dma_wait3A_801, %dma_wait3A_802] : memref<2x8x512xf32, #tpu.memory_space<vmem>> -> memref<1x8x512xf32, #tpu.memory_space<vmem>>
    %dma_wait3A_804 = tpu.memref_squeeze %dma_wait3A_803 : memref<1x8x512xf32, #tpu.memory_space<vmem>> -> memref<8x512xf32, #tpu.memory_space<vmem>>
    %dma_wait3A_805 = arith.constant 0 : i32
    %dma_wait3A_806 = tpu.memref_slice %arg2[%select_n3A_782, %dma_wait3A_799, %select_n3A_798, %dma_wait3A_805] : memref<16x1x512x512xf32, #tpu.memory_space<hbm>> -> memref<1x1x8x512xf32, #tpu.memory_space<hbm>>
    %dma_wait3A_807 = tpu.memref_squeeze %dma_wait3A_806 : memref<1x1x8x512xf32, #tpu.memory_space<hbm>> -> memref<8x512xf32, #tpu.memory_space<hbm>>
    %dma_wait3A_808 = arith.constant 0 : i32
    %dma_wait3A_809 = arith.constant 0 : i32
    %dma_wait3A_810 = tpu.memref_slice %arg5[%dma_wait3A_800, %dma_wait3A_808, %dma_wait3A_809] : memref<2x8x512xf32, #tpu.memory_space<vmem>> -> memref<1x8x512xf32, #tpu.memory_space<vmem>>
    %dma_wait3A_811 = tpu.memref_squeeze %dma_wait3A_810 : memref<1x8x512xf32, #tpu.memory_space<vmem>> -> memref<8x512xf32, #tpu.memory_space<vmem>>
    %dma_wait3A_812 = arith.constant 0 : i32
    %dma_wait3A_813 = tpu.memref_slice %arg2[%select_n3A_782, %dma_wait3A_799, %select_n3A_798, %dma_wait3A_812] : memref<16x1x512x512xf32, #tpu.memory_space<hbm>> -> memref<1x1x8x512xf32, #tpu.memory_space<hbm>>
    %dma_wait3A_814 = tpu.memref_squeeze %dma_wait3A_813 : memref<1x1x8x512xf32, #tpu.memory_space<hbm>> -> memref<8x512xf32, #tpu.memory_space<hbm>>
    tpu.wait_dma2 semaphore(%arg8 : memref<!tpu.dma_semaphore, #tpu.memory_space<semaphore_mem>>) src(%dma_wait3A_814 : memref<8x512xf32, #tpu.memory_space<hbm>>) dst(%dma_wait3A_811 : memref<8x512xf32, #tpu.memory_space<vmem>>)
    %dma_wait3A_815 = arith.constant 0 : i32
    %dma_wait3A_816 = arith.constant 0 : i32
    %dma_wait3A_817 = arith.constant 0 : i32
    %dma_wait3A_818 = arith.constant 0 : i32
    %dma_wait3A_819 = tpu.memref_slice %arg6[%dma_wait3A_816, %dma_wait3A_817, %dma_wait3A_818] : memref<2x8x512xf32, #tpu.memory_space<vmem>> -> memref<1x8x512xf32, #tpu.memory_space<vmem>>
    %dma_wait3A_820 = tpu.memref_squeeze %dma_wait3A_819 : memref<1x8x512xf32, #tpu.memory_space<vmem>> -> memref<8x512xf32, #tpu.memory_space<vmem>>
    %dma_wait3A_821 = arith.constant 0 : i32
    %dma_wait3A_822 = tpu.memref_slice %arg3[%select_n3A_782, %dma_wait3A_815, %select_n3A_798, %dma_wait3A_821] : memref<16x1x512x512xf32, #tpu.memory_space<hbm>> -> memref<1x1x8x512xf32, #tpu.memory_space<hbm>>
    %dma_wait3A_823 = tpu.memref_squeeze %dma_wait3A_822 : memref<1x1x8x512xf32, #tpu.memory_space<hbm>> -> memref<8x512xf32, #tpu.memory_space<hbm>>
    %dma_wait3A_824 = arith.constant 0 : i32
    %dma_wait3A_825 = arith.constant 0 : i32
    %dma_wait3A_826 = tpu.memref_slice %arg6[%dma_wait3A_816, %dma_wait3A_824, %dma_wait3A_825] : memref<2x8x512xf32, #tpu.memory_space<vmem>> -> memref<1x8x512xf32, #tpu.memory_space<vmem>>
    %dma_wait3A_827 = tpu.memref_squeeze %dma_wait3A_826 : memref<1x8x512xf32, #tpu.memory_space<vmem>> -> memref<8x512xf32, #tpu.memory_space<vmem>>
    %dma_wait3A_828 = arith.constant 0 : i32
    %dma_wait3A_829 = tpu.memref_slice %arg3[%select_n3A_782, %dma_wait3A_815, %select_n3A_798, %dma_wait3A_828] : memref<16x1x512x512xf32, #tpu.memory_space<hbm>> -> memref<1x1x8x512xf32, #tpu.memory_space<hbm>>
    %dma_wait3A_830 = tpu.memref_squeeze %dma_wait3A_829 : memref<1x1x8x512xf32, #tpu.memory_space<hbm>> -> memref<8x512xf32, #tpu.memory_space<hbm>>
    tpu.wait_dma2 semaphore(%arg10 : memref<!tpu.dma_semaphore, #tpu.memory_space<semaphore_mem>>) src(%dma_wait3A_830 : memref<8x512xf32, #tpu.memory_space<hbm>>) dst(%dma_wait3A_827 : memref<8x512xf32, #tpu.memory_space<vmem>>)
    %parallel_loop3A_831 = arith.constant 0 : i32
    %parallel_loop3A_832 = arith.constant 4096 : i32
    %parallel_loop3A_833 = arith.constant 64 : i32
    %parallel_loop3A_834 = arith.constant 0 : i32
    %parallel_loop3A_835 = arith.constant 0 : i32
    %parallel_loop3A_836:16 = scf.for %parallel_loop3A_1261 = %parallel_loop3A_831 to %parallel_loop3A_832 step %parallel_loop3A_833 iter_args(%parallel_loop3A_1262 = %parallel_loop3A_682#0, %parallel_loop3A_1263 = %parallel_loop3A_682#1, %parallel_loop3A_1264 = %parallel_loop3A_682#2, %parallel_loop3A_1265 = %parallel_loop3A_682#3, %parallel_loop3A_1266 = %parallel_loop3A_682#4, %parallel_loop3A_1267 = %parallel_loop3A_682#5, %parallel_loop3A_1268 = %parallel_loop3A_682#6, %parallel_loop3A_1269 = %parallel_loop3A_682#7, %parallel_loop3A_1270 = %parallel_loop3A_682#8, %parallel_loop3A_1271 = %parallel_loop3A_682#9, %parallel_loop3A_1272 = %parallel_loop3A_682#10, %parallel_loop3A_1273 = %parallel_loop3A_682#11, %parallel_loop3A_1274 = %parallel_loop3A_682#12, %parallel_loop3A_1275 = %parallel_loop3A_682#13, %parallel_loop3A_1276 = %parallel_loop3A_682#14, %parallel_loop3A_1277 = %parallel_loop3A_682#15) -> (vector<16xf32>, vector<16xi32>, vector<16xf32>, vector<16xi32>, vector<16xf32>, vector<16xi32>, vector<16xf32>, vector<16xi32>, vector<16xf32>, vector<16xi32>, vector<16xf32>, vector<16xi32>, vector<16xf32>, vector<16xi32>, vector<16xf32>, vector<16xi32>)  : i32 {
      %parallel_loop3A_1278 = arith.constant 9 : i32
      %parallel_loop3A_1279 = arith.shrui %parallel_loop3A_1261, %parallel_loop3A_1278 : i32
      %parallel_loop3A_1280 = arith.constant 511 : i32
      %parallel_loop3A_1281 = arith.andi %parallel_loop3A_1261, %parallel_loop3A_1280 : i32
      %parallel_loop3A_1282 = tpu.assume_multiple %parallel_loop3A_1281, 64 : i32
      %parallel_loop3A_1283 = arith.constant 0 : i32
      %parallel_loop3A_1284 = arith.addi %parallel_loop3A_1282, %parallel_loop3A_1283 : i32
      %parallel_loop3A_1285 = arith.constant 0 : i32
      %parallel_loop3A_1286 = arith.constant 0 : i32
      %parallel_loop3A_1287 = tpu.memref_slice %arg5[%parallel_loop3A_834, %parallel_loop3A_1285, %parallel_loop3A_1286] : memref<2x8x512xf32, #tpu.memory_space<vmem>> -> memref<1x8x512xf32, #tpu.memory_space<vmem>>
      %parallel_loop3A_1288 = tpu.memref_squeeze %parallel_loop3A_1287 : memref<1x8x512xf32, #tpu.memory_space<vmem>> -> memref<8x512xf32, #tpu.memory_space<vmem>>
      %parallel_loop3A_1289 = arith.index_cast %parallel_loop3A_1279 : i32 to index
      %parallel_loop3A_1290 = arith.index_cast %parallel_loop3A_1284 : i32 to index
      %parallel_loop3A_1291 = tpu.vector_load %parallel_loop3A_1288[%parallel_loop3A_1289, %parallel_loop3A_1290] {strides = array<i32>} : memref<8x512xf32, #tpu.memory_space<vmem>>, vector<1x16xf32>,
      %parallel_loop3A_1292 = vector.shape_cast %parallel_loop3A_1291 : vector<1x16xf32> to vector<16xf32>
      %parallel_loop3A_1293 = arith.constant 0 : i32
      %parallel_loop3A_1294 = arith.addi %parallel_loop3A_1282, %parallel_loop3A_1293 : i32
      %parallel_loop3A_1295 = arith.constant 0 : i32
      %parallel_loop3A_1296 = arith.constant 0 : i32
      %parallel_loop3A_1297 = tpu.memref_slice %arg6[%parallel_loop3A_835, %parallel_loop3A_1295, %parallel_loop3A_1296] : memref<2x8x512xf32, #tpu.memory_space<vmem>> -> memref<1x8x512xf32, #tpu.memory_space<vmem>>
      %parallel_loop3A_1298 = tpu.memref_squeeze %parallel_loop3A_1297 : memref<1x8x512xf32, #tpu.memory_space<vmem>> -> memref<8x512xf32, #tpu.memory_space<vmem>>
      %parallel_loop3A_1299 = arith.index_cast %parallel_loop3A_1279 : i32 to index
      %parallel_loop3A_1300 = arith.index_cast %parallel_loop3A_1294 : i32 to index
      %parallel_loop3A_1301 = tpu.vector_load %parallel_loop3A_1298[%parallel_loop3A_1299, %parallel_loop3A_1300] {strides = array<i32>} : memref<8x512xf32, #tpu.memory_space<vmem>>, vector<1x16xf32>,
      %parallel_loop3A_1302 = vector.shape_cast %parallel_loop3A_1301 : vector<1x16xf32> to vector<16xf32>
      %parallel_loop3A_1303 = arith.subf %parallel_loop3A_1292, %parallel_loop3A_1302 : vector<16xf32>
      %parallel_loop3A_1304 = arith.mulf %parallel_loop3A_1303, %parallel_loop3A_1303 : vector<16xf32>
      %parallel_loop3A_1305 = arith.constant 0.000000e+00 : f32
      %parallel_loop3A_1306 = vector.broadcast %parallel_loop3A_1305 : f32 to vector<16xf32>
      %parallel_loop3A_1307 = arith.cmpf ogt, %parallel_loop3A_1302, %parallel_loop3A_1306 : vector<16xf32>
      %parallel_loop3A_1308 = arith.constant 0.000000e+00 : f32
      %parallel_loop3A_1309 = vector.broadcast %parallel_loop3A_1308 : f32 to vector<16xf32>
      %parallel_loop3A_1310 = arith.cmpf ogt, %parallel_loop3A_1292, %parallel_loop3A_1309 : vector<16xf32>
      %parallel_loop3A_1311 = arith.constant 0.000000e+00 : f32
      %parallel_loop3A_1312 = vector.broadcast %parallel_loop3A_1311 : f32 to vector<16xf32>
      %parallel_loop3A_1313 = arith.select %parallel_loop3A_1307, %parallel_loop3A_1304, %parallel_loop3A_1312 : vector<16xi1>, vector<16xf32>
      %parallel_loop3A_1314 = arith.addf %parallel_loop3A_1262, %parallel_loop3A_1313 : vector<16xf32>
      %parallel_loop3A_1315 = arith.constant 0.000000e+00 : f32
      %parallel_loop3A_1316 = vector.broadcast %parallel_loop3A_1315 : f32 to vector<16xf32>
      %parallel_loop3A_1317 = arith.select %parallel_loop3A_1310, %parallel_loop3A_1304, %parallel_loop3A_1316 : vector<16xi1>, vector<16xf32>
      %parallel_loop3A_1318 = arith.addf %parallel_loop3A_1264, %parallel_loop3A_1317 : vector<16xf32>
      %parallel_loop3A_1319 = arith.constant 1 : i32
      %parallel_loop3A_1320 = arith.constant 0 : i32
      %parallel_loop3A_1321 = vector.broadcast %parallel_loop3A_1319 : i32 to vector<16xi32>
      %parallel_loop3A_1322 = vector.broadcast %parallel_loop3A_1320 : i32 to vector<16xi32>
      %parallel_loop3A_1323 = arith.select %parallel_loop3A_1307, %parallel_loop3A_1321, %parallel_loop3A_1322 : vector<16xi1>, vector<16xi32>
      %parallel_loop3A_1324 = arith.addi %parallel_loop3A_1263, %parallel_loop3A_1323 : vector<16xi32>
      %parallel_loop3A_1325 = arith.constant 1 : i32
      %parallel_loop3A_1326 = arith.constant 0 : i32
      %parallel_loop3A_1327 = vector.broadcast %parallel_loop3A_1325 : i32 to vector<16xi32>
      %parallel_loop3A_1328 = vector.broadcast %parallel_loop3A_1326 : i32 to vector<16xi32>
      %parallel_loop3A_1329 = arith.select %parallel_loop3A_1310, %parallel_loop3A_1327, %parallel_loop3A_1328 : vector<16xi1>, vector<16xi32>
      %parallel_loop3A_1330 = arith.addi %parallel_loop3A_1265, %parallel_loop3A_1329 : vector<16xi32>
      %parallel_loop3A_1331 = arith.constant 16 : i32
      %parallel_loop3A_1332 = arith.addi %parallel_loop3A_1282, %parallel_loop3A_1331 : i32
      %parallel_loop3A_1333 = arith.constant 0 : i32
      %parallel_loop3A_1334 = arith.constant 0 : i32
      %parallel_loop3A_1335 = tpu.memref_slice %arg5[%parallel_loop3A_834, %parallel_loop3A_1333, %parallel_loop3A_1334] : memref<2x8x512xf32, #tpu.memory_space<vmem>> -> memref<1x8x512xf32, #tpu.memory_space<vmem>>
      %parallel_loop3A_1336 = tpu.memref_squeeze %parallel_loop3A_1335 : memref<1x8x512xf32, #tpu.memory_space<vmem>> -> memref<8x512xf32, #tpu.memory_space<vmem>>
      %parallel_loop3A_1337 = arith.index_cast %parallel_loop3A_1279 : i32 to index
      %parallel_loop3A_1338 = arith.index_cast %parallel_loop3A_1332 : i32 to index
      %parallel_loop3A_1339 = tpu.vector_load %parallel_loop3A_1336[%parallel_loop3A_1337, %parallel_loop3A_1338] {strides = array<i32>} : memref<8x512xf32, #tpu.memory_space<vmem>>, vector<1x16xf32>,
      %parallel_loop3A_1340 = vector.shape_cast %parallel_loop3A_1339 : vector<1x16xf32> to vector<16xf32>
      %parallel_loop3A_1341 = arith.constant 16 : i32
      %parallel_loop3A_1342 = arith.addi %parallel_loop3A_1282, %parallel_loop3A_1341 : i32
      %parallel_loop3A_1343 = arith.constant 0 : i32
      %parallel_loop3A_1344 = arith.constant 0 : i32
      %parallel_loop3A_1345 = tpu.memref_slice %arg6[%parallel_loop3A_835, %parallel_loop3A_1343, %parallel_loop3A_1344] : memref<2x8x512xf32, #tpu.memory_space<vmem>> -> memref<1x8x512xf32, #tpu.memory_space<vmem>>
      %parallel_loop3A_1346 = tpu.memref_squeeze %parallel_loop3A_1345 : memref<1x8x512xf32, #tpu.memory_space<vmem>> -> memref<8x512xf32, #tpu.memory_space<vmem>>
      %parallel_loop3A_1347 = arith.index_cast %parallel_loop3A_1279 : i32 to index
      %parallel_loop3A_1348 = arith.index_cast %parallel_loop3A_1342 : i32 to index
      %parallel_loop3A_1349 = tpu.vector_load %parallel_loop3A_1346[%parallel_loop3A_1347, %parallel_loop3A_1348] {strides = array<i32>} : memref<8x512xf32, #tpu.memory_space<vmem>>, vector<1x16xf32>,
      %parallel_loop3A_1350 = vector.shape_cast %parallel_loop3A_1349 : vector<1x16xf32> to vector<16xf32>
      %parallel_loop3A_1351 = arith.subf %parallel_loop3A_1340, %parallel_loop3A_1350 : vector<16xf32>
      %parallel_loop3A_1352 = arith.mulf %parallel_loop3A_1351, %parallel_loop3A_1351 : vector<16xf32>
      %parallel_loop3A_1353 = arith.constant 0.000000e+00 : f32
      %parallel_loop3A_1354 = vector.broadcast %parallel_loop3A_1353 : f32 to vector<16xf32>
      %parallel_loop3A_1355 = arith.cmpf ogt, %parallel_loop3A_1350, %parallel_loop3A_1354 : vector<16xf32>
      %parallel_loop3A_1356 = arith.constant 0.000000e+00 : f32
      %parallel_loop3A_1357 = vector.broadcast %parallel_loop3A_1356 : f32 to vector<16xf32>
      %parallel_loop3A_1358 = arith.cmpf ogt, %parallel_loop3A_1340, %parallel_loop3A_1357 : vector<16xf32>
      %parallel_loop3A_1359 = arith.constant 0.000000e+00 : f32
      %parallel_loop3A_1360 = vector.broadcast %parallel_loop3A_1359 : f32 to vector<16xf32>
      %parallel_loop3A_1361 = arith.select %parallel_loop3A_1355, %parallel_loop3A_1352, %parallel_loop3A_1360 : vector<16xi1>, vector<16xf32>
      %parallel_loop3A_1362 = arith.addf %parallel_loop3A_1266, %parallel_loop3A_1361 : vector<16xf32>
      %parallel_loop3A_1363 = arith.constant 0.000000e+00 : f32
      %parallel_loop3A_1364 = vector.broadcast %parallel_loop3A_1363 : f32 to vector<16xf32>
      %parallel_loop3A_1365 = arith.select %parallel_loop3A_1358, %parallel_loop3A_1352, %parallel_loop3A_1364 : vector<16xi1>, vector<16xf32>
      %parallel_loop3A_1366 = arith.addf %parallel_loop3A_1268, %parallel_loop3A_1365 : vector<16xf32>
      %parallel_loop3A_1367 = arith.constant 1 : i32
      %parallel_loop3A_1368 = arith.constant 0 : i32
      %parallel_loop3A_1369 = vector.broadcast %parallel_loop3A_1367 : i32 to vector<16xi32>
      %parallel_loop3A_1370 = vector.broadcast %parallel_loop3A_1368 : i32 to vector<16xi32>
      %parallel_loop3A_1371 = arith.select %parallel_loop3A_1355, %parallel_loop3A_1369, %parallel_loop3A_1370 : vector<16xi1>, vector<16xi32>
      %parallel_loop3A_1372 = arith.addi %parallel_loop3A_1267, %parallel_loop3A_1371 : vector<16xi32>
      %parallel_loop3A_1373 = arith.constant 1 : i32
      %parallel_loop3A_1374 = arith.constant 0 : i32
      %parallel_loop3A_1375 = vector.broadcast %parallel_loop3A_1373 : i32 to vector<16xi32>
      %parallel_loop3A_1376 = vector.broadcast %parallel_loop3A_1374 : i32 to vector<16xi32>
      %parallel_loop3A_1377 = arith.select %parallel_loop3A_1358, %parallel_loop3A_1375, %parallel_loop3A_1376 : vector<16xi1>, vector<16xi32>
      %parallel_loop3A_1378 = arith.addi %parallel_loop3A_1269, %parallel_loop3A_1377 : vector<16xi32>
      %parallel_loop3A_1379 = arith.constant 32 : i32
      %parallel_loop3A_1380 = arith.addi %parallel_loop3A_1282, %parallel_loop3A_1379 : i32
      %parallel_loop3A_1381 = arith.constant 0 : i32
      %parallel_loop3A_1382 = arith.constant 0 : i32
      %parallel_loop3A_1383 = tpu.memref_slice %arg5[%parallel_loop3A_834, %parallel_loop3A_1381, %parallel_loop3A_1382] : memref<2x8x512xf32, #tpu.memory_space<vmem>> -> memref<1x8x512xf32, #tpu.memory_space<vmem>>
      %parallel_loop3A_1384 = tpu.memref_squeeze %parallel_loop3A_1383 : memref<1x8x512xf32, #tpu.memory_space<vmem>> -> memref<8x512xf32, #tpu.memory_space<vmem>>
      %parallel_loop3A_1385 = arith.index_cast %parallel_loop3A_1279 : i32 to index
      %parallel_loop3A_1386 = arith.index_cast %parallel_loop3A_1380 : i32 to index
      %parallel_loop3A_1387 = tpu.vector_load %parallel_loop3A_1384[%parallel_loop3A_1385, %parallel_loop3A_1386] {strides = array<i32>} : memref<8x512xf32, #tpu.memory_space<vmem>>, vector<1x16xf32>,
      %parallel_loop3A_1388 = vector.shape_cast %parallel_loop3A_1387 : vector<1x16xf32> to vector<16xf32>
      %parallel_loop3A_1389 = arith.constant 32 : i32
      %parallel_loop3A_1390 = arith.addi %parallel_loop3A_1282, %parallel_loop3A_1389 : i32
      %parallel_loop3A_1391 = arith.constant 0 : i32
      %parallel_loop3A_1392 = arith.constant 0 : i32
      %parallel_loop3A_1393 = tpu.memref_slice %arg6[%parallel_loop3A_835, %parallel_loop3A_1391, %parallel_loop3A_1392] : memref<2x8x512xf32, #tpu.memory_space<vmem>> -> memref<1x8x512xf32, #tpu.memory_space<vmem>>
      %parallel_loop3A_1394 = tpu.memref_squeeze %parallel_loop3A_1393 : memref<1x8x512xf32, #tpu.memory_space<vmem>> -> memref<8x512xf32, #tpu.memory_space<vmem>>
      %parallel_loop3A_1395 = arith.index_cast %parallel_loop3A_1279 : i32 to index
      %parallel_loop3A_1396 = arith.index_cast %parallel_loop3A_1390 : i32 to index
      %parallel_loop3A_1397 = tpu.vector_load %parallel_loop3A_1394[%parallel_loop3A_1395, %parallel_loop3A_1396] {strides = array<i32>} : memref<8x512xf32, #tpu.memory_space<vmem>>, vector<1x16xf32>,
      %parallel_loop3A_1398 = vector.shape_cast %parallel_loop3A_1397 : vector<1x16xf32> to vector<16xf32>
      %parallel_loop3A_1399 = arith.subf %parallel_loop3A_1388, %parallel_loop3A_1398 : vector<16xf32>
      %parallel_loop3A_1400 = arith.mulf %parallel_loop3A_1399, %parallel_loop3A_1399 : vector<16xf32>
      %parallel_loop3A_1401 = arith.constant 0.000000e+00 : f32
      %parallel_loop3A_1402 = vector.broadcast %parallel_loop3A_1401 : f32 to vector<16xf32>
      %parallel_loop3A_1403 = arith.cmpf ogt, %parallel_loop3A_1398, %parallel_loop3A_1402 : vector<16xf32>
      %parallel_loop3A_1404 = arith.constant 0.000000e+00 : f32
      %parallel_loop3A_1405 = vector.broadcast %parallel_loop3A_1404 : f32 to vector<16xf32>
      %parallel_loop3A_1406 = arith.cmpf ogt, %parallel_loop3A_1388, %parallel_loop3A_1405 : vector<16xf32>
      %parallel_loop3A_1407 = arith.constant 0.000000e+00 : f32
      %parallel_loop3A_1408 = vector.broadcast %parallel_loop3A_1407 : f32 to vector<16xf32>
      %parallel_loop3A_1409 = arith.select %parallel_loop3A_1403, %parallel_loop3A_1400, %parallel_loop3A_1408 : vector<16xi1>, vector<16xf32>
      %parallel_loop3A_1410 = arith.addf %parallel_loop3A_1270, %parallel_loop3A_1409 : vector<16xf32>
      %parallel_loop3A_1411 = arith.constant 0.000000e+00 : f32
      %parallel_loop3A_1412 = vector.broadcast %parallel_loop3A_1411 : f32 to vector<16xf32>
      %parallel_loop3A_1413 = arith.select %parallel_loop3A_1406, %parallel_loop3A_1400, %parallel_loop3A_1412 : vector<16xi1>, vector<16xf32>
      %parallel_loop3A_1414 = arith.addf %parallel_loop3A_1272, %parallel_loop3A_1413 : vector<16xf32>
      %parallel_loop3A_1415 = arith.constant 1 : i32
      %parallel_loop3A_1416 = arith.constant 0 : i32
      %parallel_loop3A_1417 = vector.broadcast %parallel_loop3A_1415 : i32 to vector<16xi32>
      %parallel_loop3A_1418 = vector.broadcast %parallel_loop3A_1416 : i32 to vector<16xi32>
      %parallel_loop3A_1419 = arith.select %parallel_loop3A_1403, %parallel_loop3A_1417, %parallel_loop3A_1418 : vector<16xi1>, vector<16xi32>
      %parallel_loop3A_1420 = arith.addi %parallel_loop3A_1271, %parallel_loop3A_1419 : vector<16xi32>
      %parallel_loop3A_1421 = arith.constant 1 : i32
      %parallel_loop3A_1422 = arith.constant 0 : i32
      %parallel_loop3A_1423 = vector.broadcast %parallel_loop3A_1421 : i32 to vector<16xi32>
      %parallel_loop3A_1424 = vector.broadcast %parallel_loop3A_1422 : i32 to vector<16xi32>
      %parallel_loop3A_1425 = arith.select %parallel_loop3A_1406, %parallel_loop3A_1423, %parallel_loop3A_1424 : vector<16xi1>, vector<16xi32>
      %parallel_loop3A_1426 = arith.addi %parallel_loop3A_1273, %parallel_loop3A_1425 : vector<16xi32>
      %parallel_loop3A_1427 = arith.constant 48 : i32
      %parallel_loop3A_1428 = arith.addi %parallel_loop3A_1282, %parallel_loop3A_1427 : i32
      %parallel_loop3A_1429 = arith.constant 0 : i32
      %parallel_loop3A_1430 = arith.constant 0 : i32
      %parallel_loop3A_1431 = tpu.memref_slice %arg5[%parallel_loop3A_834, %parallel_loop3A_1429, %parallel_loop3A_1430] : memref<2x8x512xf32, #tpu.memory_space<vmem>> -> memref<1x8x512xf32, #tpu.memory_space<vmem>>
      %parallel_loop3A_1432 = tpu.memref_squeeze %parallel_loop3A_1431 : memref<1x8x512xf32, #tpu.memory_space<vmem>> -> memref<8x512xf32, #tpu.memory_space<vmem>>
      %parallel_loop3A_1433 = arith.index_cast %parallel_loop3A_1279 : i32 to index
      %parallel_loop3A_1434 = arith.index_cast %parallel_loop3A_1428 : i32 to index
      %parallel_loop3A_1435 = tpu.vector_load %parallel_loop3A_1432[%parallel_loop3A_1433, %parallel_loop3A_1434] {strides = array<i32>} : memref<8x512xf32, #tpu.memory_space<vmem>>, vector<1x16xf32>,
      %parallel_loop3A_1436 = vector.shape_cast %parallel_loop3A_1435 : vector<1x16xf32> to vector<16xf32>
      %parallel_loop3A_1437 = arith.constant 48 : i32
      %parallel_loop3A_1438 = arith.addi %parallel_loop3A_1282, %parallel_loop3A_1437 : i32
      %parallel_loop3A_1439 = arith.constant 0 : i32
      %parallel_loop3A_1440 = arith.constant 0 : i32
      %parallel_loop3A_1441 = tpu.memref_slice %arg6[%parallel_loop3A_835, %parallel_loop3A_1439, %parallel_loop3A_1440] : memref<2x8x512xf32, #tpu.memory_space<vmem>> -> memref<1x8x512xf32, #tpu.memory_space<vmem>>
      %parallel_loop3A_1442 = tpu.memref_squeeze %parallel_loop3A_1441 : memref<1x8x512xf32, #tpu.memory_space<vmem>> -> memref<8x512xf32, #tpu.memory_space<vmem>>
      %parallel_loop3A_1443 = arith.index_cast %parallel_loop3A_1279 : i32 to index
      %parallel_loop3A_1444 = arith.index_cast %parallel_loop3A_1438 : i32 to index
      %parallel_loop3A_1445 = tpu.vector_load %parallel_loop3A_1442[%parallel_loop3A_1443, %parallel_loop3A_1444] {strides = array<i32>} : memref<8x512xf32, #tpu.memory_space<vmem>>, vector<1x16xf32>,
      %parallel_loop3A_1446 = vector.shape_cast %parallel_loop3A_1445 : vector<1x16xf32> to vector<16xf32>
      %parallel_loop3A_1447 = arith.subf %parallel_loop3A_1436, %parallel_loop3A_1446 : vector<16xf32>
      %parallel_loop3A_1448 = arith.mulf %parallel_loop3A_1447, %parallel_loop3A_1447 : vector<16xf32>
      %parallel_loop3A_1449 = arith.constant 0.000000e+00 : f32
      %parallel_loop3A_1450 = vector.broadcast %parallel_loop3A_1449 : f32 to vector<16xf32>
      %parallel_loop3A_1451 = arith.cmpf ogt, %parallel_loop3A_1446, %parallel_loop3A_1450 : vector<16xf32>
      %parallel_loop3A_1452 = arith.constant 0.000000e+00 : f32
      %parallel_loop3A_1453 = vector.broadcast %parallel_loop3A_1452 : f32 to vector<16xf32>
      %parallel_loop3A_1454 = arith.cmpf ogt, %parallel_loop3A_1436, %parallel_loop3A_1453 : vector<16xf32>
      %parallel_loop3A_1455 = arith.constant 0.000000e+00 : f32
      %parallel_loop3A_1456 = vector.broadcast %parallel_loop3A_1455 : f32 to vector<16xf32>
      %parallel_loop3A_1457 = arith.select %parallel_loop3A_1451, %parallel_loop3A_1448, %parallel_loop3A_1456 : vector<16xi1>, vector<16xf32>
      %parallel_loop3A_1458 = arith.addf %parallel_loop3A_1274, %parallel_loop3A_1457 : vector<16xf32>
      %parallel_loop3A_1459 = arith.constant 0.000000e+00 : f32
      %parallel_loop3A_1460 = vector.broadcast %parallel_loop3A_1459 : f32 to vector<16xf32>
      %parallel_loop3A_1461 = arith.select %parallel_loop3A_1454, %parallel_loop3A_1448, %parallel_loop3A_1460 : vector<16xi1>, vector<16xf32>
      %parallel_loop3A_1462 = arith.addf %parallel_loop3A_1276, %parallel_loop3A_1461 : vector<16xf32>
      %parallel_loop3A_1463 = arith.constant 1 : i32
      %parallel_loop3A_1464 = arith.constant 0 : i32
      %parallel_loop3A_1465 = vector.broadcast %parallel_loop3A_1463 : i32 to vector<16xi32>
      %parallel_loop3A_1466 = vector.broadcast %parallel_loop3A_1464 : i32 to vector<16xi32>
      %parallel_loop3A_1467 = arith.select %parallel_loop3A_1451, %parallel_loop3A_1465, %parallel_loop3A_1466 : vector<16xi1>, vector<16xi32>
      %parallel_loop3A_1468 = arith.addi %parallel_loop3A_1275, %parallel_loop3A_1467 : vector<16xi32>
      %parallel_loop3A_1469 = arith.constant 1 : i32
      %parallel_loop3A_1470 = arith.constant 0 : i32
      %parallel_loop3A_1471 = vector.broadcast %parallel_loop3A_1469 : i32 to vector<16xi32>
      %parallel_loop3A_1472 = vector.broadcast %parallel_loop3A_1470 : i32 to vector<16xi32>
      %parallel_loop3A_1473 = arith.select %parallel_loop3A_1454, %parallel_loop3A_1471, %parallel_loop3A_1472 : vector<16xi1>, vector<16xi32>
      %parallel_loop3A_1474 = arith.addi %parallel_loop3A_1277, %parallel_loop3A_1473 : vector<16xi32>
      scf.yield %parallel_loop3A_1314, %parallel_loop3A_1324, %parallel_loop3A_1318, %parallel_loop3A_1330, %parallel_loop3A_1362, %parallel_loop3A_1372, %parallel_loop3A_1366, %parallel_loop3A_1378, %parallel_loop3A_1410, %parallel_loop3A_1420, %parallel_loop3A_1414, %parallel_loop3A_1426, %parallel_loop3A_1458, %parallel_loop3A_1468, %parallel_loop3A_1462, %parallel_loop3A_1474 : vector<16xf32>, vector<16xi32>, vector<16xf32>, vector<16xi32>, vector<16xf32>, vector<16xi32>, vector<16xf32>, vector<16xi32>, vector<16xf32>, vector<16xi32>, vector<16xf32>, vector<16xi32>, vector<16xf32>, vector<16xi32>, vector<16xf32>, vector<16xi32>
    } {sc.loop_unroll_factor = 2 : i64, sc.parallel_access}
    %add3A_837 = arith.constant 48 : i32
    %add3A_838 = arith.addi %mul3A_2, %add3A_837 : i32
    %jit3A_839 = arith.constant 512 : i32
    %div3A_840 = arith.divsi %add3A_838, %jit3A_839 : i32
    %sign3A_841 = arith.constant 0 : i32
    %sign3A_842 = arith.cmpi sgt, %add3A_838, %sign3A_841 : i32
    %sign3A_843 = arith.extui %sign3A_842 : i1 to i32
    %sign3A_844 = arith.constant 0 : i32
    %sign3A_845 = arith.cmpi slt, %add3A_838, %sign3A_844 : i32
    %sign3A_846 = arith.extui %sign3A_845 : i1 to i32
    %sign3A_847 = arith.subi %sign3A_843, %sign3A_846 : i32
    %sign3A_848 = arith.constant 0 : i32
    %sign3A_849 = arith.cmpi sgt, %jit3A_839, %sign3A_848 : i32
    %sign3A_850 = arith.extui %sign3A_849 : i1 to i32
    %sign3A_851 = arith.constant 0 : i32
    %sign3A_852 = arith.cmpi slt, %jit3A_839, %sign3A_851 : i32
    %sign3A_853 = arith.extui %sign3A_852 : i1 to i32
    %sign3A_854 = arith.subi %sign3A_850, %sign3A_853 : i32
    %ne3A_855 = arith.cmpi ne, %sign3A_847, %sign3A_854 : i32
    %rem3A_856 = arith.remsi %add3A_838, %jit3A_839 : i32
    %ne3A_857 = arith.constant 0 : i32
    %ne3A_858 = arith.cmpi ne, %rem3A_856, %ne3A_857 : i32
    %and3A_859 = arith.andi %ne3A_855, %ne3A_858 : i1
    %sub3A_860 = arith.constant 1 : i32
    %sub3A_861 = arith.subi %div3A_840, %sub3A_860 : i32
    %select_n3A_862 = arith.select %and3A_859, %sub3A_861, %div3A_840 : i32
    %jit3A_863 = arith.constant 512 : i32
    %eq3A_864 = arith.constant 0 : i32
    %eq3A_865 = arith.cmpi eq, %jit3A_863, %eq3A_864 : i32
    %jit3A_866 = arith.constant 1 : i32
    %select_n3A_867 = arith.select %eq3A_865, %jit3A_866, %jit3A_863 : i32
    %rem3A_868 = arith.remsi %add3A_838, %select_n3A_867 : i32
    %ne3A_869 = arith.constant 0 : i32
    %ne3A_870 = arith.cmpi ne, %rem3A_868, %ne3A_869 : i32
    %lt3A_871 = arith.constant 0 : i32
    %lt3A_872 = arith.cmpi slt, %rem3A_868, %lt3A_871 : i32
    %lt3A_873 = arith.constant 0 : i32
    %lt3A_874 = arith.cmpi slt, %select_n3A_867, %lt3A_873 : i32
    %ne3A_875 = arith.xori %lt3A_872, %lt3A_874 : i1
    %and3A_876 = arith.andi %ne3A_875, %ne3A_870 : i1
    %add3A_877 = arith.addi %rem3A_868, %select_n3A_867 : i32
    %select_n3A_878 = arith.select %and3A_876, %add3A_877, %rem3A_868 : i32
    %dma_start3A_879 = arith.constant 0 : i32
    %dma_start3A_880 = arith.constant 0 : i32
    %dma_start3A_881 = arith.constant 0 : i32
    %dma_start3A_882 = arith.constant 0 : i32
    %dma_start3A_883 = tpu.memref_slice %arg5[%dma_start3A_880, %dma_start3A_881, %dma_start3A_882] : memref<2x8x512xf32, #tpu.memory_space<vmem>> -> memref<1x8x512xf32, #tpu.memory_space<vmem>>
    %dma_start3A_884 = tpu.memref_squeeze %dma_start3A_883 : memref<1x8x512xf32, #tpu.memory_space<vmem>> -> memref<8x512xf32, #tpu.memory_space<vmem>>
    %dma_start3A_885 = arith.constant 0 : i32
    %dma_start3A_886 = tpu.memref_slice %arg2[%select_n3A_862, %dma_start3A_879, %select_n3A_878, %dma_start3A_885] : memref<16x1x512x512xf32, #tpu.memory_space<hbm>> -> memref<1x1x8x512xf32, #tpu.memory_space<hbm>>
    %dma_start3A_887 = tpu.memref_squeeze %dma_start3A_886 : memref<1x1x8x512xf32, #tpu.memory_space<hbm>> -> memref<8x512xf32, #tpu.memory_space<hbm>>
    %dma_start3A_888 = arith.constant 0 : i32
    %dma_start3A_889 = arith.constant 0 : i32
    %dma_start3A_890 = tpu.memref_slice %arg5[%dma_start3A_880, %dma_start3A_888, %dma_start3A_889] : memref<2x8x512xf32, #tpu.memory_space<vmem>> -> memref<1x8x512xf32, #tpu.memory_space<vmem>>
    %dma_start3A_891 = tpu.memref_squeeze %dma_start3A_890 : memref<1x8x512xf32, #tpu.memory_space<vmem>> -> memref<8x512xf32, #tpu.memory_space<vmem>>
    %dma_start3A_892 = arith.constant 0 : i32
    %dma_start3A_893 = tpu.memref_slice %arg2[%select_n3A_862, %dma_start3A_879, %select_n3A_878, %dma_start3A_892] : memref<16x1x512x512xf32, #tpu.memory_space<hbm>> -> memref<1x1x8x512xf32, #tpu.memory_space<hbm>>
    %dma_start3A_894 = tpu.memref_squeeze %dma_start3A_893 : memref<1x1x8x512xf32, #tpu.memory_space<hbm>> -> memref<8x512xf32, #tpu.memory_space<hbm>>
    tpu.enqueue_dma source(%dma_start3A_894 : memref<8x512xf32, #tpu.memory_space<hbm>>) target(%dma_start3A_891 : memref<8x512xf32, #tpu.memory_space<vmem>>) target_semaphore(%arg8 : memref<!tpu.dma_semaphore, #tpu.memory_space<semaphore_mem>>)
    %dma_start3A_895 = arith.constant 0 : i32
    %dma_start3A_896 = arith.constant 0 : i32
    %dma_start3A_897 = arith.constant 0 : i32
    %dma_start3A_898 = arith.constant 0 : i32
    %dma_start3A_899 = tpu.memref_slice %arg6[%dma_start3A_896, %dma_start3A_897, %dma_start3A_898] : memref<2x8x512xf32, #tpu.memory_space<vmem>> -> memref<1x8x512xf32, #tpu.memory_space<vmem>>
    %dma_start3A_900 = tpu.memref_squeeze %dma_start3A_899 : memref<1x8x512xf32, #tpu.memory_space<vmem>> -> memref<8x512xf32, #tpu.memory_space<vmem>>
    %dma_start3A_901 = arith.constant 0 : i32
    %dma_start3A_902 = tpu.memref_slice %arg3[%select_n3A_862, %dma_start3A_895, %select_n3A_878, %dma_start3A_901] : memref<16x1x512x512xf32, #tpu.memory_space<hbm>> -> memref<1x1x8x512xf32, #tpu.memory_space<hbm>>
    %dma_start3A_903 = tpu.memref_squeeze %dma_start3A_902 : memref<1x1x8x512xf32, #tpu.memory_space<hbm>> -> memref<8x512xf32, #tpu.memory_space<hbm>>
    %dma_start3A_904 = arith.constant 0 : i32
    %dma_start3A_905 = arith.constant 0 : i32
    %dma_start3A_906 = tpu.memref_slice %arg6[%dma_start3A_896, %dma_start3A_904, %dma_start3A_905] : memref<2x8x512xf32, #tpu.memory_space<vmem>> -> memref<1x8x512xf32, #tpu.memory_space<vmem>>
    %dma_start3A_907 = tpu.memref_squeeze %dma_start3A_906 : memref<1x8x512xf32, #tpu.memory_space<vmem>> -> memref<8x512xf32, #tpu.memory_space<vmem>>
    %dma_start3A_908 = arith.constant 0 : i32
    %dma_start3A_909 = tpu.memref_slice %arg3[%select_n3A_862, %dma_start3A_895, %select_n3A_878, %dma_start3A_908] : memref<16x1x512x512xf32, #tpu.memory_space<hbm>> -> memref<1x1x8x512xf32, #tpu.memory_space<hbm>>
    %dma_start3A_910 = tpu.memref_squeeze %dma_start3A_909 : memref<1x1x8x512xf32, #tpu.memory_space<hbm>> -> memref<8x512xf32, #tpu.memory_space<hbm>>
    tpu.enqueue_dma source(%dma_start3A_910 : memref<8x512xf32, #tpu.memory_space<hbm>>) target(%dma_start3A_907 : memref<8x512xf32, #tpu.memory_space<vmem>>) target_semaphore(%arg10 : memref<!tpu.dma_semaphore, #tpu.memory_space<semaphore_mem>>)
    %add3A_911 = arith.constant 40 : i32
    %add3A_912 = arith.addi %mul3A_2, %add3A_911 : i32
    %jit3A_913 = arith.constant 512 : i32
    %div3A_914 = arith.divsi %add3A_912, %jit3A_913 : i32
    %sign3A_915 = arith.constant 0 : i32
    %sign3A_916 = arith.cmpi sgt, %add3A_912, %sign3A_915 : i32
    %sign3A_917 = arith.extui %sign3A_916 : i1 to i32
    %sign3A_918 = arith.constant 0 : i32
    %sign3A_919 = arith.cmpi slt, %add3A_912, %sign3A_918 : i32
    %sign3A_920 = arith.extui %sign3A_919 : i1 to i32
    %sign3A_921 = arith.subi %sign3A_917, %sign3A_920 : i32
    %sign3A_922 = arith.constant 0 : i32
    %sign3A_923 = arith.cmpi sgt, %jit3A_913, %sign3A_922 : i32
    %sign3A_924 = arith.extui %sign3A_923 : i1 to i32
    %sign3A_925 = arith.constant 0 : i32
    %sign3A_926 = arith.cmpi slt, %jit3A_913, %sign3A_925 : i32
    %sign3A_927 = arith.extui %sign3A_926 : i1 to i32
    %sign3A_928 = arith.subi %sign3A_924, %sign3A_927 : i32
    %ne3A_929 = arith.cmpi ne, %sign3A_921, %sign3A_928 : i32
    %rem3A_930 = arith.remsi %add3A_912, %jit3A_913 : i32
    %ne3A_931 = arith.constant 0 : i32
    %ne3A_932 = arith.cmpi ne, %rem3A_930, %ne3A_931 : i32
    %and3A_933 = arith.andi %ne3A_929, %ne3A_932 : i1
    %sub3A_934 = arith.constant 1 : i32
    %sub3A_935 = arith.subi %div3A_914, %sub3A_934 : i32
    %select_n3A_936 = arith.select %and3A_933, %sub3A_935, %div3A_914 : i32
    %jit3A_937 = arith.constant 512 : i32
    %eq3A_938 = arith.constant 0 : i32
    %eq3A_939 = arith.cmpi eq, %jit3A_937, %eq3A_938 : i32
    %jit3A_940 = arith.constant 1 : i32
    %select_n3A_941 = arith.select %eq3A_939, %jit3A_940, %jit3A_937 : i32
    %rem3A_942 = arith.remsi %add3A_912, %select_n3A_941 : i32
    %ne3A_943 = arith.constant 0 : i32
    %ne3A_944 = arith.cmpi ne, %rem3A_942, %ne3A_943 : i32
    %lt3A_945 = arith.constant 0 : i32
    %lt3A_946 = arith.cmpi slt, %rem3A_942, %lt3A_945 : i32
    %lt3A_947 = arith.constant 0 : i32
    %lt3A_948 = arith.cmpi slt, %select_n3A_941, %lt3A_947 : i32
    %ne3A_949 = arith.xori %lt3A_946, %lt3A_948 : i1
    %and3A_950 = arith.andi %ne3A_949, %ne3A_944 : i1
    %add3A_951 = arith.addi %rem3A_942, %select_n3A_941 : i32
    %select_n3A_952 = arith.select %and3A_950, %add3A_951, %rem3A_942 : i32
    %dma_wait3A_953 = arith.constant 0 : i32
    %dma_wait3A_954 = arith.constant 1 : i32
    %dma_wait3A_955 = arith.constant 0 : i32
    %dma_wait3A_956 = arith.constant 0 : i32
    %dma_wait3A_957 = tpu.memref_slice %arg5[%dma_wait3A_954, %dma_wait3A_955, %dma_wait3A_956] : memref<2x8x512xf32, #tpu.memory_space<vmem>> -> memref<1x8x512xf32, #tpu.memory_space<vmem>>
    %dma_wait3A_958 = tpu.memref_squeeze %dma_wait3A_957 : memref<1x8x512xf32, #tpu.memory_space<vmem>> -> memref<8x512xf32, #tpu.memory_space<vmem>>
    %dma_wait3A_959 = arith.constant 0 : i32
    %dma_wait3A_960 = tpu.memref_slice %arg2[%select_n3A_936, %dma_wait3A_953, %select_n3A_952, %dma_wait3A_959] : memref<16x1x512x512xf32, #tpu.memory_space<hbm>> -> memref<1x1x8x512xf32, #tpu.memory_space<hbm>>
    %dma_wait3A_961 = tpu.memref_squeeze %dma_wait3A_960 : memref<1x1x8x512xf32, #tpu.memory_space<hbm>> -> memref<8x512xf32, #tpu.memory_space<hbm>>
    %dma_wait3A_962 = arith.constant 0 : i32
    %dma_wait3A_963 = arith.constant 0 : i32
    %dma_wait3A_964 = tpu.memref_slice %arg5[%dma_wait3A_954, %dma_wait3A_962, %dma_wait3A_963] : memref<2x8x512xf32, #tpu.memory_space<vmem>> -> memref<1x8x512xf32, #tpu.memory_space<vmem>>
    %dma_wait3A_965 = tpu.memref_squeeze %dma_wait3A_964 : memref<1x8x512xf32, #tpu.memory_space<vmem>> -> memref<8x512xf32, #tpu.memory_space<vmem>>
    %dma_wait3A_966 = arith.constant 0 : i32
    %dma_wait3A_967 = tpu.memref_slice %arg2[%select_n3A_936, %dma_wait3A_953, %select_n3A_952, %dma_wait3A_966] : memref<16x1x512x512xf32, #tpu.memory_space<hbm>> -> memref<1x1x8x512xf32, #tpu.memory_space<hbm>>
    %dma_wait3A_968 = tpu.memref_squeeze %dma_wait3A_967 : memref<1x1x8x512xf32, #tpu.memory_space<hbm>> -> memref<8x512xf32, #tpu.memory_space<hbm>>
    tpu.wait_dma2 semaphore(%arg9 : memref<!tpu.dma_semaphore, #tpu.memory_space<semaphore_mem>>) src(%dma_wait3A_968 : memref<8x512xf32, #tpu.memory_space<hbm>>) dst(%dma_wait3A_965 : memref<8x512xf32, #tpu.memory_space<vmem>>)
    %dma_wait3A_969 = arith.constant 0 : i32
    %dma_wait3A_970 = arith.constant 1 : i32
    %dma_wait3A_971 = arith.constant 0 : i32
    %dma_wait3A_972 = arith.constant 0 : i32
    %dma_wait3A_973 = tpu.memref_slice %arg6[%dma_wait3A_970, %dma_wait3A_971, %dma_wait3A_972] : memref<2x8x512xf32, #tpu.memory_space<vmem>> -> memref<1x8x512xf32, #tpu.memory_space<vmem>>
    %dma_wait3A_974 = tpu.memref_squeeze %dma_wait3A_973 : memref<1x8x512xf32, #tpu.memory_space<vmem>> -> memref<8x512xf32, #tpu.memory_space<vmem>>
    %dma_wait3A_975 = arith.constant 0 : i32
    %dma_wait3A_976 = tpu.memref_slice %arg3[%select_n3A_936, %dma_wait3A_969, %select_n3A_952, %dma_wait3A_975] : memref<16x1x512x512xf32, #tpu.memory_space<hbm>> -> memref<1x1x8x512xf32, #tpu.memory_space<hbm>>
    %dma_wait3A_977 = tpu.memref_squeeze %dma_wait3A_976 : memref<1x1x8x512xf32, #tpu.memory_space<hbm>> -> memref<8x512xf32, #tpu.memory_space<hbm>>
    %dma_wait3A_978 = arith.constant 0 : i32
    %dma_wait3A_979 = arith.constant 0 : i32
    %dma_wait3A_980 = tpu.memref_slice %arg6[%dma_wait3A_970, %dma_wait3A_978, %dma_wait3A_979] : memref<2x8x512xf32, #tpu.memory_space<vmem>> -> memref<1x8x512xf32, #tpu.memory_space<vmem>>
    %dma_wait3A_981 = tpu.memref_squeeze %dma_wait3A_980 : memref<1x8x512xf32, #tpu.memory_space<vmem>> -> memref<8x512xf32, #tpu.memory_space<vmem>>
    %dma_wait3A_982 = arith.constant 0 : i32
    %dma_wait3A_983 = tpu.memref_slice %arg3[%select_n3A_936, %dma_wait3A_969, %select_n3A_952, %dma_wait3A_982] : memref<16x1x512x512xf32, #tpu.memory_space<hbm>> -> memref<1x1x8x512xf32, #tpu.memory_space<hbm>>
    %dma_wait3A_984 = tpu.memref_squeeze %dma_wait3A_983 : memref<1x1x8x512xf32, #tpu.memory_space<hbm>> -> memref<8x512xf32, #tpu.memory_space<hbm>>
    tpu.wait_dma2 semaphore(%arg11 : memref<!tpu.dma_semaphore, #tpu.memory_space<semaphore_mem>>) src(%dma_wait3A_984 : memref<8x512xf32, #tpu.memory_space<hbm>>) dst(%dma_wait3A_981 : memref<8x512xf32, #tpu.memory_space<vmem>>)
    %parallel_loop3A_985 = arith.constant 0 : i32
    %parallel_loop3A_986 = arith.constant 4096 : i32
    %parallel_loop3A_987 = arith.constant 64 : i32
    %parallel_loop3A_988 = arith.constant 1 : i32
    %parallel_loop3A_989 = arith.constant 1 : i32
    %parallel_loop3A_990:16 = scf.for %parallel_loop3A_1261 = %parallel_loop3A_985 to %parallel_loop3A_986 step %parallel_loop3A_987 iter_args(%parallel_loop3A_1262 = %parallel_loop3A_836#0, %parallel_loop3A_1263 = %parallel_loop3A_836#1, %parallel_loop3A_1264 = %parallel_loop3A_836#2, %parallel_loop3A_1265 = %parallel_loop3A_836#3, %parallel_loop3A_1266 = %parallel_loop3A_836#4, %parallel_loop3A_1267 = %parallel_loop3A_836#5, %parallel_loop3A_1268 = %parallel_loop3A_836#6, %parallel_loop3A_1269 = %parallel_loop3A_836#7, %parallel_loop3A_1270 = %parallel_loop3A_836#8, %parallel_loop3A_1271 = %parallel_loop3A_836#9, %parallel_loop3A_1272 = %parallel_loop3A_836#10, %parallel_loop3A_1273 = %parallel_loop3A_836#11, %parallel_loop3A_1274 = %parallel_loop3A_836#12, %parallel_loop3A_1275 = %parallel_loop3A_836#13, %parallel_loop3A_1276 = %parallel_loop3A_836#14, %parallel_loop3A_1277 = %parallel_loop3A_836#15) -> (vector<16xf32>, vector<16xi32>, vector<16xf32>, vector<16xi32>, vector<16xf32>, vector<16xi32>, vector<16xf32>, vector<16xi32>, vector<16xf32>, vector<16xi32>, vector<16xf32>, vector<16xi32>, vector<16xf32>, vector<16xi32>, vector<16xf32>, vector<16xi32>)  : i32 {
      %parallel_loop3A_1278 = arith.constant 9 : i32
      %parallel_loop3A_1279 = arith.shrui %parallel_loop3A_1261, %parallel_loop3A_1278 : i32
      %parallel_loop3A_1280 = arith.constant 511 : i32
      %parallel_loop3A_1281 = arith.andi %parallel_loop3A_1261, %parallel_loop3A_1280 : i32
      %parallel_loop3A_1282 = tpu.assume_multiple %parallel_loop3A_1281, 64 : i32
      %parallel_loop3A_1283 = arith.constant 0 : i32
      %parallel_loop3A_1284 = arith.addi %parallel_loop3A_1282, %parallel_loop3A_1283 : i32
      %parallel_loop3A_1285 = arith.constant 0 : i32
      %parallel_loop3A_1286 = arith.constant 0 : i32
      %parallel_loop3A_1287 = tpu.memref_slice %arg5[%parallel_loop3A_988, %parallel_loop3A_1285, %parallel_loop3A_1286] : memref<2x8x512xf32, #tpu.memory_space<vmem>> -> memref<1x8x512xf32, #tpu.memory_space<vmem>>
      %parallel_loop3A_1288 = tpu.memref_squeeze %parallel_loop3A_1287 : memref<1x8x512xf32, #tpu.memory_space<vmem>> -> memref<8x512xf32, #tpu.memory_space<vmem>>
      %parallel_loop3A_1289 = arith.index_cast %parallel_loop3A_1279 : i32 to index
      %parallel_loop3A_1290 = arith.index_cast %parallel_loop3A_1284 : i32 to index
      %parallel_loop3A_1291 = tpu.vector_load %parallel_loop3A_1288[%parallel_loop3A_1289, %parallel_loop3A_1290] {strides = array<i32>} : memref<8x512xf32, #tpu.memory_space<vmem>>, vector<1x16xf32>,
      %parallel_loop3A_1292 = vector.shape_cast %parallel_loop3A_1291 : vector<1x16xf32> to vector<16xf32>
      %parallel_loop3A_1293 = arith.constant 0 : i32
      %parallel_loop3A_1294 = arith.addi %parallel_loop3A_1282, %parallel_loop3A_1293 : i32
      %parallel_loop3A_1295 = arith.constant 0 : i32
      %parallel_loop3A_1296 = arith.constant 0 : i32
      %parallel_loop3A_1297 = tpu.memref_slice %arg6[%parallel_loop3A_989, %parallel_loop3A_1295, %parallel_loop3A_1296] : memref<2x8x512xf32, #tpu.memory_space<vmem>> -> memref<1x8x512xf32, #tpu.memory_space<vmem>>
      %parallel_loop3A_1298 = tpu.memref_squeeze %parallel_loop3A_1297 : memref<1x8x512xf32, #tpu.memory_space<vmem>> -> memref<8x512xf32, #tpu.memory_space<vmem>>
      %parallel_loop3A_1299 = arith.index_cast %parallel_loop3A_1279 : i32 to index
      %parallel_loop3A_1300 = arith.index_cast %parallel_loop3A_1294 : i32 to index
      %parallel_loop3A_1301 = tpu.vector_load %parallel_loop3A_1298[%parallel_loop3A_1299, %parallel_loop3A_1300] {strides = array<i32>} : memref<8x512xf32, #tpu.memory_space<vmem>>, vector<1x16xf32>,
      %parallel_loop3A_1302 = vector.shape_cast %parallel_loop3A_1301 : vector<1x16xf32> to vector<16xf32>
      %parallel_loop3A_1303 = arith.subf %parallel_loop3A_1292, %parallel_loop3A_1302 : vector<16xf32>
      %parallel_loop3A_1304 = arith.mulf %parallel_loop3A_1303, %parallel_loop3A_1303 : vector<16xf32>
      %parallel_loop3A_1305 = arith.constant 0.000000e+00 : f32
      %parallel_loop3A_1306 = vector.broadcast %parallel_loop3A_1305 : f32 to vector<16xf32>
      %parallel_loop3A_1307 = arith.cmpf ogt, %parallel_loop3A_1302, %parallel_loop3A_1306 : vector<16xf32>
      %parallel_loop3A_1308 = arith.constant 0.000000e+00 : f32
      %parallel_loop3A_1309 = vector.broadcast %parallel_loop3A_1308 : f32 to vector<16xf32>
      %parallel_loop3A_1310 = arith.cmpf ogt, %parallel_loop3A_1292, %parallel_loop3A_1309 : vector<16xf32>
      %parallel_loop3A_1311 = arith.constant 0.000000e+00 : f32
      %parallel_loop3A_1312 = vector.broadcast %parallel_loop3A_1311 : f32 to vector<16xf32>
      %parallel_loop3A_1313 = arith.select %parallel_loop3A_1307, %parallel_loop3A_1304, %parallel_loop3A_1312 : vector<16xi1>, vector<16xf32>
      %parallel_loop3A_1314 = arith.addf %parallel_loop3A_1262, %parallel_loop3A_1313 : vector<16xf32>
      %parallel_loop3A_1315 = arith.constant 0.000000e+00 : f32
      %parallel_loop3A_1316 = vector.broadcast %parallel_loop3A_1315 : f32 to vector<16xf32>
      %parallel_loop3A_1317 = arith.select %parallel_loop3A_1310, %parallel_loop3A_1304, %parallel_loop3A_1316 : vector<16xi1>, vector<16xf32>
      %parallel_loop3A_1318 = arith.addf %parallel_loop3A_1264, %parallel_loop3A_1317 : vector<16xf32>
      %parallel_loop3A_1319 = arith.constant 1 : i32
      %parallel_loop3A_1320 = arith.constant 0 : i32
      %parallel_loop3A_1321 = vector.broadcast %parallel_loop3A_1319 : i32 to vector<16xi32>
      %parallel_loop3A_1322 = vector.broadcast %parallel_loop3A_1320 : i32 to vector<16xi32>
      %parallel_loop3A_1323 = arith.select %parallel_loop3A_1307, %parallel_loop3A_1321, %parallel_loop3A_1322 : vector<16xi1>, vector<16xi32>
      %parallel_loop3A_1324 = arith.addi %parallel_loop3A_1263, %parallel_loop3A_1323 : vector<16xi32>
      %parallel_loop3A_1325 = arith.constant 1 : i32
      %parallel_loop3A_1326 = arith.constant 0 : i32
      %parallel_loop3A_1327 = vector.broadcast %parallel_loop3A_1325 : i32 to vector<16xi32>
      %parallel_loop3A_1328 = vector.broadcast %parallel_loop3A_1326 : i32 to vector<16xi32>
      %parallel_loop3A_1329 = arith.select %parallel_loop3A_1310, %parallel_loop3A_1327, %parallel_loop3A_1328 : vector<16xi1>, vector<16xi32>
      %parallel_loop3A_1330 = arith.addi %parallel_loop3A_1265, %parallel_loop3A_1329 : vector<16xi32>
      %parallel_loop3A_1331 = arith.constant 16 : i32
      %parallel_loop3A_1332 = arith.addi %parallel_loop3A_1282, %parallel_loop3A_1331 : i32
      %parallel_loop3A_1333 = arith.constant 0 : i32
      %parallel_loop3A_1334 = arith.constant 0 : i32
      %parallel_loop3A_1335 = tpu.memref_slice %arg5[%parallel_loop3A_988, %parallel_loop3A_1333, %parallel_loop3A_1334] : memref<2x8x512xf32, #tpu.memory_space<vmem>> -> memref<1x8x512xf32, #tpu.memory_space<vmem>>
      %parallel_loop3A_1336 = tpu.memref_squeeze %parallel_loop3A_1335 : memref<1x8x512xf32, #tpu.memory_space<vmem>> -> memref<8x512xf32, #tpu.memory_space<vmem>>
      %parallel_loop3A_1337 = arith.index_cast %parallel_loop3A_1279 : i32 to index
      %parallel_loop3A_1338 = arith.index_cast %parallel_loop3A_1332 : i32 to index
      %parallel_loop3A_1339 = tpu.vector_load %parallel_loop3A_1336[%parallel_loop3A_1337, %parallel_loop3A_1338] {strides = array<i32>} : memref<8x512xf32, #tpu.memory_space<vmem>>, vector<1x16xf32>,
      %parallel_loop3A_1340 = vector.shape_cast %parallel_loop3A_1339 : vector<1x16xf32> to vector<16xf32>
      %parallel_loop3A_1341 = arith.constant 16 : i32
      %parallel_loop3A_1342 = arith.addi %parallel_loop3A_1282, %parallel_loop3A_1341 : i32
      %parallel_loop3A_1343 = arith.constant 0 : i32
      %parallel_loop3A_1344 = arith.constant 0 : i32
      %parallel_loop3A_1345 = tpu.memref_slice %arg6[%parallel_loop3A_989, %parallel_loop3A_1343, %parallel_loop3A_1344] : memref<2x8x512xf32, #tpu.memory_space<vmem>> -> memref<1x8x512xf32, #tpu.memory_space<vmem>>
      %parallel_loop3A_1346 = tpu.memref_squeeze %parallel_loop3A_1345 : memref<1x8x512xf32, #tpu.memory_space<vmem>> -> memref<8x512xf32, #tpu.memory_space<vmem>>
      %parallel_loop3A_1347 = arith.index_cast %parallel_loop3A_1279 : i32 to index
      %parallel_loop3A_1348 = arith.index_cast %parallel_loop3A_1342 : i32 to index
      %parallel_loop3A_1349 = tpu.vector_load %parallel_loop3A_1346[%parallel_loop3A_1347, %parallel_loop3A_1348] {strides = array<i32>} : memref<8x512xf32, #tpu.memory_space<vmem>>, vector<1x16xf32>,
      %parallel_loop3A_1350 = vector.shape_cast %parallel_loop3A_1349 : vector<1x16xf32> to vector<16xf32>
      %parallel_loop3A_1351 = arith.subf %parallel_loop3A_1340, %parallel_loop3A_1350 : vector<16xf32>
      %parallel_loop3A_1352 = arith.mulf %parallel_loop3A_1351, %parallel_loop3A_1351 : vector<16xf32>
      %parallel_loop3A_1353 = arith.constant 0.000000e+00 : f32
      %parallel_loop3A_1354 = vector.broadcast %parallel_loop3A_1353 : f32 to vector<16xf32>
      %parallel_loop3A_1355 = arith.cmpf ogt, %parallel_loop3A_1350, %parallel_loop3A_1354 : vector<16xf32>
      %parallel_loop3A_1356 = arith.constant 0.000000e+00 : f32
      %parallel_loop3A_1357 = vector.broadcast %parallel_loop3A_1356 : f32 to vector<16xf32>
      %parallel_loop3A_1358 = arith.cmpf ogt, %parallel_loop3A_1340, %parallel_loop3A_1357 : vector<16xf32>
      %parallel_loop3A_1359 = arith.constant 0.000000e+00 : f32
      %parallel_loop3A_1360 = vector.broadcast %parallel_loop3A_1359 : f32 to vector<16xf32>
      %parallel_loop3A_1361 = arith.select %parallel_loop3A_1355, %parallel_loop3A_1352, %parallel_loop3A_1360 : vector<16xi1>, vector<16xf32>
      %parallel_loop3A_1362 = arith.addf %parallel_loop3A_1266, %parallel_loop3A_1361 : vector<16xf32>
      %parallel_loop3A_1363 = arith.constant 0.000000e+00 : f32
      %parallel_loop3A_1364 = vector.broadcast %parallel_loop3A_1363 : f32 to vector<16xf32>
      %parallel_loop3A_1365 = arith.select %parallel_loop3A_1358, %parallel_loop3A_1352, %parallel_loop3A_1364 : vector<16xi1>, vector<16xf32>
      %parallel_loop3A_1366 = arith.addf %parallel_loop3A_1268, %parallel_loop3A_1365 : vector<16xf32>
      %parallel_loop3A_1367 = arith.constant 1 : i32
      %parallel_loop3A_1368 = arith.constant 0 : i32
      %parallel_loop3A_1369 = vector.broadcast %parallel_loop3A_1367 : i32 to vector<16xi32>
      %parallel_loop3A_1370 = vector.broadcast %parallel_loop3A_1368 : i32 to vector<16xi32>
      %parallel_loop3A_1371 = arith.select %parallel_loop3A_1355, %parallel_loop3A_1369, %parallel_loop3A_1370 : vector<16xi1>, vector<16xi32>
      %parallel_loop3A_1372 = arith.addi %parallel_loop3A_1267, %parallel_loop3A_1371 : vector<16xi32>
      %parallel_loop3A_1373 = arith.constant 1 : i32
      %parallel_loop3A_1374 = arith.constant 0 : i32
      %parallel_loop3A_1375 = vector.broadcast %parallel_loop3A_1373 : i32 to vector<16xi32>
      %parallel_loop3A_1376 = vector.broadcast %parallel_loop3A_1374 : i32 to vector<16xi32>
      %parallel_loop3A_1377 = arith.select %parallel_loop3A_1358, %parallel_loop3A_1375, %parallel_loop3A_1376 : vector<16xi1>, vector<16xi32>
      %parallel_loop3A_1378 = arith.addi %parallel_loop3A_1269, %parallel_loop3A_1377 : vector<16xi32>
      %parallel_loop3A_1379 = arith.constant 32 : i32
      %parallel_loop3A_1380 = arith.addi %parallel_loop3A_1282, %parallel_loop3A_1379 : i32
      %parallel_loop3A_1381 = arith.constant 0 : i32
      %parallel_loop3A_1382 = arith.constant 0 : i32
      %parallel_loop3A_1383 = tpu.memref_slice %arg5[%parallel_loop3A_988, %parallel_loop3A_1381, %parallel_loop3A_1382] : memref<2x8x512xf32, #tpu.memory_space<vmem>> -> memref<1x8x512xf32, #tpu.memory_space<vmem>>
      %parallel_loop3A_1384 = tpu.memref_squeeze %parallel_loop3A_1383 : memref<1x8x512xf32, #tpu.memory_space<vmem>> -> memref<8x512xf32, #tpu.memory_space<vmem>>
      %parallel_loop3A_1385 = arith.index_cast %parallel_loop3A_1279 : i32 to index
      %parallel_loop3A_1386 = arith.index_cast %parallel_loop3A_1380 : i32 to index
      %parallel_loop3A_1387 = tpu.vector_load %parallel_loop3A_1384[%parallel_loop3A_1385, %parallel_loop3A_1386] {strides = array<i32>} : memref<8x512xf32, #tpu.memory_space<vmem>>, vector<1x16xf32>,
      %parallel_loop3A_1388 = vector.shape_cast %parallel_loop3A_1387 : vector<1x16xf32> to vector<16xf32>
      %parallel_loop3A_1389 = arith.constant 32 : i32
      %parallel_loop3A_1390 = arith.addi %parallel_loop3A_1282, %parallel_loop3A_1389 : i32
      %parallel_loop3A_1391 = arith.constant 0 : i32
      %parallel_loop3A_1392 = arith.constant 0 : i32
      %parallel_loop3A_1393 = tpu.memref_slice %arg6[%parallel_loop3A_989, %parallel_loop3A_1391, %parallel_loop3A_1392] : memref<2x8x512xf32, #tpu.memory_space<vmem>> -> memref<1x8x512xf32, #tpu.memory_space<vmem>>
      %parallel_loop3A_1394 = tpu.memref_squeeze %parallel_loop3A_1393 : memref<1x8x512xf32, #tpu.memory_space<vmem>> -> memref<8x512xf32, #tpu.memory_space<vmem>>
      %parallel_loop3A_1395 = arith.index_cast %parallel_loop3A_1279 : i32 to index
      %parallel_loop3A_1396 = arith.index_cast %parallel_loop3A_1390 : i32 to index
      %parallel_loop3A_1397 = tpu.vector_load %parallel_loop3A_1394[%parallel_loop3A_1395, %parallel_loop3A_1396] {strides = array<i32>} : memref<8x512xf32, #tpu.memory_space<vmem>>, vector<1x16xf32>,
      %parallel_loop3A_1398 = vector.shape_cast %parallel_loop3A_1397 : vector<1x16xf32> to vector<16xf32>
      %parallel_loop3A_1399 = arith.subf %parallel_loop3A_1388, %parallel_loop3A_1398 : vector<16xf32>
      %parallel_loop3A_1400 = arith.mulf %parallel_loop3A_1399, %parallel_loop3A_1399 : vector<16xf32>
      %parallel_loop3A_1401 = arith.constant 0.000000e+00 : f32
      %parallel_loop3A_1402 = vector.broadcast %parallel_loop3A_1401 : f32 to vector<16xf32>
      %parallel_loop3A_1403 = arith.cmpf ogt, %parallel_loop3A_1398, %parallel_loop3A_1402 : vector<16xf32>
      %parallel_loop3A_1404 = arith.constant 0.000000e+00 : f32
      %parallel_loop3A_1405 = vector.broadcast %parallel_loop3A_1404 : f32 to vector<16xf32>
      %parallel_loop3A_1406 = arith.cmpf ogt, %parallel_loop3A_1388, %parallel_loop3A_1405 : vector<16xf32>
      %parallel_loop3A_1407 = arith.constant 0.000000e+00 : f32
      %parallel_loop3A_1408 = vector.broadcast %parallel_loop3A_1407 : f32 to vector<16xf32>
      %parallel_loop3A_1409 = arith.select %parallel_loop3A_1403, %parallel_loop3A_1400, %parallel_loop3A_1408 : vector<16xi1>, vector<16xf32>
      %parallel_loop3A_1410 = arith.addf %parallel_loop3A_1270, %parallel_loop3A_1409 : vector<16xf32>
      %parallel_loop3A_1411 = arith.constant 0.000000e+00 : f32
      %parallel_loop3A_1412 = vector.broadcast %parallel_loop3A_1411 : f32 to vector<16xf32>
      %parallel_loop3A_1413 = arith.select %parallel_loop3A_1406, %parallel_loop3A_1400, %parallel_loop3A_1412 : vector<16xi1>, vector<16xf32>
      %parallel_loop3A_1414 = arith.addf %parallel_loop3A_1272, %parallel_loop3A_1413 : vector<16xf32>
      %parallel_loop3A_1415 = arith.constant 1 : i32
      %parallel_loop3A_1416 = arith.constant 0 : i32
      %parallel_loop3A_1417 = vector.broadcast %parallel_loop3A_1415 : i32 to vector<16xi32>
      %parallel_loop3A_1418 = vector.broadcast %parallel_loop3A_1416 : i32 to vector<16xi32>
      %parallel_loop3A_1419 = arith.select %parallel_loop3A_1403, %parallel_loop3A_1417, %parallel_loop3A_1418 : vector<16xi1>, vector<16xi32>
      %parallel_loop3A_1420 = arith.addi %parallel_loop3A_1271, %parallel_loop3A_1419 : vector<16xi32>
      %parallel_loop3A_1421 = arith.constant 1 : i32
      %parallel_loop3A_1422 = arith.constant 0 : i32
      %parallel_loop3A_1423 = vector.broadcast %parallel_loop3A_1421 : i32 to vector<16xi32>
      %parallel_loop3A_1424 = vector.broadcast %parallel_loop3A_1422 : i32 to vector<16xi32>
      %parallel_loop3A_1425 = arith.select %parallel_loop3A_1406, %parallel_loop3A_1423, %parallel_loop3A_1424 : vector<16xi1>, vector<16xi32>
      %parallel_loop3A_1426 = arith.addi %parallel_loop3A_1273, %parallel_loop3A_1425 : vector<16xi32>
      %parallel_loop3A_1427 = arith.constant 48 : i32
      %parallel_loop3A_1428 = arith.addi %parallel_loop3A_1282, %parallel_loop3A_1427 : i32
      %parallel_loop3A_1429 = arith.constant 0 : i32
      %parallel_loop3A_1430 = arith.constant 0 : i32
      %parallel_loop3A_1431 = tpu.memref_slice %arg5[%parallel_loop3A_988, %parallel_loop3A_1429, %parallel_loop3A_1430] : memref<2x8x512xf32, #tpu.memory_space<vmem>> -> memref<1x8x512xf32, #tpu.memory_space<vmem>>
      %parallel_loop3A_1432 = tpu.memref_squeeze %parallel_loop3A_1431 : memref<1x8x512xf32, #tpu.memory_space<vmem>> -> memref<8x512xf32, #tpu.memory_space<vmem>>
      %parallel_loop3A_1433 = arith.index_cast %parallel_loop3A_1279 : i32 to index
      %parallel_loop3A_1434 = arith.index_cast %parallel_loop3A_1428 : i32 to index
      %parallel_loop3A_1435 = tpu.vector_load %parallel_loop3A_1432[%parallel_loop3A_1433, %parallel_loop3A_1434] {strides = array<i32>} : memref<8x512xf32, #tpu.memory_space<vmem>>, vector<1x16xf32>,
      %parallel_loop3A_1436 = vector.shape_cast %parallel_loop3A_1435 : vector<1x16xf32> to vector<16xf32>
      %parallel_loop3A_1437 = arith.constant 48 : i32
      %parallel_loop3A_1438 = arith.addi %parallel_loop3A_1282, %parallel_loop3A_1437 : i32
      %parallel_loop3A_1439 = arith.constant 0 : i32
      %parallel_loop3A_1440 = arith.constant 0 : i32
      %parallel_loop3A_1441 = tpu.memref_slice %arg6[%parallel_loop3A_989, %parallel_loop3A_1439, %parallel_loop3A_1440] : memref<2x8x512xf32, #tpu.memory_space<vmem>> -> memref<1x8x512xf32, #tpu.memory_space<vmem>>
      %parallel_loop3A_1442 = tpu.memref_squeeze %parallel_loop3A_1441 : memref<1x8x512xf32, #tpu.memory_space<vmem>> -> memref<8x512xf32, #tpu.memory_space<vmem>>
      %parallel_loop3A_1443 = arith.index_cast %parallel_loop3A_1279 : i32 to index
      %parallel_loop3A_1444 = arith.index_cast %parallel_loop3A_1438 : i32 to index
      %parallel_loop3A_1445 = tpu.vector_load %parallel_loop3A_1442[%parallel_loop3A_1443, %parallel_loop3A_1444] {strides = array<i32>} : memref<8x512xf32, #tpu.memory_space<vmem>>, vector<1x16xf32>,
      %parallel_loop3A_1446 = vector.shape_cast %parallel_loop3A_1445 : vector<1x16xf32> to vector<16xf32>
      %parallel_loop3A_1447 = arith.subf %parallel_loop3A_1436, %parallel_loop3A_1446 : vector<16xf32>
      %parallel_loop3A_1448 = arith.mulf %parallel_loop3A_1447, %parallel_loop3A_1447 : vector<16xf32>
      %parallel_loop3A_1449 = arith.constant 0.000000e+00 : f32
      %parallel_loop3A_1450 = vector.broadcast %parallel_loop3A_1449 : f32 to vector<16xf32>
      %parallel_loop3A_1451 = arith.cmpf ogt, %parallel_loop3A_1446, %parallel_loop3A_1450 : vector<16xf32>
      %parallel_loop3A_1452 = arith.constant 0.000000e+00 : f32
      %parallel_loop3A_1453 = vector.broadcast %parallel_loop3A_1452 : f32 to vector<16xf32>
      %parallel_loop3A_1454 = arith.cmpf ogt, %parallel_loop3A_1436, %parallel_loop3A_1453 : vector<16xf32>
      %parallel_loop3A_1455 = arith.constant 0.000000e+00 : f32
      %parallel_loop3A_1456 = vector.broadcast %parallel_loop3A_1455 : f32 to vector<16xf32>
      %parallel_loop3A_1457 = arith.select %parallel_loop3A_1451, %parallel_loop3A_1448, %parallel_loop3A_1456 : vector<16xi1>, vector<16xf32>
      %parallel_loop3A_1458 = arith.addf %parallel_loop3A_1274, %parallel_loop3A_1457 : vector<16xf32>
      %parallel_loop3A_1459 = arith.constant 0.000000e+00 : f32
      %parallel_loop3A_1460 = vector.broadcast %parallel_loop3A_1459 : f32 to vector<16xf32>
      %parallel_loop3A_1461 = arith.select %parallel_loop3A_1454, %parallel_loop3A_1448, %parallel_loop3A_1460 : vector<16xi1>, vector<16xf32>
      %parallel_loop3A_1462 = arith.addf %parallel_loop3A_1276, %parallel_loop3A_1461 : vector<16xf32>
      %parallel_loop3A_1463 = arith.constant 1 : i32
      %parallel_loop3A_1464 = arith.constant 0 : i32
      %parallel_loop3A_1465 = vector.broadcast %parallel_loop3A_1463 : i32 to vector<16xi32>
      %parallel_loop3A_1466 = vector.broadcast %parallel_loop3A_1464 : i32 to vector<16xi32>
      %parallel_loop3A_1467 = arith.select %parallel_loop3A_1451, %parallel_loop3A_1465, %parallel_loop3A_1466 : vector<16xi1>, vector<16xi32>
      %parallel_loop3A_1468 = arith.addi %parallel_loop3A_1275, %parallel_loop3A_1467 : vector<16xi32>
      %parallel_loop3A_1469 = arith.constant 1 : i32
      %parallel_loop3A_1470 = arith.constant 0 : i32
      %parallel_loop3A_1471 = vector.broadcast %parallel_loop3A_1469 : i32 to vector<16xi32>
      %parallel_loop3A_1472 = vector.broadcast %parallel_loop3A_1470 : i32 to vector<16xi32>
      %parallel_loop3A_1473 = arith.select %parallel_loop3A_1454, %parallel_loop3A_1471, %parallel_loop3A_1472 : vector<16xi1>, vector<16xi32>
      %parallel_loop3A_1474 = arith.addi %parallel_loop3A_1277, %parallel_loop3A_1473 : vector<16xi32>
      scf.yield %parallel_loop3A_1314, %parallel_loop3A_1324, %parallel_loop3A_1318, %parallel_loop3A_1330, %parallel_loop3A_1362, %parallel_loop3A_1372, %parallel_loop3A_1366, %parallel_loop3A_1378, %parallel_loop3A_1410, %parallel_loop3A_1420, %parallel_loop3A_1414, %parallel_loop3A_1426, %parallel_loop3A_1458, %parallel_loop3A_1468, %parallel_loop3A_1462, %parallel_loop3A_1474 : vector<16xf32>, vector<16xi32>, vector<16xf32>, vector<16xi32>, vector<16xf32>, vector<16xi32>, vector<16xf32>, vector<16xi32>, vector<16xf32>, vector<16xi32>, vector<16xf32>, vector<16xi32>, vector<16xf32>, vector<16xi32>, vector<16xf32>, vector<16xi32>
    } {sc.loop_unroll_factor = 2 : i64, sc.parallel_access}
    %add3A_991 = arith.constant 56 : i32
    %add3A_992 = arith.addi %mul3A_2, %add3A_991 : i32
    %jit3A_993 = arith.constant 512 : i32
    %div3A_994 = arith.divsi %add3A_992, %jit3A_993 : i32
    %sign3A_995 = arith.constant 0 : i32
    %sign3A_996 = arith.cmpi sgt, %add3A_992, %sign3A_995 : i32
    %sign3A_997 = arith.extui %sign3A_996 : i1 to i32
    %sign3A_998 = arith.constant 0 : i32
    %sign3A_999 = arith.cmpi slt, %add3A_992, %sign3A_998 : i32
    %sign3A_1000 = arith.extui %sign3A_999 : i1 to i32
    %sign3A_1001 = arith.subi %sign3A_997, %sign3A_1000 : i32
    %sign3A_1002 = arith.constant 0 : i32
    %sign3A_1003 = arith.cmpi sgt, %jit3A_993, %sign3A_1002 : i32
    %sign3A_1004 = arith.extui %sign3A_1003 : i1 to i32
    %sign3A_1005 = arith.constant 0 : i32
    %sign3A_1006 = arith.cmpi slt, %jit3A_993, %sign3A_1005 : i32
    %sign3A_1007 = arith.extui %sign3A_1006 : i1 to i32
    %sign3A_1008 = arith.subi %sign3A_1004, %sign3A_1007 : i32
    %ne3A_1009 = arith.cmpi ne, %sign3A_1001, %sign3A_1008 : i32
    %rem3A_1010 = arith.remsi %add3A_992, %jit3A_993 : i32
    %ne3A_1011 = arith.constant 0 : i32
    %ne3A_1012 = arith.cmpi ne, %rem3A_1010, %ne3A_1011 : i32
    %and3A_1013 = arith.andi %ne3A_1009, %ne3A_1012 : i1
    %sub3A_1014 = arith.constant 1 : i32
    %sub3A_1015 = arith.subi %div3A_994, %sub3A_1014 : i32
    %select_n3A_1016 = arith.select %and3A_1013, %sub3A_1015, %div3A_994 : i32
    %jit3A_1017 = arith.constant 512 : i32
    %eq3A_1018 = arith.constant 0 : i32
    %eq3A_1019 = arith.cmpi eq, %jit3A_1017, %eq3A_1018 : i32
    %jit3A_1020 = arith.constant 1 : i32
    %select_n3A_1021 = arith.select %eq3A_1019, %jit3A_1020, %jit3A_1017 : i32
    %rem3A_1022 = arith.remsi %add3A_992, %select_n3A_1021 : i32
    %ne3A_1023 = arith.constant 0 : i32
    %ne3A_1024 = arith.cmpi ne, %rem3A_1022, %ne3A_1023 : i32
    %lt3A_1025 = arith.constant 0 : i32
    %lt3A_1026 = arith.cmpi slt, %rem3A_1022, %lt3A_1025 : i32
    %lt3A_1027 = arith.constant 0 : i32
    %lt3A_1028 = arith.cmpi slt, %select_n3A_1021, %lt3A_1027 : i32
    %ne3A_1029 = arith.xori %lt3A_1026, %lt3A_1028 : i1
    %and3A_1030 = arith.andi %ne3A_1029, %ne3A_1024 : i1
    %add3A_1031 = arith.addi %rem3A_1022, %select_n3A_1021 : i32
    %select_n3A_1032 = arith.select %and3A_1030, %add3A_1031, %rem3A_1022 : i32
    %dma_start3A_1033 = arith.constant 0 : i32
    %dma_start3A_1034 = arith.constant 1 : i32
    %dma_start3A_1035 = arith.constant 0 : i32
    %dma_start3A_1036 = arith.constant 0 : i32
    %dma_start3A_1037 = tpu.memref_slice %arg5[%dma_start3A_1034, %dma_start3A_1035, %dma_start3A_1036] : memref<2x8x512xf32, #tpu.memory_space<vmem>> -> memref<1x8x512xf32, #tpu.memory_space<vmem>>
    %dma_start3A_1038 = tpu.memref_squeeze %dma_start3A_1037 : memref<1x8x512xf32, #tpu.memory_space<vmem>> -> memref<8x512xf32, #tpu.memory_space<vmem>>
    %dma_start3A_1039 = arith.constant 0 : i32
    %dma_start3A_1040 = tpu.memref_slice %arg2[%select_n3A_1016, %dma_start3A_1033, %select_n3A_1032, %dma_start3A_1039] : memref<16x1x512x512xf32, #tpu.memory_space<hbm>> -> memref<1x1x8x512xf32, #tpu.memory_space<hbm>>
    %dma_start3A_1041 = tpu.memref_squeeze %dma_start3A_1040 : memref<1x1x8x512xf32, #tpu.memory_space<hbm>> -> memref<8x512xf32, #tpu.memory_space<hbm>>
    %dma_start3A_1042 = arith.constant 0 : i32
    %dma_start3A_1043 = arith.constant 0 : i32
    %dma_start3A_1044 = tpu.memref_slice %arg5[%dma_start3A_1034, %dma_start3A_1042, %dma_start3A_1043] : memref<2x8x512xf32, #tpu.memory_space<vmem>> -> memref<1x8x512xf32, #tpu.memory_space<vmem>>
    %dma_start3A_1045 = tpu.memref_squeeze %dma_start3A_1044 : memref<1x8x512xf32, #tpu.memory_space<vmem>> -> memref<8x512xf32, #tpu.memory_space<vmem>>
    %dma_start3A_1046 = arith.constant 0 : i32
    %dma_start3A_1047 = tpu.memref_slice %arg2[%select_n3A_1016, %dma_start3A_1033, %select_n3A_1032, %dma_start3A_1046] : memref<16x1x512x512xf32, #tpu.memory_space<hbm>> -> memref<1x1x8x512xf32, #tpu.memory_space<hbm>>
    %dma_start3A_1048 = tpu.memref_squeeze %dma_start3A_1047 : memref<1x1x8x512xf32, #tpu.memory_space<hbm>> -> memref<8x512xf32, #tpu.memory_space<hbm>>
    tpu.enqueue_dma source(%dma_start3A_1048 : memref<8x512xf32, #tpu.memory_space<hbm>>) target(%dma_start3A_1045 : memref<8x512xf32, #tpu.memory_space<vmem>>) target_semaphore(%arg9 : memref<!tpu.dma_semaphore, #tpu.memory_space<semaphore_mem>>)
    %dma_start3A_1049 = arith.constant 0 : i32
    %dma_start3A_1050 = arith.constant 1 : i32
    %dma_start3A_1051 = arith.constant 0 : i32
    %dma_start3A_1052 = arith.constant 0 : i32
    %dma_start3A_1053 = tpu.memref_slice %arg6[%dma_start3A_1050, %dma_start3A_1051, %dma_start3A_1052] : memref<2x8x512xf32, #tpu.memory_space<vmem>> -> memref<1x8x512xf32, #tpu.memory_space<vmem>>
    %dma_start3A_1054 = tpu.memref_squeeze %dma_start3A_1053 : memref<1x8x512xf32, #tpu.memory_space<vmem>> -> memref<8x512xf32, #tpu.memory_space<vmem>>
    %dma_start3A_1055 = arith.constant 0 : i32
    %dma_start3A_1056 = tpu.memref_slice %arg3[%select_n3A_1016, %dma_start3A_1049, %select_n3A_1032, %dma_start3A_1055] : memref<16x1x512x512xf32, #tpu.memory_space<hbm>> -> memref<1x1x8x512xf32, #tpu.memory_space<hbm>>
    %dma_start3A_1057 = tpu.memref_squeeze %dma_start3A_1056 : memref<1x1x8x512xf32, #tpu.memory_space<hbm>> -> memref<8x512xf32, #tpu.memory_space<hbm>>
    %dma_start3A_1058 = arith.constant 0 : i32
    %dma_start3A_1059 = arith.constant 0 : i32
    %dma_start3A_1060 = tpu.memref_slice %arg6[%dma_start3A_1050, %dma_start3A_1058, %dma_start3A_1059] : memref<2x8x512xf32, #tpu.memory_space<vmem>> -> memref<1x8x512xf32, #tpu.memory_space<vmem>>
    %dma_start3A_1061 = tpu.memref_squeeze %dma_start3A_1060 : memref<1x8x512xf32, #tpu.memory_space<vmem>> -> memref<8x512xf32, #tpu.memory_space<vmem>>
    %dma_start3A_1062 = arith.constant 0 : i32
    %dma_start3A_1063 = tpu.memref_slice %arg3[%select_n3A_1016, %dma_start3A_1049, %select_n3A_1032, %dma_start3A_1062] : memref<16x1x512x512xf32, #tpu.memory_space<hbm>> -> memref<1x1x8x512xf32, #tpu.memory_space<hbm>>
    %dma_start3A_1064 = tpu.memref_squeeze %dma_start3A_1063 : memref<1x1x8x512xf32, #tpu.memory_space<hbm>> -> memref<8x512xf32, #tpu.memory_space<hbm>>
    tpu.enqueue_dma source(%dma_start3A_1064 : memref<8x512xf32, #tpu.memory_space<hbm>>) target(%dma_start3A_1061 : memref<8x512xf32, #tpu.memory_space<vmem>>) target_semaphore(%arg11 : memref<!tpu.dma_semaphore, #tpu.memory_space<semaphore_mem>>)
    %add3A_1065 = arith.constant 48 : i32
    %add3A_1066 = arith.addi %mul3A_2, %add3A_1065 : i32
    %jit3A_1067 = arith.constant 512 : i32
    %div3A_1068 = arith.divsi %add3A_1066, %jit3A_1067 : i32
    %sign3A_1069 = arith.constant 0 : i32
    %sign3A_1070 = arith.cmpi sgt, %add3A_1066, %sign3A_1069 : i32
    %sign3A_1071 = arith.extui %sign3A_1070 : i1 to i32
    %sign3A_1072 = arith.constant 0 : i32
    %sign3A_1073 = arith.cmpi slt, %add3A_1066, %sign3A_1072 : i32
    %sign3A_1074 = arith.extui %sign3A_1073 : i1 to i32
    %sign3A_1075 = arith.subi %sign3A_1071, %sign3A_1074 : i32
    %sign3A_1076 = arith.constant 0 : i32
    %sign3A_1077 = arith.cmpi sgt, %jit3A_1067, %sign3A_1076 : i32
    %sign3A_1078 = arith.extui %sign3A_1077 : i1 to i32
    %sign3A_1079 = arith.constant 0 : i32
    %sign3A_1080 = arith.cmpi slt, %jit3A_1067, %sign3A_1079 : i32
    %sign3A_1081 = arith.extui %sign3A_1080 : i1 to i32
    %sign3A_1082 = arith.subi %sign3A_1078, %sign3A_1081 : i32
    %ne3A_1083 = arith.cmpi ne, %sign3A_1075, %sign3A_1082 : i32
    %rem3A_1084 = arith.remsi %add3A_1066, %jit3A_1067 : i32
    %ne3A_1085 = arith.constant 0 : i32
    %ne3A_1086 = arith.cmpi ne, %rem3A_1084, %ne3A_1085 : i32
    %and3A_1087 = arith.andi %ne3A_1083, %ne3A_1086 : i1
    %sub3A_1088 = arith.constant 1 : i32
    %sub3A_1089 = arith.subi %div3A_1068, %sub3A_1088 : i32
    %select_n3A_1090 = arith.select %and3A_1087, %sub3A_1089, %div3A_1068 : i32
    %jit3A_1091 = arith.constant 512 : i32
    %eq3A_1092 = arith.constant 0 : i32
    %eq3A_1093 = arith.cmpi eq, %jit3A_1091, %eq3A_1092 : i32
    %jit3A_1094 = arith.constant 1 : i32
    %select_n3A_1095 = arith.select %eq3A_1093, %jit3A_1094, %jit3A_1091 : i32
    %rem3A_1096 = arith.remsi %add3A_1066, %select_n3A_1095 : i32
    %ne3A_1097 = arith.constant 0 : i32
    %ne3A_1098 = arith.cmpi ne, %rem3A_1096, %ne3A_1097 : i32
    %lt3A_1099 = arith.constant 0 : i32
    %lt3A_1100 = arith.cmpi slt, %rem3A_1096, %lt3A_1099 : i32
    %lt3A_1101 = arith.constant 0 : i32
    %lt3A_1102 = arith.cmpi slt, %select_n3A_1095, %lt3A_1101 : i32
    %ne3A_1103 = arith.xori %lt3A_1100, %lt3A_1102 : i1
    %and3A_1104 = arith.andi %ne3A_1103, %ne3A_1098 : i1
    %add3A_1105 = arith.addi %rem3A_1096, %select_n3A_1095 : i32
    %select_n3A_1106 = arith.select %and3A_1104, %add3A_1105, %rem3A_1096 : i32
    %dma_wait3A_1107 = arith.constant 0 : i32
    %dma_wait3A_1108 = arith.constant 0 : i32
    %dma_wait3A_1109 = arith.constant 0 : i32
    %dma_wait3A_1110 = arith.constant 0 : i32
    %dma_wait3A_1111 = tpu.memref_slice %arg5[%dma_wait3A_1108, %dma_wait3A_1109, %dma_wait3A_1110] : memref<2x8x512xf32, #tpu.memory_space<vmem>> -> memref<1x8x512xf32, #tpu.memory_space<vmem>>
    %dma_wait3A_1112 = tpu.memref_squeeze %dma_wait3A_1111 : memref<1x8x512xf32, #tpu.memory_space<vmem>> -> memref<8x512xf32, #tpu.memory_space<vmem>>
    %dma_wait3A_1113 = arith.constant 0 : i32
    %dma_wait3A_1114 = tpu.memref_slice %arg2[%select_n3A_1090, %dma_wait3A_1107, %select_n3A_1106, %dma_wait3A_1113] : memref<16x1x512x512xf32, #tpu.memory_space<hbm>> -> memref<1x1x8x512xf32, #tpu.memory_space<hbm>>
    %dma_wait3A_1115 = tpu.memref_squeeze %dma_wait3A_1114 : memref<1x1x8x512xf32, #tpu.memory_space<hbm>> -> memref<8x512xf32, #tpu.memory_space<hbm>>
    %dma_wait3A_1116 = arith.constant 0 : i32
    %dma_wait3A_1117 = arith.constant 0 : i32
    %dma_wait3A_1118 = tpu.memref_slice %arg5[%dma_wait3A_1108, %dma_wait3A_1116, %dma_wait3A_1117] : memref<2x8x512xf32, #tpu.memory_space<vmem>> -> memref<1x8x512xf32, #tpu.memory_space<vmem>>
    %dma_wait3A_1119 = tpu.memref_squeeze %dma_wait3A_1118 : memref<1x8x512xf32, #tpu.memory_space<vmem>> -> memref<8x512xf32, #tpu.memory_space<vmem>>
    %dma_wait3A_1120 = arith.constant 0 : i32
    %dma_wait3A_1121 = tpu.memref_slice %arg2[%select_n3A_1090, %dma_wait3A_1107, %select_n3A_1106, %dma_wait3A_1120] : memref<16x1x512x512xf32, #tpu.memory_space<hbm>> -> memref<1x1x8x512xf32, #tpu.memory_space<hbm>>
    %dma_wait3A_1122 = tpu.memref_squeeze %dma_wait3A_1121 : memref<1x1x8x512xf32, #tpu.memory_space<hbm>> -> memref<8x512xf32, #tpu.memory_space<hbm>>
    tpu.wait_dma2 semaphore(%arg8 : memref<!tpu.dma_semaphore, #tpu.memory_space<semaphore_mem>>) src(%dma_wait3A_1122 : memref<8x512xf32, #tpu.memory_space<hbm>>) dst(%dma_wait3A_1119 : memref<8x512xf32, #tpu.memory_space<vmem>>)
    %dma_wait3A_1123 = arith.constant 0 : i32
    %dma_wait3A_1124 = arith.constant 0 : i32
    %dma_wait3A_1125 = arith.constant 0 : i32
    %dma_wait3A_1126 = arith.constant 0 : i32
    %dma_wait3A_1127 = tpu.memref_slice %arg6[%dma_wait3A_1124, %dma_wait3A_1125, %dma_wait3A_1126] : memref<2x8x512xf32, #tpu.memory_space<vmem>> -> memref<1x8x512xf32, #tpu.memory_space<vmem>>
    %dma_wait3A_1128 = tpu.memref_squeeze %dma_wait3A_1127 : memref<1x8x512xf32, #tpu.memory_space<vmem>> -> memref<8x512xf32, #tpu.memory_space<vmem>>
    %dma_wait3A_1129 = arith.constant 0 : i32
    %dma_wait3A_1130 = tpu.memref_slice %arg3[%select_n3A_1090, %dma_wait3A_1123, %select_n3A_1106, %dma_wait3A_1129] : memref<16x1x512x512xf32, #tpu.memory_space<hbm>> -> memref<1x1x8x512xf32, #tpu.memory_space<hbm>>
    %dma_wait3A_1131 = tpu.memref_squeeze %dma_wait3A_1130 : memref<1x1x8x512xf32, #tpu.memory_space<hbm>> -> memref<8x512xf32, #tpu.memory_space<hbm>>
    %dma_wait3A_1132 = arith.constant 0 : i32
    %dma_wait3A_1133 = arith.constant 0 : i32
    %dma_wait3A_1134 = tpu.memref_slice %arg6[%dma_wait3A_1124, %dma_wait3A_1132, %dma_wait3A_1133] : memref<2x8x512xf32, #tpu.memory_space<vmem>> -> memref<1x8x512xf32, #tpu.memory_space<vmem>>
    %dma_wait3A_1135 = tpu.memref_squeeze %dma_wait3A_1134 : memref<1x8x512xf32, #tpu.memory_space<vmem>> -> memref<8x512xf32, #tpu.memory_space<vmem>>
    %dma_wait3A_1136 = arith.constant 0 : i32
    %dma_wait3A_1137 = tpu.memref_slice %arg3[%select_n3A_1090, %dma_wait3A_1123, %select_n3A_1106, %dma_wait3A_1136] : memref<16x1x512x512xf32, #tpu.memory_space<hbm>> -> memref<1x1x8x512xf32, #tpu.memory_space<hbm>>
    %dma_wait3A_1138 = tpu.memref_squeeze %dma_wait3A_1137 : memref<1x1x8x512xf32, #tpu.memory_space<hbm>> -> memref<8x512xf32, #tpu.memory_space<hbm>>
    tpu.wait_dma2 semaphore(%arg10 : memref<!tpu.dma_semaphore, #tpu.memory_space<semaphore_mem>>) src(%dma_wait3A_1138 : memref<8x512xf32, #tpu.memory_space<hbm>>) dst(%dma_wait3A_1135 : memref<8x512xf32, #tpu.memory_space<vmem>>)
    %parallel_loop3A_1139 = arith.constant 0 : i32
    %parallel_loop3A_1140 = arith.constant 4096 : i32
    %parallel_loop3A_1141 = arith.constant 64 : i32
    %parallel_loop3A_1142 = arith.constant 0 : i32
    %parallel_loop3A_1143 = arith.constant 0 : i32
    %parallel_loop3A_1144:16 = scf.for %parallel_loop3A_1261 = %parallel_loop3A_1139 to %parallel_loop3A_1140 step %parallel_loop3A_1141 iter_args(%parallel_loop3A_1262 = %parallel_loop3A_990#0, %parallel_loop3A_1263 = %parallel_loop3A_990#1, %parallel_loop3A_1264 = %parallel_loop3A_990#2, %parallel_loop3A_1265 = %parallel_loop3A_990#3, %parallel_loop3A_1266 = %parallel_loop3A_990#4, %parallel_loop3A_1267 = %parallel_loop3A_990#5, %parallel_loop3A_1268 = %parallel_loop3A_990#6, %parallel_loop3A_1269 = %parallel_loop3A_990#7, %parallel_loop3A_1270 = %parallel_loop3A_990#8, %parallel_loop3A_1271 = %parallel_loop3A_990#9, %parallel_loop3A_1272 = %parallel_loop3A_990#10, %parallel_loop3A_1273 = %parallel_loop3A_990#11, %parallel_loop3A_1274 = %parallel_loop3A_990#12, %parallel_loop3A_1275 = %parallel_loop3A_990#13, %parallel_loop3A_1276 = %parallel_loop3A_990#14, %parallel_loop3A_1277 = %parallel_loop3A_990#15) -> (vector<16xf32>, vector<16xi32>, vector<16xf32>, vector<16xi32>, vector<16xf32>, vector<16xi32>, vector<16xf32>, vector<16xi32>, vector<16xf32>, vector<16xi32>, vector<16xf32>, vector<16xi32>, vector<16xf32>, vector<16xi32>, vector<16xf32>, vector<16xi32>)  : i32 {
      %parallel_loop3A_1278 = arith.constant 9 : i32
      %parallel_loop3A_1279 = arith.shrui %parallel_loop3A_1261, %parallel_loop3A_1278 : i32
      %parallel_loop3A_1280 = arith.constant 511 : i32
      %parallel_loop3A_1281 = arith.andi %parallel_loop3A_1261, %parallel_loop3A_1280 : i32
      %parallel_loop3A_1282 = tpu.assume_multiple %parallel_loop3A_1281, 64 : i32
      %parallel_loop3A_1283 = arith.constant 0 : i32
      %parallel_loop3A_1284 = arith.addi %parallel_loop3A_1282, %parallel_loop3A_1283 : i32
      %parallel_loop3A_1285 = arith.constant 0 : i32
      %parallel_loop3A_1286 = arith.constant 0 : i32
      %parallel_loop3A_1287 = tpu.memref_slice %arg5[%parallel_loop3A_1142, %parallel_loop3A_1285, %parallel_loop3A_1286] : memref<2x8x512xf32, #tpu.memory_space<vmem>> -> memref<1x8x512xf32, #tpu.memory_space<vmem>>
      %parallel_loop3A_1288 = tpu.memref_squeeze %parallel_loop3A_1287 : memref<1x8x512xf32, #tpu.memory_space<vmem>> -> memref<8x512xf32, #tpu.memory_space<vmem>>
      %parallel_loop3A_1289 = arith.index_cast %parallel_loop3A_1279 : i32 to index
      %parallel_loop3A_1290 = arith.index_cast %parallel_loop3A_1284 : i32 to index
      %parallel_loop3A_1291 = tpu.vector_load %parallel_loop3A_1288[%parallel_loop3A_1289, %parallel_loop3A_1290] {strides = array<i32>} : memref<8x512xf32, #tpu.memory_space<vmem>>, vector<1x16xf32>,
      %parallel_loop3A_1292 = vector.shape_cast %parallel_loop3A_1291 : vector<1x16xf32> to vector<16xf32>
      %parallel_loop3A_1293 = arith.constant 0 : i32
      %parallel_loop3A_1294 = arith.addi %parallel_loop3A_1282, %parallel_loop3A_1293 : i32
      %parallel_loop3A_1295 = arith.constant 0 : i32
      %parallel_loop3A_1296 = arith.constant 0 : i32
      %parallel_loop3A_1297 = tpu.memref_slice %arg6[%parallel_loop3A_1143, %parallel_loop3A_1295, %parallel_loop3A_1296] : memref<2x8x512xf32, #tpu.memory_space<vmem>> -> memref<1x8x512xf32, #tpu.memory_space<vmem>>
      %parallel_loop3A_1298 = tpu.memref_squeeze %parallel_loop3A_1297 : memref<1x8x512xf32, #tpu.memory_space<vmem>> -> memref<8x512xf32, #tpu.memory_space<vmem>>
      %parallel_loop3A_1299 = arith.index_cast %parallel_loop3A_1279 : i32 to index
      %parallel_loop3A_1300 = arith.index_cast %parallel_loop3A_1294 : i32 to index
      %parallel_loop3A_1301 = tpu.vector_load %parallel_loop3A_1298[%parallel_loop3A_1299, %parallel_loop3A_1300] {strides = array<i32>} : memref<8x512xf32, #tpu.memory_space<vmem>>, vector<1x16xf32>,
      %parallel_loop3A_1302 = vector.shape_cast %parallel_loop3A_1301 : vector<1x16xf32> to vector<16xf32>
      %parallel_loop3A_1303 = arith.subf %parallel_loop3A_1292, %parallel_loop3A_1302 : vector<16xf32>
      %parallel_loop3A_1304 = arith.mulf %parallel_loop3A_1303, %parallel_loop3A_1303 : vector<16xf32>
      %parallel_loop3A_1305 = arith.constant 0.000000e+00 : f32
      %parallel_loop3A_1306 = vector.broadcast %parallel_loop3A_1305 : f32 to vector<16xf32>
      %parallel_loop3A_1307 = arith.cmpf ogt, %parallel_loop3A_1302, %parallel_loop3A_1306 : vector<16xf32>
      %parallel_loop3A_1308 = arith.constant 0.000000e+00 : f32
      %parallel_loop3A_1309 = vector.broadcast %parallel_loop3A_1308 : f32 to vector<16xf32>
      %parallel_loop3A_1310 = arith.cmpf ogt, %parallel_loop3A_1292, %parallel_loop3A_1309 : vector<16xf32>
      %parallel_loop3A_1311 = arith.constant 0.000000e+00 : f32
      %parallel_loop3A_1312 = vector.broadcast %parallel_loop3A_1311 : f32 to vector<16xf32>
      %parallel_loop3A_1313 = arith.select %parallel_loop3A_1307, %parallel_loop3A_1304, %parallel_loop3A_1312 : vector<16xi1>, vector<16xf32>
      %parallel_loop3A_1314 = arith.addf %parallel_loop3A_1262, %parallel_loop3A_1313 : vector<16xf32>
      %parallel_loop3A_1315 = arith.constant 0.000000e+00 : f32
      %parallel_loop3A_1316 = vector.broadcast %parallel_loop3A_1315 : f32 to vector<16xf32>
      %parallel_loop3A_1317 = arith.select %parallel_loop3A_1310, %parallel_loop3A_1304, %parallel_loop3A_1316 : vector<16xi1>, vector<16xf32>
      %parallel_loop3A_1318 = arith.addf %parallel_loop3A_1264, %parallel_loop3A_1317 : vector<16xf32>
      %parallel_loop3A_1319 = arith.constant 1 : i32
      %parallel_loop3A_1320 = arith.constant 0 : i32
      %parallel_loop3A_1321 = vector.broadcast %parallel_loop3A_1319 : i32 to vector<16xi32>
      %parallel_loop3A_1322 = vector.broadcast %parallel_loop3A_1320 : i32 to vector<16xi32>
      %parallel_loop3A_1323 = arith.select %parallel_loop3A_1307, %parallel_loop3A_1321, %parallel_loop3A_1322 : vector<16xi1>, vector<16xi32>
      %parallel_loop3A_1324 = arith.addi %parallel_loop3A_1263, %parallel_loop3A_1323 : vector<16xi32>
      %parallel_loop3A_1325 = arith.constant 1 : i32
      %parallel_loop3A_1326 = arith.constant 0 : i32
      %parallel_loop3A_1327 = vector.broadcast %parallel_loop3A_1325 : i32 to vector<16xi32>
      %parallel_loop3A_1328 = vector.broadcast %parallel_loop3A_1326 : i32 to vector<16xi32>
      %parallel_loop3A_1329 = arith.select %parallel_loop3A_1310, %parallel_loop3A_1327, %parallel_loop3A_1328 : vector<16xi1>, vector<16xi32>
      %parallel_loop3A_1330 = arith.addi %parallel_loop3A_1265, %parallel_loop3A_1329 : vector<16xi32>
      %parallel_loop3A_1331 = arith.constant 16 : i32
      %parallel_loop3A_1332 = arith.addi %parallel_loop3A_1282, %parallel_loop3A_1331 : i32
      %parallel_loop3A_1333 = arith.constant 0 : i32
      %parallel_loop3A_1334 = arith.constant 0 : i32
      %parallel_loop3A_1335 = tpu.memref_slice %arg5[%parallel_loop3A_1142, %parallel_loop3A_1333, %parallel_loop3A_1334] : memref<2x8x512xf32, #tpu.memory_space<vmem>> -> memref<1x8x512xf32, #tpu.memory_space<vmem>>
      %parallel_loop3A_1336 = tpu.memref_squeeze %parallel_loop3A_1335 : memref<1x8x512xf32, #tpu.memory_space<vmem>> -> memref<8x512xf32, #tpu.memory_space<vmem>>
      %parallel_loop3A_1337 = arith.index_cast %parallel_loop3A_1279 : i32 to index
      %parallel_loop3A_1338 = arith.index_cast %parallel_loop3A_1332 : i32 to index
      %parallel_loop3A_1339 = tpu.vector_load %parallel_loop3A_1336[%parallel_loop3A_1337, %parallel_loop3A_1338] {strides = array<i32>} : memref<8x512xf32, #tpu.memory_space<vmem>>, vector<1x16xf32>,
      %parallel_loop3A_1340 = vector.shape_cast %parallel_loop3A_1339 : vector<1x16xf32> to vector<16xf32>
      %parallel_loop3A_1341 = arith.constant 16 : i32
      %parallel_loop3A_1342 = arith.addi %parallel_loop3A_1282, %parallel_loop3A_1341 : i32
      %parallel_loop3A_1343 = arith.constant 0 : i32
      %parallel_loop3A_1344 = arith.constant 0 : i32
      %parallel_loop3A_1345 = tpu.memref_slice %arg6[%parallel_loop3A_1143, %parallel_loop3A_1343, %parallel_loop3A_1344] : memref<2x8x512xf32, #tpu.memory_space<vmem>> -> memref<1x8x512xf32, #tpu.memory_space<vmem>>
      %parallel_loop3A_1346 = tpu.memref_squeeze %parallel_loop3A_1345 : memref<1x8x512xf32, #tpu.memory_space<vmem>> -> memref<8x512xf32, #tpu.memory_space<vmem>>
      %parallel_loop3A_1347 = arith.index_cast %parallel_loop3A_1279 : i32 to index
      %parallel_loop3A_1348 = arith.index_cast %parallel_loop3A_1342 : i32 to index
      %parallel_loop3A_1349 = tpu.vector_load %parallel_loop3A_1346[%parallel_loop3A_1347, %parallel_loop3A_1348] {strides = array<i32>} : memref<8x512xf32, #tpu.memory_space<vmem>>, vector<1x16xf32>,
      %parallel_loop3A_1350 = vector.shape_cast %parallel_loop3A_1349 : vector<1x16xf32> to vector<16xf32>
      %parallel_loop3A_1351 = arith.subf %parallel_loop3A_1340, %parallel_loop3A_1350 : vector<16xf32>
      %parallel_loop3A_1352 = arith.mulf %parallel_loop3A_1351, %parallel_loop3A_1351 : vector<16xf32>
      %parallel_loop3A_1353 = arith.constant 0.000000e+00 : f32
      %parallel_loop3A_1354 = vector.broadcast %parallel_loop3A_1353 : f32 to vector<16xf32>
      %parallel_loop3A_1355 = arith.cmpf ogt, %parallel_loop3A_1350, %parallel_loop3A_1354 : vector<16xf32>
      %parallel_loop3A_1356 = arith.constant 0.000000e+00 : f32
      %parallel_loop3A_1357 = vector.broadcast %parallel_loop3A_1356 : f32 to vector<16xf32>
      %parallel_loop3A_1358 = arith.cmpf ogt, %parallel_loop3A_1340, %parallel_loop3A_1357 : vector<16xf32>
      %parallel_loop3A_1359 = arith.constant 0.000000e+00 : f32
      %parallel_loop3A_1360 = vector.broadcast %parallel_loop3A_1359 : f32 to vector<16xf32>
      %parallel_loop3A_1361 = arith.select %parallel_loop3A_1355, %parallel_loop3A_1352, %parallel_loop3A_1360 : vector<16xi1>, vector<16xf32>
      %parallel_loop3A_1362 = arith.addf %parallel_loop3A_1266, %parallel_loop3A_1361 : vector<16xf32>
      %parallel_loop3A_1363 = arith.constant 0.000000e+00 : f32
      %parallel_loop3A_1364 = vector.broadcast %parallel_loop3A_1363 : f32 to vector<16xf32>
      %parallel_loop3A_1365 = arith.select %parallel_loop3A_1358, %parallel_loop3A_1352, %parallel_loop3A_1364 : vector<16xi1>, vector<16xf32>
      %parallel_loop3A_1366 = arith.addf %parallel_loop3A_1268, %parallel_loop3A_1365 : vector<16xf32>
      %parallel_loop3A_1367 = arith.constant 1 : i32
      %parallel_loop3A_1368 = arith.constant 0 : i32
      %parallel_loop3A_1369 = vector.broadcast %parallel_loop3A_1367 : i32 to vector<16xi32>
      %parallel_loop3A_1370 = vector.broadcast %parallel_loop3A_1368 : i32 to vector<16xi32>
      %parallel_loop3A_1371 = arith.select %parallel_loop3A_1355, %parallel_loop3A_1369, %parallel_loop3A_1370 : vector<16xi1>, vector<16xi32>
      %parallel_loop3A_1372 = arith.addi %parallel_loop3A_1267, %parallel_loop3A_1371 : vector<16xi32>
      %parallel_loop3A_1373 = arith.constant 1 : i32
      %parallel_loop3A_1374 = arith.constant 0 : i32
      %parallel_loop3A_1375 = vector.broadcast %parallel_loop3A_1373 : i32 to vector<16xi32>
      %parallel_loop3A_1376 = vector.broadcast %parallel_loop3A_1374 : i32 to vector<16xi32>
      %parallel_loop3A_1377 = arith.select %parallel_loop3A_1358, %parallel_loop3A_1375, %parallel_loop3A_1376 : vector<16xi1>, vector<16xi32>
      %parallel_loop3A_1378 = arith.addi %parallel_loop3A_1269, %parallel_loop3A_1377 : vector<16xi32>
      %parallel_loop3A_1379 = arith.constant 32 : i32
      %parallel_loop3A_1380 = arith.addi %parallel_loop3A_1282, %parallel_loop3A_1379 : i32
      %parallel_loop3A_1381 = arith.constant 0 : i32
      %parallel_loop3A_1382 = arith.constant 0 : i32
      %parallel_loop3A_1383 = tpu.memref_slice %arg5[%parallel_loop3A_1142, %parallel_loop3A_1381, %parallel_loop3A_1382] : memref<2x8x512xf32, #tpu.memory_space<vmem>> -> memref<1x8x512xf32, #tpu.memory_space<vmem>>
      %parallel_loop3A_1384 = tpu.memref_squeeze %parallel_loop3A_1383 : memref<1x8x512xf32, #tpu.memory_space<vmem>> -> memref<8x512xf32, #tpu.memory_space<vmem>>
      %parallel_loop3A_1385 = arith.index_cast %parallel_loop3A_1279 : i32 to index
      %parallel_loop3A_1386 = arith.index_cast %parallel_loop3A_1380 : i32 to index
      %parallel_loop3A_1387 = tpu.vector_load %parallel_loop3A_1384[%parallel_loop3A_1385, %parallel_loop3A_1386] {strides = array<i32>} : memref<8x512xf32, #tpu.memory_space<vmem>>, vector<1x16xf32>,
      %parallel_loop3A_1388 = vector.shape_cast %parallel_loop3A_1387 : vector<1x16xf32> to vector<16xf32>
      %parallel_loop3A_1389 = arith.constant 32 : i32
      %parallel_loop3A_1390 = arith.addi %parallel_loop3A_1282, %parallel_loop3A_1389 : i32
      %parallel_loop3A_1391 = arith.constant 0 : i32
      %parallel_loop3A_1392 = arith.constant 0 : i32
      %parallel_loop3A_1393 = tpu.memref_slice %arg6[%parallel_loop3A_1143, %parallel_loop3A_1391, %parallel_loop3A_1392] : memref<2x8x512xf32, #tpu.memory_space<vmem>> -> memref<1x8x512xf32, #tpu.memory_space<vmem>>
      %parallel_loop3A_1394 = tpu.memref_squeeze %parallel_loop3A_1393 : memref<1x8x512xf32, #tpu.memory_space<vmem>> -> memref<8x512xf32, #tpu.memory_space<vmem>>
      %parallel_loop3A_1395 = arith.index_cast %parallel_loop3A_1279 : i32 to index
      %parallel_loop3A_1396 = arith.index_cast %parallel_loop3A_1390 : i32 to index
      %parallel_loop3A_1397 = tpu.vector_load %parallel_loop3A_1394[%parallel_loop3A_1395, %parallel_loop3A_1396] {strides = array<i32>} : memref<8x512xf32, #tpu.memory_space<vmem>>, vector<1x16xf32>,
      %parallel_loop3A_1398 = vector.shape_cast %parallel_loop3A_1397 : vector<1x16xf32> to vector<16xf32>
      %parallel_loop3A_1399 = arith.subf %parallel_loop3A_1388, %parallel_loop3A_1398 : vector<16xf32>
      %parallel_loop3A_1400 = arith.mulf %parallel_loop3A_1399, %parallel_loop3A_1399 : vector<16xf32>
      %parallel_loop3A_1401 = arith.constant 0.000000e+00 : f32
      %parallel_loop3A_1402 = vector.broadcast %parallel_loop3A_1401 : f32 to vector<16xf32>
      %parallel_loop3A_1403 = arith.cmpf ogt, %parallel_loop3A_1398, %parallel_loop3A_1402 : vector<16xf32>
      %parallel_loop3A_1404 = arith.constant 0.000000e+00 : f32
      %parallel_loop3A_1405 = vector.broadcast %parallel_loop3A_1404 : f32 to vector<16xf32>
      %parallel_loop3A_1406 = arith.cmpf ogt, %parallel_loop3A_1388, %parallel_loop3A_1405 : vector<16xf32>
      %parallel_loop3A_1407 = arith.constant 0.000000e+00 : f32
      %parallel_loop3A_1408 = vector.broadcast %parallel_loop3A_1407 : f32 to vector<16xf32>
      %parallel_loop3A_1409 = arith.select %parallel_loop3A_1403, %parallel_loop3A_1400, %parallel_loop3A_1408 : vector<16xi1>, vector<16xf32>
      %parallel_loop3A_1410 = arith.addf %parallel_loop3A_1270, %parallel_loop3A_1409 : vector<16xf32>
      %parallel_loop3A_1411 = arith.constant 0.000000e+00 : f32
      %parallel_loop3A_1412 = vector.broadcast %parallel_loop3A_1411 : f32 to vector<16xf32>
      %parallel_loop3A_1413 = arith.select %parallel_loop3A_1406, %parallel_loop3A_1400, %parallel_loop3A_1412 : vector<16xi1>, vector<16xf32>
      %parallel_loop3A_1414 = arith.addf %parallel_loop3A_1272, %parallel_loop3A_1413 : vector<16xf32>
      %parallel_loop3A_1415 = arith.constant 1 : i32
      %parallel_loop3A_1416 = arith.constant 0 : i32
      %parallel_loop3A_1417 = vector.broadcast %parallel_loop3A_1415 : i32 to vector<16xi32>
      %parallel_loop3A_1418 = vector.broadcast %parallel_loop3A_1416 : i32 to vector<16xi32>
      %parallel_loop3A_1419 = arith.select %parallel_loop3A_1403, %parallel_loop3A_1417, %parallel_loop3A_1418 : vector<16xi1>, vector<16xi32>
      %parallel_loop3A_1420 = arith.addi %parallel_loop3A_1271, %parallel_loop3A_1419 : vector<16xi32>
      %parallel_loop3A_1421 = arith.constant 1 : i32
      %parallel_loop3A_1422 = arith.constant 0 : i32
      %parallel_loop3A_1423 = vector.broadcast %parallel_loop3A_1421 : i32 to vector<16xi32>
      %parallel_loop3A_1424 = vector.broadcast %parallel_loop3A_1422 : i32 to vector<16xi32>
      %parallel_loop3A_1425 = arith.select %parallel_loop3A_1406, %parallel_loop3A_1423, %parallel_loop3A_1424 : vector<16xi1>, vector<16xi32>
      %parallel_loop3A_1426 = arith.addi %parallel_loop3A_1273, %parallel_loop3A_1425 : vector<16xi32>
      %parallel_loop3A_1427 = arith.constant 48 : i32
      %parallel_loop3A_1428 = arith.addi %parallel_loop3A_1282, %parallel_loop3A_1427 : i32
      %parallel_loop3A_1429 = arith.constant 0 : i32
      %parallel_loop3A_1430 = arith.constant 0 : i32
      %parallel_loop3A_1431 = tpu.memref_slice %arg5[%parallel_loop3A_1142, %parallel_loop3A_1429, %parallel_loop3A_1430] : memref<2x8x512xf32, #tpu.memory_space<vmem>> -> memref<1x8x512xf32, #tpu.memory_space<vmem>>
      %parallel_loop3A_1432 = tpu.memref_squeeze %parallel_loop3A_1431 : memref<1x8x512xf32, #tpu.memory_space<vmem>> -> memref<8x512xf32, #tpu.memory_space<vmem>>
      %parallel_loop3A_1433 = arith.index_cast %parallel_loop3A_1279 : i32 to index
      %parallel_loop3A_1434 = arith.index_cast %parallel_loop3A_1428 : i32 to index
      %parallel_loop3A_1435 = tpu.vector_load %parallel_loop3A_1432[%parallel_loop3A_1433, %parallel_loop3A_1434] {strides = array<i32>} : memref<8x512xf32, #tpu.memory_space<vmem>>, vector<1x16xf32>,
      %parallel_loop3A_1436 = vector.shape_cast %parallel_loop3A_1435 : vector<1x16xf32> to vector<16xf32>
      %parallel_loop3A_1437 = arith.constant 48 : i32
      %parallel_loop3A_1438 = arith.addi %parallel_loop3A_1282, %parallel_loop3A_1437 : i32
      %parallel_loop3A_1439 = arith.constant 0 : i32
      %parallel_loop3A_1440 = arith.constant 0 : i32
      %parallel_loop3A_1441 = tpu.memref_slice %arg6[%parallel_loop3A_1143, %parallel_loop3A_1439, %parallel_loop3A_1440] : memref<2x8x512xf32, #tpu.memory_space<vmem>> -> memref<1x8x512xf32, #tpu.memory_space<vmem>>
      %parallel_loop3A_1442 = tpu.memref_squeeze %parallel_loop3A_1441 : memref<1x8x512xf32, #tpu.memory_space<vmem>> -> memref<8x512xf32, #tpu.memory_space<vmem>>
      %parallel_loop3A_1443 = arith.index_cast %parallel_loop3A_1279 : i32 to index
      %parallel_loop3A_1444 = arith.index_cast %parallel_loop3A_1438 : i32 to index
      %parallel_loop3A_1445 = tpu.vector_load %parallel_loop3A_1442[%parallel_loop3A_1443, %parallel_loop3A_1444] {strides = array<i32>} : memref<8x512xf32, #tpu.memory_space<vmem>>, vector<1x16xf32>,
      %parallel_loop3A_1446 = vector.shape_cast %parallel_loop3A_1445 : vector<1x16xf32> to vector<16xf32>
      %parallel_loop3A_1447 = arith.subf %parallel_loop3A_1436, %parallel_loop3A_1446 : vector<16xf32>
      %parallel_loop3A_1448 = arith.mulf %parallel_loop3A_1447, %parallel_loop3A_1447 : vector<16xf32>
      %parallel_loop3A_1449 = arith.constant 0.000000e+00 : f32
      %parallel_loop3A_1450 = vector.broadcast %parallel_loop3A_1449 : f32 to vector<16xf32>
      %parallel_loop3A_1451 = arith.cmpf ogt, %parallel_loop3A_1446, %parallel_loop3A_1450 : vector<16xf32>
      %parallel_loop3A_1452 = arith.constant 0.000000e+00 : f32
      %parallel_loop3A_1453 = vector.broadcast %parallel_loop3A_1452 : f32 to vector<16xf32>
      %parallel_loop3A_1454 = arith.cmpf ogt, %parallel_loop3A_1436, %parallel_loop3A_1453 : vector<16xf32>
      %parallel_loop3A_1455 = arith.constant 0.000000e+00 : f32
      %parallel_loop3A_1456 = vector.broadcast %parallel_loop3A_1455 : f32 to vector<16xf32>
      %parallel_loop3A_1457 = arith.select %parallel_loop3A_1451, %parallel_loop3A_1448, %parallel_loop3A_1456 : vector<16xi1>, vector<16xf32>
      %parallel_loop3A_1458 = arith.addf %parallel_loop3A_1274, %parallel_loop3A_1457 : vector<16xf32>
      %parallel_loop3A_1459 = arith.constant 0.000000e+00 : f32
      %parallel_loop3A_1460 = vector.broadcast %parallel_loop3A_1459 : f32 to vector<16xf32>
      %parallel_loop3A_1461 = arith.select %parallel_loop3A_1454, %parallel_loop3A_1448, %parallel_loop3A_1460 : vector<16xi1>, vector<16xf32>
      %parallel_loop3A_1462 = arith.addf %parallel_loop3A_1276, %parallel_loop3A_1461 : vector<16xf32>
      %parallel_loop3A_1463 = arith.constant 1 : i32
      %parallel_loop3A_1464 = arith.constant 0 : i32
      %parallel_loop3A_1465 = vector.broadcast %parallel_loop3A_1463 : i32 to vector<16xi32>
      %parallel_loop3A_1466 = vector.broadcast %parallel_loop3A_1464 : i32 to vector<16xi32>
      %parallel_loop3A_1467 = arith.select %parallel_loop3A_1451, %parallel_loop3A_1465, %parallel_loop3A_1466 : vector<16xi1>, vector<16xi32>
      %parallel_loop3A_1468 = arith.addi %parallel_loop3A_1275, %parallel_loop3A_1467 : vector<16xi32>
      %parallel_loop3A_1469 = arith.constant 1 : i32
      %parallel_loop3A_1470 = arith.constant 0 : i32
      %parallel_loop3A_1471 = vector.broadcast %parallel_loop3A_1469 : i32 to vector<16xi32>
      %parallel_loop3A_1472 = vector.broadcast %parallel_loop3A_1470 : i32 to vector<16xi32>
      %parallel_loop3A_1473 = arith.select %parallel_loop3A_1454, %parallel_loop3A_1471, %parallel_loop3A_1472 : vector<16xi1>, vector<16xi32>
      %parallel_loop3A_1474 = arith.addi %parallel_loop3A_1277, %parallel_loop3A_1473 : vector<16xi32>
      scf.yield %parallel_loop3A_1314, %parallel_loop3A_1324, %parallel_loop3A_1318, %parallel_loop3A_1330, %parallel_loop3A_1362, %parallel_loop3A_1372, %parallel_loop3A_1366, %parallel_loop3A_1378, %parallel_loop3A_1410, %parallel_loop3A_1420, %parallel_loop3A_1414, %parallel_loop3A_1426, %parallel_loop3A_1458, %parallel_loop3A_1468, %parallel_loop3A_1462, %parallel_loop3A_1474 : vector<16xf32>, vector<16xi32>, vector<16xf32>, vector<16xi32>, vector<16xf32>, vector<16xi32>, vector<16xf32>, vector<16xi32>, vector<16xf32>, vector<16xi32>, vector<16xf32>, vector<16xi32>, vector<16xf32>, vector<16xi32>, vector<16xf32>, vector<16xi32>
    } {sc.loop_unroll_factor = 2 : i64, sc.parallel_access}
    %add3A_1145 = arith.constant 56 : i32
    %add3A_1146 = arith.addi %mul3A_2, %add3A_1145 : i32
    %jit3A_1147 = arith.constant 512 : i32
    %div3A_1148 = arith.divsi %add3A_1146, %jit3A_1147 : i32
    %sign3A_1149 = arith.constant 0 : i32
    %sign3A_1150 = arith.cmpi sgt, %add3A_1146, %sign3A_1149 : i32
    %sign3A_1151 = arith.extui %sign3A_1150 : i1 to i32
    %sign3A_1152 = arith.constant 0 : i32
    %sign3A_1153 = arith.cmpi slt, %add3A_1146, %sign3A_1152 : i32
    %sign3A_1154 = arith.extui %sign3A_1153 : i1 to i32
    %sign3A_1155 = arith.subi %sign3A_1151, %sign3A_1154 : i32
    %sign3A_1156 = arith.constant 0 : i32
    %sign3A_1157 = arith.cmpi sgt, %jit3A_1147, %sign3A_1156 : i32
    %sign3A_1158 = arith.extui %sign3A_1157 : i1 to i32
    %sign3A_1159 = arith.constant 0 : i32
    %sign3A_1160 = arith.cmpi slt, %jit3A_1147, %sign3A_1159 : i32
    %sign3A_1161 = arith.extui %sign3A_1160 : i1 to i32
    %sign3A_1162 = arith.subi %sign3A_1158, %sign3A_1161 : i32
    %ne3A_1163 = arith.cmpi ne, %sign3A_1155, %sign3A_1162 : i32
    %rem3A_1164 = arith.remsi %add3A_1146, %jit3A_1147 : i32
    %ne3A_1165 = arith.constant 0 : i32
    %ne3A_1166 = arith.cmpi ne, %rem3A_1164, %ne3A_1165 : i32
    %and3A_1167 = arith.andi %ne3A_1163, %ne3A_1166 : i1
    %sub3A_1168 = arith.constant 1 : i32
    %sub3A_1169 = arith.subi %div3A_1148, %sub3A_1168 : i32
    %select_n3A_1170 = arith.select %and3A_1167, %sub3A_1169, %div3A_1148 : i32
    %jit3A_1171 = arith.constant 512 : i32
    %eq3A_1172 = arith.constant 0 : i32
    %eq3A_1173 = arith.cmpi eq, %jit3A_1171, %eq3A_1172 : i32
    %jit3A_1174 = arith.constant 1 : i32
    %select_n3A_1175 = arith.select %eq3A_1173, %jit3A_1174, %jit3A_1171 : i32
    %rem3A_1176 = arith.remsi %add3A_1146, %select_n3A_1175 : i32
    %ne3A_1177 = arith.constant 0 : i32
    %ne3A_1178 = arith.cmpi ne, %rem3A_1176, %ne3A_1177 : i32
    %lt3A_1179 = arith.constant 0 : i32
    %lt3A_1180 = arith.cmpi slt, %rem3A_1176, %lt3A_1179 : i32
    %lt3A_1181 = arith.constant 0 : i32
    %lt3A_1182 = arith.cmpi slt, %select_n3A_1175, %lt3A_1181 : i32
    %ne3A_1183 = arith.xori %lt3A_1180, %lt3A_1182 : i1
    %and3A_1184 = arith.andi %ne3A_1183, %ne3A_1178 : i1
    %add3A_1185 = arith.addi %rem3A_1176, %select_n3A_1175 : i32
    %select_n3A_1186 = arith.select %and3A_1184, %add3A_1185, %rem3A_1176 : i32
    %dma_wait3A_1187 = arith.constant 0 : i32
    %dma_wait3A_1188 = arith.constant 1 : i32
    %dma_wait3A_1189 = arith.constant 0 : i32
    %dma_wait3A_1190 = arith.constant 0 : i32
    %dma_wait3A_1191 = tpu.memref_slice %arg5[%dma_wait3A_1188, %dma_wait3A_1189, %dma_wait3A_1190] : memref<2x8x512xf32, #tpu.memory_space<vmem>> -> memref<1x8x512xf32, #tpu.memory_space<vmem>>
    %dma_wait3A_1192 = tpu.memref_squeeze %dma_wait3A_1191 : memref<1x8x512xf32, #tpu.memory_space<vmem>> -> memref<8x512xf32, #tpu.memory_space<vmem>>
    %dma_wait3A_1193 = arith.constant 0 : i32
    %dma_wait3A_1194 = tpu.memref_slice %arg2[%select_n3A_1170, %dma_wait3A_1187, %select_n3A_1186, %dma_wait3A_1193] : memref<16x1x512x512xf32, #tpu.memory_space<hbm>> -> memref<1x1x8x512xf32, #tpu.memory_space<hbm>>
    %dma_wait3A_1195 = tpu.memref_squeeze %dma_wait3A_1194 : memref<1x1x8x512xf32, #tpu.memory_space<hbm>> -> memref<8x512xf32, #tpu.memory_space<hbm>>
    %dma_wait3A_1196 = arith.constant 0 : i32
    %dma_wait3A_1197 = arith.constant 0 : i32
    %dma_wait3A_1198 = tpu.memref_slice %arg5[%dma_wait3A_1188, %dma_wait3A_1196, %dma_wait3A_1197] : memref<2x8x512xf32, #tpu.memory_space<vmem>> -> memref<1x8x512xf32, #tpu.memory_space<vmem>>
    %dma_wait3A_1199 = tpu.memref_squeeze %dma_wait3A_1198 : memref<1x8x512xf32, #tpu.memory_space<vmem>> -> memref<8x512xf32, #tpu.memory_space<vmem>>
    %dma_wait3A_1200 = arith.constant 0 : i32
    %dma_wait3A_1201 = tpu.memref_slice %arg2[%select_n3A_1170, %dma_wait3A_1187, %select_n3A_1186, %dma_wait3A_1200] : memref<16x1x512x512xf32, #tpu.memory_space<hbm>> -> memref<1x1x8x512xf32, #tpu.memory_space<hbm>>
    %dma_wait3A_1202 = tpu.memref_squeeze %dma_wait3A_1201 : memref<1x1x8x512xf32, #tpu.memory_space<hbm>> -> memref<8x512xf32, #tpu.memory_space<hbm>>
    tpu.wait_dma2 semaphore(%arg9 : memref<!tpu.dma_semaphore, #tpu.memory_space<semaphore_mem>>) src(%dma_wait3A_1202 : memref<8x512xf32, #tpu.memory_space<hbm>>) dst(%dma_wait3A_1199 : memref<8x512xf32, #tpu.memory_space<vmem>>)
    %dma_wait3A_1203 = arith.constant 0 : i32
    %dma_wait3A_1204 = arith.constant 1 : i32
    %dma_wait3A_1205 = arith.constant 0 : i32
    %dma_wait3A_1206 = arith.constant 0 : i32
    %dma_wait3A_1207 = tpu.memref_slice %arg6[%dma_wait3A_1204, %dma_wait3A_1205, %dma_wait3A_1206] : memref<2x8x512xf32, #tpu.memory_space<vmem>> -> memref<1x8x512xf32, #tpu.memory_space<vmem>>
    %dma_wait3A_1208 = tpu.memref_squeeze %dma_wait3A_1207 : memref<1x8x512xf32, #tpu.memory_space<vmem>> -> memref<8x512xf32, #tpu.memory_space<vmem>>
    %dma_wait3A_1209 = arith.constant 0 : i32
    %dma_wait3A_1210 = tpu.memref_slice %arg3[%select_n3A_1170, %dma_wait3A_1203, %select_n3A_1186, %dma_wait3A_1209] : memref<16x1x512x512xf32, #tpu.memory_space<hbm>> -> memref<1x1x8x512xf32, #tpu.memory_space<hbm>>
    %dma_wait3A_1211 = tpu.memref_squeeze %dma_wait3A_1210 : memref<1x1x8x512xf32, #tpu.memory_space<hbm>> -> memref<8x512xf32, #tpu.memory_space<hbm>>
    %dma_wait3A_1212 = arith.constant 0 : i32
    %dma_wait3A_1213 = arith.constant 0 : i32
    %dma_wait3A_1214 = tpu.memref_slice %arg6[%dma_wait3A_1204, %dma_wait3A_1212, %dma_wait3A_1213] : memref<2x8x512xf32, #tpu.memory_space<vmem>> -> memref<1x8x512xf32, #tpu.memory_space<vmem>>
    %dma_wait3A_1215 = tpu.memref_squeeze %dma_wait3A_1214 : memref<1x8x512xf32, #tpu.memory_space<vmem>> -> memref<8x512xf32, #tpu.memory_space<vmem>>
    %dma_wait3A_1216 = arith.constant 0 : i32
    %dma_wait3A_1217 = tpu.memref_slice %arg3[%select_n3A_1170, %dma_wait3A_1203, %select_n3A_1186, %dma_wait3A_1216] : memref<16x1x512x512xf32, #tpu.memory_space<hbm>> -> memref<1x1x8x512xf32, #tpu.memory_space<hbm>>
    %dma_wait3A_1218 = tpu.memref_squeeze %dma_wait3A_1217 : memref<1x1x8x512xf32, #tpu.memory_space<hbm>> -> memref<8x512xf32, #tpu.memory_space<hbm>>
    tpu.wait_dma2 semaphore(%arg11 : memref<!tpu.dma_semaphore, #tpu.memory_space<semaphore_mem>>) src(%dma_wait3A_1218 : memref<8x512xf32, #tpu.memory_space<hbm>>) dst(%dma_wait3A_1215 : memref<8x512xf32, #tpu.memory_space<vmem>>)
    %parallel_loop3A_1219 = arith.constant 0 : i32
    %parallel_loop3A_1220 = arith.constant 4096 : i32
    %parallel_loop3A_1221 = arith.constant 64 : i32
    %parallel_loop3A_1222 = arith.constant 1 : i32
    %parallel_loop3A_1223 = arith.constant 1 : i32
    %parallel_loop3A_1224:16 = scf.for %parallel_loop3A_1261 = %parallel_loop3A_1219 to %parallel_loop3A_1220 step %parallel_loop3A_1221 iter_args(%parallel_loop3A_1262 = %parallel_loop3A_1144#0, %parallel_loop3A_1263 = %parallel_loop3A_1144#1, %parallel_loop3A_1264 = %parallel_loop3A_1144#2, %parallel_loop3A_1265 = %parallel_loop3A_1144#3, %parallel_loop3A_1266 = %parallel_loop3A_1144#4, %parallel_loop3A_1267 = %parallel_loop3A_1144#5, %parallel_loop3A_1268 = %parallel_loop3A_1144#6, %parallel_loop3A_1269 = %parallel_loop3A_1144#7, %parallel_loop3A_1270 = %parallel_loop3A_1144#8, %parallel_loop3A_1271 = %parallel_loop3A_1144#9, %parallel_loop3A_1272 = %parallel_loop3A_1144#10, %parallel_loop3A_1273 = %parallel_loop3A_1144#11, %parallel_loop3A_1274 = %parallel_loop3A_1144#12, %parallel_loop3A_1275 = %parallel_loop3A_1144#13, %parallel_loop3A_1276 = %parallel_loop3A_1144#14, %parallel_loop3A_1277 = %parallel_loop3A_1144#15) -> (vector<16xf32>, vector<16xi32>, vector<16xf32>, vector<16xi32>, vector<16xf32>, vector<16xi32>, vector<16xf32>, vector<16xi32>, vector<16xf32>, vector<16xi32>, vector<16xf32>, vector<16xi32>, vector<16xf32>, vector<16xi32>, vector<16xf32>, vector<16xi32>)  : i32 {
      %parallel_loop3A_1278 = arith.constant 9 : i32
      %parallel_loop3A_1279 = arith.shrui %parallel_loop3A_1261, %parallel_loop3A_1278 : i32
      %parallel_loop3A_1280 = arith.constant 511 : i32
      %parallel_loop3A_1281 = arith.andi %parallel_loop3A_1261, %parallel_loop3A_1280 : i32
      %parallel_loop3A_1282 = tpu.assume_multiple %parallel_loop3A_1281, 64 : i32
      %parallel_loop3A_1283 = arith.constant 0 : i32
      %parallel_loop3A_1284 = arith.addi %parallel_loop3A_1282, %parallel_loop3A_1283 : i32
      %parallel_loop3A_1285 = arith.constant 0 : i32
      %parallel_loop3A_1286 = arith.constant 0 : i32
      %parallel_loop3A_1287 = tpu.memref_slice %arg5[%parallel_loop3A_1222, %parallel_loop3A_1285, %parallel_loop3A_1286] : memref<2x8x512xf32, #tpu.memory_space<vmem>> -> memref<1x8x512xf32, #tpu.memory_space<vmem>>
      %parallel_loop3A_1288 = tpu.memref_squeeze %parallel_loop3A_1287 : memref<1x8x512xf32, #tpu.memory_space<vmem>> -> memref<8x512xf32, #tpu.memory_space<vmem>>
      %parallel_loop3A_1289 = arith.index_cast %parallel_loop3A_1279 : i32 to index
      %parallel_loop3A_1290 = arith.index_cast %parallel_loop3A_1284 : i32 to index
      %parallel_loop3A_1291 = tpu.vector_load %parallel_loop3A_1288[%parallel_loop3A_1289, %parallel_loop3A_1290] {strides = array<i32>} : memref<8x512xf32, #tpu.memory_space<vmem>>, vector<1x16xf32>,
      %parallel_loop3A_1292 = vector.shape_cast %parallel_loop3A_1291 : vector<1x16xf32> to vector<16xf32>
      %parallel_loop3A_1293 = arith.constant 0 : i32
      %parallel_loop3A_1294 = arith.addi %parallel_loop3A_1282, %parallel_loop3A_1293 : i32
      %parallel_loop3A_1295 = arith.constant 0 : i32
      %parallel_loop3A_1296 = arith.constant 0 : i32
      %parallel_loop3A_1297 = tpu.memref_slice %arg6[%parallel_loop3A_1223, %parallel_loop3A_1295, %parallel_loop3A_1296] : memref<2x8x512xf32, #tpu.memory_space<vmem>> -> memref<1x8x512xf32, #tpu.memory_space<vmem>>
      %parallel_loop3A_1298 = tpu.memref_squeeze %parallel_loop3A_1297 : memref<1x8x512xf32, #tpu.memory_space<vmem>> -> memref<8x512xf32, #tpu.memory_space<vmem>>
      %parallel_loop3A_1299 = arith.index_cast %parallel_loop3A_1279 : i32 to index
      %parallel_loop3A_1300 = arith.index_cast %parallel_loop3A_1294 : i32 to index
      %parallel_loop3A_1301 = tpu.vector_load %parallel_loop3A_1298[%parallel_loop3A_1299, %parallel_loop3A_1300] {strides = array<i32>} : memref<8x512xf32, #tpu.memory_space<vmem>>, vector<1x16xf32>,
      %parallel_loop3A_1302 = vector.shape_cast %parallel_loop3A_1301 : vector<1x16xf32> to vector<16xf32>
      %parallel_loop3A_1303 = arith.subf %parallel_loop3A_1292, %parallel_loop3A_1302 : vector<16xf32>
      %parallel_loop3A_1304 = arith.mulf %parallel_loop3A_1303, %parallel_loop3A_1303 : vector<16xf32>
      %parallel_loop3A_1305 = arith.constant 0.000000e+00 : f32
      %parallel_loop3A_1306 = vector.broadcast %parallel_loop3A_1305 : f32 to vector<16xf32>
      %parallel_loop3A_1307 = arith.cmpf ogt, %parallel_loop3A_1302, %parallel_loop3A_1306 : vector<16xf32>
      %parallel_loop3A_1308 = arith.constant 0.000000e+00 : f32
      %parallel_loop3A_1309 = vector.broadcast %parallel_loop3A_1308 : f32 to vector<16xf32>
      %parallel_loop3A_1310 = arith.cmpf ogt, %parallel_loop3A_1292, %parallel_loop3A_1309 : vector<16xf32>
      %parallel_loop3A_1311 = arith.constant 0.000000e+00 : f32
      %parallel_loop3A_1312 = vector.broadcast %parallel_loop3A_1311 : f32 to vector<16xf32>
      %parallel_loop3A_1313 = arith.select %parallel_loop3A_1307, %parallel_loop3A_1304, %parallel_loop3A_1312 : vector<16xi1>, vector<16xf32>
      %parallel_loop3A_1314 = arith.addf %parallel_loop3A_1262, %parallel_loop3A_1313 : vector<16xf32>
      %parallel_loop3A_1315 = arith.constant 0.000000e+00 : f32
      %parallel_loop3A_1316 = vector.broadcast %parallel_loop3A_1315 : f32 to vector<16xf32>
      %parallel_loop3A_1317 = arith.select %parallel_loop3A_1310, %parallel_loop3A_1304, %parallel_loop3A_1316 : vector<16xi1>, vector<16xf32>
      %parallel_loop3A_1318 = arith.addf %parallel_loop3A_1264, %parallel_loop3A_1317 : vector<16xf32>
      %parallel_loop3A_1319 = arith.constant 1 : i32
      %parallel_loop3A_1320 = arith.constant 0 : i32
      %parallel_loop3A_1321 = vector.broadcast %parallel_loop3A_1319 : i32 to vector<16xi32>
      %parallel_loop3A_1322 = vector.broadcast %parallel_loop3A_1320 : i32 to vector<16xi32>
      %parallel_loop3A_1323 = arith.select %parallel_loop3A_1307, %parallel_loop3A_1321, %parallel_loop3A_1322 : vector<16xi1>, vector<16xi32>
      %parallel_loop3A_1324 = arith.addi %parallel_loop3A_1263, %parallel_loop3A_1323 : vector<16xi32>
      %parallel_loop3A_1325 = arith.constant 1 : i32
      %parallel_loop3A_1326 = arith.constant 0 : i32
      %parallel_loop3A_1327 = vector.broadcast %parallel_loop3A_1325 : i32 to vector<16xi32>
      %parallel_loop3A_1328 = vector.broadcast %parallel_loop3A_1326 : i32 to vector<16xi32>
      %parallel_loop3A_1329 = arith.select %parallel_loop3A_1310, %parallel_loop3A_1327, %parallel_loop3A_1328 : vector<16xi1>, vector<16xi32>
      %parallel_loop3A_1330 = arith.addi %parallel_loop3A_1265, %parallel_loop3A_1329 : vector<16xi32>
      %parallel_loop3A_1331 = arith.constant 16 : i32
      %parallel_loop3A_1332 = arith.addi %parallel_loop3A_1282, %parallel_loop3A_1331 : i32
      %parallel_loop3A_1333 = arith.constant 0 : i32
      %parallel_loop3A_1334 = arith.constant 0 : i32
      %parallel_loop3A_1335 = tpu.memref_slice %arg5[%parallel_loop3A_1222, %parallel_loop3A_1333, %parallel_loop3A_1334] : memref<2x8x512xf32, #tpu.memory_space<vmem>> -> memref<1x8x512xf32, #tpu.memory_space<vmem>>
      %parallel_loop3A_1336 = tpu.memref_squeeze %parallel_loop3A_1335 : memref<1x8x512xf32, #tpu.memory_space<vmem>> -> memref<8x512xf32, #tpu.memory_space<vmem>>
      %parallel_loop3A_1337 = arith.index_cast %parallel_loop3A_1279 : i32 to index
      %parallel_loop3A_1338 = arith.index_cast %parallel_loop3A_1332 : i32 to index
      %parallel_loop3A_1339 = tpu.vector_load %parallel_loop3A_1336[%parallel_loop3A_1337, %parallel_loop3A_1338] {strides = array<i32>} : memref<8x512xf32, #tpu.memory_space<vmem>>, vector<1x16xf32>,
      %parallel_loop3A_1340 = vector.shape_cast %parallel_loop3A_1339 : vector<1x16xf32> to vector<16xf32>
      %parallel_loop3A_1341 = arith.constant 16 : i32
      %parallel_loop3A_1342 = arith.addi %parallel_loop3A_1282, %parallel_loop3A_1341 : i32
      %parallel_loop3A_1343 = arith.constant 0 : i32
      %parallel_loop3A_1344 = arith.constant 0 : i32
      %parallel_loop3A_1345 = tpu.memref_slice %arg6[%parallel_loop3A_1223, %parallel_loop3A_1343, %parallel_loop3A_1344] : memref<2x8x512xf32, #tpu.memory_space<vmem>> -> memref<1x8x512xf32, #tpu.memory_space<vmem>>
      %parallel_loop3A_1346 = tpu.memref_squeeze %parallel_loop3A_1345 : memref<1x8x512xf32, #tpu.memory_space<vmem>> -> memref<8x512xf32, #tpu.memory_space<vmem>>
      %parallel_loop3A_1347 = arith.index_cast %parallel_loop3A_1279 : i32 to index
      %parallel_loop3A_1348 = arith.index_cast %parallel_loop3A_1342 : i32 to index
      %parallel_loop3A_1349 = tpu.vector_load %parallel_loop3A_1346[%parallel_loop3A_1347, %parallel_loop3A_1348] {strides = array<i32>} : memref<8x512xf32, #tpu.memory_space<vmem>>, vector<1x16xf32>,
      %parallel_loop3A_1350 = vector.shape_cast %parallel_loop3A_1349 : vector<1x16xf32> to vector<16xf32>
      %parallel_loop3A_1351 = arith.subf %parallel_loop3A_1340, %parallel_loop3A_1350 : vector<16xf32>
      %parallel_loop3A_1352 = arith.mulf %parallel_loop3A_1351, %parallel_loop3A_1351 : vector<16xf32>
      %parallel_loop3A_1353 = arith.constant 0.000000e+00 : f32
      %parallel_loop3A_1354 = vector.broadcast %parallel_loop3A_1353 : f32 to vector<16xf32>
      %parallel_loop3A_1355 = arith.cmpf ogt, %parallel_loop3A_1350, %parallel_loop3A_1354 : vector<16xf32>
      %parallel_loop3A_1356 = arith.constant 0.000000e+00 : f32
      %parallel_loop3A_1357 = vector.broadcast %parallel_loop3A_1356 : f32 to vector<16xf32>
      %parallel_loop3A_1358 = arith.cmpf ogt, %parallel_loop3A_1340, %parallel_loop3A_1357 : vector<16xf32>
      %parallel_loop3A_1359 = arith.constant 0.000000e+00 : f32
      %parallel_loop3A_1360 = vector.broadcast %parallel_loop3A_1359 : f32 to vector<16xf32>
      %parallel_loop3A_1361 = arith.select %parallel_loop3A_1355, %parallel_loop3A_1352, %parallel_loop3A_1360 : vector<16xi1>, vector<16xf32>
      %parallel_loop3A_1362 = arith.addf %parallel_loop3A_1266, %parallel_loop3A_1361 : vector<16xf32>
      %parallel_loop3A_1363 = arith.constant 0.000000e+00 : f32
      %parallel_loop3A_1364 = vector.broadcast %parallel_loop3A_1363 : f32 to vector<16xf32>
      %parallel_loop3A_1365 = arith.select %parallel_loop3A_1358, %parallel_loop3A_1352, %parallel_loop3A_1364 : vector<16xi1>, vector<16xf32>
      %parallel_loop3A_1366 = arith.addf %parallel_loop3A_1268, %parallel_loop3A_1365 : vector<16xf32>
      %parallel_loop3A_1367 = arith.constant 1 : i32
      %parallel_loop3A_1368 = arith.constant 0 : i32
      %parallel_loop3A_1369 = vector.broadcast %parallel_loop3A_1367 : i32 to vector<16xi32>
      %parallel_loop3A_1370 = vector.broadcast %parallel_loop3A_1368 : i32 to vector<16xi32>
      %parallel_loop3A_1371 = arith.select %parallel_loop3A_1355, %parallel_loop3A_1369, %parallel_loop3A_1370 : vector<16xi1>, vector<16xi32>
      %parallel_loop3A_1372 = arith.addi %parallel_loop3A_1267, %parallel_loop3A_1371 : vector<16xi32>
      %parallel_loop3A_1373 = arith.constant 1 : i32
      %parallel_loop3A_1374 = arith.constant 0 : i32
      %parallel_loop3A_1375 = vector.broadcast %parallel_loop3A_1373 : i32 to vector<16xi32>
      %parallel_loop3A_1376 = vector.broadcast %parallel_loop3A_1374 : i32 to vector<16xi32>
      %parallel_loop3A_1377 = arith.select %parallel_loop3A_1358, %parallel_loop3A_1375, %parallel_loop3A_1376 : vector<16xi1>, vector<16xi32>
      %parallel_loop3A_1378 = arith.addi %parallel_loop3A_1269, %parallel_loop3A_1377 : vector<16xi32>
      %parallel_loop3A_1379 = arith.constant 32 : i32
      %parallel_loop3A_1380 = arith.addi %parallel_loop3A_1282, %parallel_loop3A_1379 : i32
      %parallel_loop3A_1381 = arith.constant 0 : i32
      %parallel_loop3A_1382 = arith.constant 0 : i32
      %parallel_loop3A_1383 = tpu.memref_slice %arg5[%parallel_loop3A_1222, %parallel_loop3A_1381, %parallel_loop3A_1382] : memref<2x8x512xf32, #tpu.memory_space<vmem>> -> memref<1x8x512xf32, #tpu.memory_space<vmem>>
      %parallel_loop3A_1384 = tpu.memref_squeeze %parallel_loop3A_1383 : memref<1x8x512xf32, #tpu.memory_space<vmem>> -> memref<8x512xf32, #tpu.memory_space<vmem>>
      %parallel_loop3A_1385 = arith.index_cast %parallel_loop3A_1279 : i32 to index
      %parallel_loop3A_1386 = arith.index_cast %parallel_loop3A_1380 : i32 to index
      %parallel_loop3A_1387 = tpu.vector_load %parallel_loop3A_1384[%parallel_loop3A_1385, %parallel_loop3A_1386] {strides = array<i32>} : memref<8x512xf32, #tpu.memory_space<vmem>>, vector<1x16xf32>,
      %parallel_loop3A_1388 = vector.shape_cast %parallel_loop3A_1387 : vector<1x16xf32> to vector<16xf32>
      %parallel_loop3A_1389 = arith.constant 32 : i32
      %parallel_loop3A_1390 = arith.addi %parallel_loop3A_1282, %parallel_loop3A_1389 : i32
      %parallel_loop3A_1391 = arith.constant 0 : i32
      %parallel_loop3A_1392 = arith.constant 0 : i32
      %parallel_loop3A_1393 = tpu.memref_slice %arg6[%parallel_loop3A_1223, %parallel_loop3A_1391, %parallel_loop3A_1392] : memref<2x8x512xf32, #tpu.memory_space<vmem>> -> memref<1x8x512xf32, #tpu.memory_space<vmem>>
      %parallel_loop3A_1394 = tpu.memref_squeeze %parallel_loop3A_1393 : memref<1x8x512xf32, #tpu.memory_space<vmem>> -> memref<8x512xf32, #tpu.memory_space<vmem>>
      %parallel_loop3A_1395 = arith.index_cast %parallel_loop3A_1279 : i32 to index
      %parallel_loop3A_1396 = arith.index_cast %parallel_loop3A_1390 : i32 to index
      %parallel_loop3A_1397 = tpu.vector_load %parallel_loop3A_1394[%parallel_loop3A_1395, %parallel_loop3A_1396] {strides = array<i32>} : memref<8x512xf32, #tpu.memory_space<vmem>>, vector<1x16xf32>,
      %parallel_loop3A_1398 = vector.shape_cast %parallel_loop3A_1397 : vector<1x16xf32> to vector<16xf32>
      %parallel_loop3A_1399 = arith.subf %parallel_loop3A_1388, %parallel_loop3A_1398 : vector<16xf32>
      %parallel_loop3A_1400 = arith.mulf %parallel_loop3A_1399, %parallel_loop3A_1399 : vector<16xf32>
      %parallel_loop3A_1401 = arith.constant 0.000000e+00 : f32
      %parallel_loop3A_1402 = vector.broadcast %parallel_loop3A_1401 : f32 to vector<16xf32>
      %parallel_loop3A_1403 = arith.cmpf ogt, %parallel_loop3A_1398, %parallel_loop3A_1402 : vector<16xf32>
      %parallel_loop3A_1404 = arith.constant 0.000000e+00 : f32
      %parallel_loop3A_1405 = vector.broadcast %parallel_loop3A_1404 : f32 to vector<16xf32>
      %parallel_loop3A_1406 = arith.cmpf ogt, %parallel_loop3A_1388, %parallel_loop3A_1405 : vector<16xf32>
      %parallel_loop3A_1407 = arith.constant 0.000000e+00 : f32
      %parallel_loop3A_1408 = vector.broadcast %parallel_loop3A_1407 : f32 to vector<16xf32>
      %parallel_loop3A_1409 = arith.select %parallel_loop3A_1403, %parallel_loop3A_1400, %parallel_loop3A_1408 : vector<16xi1>, vector<16xf32>
      %parallel_loop3A_1410 = arith.addf %parallel_loop3A_1270, %parallel_loop3A_1409 : vector<16xf32>
      %parallel_loop3A_1411 = arith.constant 0.000000e+00 : f32
      %parallel_loop3A_1412 = vector.broadcast %parallel_loop3A_1411 : f32 to vector<16xf32>
      %parallel_loop3A_1413 = arith.select %parallel_loop3A_1406, %parallel_loop3A_1400, %parallel_loop3A_1412 : vector<16xi1>, vector<16xf32>
      %parallel_loop3A_1414 = arith.addf %parallel_loop3A_1272, %parallel_loop3A_1413 : vector<16xf32>
      %parallel_loop3A_1415 = arith.constant 1 : i32
      %parallel_loop3A_1416 = arith.constant 0 : i32
      %parallel_loop3A_1417 = vector.broadcast %parallel_loop3A_1415 : i32 to vector<16xi32>
      %parallel_loop3A_1418 = vector.broadcast %parallel_loop3A_1416 : i32 to vector<16xi32>
      %parallel_loop3A_1419 = arith.select %parallel_loop3A_1403, %parallel_loop3A_1417, %parallel_loop3A_1418 : vector<16xi1>, vector<16xi32>
      %parallel_loop3A_1420 = arith.addi %parallel_loop3A_1271, %parallel_loop3A_1419 : vector<16xi32>
      %parallel_loop3A_1421 = arith.constant 1 : i32
      %parallel_loop3A_1422 = arith.constant 0 : i32
      %parallel_loop3A_1423 = vector.broadcast %parallel_loop3A_1421 : i32 to vector<16xi32>
      %parallel_loop3A_1424 = vector.broadcast %parallel_loop3A_1422 : i32 to vector<16xi32>
      %parallel_loop3A_1425 = arith.select %parallel_loop3A_1406, %parallel_loop3A_1423, %parallel_loop3A_1424 : vector<16xi1>, vector<16xi32>
      %parallel_loop3A_1426 = arith.addi %parallel_loop3A_1273, %parallel_loop3A_1425 : vector<16xi32>
      %parallel_loop3A_1427 = arith.constant 48 : i32
      %parallel_loop3A_1428 = arith.addi %parallel_loop3A_1282, %parallel_loop3A_1427 : i32
      %parallel_loop3A_1429 = arith.constant 0 : i32
      %parallel_loop3A_1430 = arith.constant 0 : i32
      %parallel_loop3A_1431 = tpu.memref_slice %arg5[%parallel_loop3A_1222, %parallel_loop3A_1429, %parallel_loop3A_1430] : memref<2x8x512xf32, #tpu.memory_space<vmem>> -> memref<1x8x512xf32, #tpu.memory_space<vmem>>
      %parallel_loop3A_1432 = tpu.memref_squeeze %parallel_loop3A_1431 : memref<1x8x512xf32, #tpu.memory_space<vmem>> -> memref<8x512xf32, #tpu.memory_space<vmem>>
      %parallel_loop3A_1433 = arith.index_cast %parallel_loop3A_1279 : i32 to index
      %parallel_loop3A_1434 = arith.index_cast %parallel_loop3A_1428 : i32 to index
      %parallel_loop3A_1435 = tpu.vector_load %parallel_loop3A_1432[%parallel_loop3A_1433, %parallel_loop3A_1434] {strides = array<i32>} : memref<8x512xf32, #tpu.memory_space<vmem>>, vector<1x16xf32>,
      %parallel_loop3A_1436 = vector.shape_cast %parallel_loop3A_1435 : vector<1x16xf32> to vector<16xf32>
      %parallel_loop3A_1437 = arith.constant 48 : i32
      %parallel_loop3A_1438 = arith.addi %parallel_loop3A_1282, %parallel_loop3A_1437 : i32
      %parallel_loop3A_1439 = arith.constant 0 : i32
      %parallel_loop3A_1440 = arith.constant 0 : i32
      %parallel_loop3A_1441 = tpu.memref_slice %arg6[%parallel_loop3A_1223, %parallel_loop3A_1439, %parallel_loop3A_1440] : memref<2x8x512xf32, #tpu.memory_space<vmem>> -> memref<1x8x512xf32, #tpu.memory_space<vmem>>
      %parallel_loop3A_1442 = tpu.memref_squeeze %parallel_loop3A_1441 : memref<1x8x512xf32, #tpu.memory_space<vmem>> -> memref<8x512xf32, #tpu.memory_space<vmem>>
      %parallel_loop3A_1443 = arith.index_cast %parallel_loop3A_1279 : i32 to index
      %parallel_loop3A_1444 = arith.index_cast %parallel_loop3A_1438 : i32 to index
      %parallel_loop3A_1445 = tpu.vector_load %parallel_loop3A_1442[%parallel_loop3A_1443, %parallel_loop3A_1444] {strides = array<i32>} : memref<8x512xf32, #tpu.memory_space<vmem>>, vector<1x16xf32>,
      %parallel_loop3A_1446 = vector.shape_cast %parallel_loop3A_1445 : vector<1x16xf32> to vector<16xf32>
      %parallel_loop3A_1447 = arith.subf %parallel_loop3A_1436, %parallel_loop3A_1446 : vector<16xf32>
      %parallel_loop3A_1448 = arith.mulf %parallel_loop3A_1447, %parallel_loop3A_1447 : vector<16xf32>
      %parallel_loop3A_1449 = arith.constant 0.000000e+00 : f32
      %parallel_loop3A_1450 = vector.broadcast %parallel_loop3A_1449 : f32 to vector<16xf32>
      %parallel_loop3A_1451 = arith.cmpf ogt, %parallel_loop3A_1446, %parallel_loop3A_1450 : vector<16xf32>
      %parallel_loop3A_1452 = arith.constant 0.000000e+00 : f32
      %parallel_loop3A_1453 = vector.broadcast %parallel_loop3A_1452 : f32 to vector<16xf32>
      %parallel_loop3A_1454 = arith.cmpf ogt, %parallel_loop3A_1436, %parallel_loop3A_1453 : vector<16xf32>
      %parallel_loop3A_1455 = arith.constant 0.000000e+00 : f32
      %parallel_loop3A_1456 = vector.broadcast %parallel_loop3A_1455 : f32 to vector<16xf32>
      %parallel_loop3A_1457 = arith.select %parallel_loop3A_1451, %parallel_loop3A_1448, %parallel_loop3A_1456 : vector<16xi1>, vector<16xf32>
      %parallel_loop3A_1458 = arith.addf %parallel_loop3A_1274, %parallel_loop3A_1457 : vector<16xf32>
      %parallel_loop3A_1459 = arith.constant 0.000000e+00 : f32
      %parallel_loop3A_1460 = vector.broadcast %parallel_loop3A_1459 : f32 to vector<16xf32>
      %parallel_loop3A_1461 = arith.select %parallel_loop3A_1454, %parallel_loop3A_1448, %parallel_loop3A_1460 : vector<16xi1>, vector<16xf32>
      %parallel_loop3A_1462 = arith.addf %parallel_loop3A_1276, %parallel_loop3A_1461 : vector<16xf32>
      %parallel_loop3A_1463 = arith.constant 1 : i32
      %parallel_loop3A_1464 = arith.constant 0 : i32
      %parallel_loop3A_1465 = vector.broadcast %parallel_loop3A_1463 : i32 to vector<16xi32>
      %parallel_loop3A_1466 = vector.broadcast %parallel_loop3A_1464 : i32 to vector<16xi32>
      %parallel_loop3A_1467 = arith.select %parallel_loop3A_1451, %parallel_loop3A_1465, %parallel_loop3A_1466 : vector<16xi1>, vector<16xi32>
      %parallel_loop3A_1468 = arith.addi %parallel_loop3A_1275, %parallel_loop3A_1467 : vector<16xi32>
      %parallel_loop3A_1469 = arith.constant 1 : i32
      %parallel_loop3A_1470 = arith.constant 0 : i32
      %parallel_loop3A_1471 = vector.broadcast %parallel_loop3A_1469 : i32 to vector<16xi32>
      %parallel_loop3A_1472 = vector.broadcast %parallel_loop3A_1470 : i32 to vector<16xi32>
      %parallel_loop3A_1473 = arith.select %parallel_loop3A_1454, %parallel_loop3A_1471, %parallel_loop3A_1472 : vector<16xi1>, vector<16xi32>
      %parallel_loop3A_1474 = arith.addi %parallel_loop3A_1277, %parallel_loop3A_1473 : vector<16xi32>
      scf.yield %parallel_loop3A_1314, %parallel_loop3A_1324, %parallel_loop3A_1318, %parallel_loop3A_1330, %parallel_loop3A_1362, %parallel_loop3A_1372, %parallel_loop3A_1366, %parallel_loop3A_1378, %parallel_loop3A_1410, %parallel_loop3A_1420, %parallel_loop3A_1414, %parallel_loop3A_1426, %parallel_loop3A_1458, %parallel_loop3A_1468, %parallel_loop3A_1462, %parallel_loop3A_1474 : vector<16xf32>, vector<16xi32>, vector<16xf32>, vector<16xi32>, vector<16xf32>, vector<16xi32>, vector<16xf32>, vector<16xi32>, vector<16xf32>, vector<16xi32>, vector<16xf32>, vector<16xi32>, vector<16xf32>, vector<16xi32>, vector<16xf32>, vector<16xi32>
    } {sc.loop_unroll_factor = 2 : i64, sc.parallel_access}
    %add3A_1225 = arith.addf %parallel_loop3A_1224#0, %parallel_loop3A_1224#4 : vector<16xf32>
    %add3A_1226 = arith.addi %parallel_loop3A_1224#1, %parallel_loop3A_1224#5 : vector<16xi32>
    %add3A_1227 = arith.addf %parallel_loop3A_1224#2, %parallel_loop3A_1224#6 : vector<16xf32>
    %add3A_1228 = arith.addi %parallel_loop3A_1224#3, %parallel_loop3A_1224#7 : vector<16xi32>
    %add3A_1229 = arith.addf %add3A_1225, %parallel_loop3A_1224#8 : vector<16xf32>
    %add3A_1230 = arith.addi %add3A_1226, %parallel_loop3A_1224#9 : vector<16xi32>
    %add3A_1231 = arith.addf %add3A_1227, %parallel_loop3A_1224#10 : vector<16xf32>
    %add3A_1232 = arith.addi %add3A_1228, %parallel_loop3A_1224#11 : vector<16xi32>
    %add3A_1233 = arith.addf %add3A_1229, %parallel_loop3A_1224#12 : vector<16xf32>
    %add3A_1234 = arith.addi %add3A_1230, %parallel_loop3A_1224#13 : vector<16xi32>
    %add3A_1235 = arith.addf %add3A_1231, %parallel_loop3A_1224#14 : vector<16xf32>
    %add3A_1236 = arith.addi %add3A_1232, %parallel_loop3A_1224#15 : vector<16xi32>
    %swap3A = arith.constant 0 : i32
    %swap3A_1237 = arith.index_cast %swap3A : i32 to index
    %swap3A_1238 = arith.constant 0 : index
    %swap3A_1239 = tpu.vector_load %arg7[%swap3A_1237, %swap3A_1238] {strides = array<i32>} : memref<4x16xf32, #tpu.memory_space<vmem>>, vector<1x16xf32>,
    %swap3A_1240 = vector.shape_cast %swap3A_1239 : vector<1x16xf32> to vector<16xf32>
    %swap3A_1241 = vector.shape_cast %add3A_1233 : vector<16xf32> to vector<1x16xf32>
    tpu.vector_store %arg7[%swap3A_1237, %swap3A_1238], %swap3A_1241 {strides = array<i32>} : memref<4x16xf32, #tpu.memory_space<vmem>>, vector<1x16xf32>,
    %convert_element_type3A = arith.sitofp %add3A_1234 : vector<16xi32> to vector<16xf32>
    %swap3A_1242 = arith.constant 1 : i32
    %swap3A_1243 = arith.index_cast %swap3A_1242 : i32 to index
    %swap3A_1244 = arith.constant 0 : index
    %swap3A_1245 = tpu.vector_load %arg7[%swap3A_1243, %swap3A_1244] {strides = array<i32>} : memref<4x16xf32, #tpu.memory_space<vmem>>, vector<1x16xf32>,
    %swap3A_1246 = vector.shape_cast %swap3A_1245 : vector<1x16xf32> to vector<16xf32>
    %swap3A_1247 = vector.shape_cast %convert_element_type3A : vector<16xf32> to vector<1x16xf32>
    tpu.vector_store %arg7[%swap3A_1243, %swap3A_1244], %swap3A_1247 {strides = array<i32>} : memref<4x16xf32, #tpu.memory_space<vmem>>, vector<1x16xf32>,
    %swap3A_1248 = arith.constant 2 : i32
    %swap3A_1249 = arith.index_cast %swap3A_1248 : i32 to index
    %swap3A_1250 = arith.constant 0 : index
    %swap3A_1251 = tpu.vector_load %arg7[%swap3A_1249, %swap3A_1250] {strides = array<i32>} : memref<4x16xf32, #tpu.memory_space<vmem>>, vector<1x16xf32>,
    %swap3A_1252 = vector.shape_cast %swap3A_1251 : vector<1x16xf32> to vector<16xf32>
    %swap3A_1253 = vector.shape_cast %add3A_1235 : vector<16xf32> to vector<1x16xf32>
    tpu.vector_store %arg7[%swap3A_1249, %swap3A_1250], %swap3A_1253 {strides = array<i32>} : memref<4x16xf32, #tpu.memory_space<vmem>>, vector<1x16xf32>,
    %convert_element_type3A_1254 = arith.sitofp %add3A_1236 : vector<16xi32> to vector<16xf32>
    %swap3A_1255 = arith.constant 3 : i32
    %swap3A_1256 = arith.index_cast %swap3A_1255 : i32 to index
    %swap3A_1257 = arith.constant 0 : index
    %swap3A_1258 = tpu.vector_load %arg7[%swap3A_1256, %swap3A_1257] {strides = array<i32>} : memref<4x16xf32, #tpu.memory_space<vmem>>, vector<1x16xf32>,
    %swap3A_1259 = vector.shape_cast %swap3A_1258 : vector<1x16xf32> to vector<16xf32>
    %swap3A_1260 = vector.shape_cast %convert_element_type3A_1254 : vector<16xf32> to vector<1x16xf32>
    tpu.vector_store %arg7[%swap3A_1256, %swap3A_1257], %swap3A_1260 {strides = array<i32>} : memref<4x16xf32, #tpu.memory_space<vmem>>, vector<1x16xf32>,
    "tpu.region"() ({
      %run_scoped3A = tpu.sem_alloc : memref<!tpu.dma_semaphore, #tpu.memory_space<semaphore_mem>>
      %dma_start3A_1261 = arith.constant 0 : i32
      %dma_start3A_1262 = arith.constant 0 : i32
      %dma_start3A_1263 = tpu.memref_slice %arg4[%add3A, %dma_start3A_1261, %dma_start3A_1262] : memref<32x4x16xf32, #tpu.memory_space<hbm>> -> memref<1x4x16xf32, #tpu.memory_space<hbm>>
      %dma_start3A_1264 = tpu.memref_squeeze %dma_start3A_1263 : memref<1x4x16xf32, #tpu.memory_space<hbm>> -> memref<4x16xf32, #tpu.memory_space<hbm>>
      %dma_start3A_1265 = arith.constant 0 : i32
      %dma_start3A_1266 = arith.constant 0 : i32
      %dma_start3A_1267 = tpu.memref_slice %arg4[%add3A, %dma_start3A_1265, %dma_start3A_1266] : memref<32x4x16xf32, #tpu.memory_space<hbm>> -> memref<1x4x16xf32, #tpu.memory_space<hbm>>
      %dma_start3A_1268 = tpu.memref_squeeze %dma_start3A_1267 : memref<1x4x16xf32, #tpu.memory_space<hbm>> -> memref<4x16xf32, #tpu.memory_space<hbm>>
      tpu.enqueue_dma source(%arg7 : memref<4x16xf32, #tpu.memory_space<vmem>>) target(%dma_start3A_1268 : memref<4x16xf32, #tpu.memory_space<hbm>>) target_semaphore(%run_scoped3A : memref<!tpu.dma_semaphore, #tpu.memory_space<semaphore_mem>>)
      %dma_wait3A_1269 = arith.constant 0 : i32
      %dma_wait3A_1270 = arith.constant 0 : i32
      %dma_wait3A_1271 = tpu.memref_slice %arg4[%add3A, %dma_wait3A_1269, %dma_wait3A_1270] : memref<32x4x16xf32, #tpu.memory_space<hbm>> -> memref<1x4x16xf32, #tpu.memory_space<hbm>>
      %dma_wait3A_1272 = tpu.memref_squeeze %dma_wait3A_1271 : memref<1x4x16xf32, #tpu.memory_space<hbm>> -> memref<4x16xf32, #tpu.memory_space<hbm>>
      %dma_wait3A_1273 = arith.constant 0 : i32
      %dma_wait3A_1274 = arith.constant 0 : i32
      %dma_wait3A_1275 = tpu.memref_slice %arg4[%add3A, %dma_wait3A_1273, %dma_wait3A_1274] : memref<32x4x16xf32, #tpu.memory_space<hbm>> -> memref<1x4x16xf32, #tpu.memory_space<hbm>>
      %dma_wait3A_1276 = tpu.memref_squeeze %dma_wait3A_1275 : memref<1x4x16xf32, #tpu.memory_space<hbm>> -> memref<4x16xf32, #tpu.memory_space<hbm>>
      tpu.wait_dma2 semaphore(%run_scoped3A : memref<!tpu.dma_semaphore, #tpu.memory_space<semaphore_mem>>) src(%arg7 : memref<4x16xf32, #tpu.memory_space<vmem>>) dst(%dma_wait3A_1276 : memref<4x16xf32, #tpu.memory_space<hbm>>)
      tpu.yield
    }) : () -> ()
    return
  }
}

module attributes {stable_mosaic.version = 14 : i64} {
  func.func @_flood_mse_tc_body(%arg0: i32, %arg1: memref<2x1x512x512xf32, #tpu.memory_space<vmem>>, %arg2: memref<2x1x512x512xf32, #tpu.memory_space<vmem>>, %arg3: memref<4xf32, #tpu.memory_space<smem>>) attributes {dimension_semantics = [#tpu.dimension_semantics<arbitrary>], iteration_bounds = array<i64: 6>, scalar_prefetch = 0 : i64, scratch_operands = 0 : i64, tpu.core_type = #tpu.core_type<tc>, window_params = [{transform_indices = @transform_0, window_bounds = array<i64: 2, 1, 512, 512>}, {transform_indices = @transform_1, window_bounds = array<i64: 2, 1, 512, 512>}, {transform_indices = @transform_2, window_bounds = array<i64: 4>}]} {
    %get3A = arith.constant 0 : index
    %get3A_0 = arith.constant 0 : index
    %get3A_1 = arith.constant 0 : index
    %get3A_2 = arith.constant 0 : index
    %get3A_3 = vector.load %arg1[%get3A, %get3A_0, %get3A_1, %get3A_2] : memref<2x1x512x512xf32, #tpu.memory_space<vmem>>, vector<2x1x512x512xf32>
    %reshape3A = vector.shape_cast %get3A_3 : vector<2x1x512x512xf32> to vector<1024x512xf32>
    %get3A_4 = arith.constant 0 : index
    %get3A_5 = arith.constant 0 : index
    %get3A_6 = arith.constant 0 : index
    %get3A_7 = arith.constant 0 : index
    %get3A_8 = vector.load %arg2[%get3A_4, %get3A_5, %get3A_6, %get3A_7] : memref<2x1x512x512xf32, #tpu.memory_space<vmem>>, vector<2x1x512x512xf32>
    %reshape3A_9 = vector.shape_cast %get3A_8 : vector<2x1x512x512xf32> to vector<1024x512xf32>
    %sub3A = arith.subf %reshape3A, %reshape3A_9 : vector<1024x512xf32>
    %mul3A = arith.mulf %sub3A, %sub3A : vector<1024x512xf32>
    %gt3A = arith.constant 0.000000e+00 : f32
    %gt3A_10 = vector.broadcast %gt3A : f32 to vector<1024x512xf32>
    %gt3A_11 = arith.cmpf ogt, %reshape3A_9, %gt3A_10 : vector<1024x512xf32>
    %convert_element_type3A = arith.extui %gt3A_11 : vector<1024x512xi1> to vector<1024x512xi32>
    %convert_element_type3A_12 = arith.sitofp %convert_element_type3A : vector<1024x512xi32> to vector<1024x512xf32>
    %gt3A_13 = arith.constant 0.000000e+00 : f32
    %gt3A_14 = vector.broadcast %gt3A_13 : f32 to vector<1024x512xf32>
    %gt3A_15 = arith.cmpf ogt, %reshape3A, %gt3A_14 : vector<1024x512xf32>
    %convert_element_type3A_16 = arith.extui %gt3A_15 : vector<1024x512xi1> to vector<1024x512xi32>
    %convert_element_type3A_17 = arith.sitofp %convert_element_type3A_16 : vector<1024x512xi32> to vector<1024x512xf32>
    %broadcast_in_dim3A = arith.constant 1.000000e+00 : f32
    %broadcast_in_dim3A_18 = vector.broadcast %broadcast_in_dim3A : f32 to vector<1x1024xf32>
    %mul3A_19 = arith.mulf %mul3A, %convert_element_type3A_12 : vector<1024x512xf32>
    %dot_general3A = arith.constant dense<0.000000e+00> : vector<1x512xf32>
    %dot_general3A_20 = tpu.matmul %broadcast_in_dim3A_18, %mul3A_19, %dot_general3A {dimension_numbers = #tpu.dot_dimension_numbers<[1], [0], [0], [1], [0, 0, 1, 1], [], []>, transpose_lhs_hint = false} : vector<1x1024xf32>, vector<1024x512xf32>, vector<1x512xf32> -> vector<1x512xf32>
    %reduce_sum3A = vector.shape_cast %dot_general3A_20 : vector<1x512xf32> to vector<1x1x512xf32>
    %reduce_sum3A_21 = arith.constant dense<0.000000e+00> : vector<1xf32>
    %reduce_sum3A_22 = vector.multi_reduction <add>, %reduce_sum3A, %reduce_sum3A_21 [1, 2] : vector<1x1x512xf32> to vector<1xf32>
    %reduce_sum3A_23 = vector.shape_cast %reduce_sum3A_22 : vector<1xf32> to vector<1x1x1xf32>
    %reduce_sum3A_24 = vector.extract %reduce_sum3A_23[0, 0, 0] : f32 from vector<1x1x1xf32>
    %dot_general3A_25 = arith.constant dense<0.000000e+00> : vector<1x512xf32>
    %dot_general3A_26 = tpu.matmul %broadcast_in_dim3A_18, %convert_element_type3A_12, %dot_general3A_25 {dimension_numbers = #tpu.dot_dimension_numbers<[1], [0], [0], [1], [0, 0, 1, 1], [], []>, transpose_lhs_hint = false} : vector<1x1024xf32>, vector<1024x512xf32>, vector<1x512xf32> -> vector<1x512xf32>
    %reduce_sum3A_27 = vector.shape_cast %dot_general3A_26 : vector<1x512xf32> to vector<1x1x512xf32>
    %reduce_sum3A_28 = arith.constant dense<0.000000e+00> : vector<1xf32>
    %reduce_sum3A_29 = vector.multi_reduction <add>, %reduce_sum3A_27, %reduce_sum3A_28 [1, 2] : vector<1x1x512xf32> to vector<1xf32>
    %reduce_sum3A_30 = vector.shape_cast %reduce_sum3A_29 : vector<1xf32> to vector<1x1x1xf32>
    %reduce_sum3A_31 = vector.extract %reduce_sum3A_30[0, 0, 0] : f32 from vector<1x1x1xf32>
    %mul3A_32 = arith.mulf %mul3A, %convert_element_type3A_17 : vector<1024x512xf32>
    %dot_general3A_33 = arith.constant dense<0.000000e+00> : vector<1x512xf32>
    %dot_general3A_34 = tpu.matmul %broadcast_in_dim3A_18, %mul3A_32, %dot_general3A_33 {dimension_numbers = #tpu.dot_dimension_numbers<[1], [0], [0], [1], [0, 0, 1, 1], [], []>, transpose_lhs_hint = false} : vector<1x1024xf32>, vector<1024x512xf32>, vector<1x512xf32> -> vector<1x512xf32>
    %reduce_sum3A_35 = vector.shape_cast %dot_general3A_34 : vector<1x512xf32> to vector<1x1x512xf32>
    %reduce_sum3A_36 = arith.constant dense<0.000000e+00> : vector<1xf32>
    %reduce_sum3A_37 = vector.multi_reduction <add>, %reduce_sum3A_35, %reduce_sum3A_36 [1, 2] : vector<1x1x512xf32> to vector<1xf32>
    %reduce_sum3A_38 = vector.shape_cast %reduce_sum3A_37 : vector<1xf32> to vector<1x1x1xf32>
    %reduce_sum3A_39 = vector.extract %reduce_sum3A_38[0, 0, 0] : f32 from vector<1x1x1xf32>
    %dot_general3A_40 = arith.constant dense<0.000000e+00> : vector<1x512xf32>
    %dot_general3A_41 = tpu.matmul %broadcast_in_dim3A_18, %convert_element_type3A_17, %dot_general3A_40 {dimension_numbers = #tpu.dot_dimension_numbers<[1], [0], [0], [1], [0, 0, 1, 1], [], []>, transpose_lhs_hint = false} : vector<1x1024xf32>, vector<1024x512xf32>, vector<1x512xf32> -> vector<1x512xf32>
    %reduce_sum3A_42 = vector.shape_cast %dot_general3A_41 : vector<1x512xf32> to vector<1x1x512xf32>
    %reduce_sum3A_43 = arith.constant dense<0.000000e+00> : vector<1xf32>
    %reduce_sum3A_44 = vector.multi_reduction <add>, %reduce_sum3A_42, %reduce_sum3A_43 [1, 2] : vector<1x1x512xf32> to vector<1xf32>
    %reduce_sum3A_45 = vector.shape_cast %reduce_sum3A_44 : vector<1xf32> to vector<1x1x1xf32>
    %reduce_sum3A_46 = vector.extract %reduce_sum3A_45[0, 0, 0] : f32 from vector<1x1x1xf32>
    %eq3A = arith.constant 0 : i32
    %eq3A_47 = arith.cmpi eq, %arg0, %eq3A : i32
    %convert_element_type3A_48 = arith.extui %eq3A_47 : i1 to i32
    %cond3A = arith.constant 0 : i32
    %cond3A_49 = arith.cmpi ne, %convert_element_type3A_48, %cond3A : i32
    scf.if %cond3A_49 {
      %swap3A_68 = arith.constant 0.000000e+00 : f32
      %swap3A_69 = arith.constant 0 : index
      %swap3A_70 = memref.load %arg3[%swap3A_69] : memref<4xf32, #tpu.memory_space<smem>>
      memref.store %swap3A_68, %arg3[%swap3A_69] : memref<4xf32, #tpu.memory_space<smem>>
      %swap3A_71 = arith.constant 0.000000e+00 : f32
      %swap3A_72 = arith.constant 1 : index
      %swap3A_73 = memref.load %arg3[%swap3A_72] : memref<4xf32, #tpu.memory_space<smem>>
      memref.store %swap3A_71, %arg3[%swap3A_72] : memref<4xf32, #tpu.memory_space<smem>>
      %swap3A_74 = arith.constant 0.000000e+00 : f32
      %swap3A_75 = arith.constant 2 : index
      %swap3A_76 = memref.load %arg3[%swap3A_75] : memref<4xf32, #tpu.memory_space<smem>>
      memref.store %swap3A_74, %arg3[%swap3A_75] : memref<4xf32, #tpu.memory_space<smem>>
      %swap3A_77 = arith.constant 0.000000e+00 : f32
      %swap3A_78 = arith.constant 3 : index
      %swap3A_79 = memref.load %arg3[%swap3A_78] : memref<4xf32, #tpu.memory_space<smem>>
      memref.store %swap3A_77, %arg3[%swap3A_78] : memref<4xf32, #tpu.memory_space<smem>>
    } else {
    }
    %get3A_50 = arith.constant 0 : index
    %get3A_51 = memref.load %arg3[%get3A_50] : memref<4xf32, #tpu.memory_space<smem>>
    %add3A = arith.addf %get3A_51, %reduce_sum3A_24 : f32
    %swap3A = arith.constant 0 : index
    %swap3A_52 = memref.load %arg3[%swap3A] : memref<4xf32, #tpu.memory_space<smem>>
    memref.store %add3A, %arg3[%swap3A] : memref<4xf32, #tpu.memory_space<smem>>
    %get3A_53 = arith.constant 1 : index
    %get3A_54 = memref.load %arg3[%get3A_53] : memref<4xf32, #tpu.memory_space<smem>>
    %add3A_55 = arith.addf %get3A_54, %reduce_sum3A_31 : f32
    %swap3A_56 = arith.constant 1 : index
    %swap3A_57 = memref.load %arg3[%swap3A_56] : memref<4xf32, #tpu.memory_space<smem>>
    memref.store %add3A_55, %arg3[%swap3A_56] : memref<4xf32, #tpu.memory_space<smem>>
    %get3A_58 = arith.constant 2 : index
    %get3A_59 = memref.load %arg3[%get3A_58] : memref<4xf32, #tpu.memory_space<smem>>
    %add3A_60 = arith.addf %get3A_59, %reduce_sum3A_39 : f32
    %swap3A_61 = arith.constant 2 : index
    %swap3A_62 = memref.load %arg3[%swap3A_61] : memref<4xf32, #tpu.memory_space<smem>>
    memref.store %add3A_60, %arg3[%swap3A_61] : memref<4xf32, #tpu.memory_space<smem>>
    %get3A_63 = arith.constant 3 : index
    %get3A_64 = memref.load %arg3[%get3A_63] : memref<4xf32, #tpu.memory_space<smem>>
    %add3A_65 = arith.addf %get3A_64, %reduce_sum3A_46 : f32
    %swap3A_66 = arith.constant 3 : index
    %swap3A_67 = memref.load %arg3[%swap3A_66] : memref<4xf32, #tpu.memory_space<smem>>
    memref.store %add3A_65, %arg3[%swap3A_66] : memref<4xf32, #tpu.memory_space<smem>>
    return
  }
  func.func @transform_0(%arg0: i32) -> (i32, i32, i32, i32) {
    %add3A = arith.constant 2 : i32
    %add3A_0 = arith.addi %add3A, %arg0 : i32
    %c0_i32 = arith.constant 0 : i32
    %c0_i32_1 = arith.constant 0 : i32
    %c0_i32_2 = arith.constant 0 : i32
    %c0_i32_3 = arith.constant 0 : i32
    return %add3A_0, %c0_i32, %c0_i32_1, %c0_i32_2 : i32, i32, i32, i32
  }
  func.func @transform_1(%arg0: i32) -> (i32, i32, i32, i32) {
    %add3A = arith.constant 2 : i32
    %add3A_0 = arith.addi %add3A, %arg0 : i32
    %c0_i32 = arith.constant 0 : i32
    %c0_i32_1 = arith.constant 0 : i32
    %c0_i32_2 = arith.constant 0 : i32
    %c0_i32_3 = arith.constant 0 : i32
    return %add3A_0, %c0_i32, %c0_i32_1, %c0_i32_2 : i32, i32, i32, i32
  }
  func.func @transform_2(%arg0: i32) -> i32 {
    %c0_i32 = arith.constant 0 : i32
    %c0_i32_0 = arith.constant 0 : i32
    return %c0_i32 : i32
  }
}

</mosaic_0001>

<sc_bundles>
// kernel: kernel.4.cloned.1.call-start
scs
__scs_entry_jumppad:
0x0: {  	(pc) =	sbr.rel $0x88, $3  }
0x1: {  	(tag) =	ssettag $0x0;
	lr =	simm.s32 $0x1  }
0x2: {  	[smem:$0x3F9F] =	sst lr;
	_ =	strace $0xD0000000  }
0x3: {  	_ = 	snop  }
0x4: {  	_ = 	snop  }
0x5: {  	_ = 	snop  }
0x6: {  	_ = 	snop  }
0x7: {  	_ = 	snop  }
__scs_overlays_trampoline_lowered:
0x8: {  	[smem:$0x3FAE] =	sst s0  }
0x9: {  	[smem:$0x3FAF] =	sst s1  }
0xa: {  	[smem:$0x3FB0] =	sst s2  }
0xb: {  	[smem:$0x3FB1] =	sst s3  }
0xc: {  	[smem:$0x3FB2] =	sst s4  }
0xd: {  	[smem:$0x3FB3] =	sst s5  }
0xe: {  	[smem:$0x3FB4] =	sst s6  }
0xf: {  	[smem:$0x3FB5] =	sst s7  }
0x10: {  	[smem:$0x3FB6] =	sst s8  }
0x11: {  	[smem:$0x3FB7] =	sst s9;
	s0 =	simm.s32 @!p0 $0x0  }
0x12: {  	s1 =	sld [smem:$0x3F9D];
	s0 =	simm.s32 @p0 $0x1  }
0x13: {  	[smem:$0x3FB8] =	sst s0;
	s0 =	simm.s32 @!p1 $0x0  }
0x14: {  	s2 =	sld [smem:$0x3F9C];
	s0 =	simm.s32 @p1 $0x1  }
0x15: {  	[smem:$0x3FB9] =	sst s0;
	s0 =	simm.s32 @!p2 $0x0  }
0x16: {  	s3 =	sld [smem:$0x3FDB];
	s0 =	simm.s32 @p2 $0x1  }
0x17: {  	s4 =	simm.s32 $0x1BF5;
	[smem:$0x3FBB] =	sst s0  }
0x18: {  	s0 =	sld [smem:$0x3F9E];
	_ =	swait.ge [sflag:s4], $0x0  }
0x19: {  	s7 =	sld [smem:$0x3F9F]  }
0x1a: {  	s8 =	sadd.s32 $0xFFFFE003, lr  }
0x1b: {  	s9 =	sadd.s32 $0xFFFFFEF7, lr;
	s5 =	simm.s32 $0xFFFFFFFF;
	p2 =	slt.u32 s8, $0xFFFFF086  }
0x1c: {  	p1 =	slt.u32 s9, $0xF7A;
	s5 =	simm.s32 @!p2 $0x0  }
0x1d: {  	s5 =	simm.s32 @p1 $0x1;
	p0 =	seq.s32 s7, s2  }
0x1e: {  	s7 =	smul.u32 @!p0 $0xF7A, s2;
	p2 =	seq.s32 @!p0 s5, $0x0  }
0x1f: {  	s9 =	smul.u32 $0xF7A, s1;
	s8 =	simm.s32 @!p0 $0x1BF5;
	p2 =	por !p2, p0  }
0x20: {  	[sflag:s8] =	ssyncset.s32 @!p0 $0xFFFFF086;
	s6 =	sadd.s32 @!p0 s3, s7;
	s7 =	simm.s32 @!p0 $0x108  }
0x21: {  	s3 =	sadd.s32 s3, s9;
	s6 =	sadd.s32 @!p0 $0x88, s6;
	s7 =	simm.s32 @p2 $0x1082  }
0x22: {  	[simem:s7], [sflag:s8] =	dma.local @!p0 [hbm:s6], $0xF7A  }
0x23: {  	s9 =	sor.u32 $0xD0000000, s2;
	s6 =	simm.s32 $0x108;
	_ =	swait.ge @!p0 [sflag:s8], $0x0  }
0x24: {  	s3 =	sadd.s32 $0x88, s3;
	s6 =	simm.s32 @!p1 $0x1082;
	[sflag:s4] =	ssyncset.s32 $0xFFFFF086  }
0x25: {  	[simem:s6], [sflag:s4] =	dma.local [hbm:s3], $0xF7A  }
0x26: {  	[smem:$0x3F9F] =	sst s1;
	(tag) =	ssettag s2;
	_ =	strace s9  }
0x27: {  	s1 =	sld [smem:$0x3FAF]  }
0x28: {  	s2 =	sld [smem:$0x3FB0]  }
0x29: {  	s4 =	sld [smem:$0x3FB2]  }
0x2a: {  	p0 =	seq.s32 s5, $0x0;
	s5 =	sld [smem:$0x3FB3]  }
0x2b: {  	s6 =	sld [smem:$0x3FB4]  }
0x2c: {  	s7 =	sld [smem:$0x3FB5]  }
0x2d: {  	s3 =	simm.s32 $0x108;
	s8 =	sld [smem:$0x3FB6]  }
0x2e: {  	s3 =	simm.s32 @!p0 $0x1082;
	s9 =	sld [smem:$0x3FB7]  }
0x2f: {  	lr =	sadd.s32 s0, s3;
	s0 =	sld [smem:$0x3FAE]  }
0x30: {  	s3 =	sld [smem:$0x3FB1]  }
0x31: {  	[smem:$0x3FBA] =	sst s10  }
0x32: {  	s10 =	sld [smem:$0x3FB8];
	_ =	sdelay $0x3  }
0x33: {  	p0 =	seq.s32 s10, $0x1;
	s10 =	sld [smem:$0x3FBA];
	_ =	sdelay $0x3  }
0x34: {  	[smem:$0x3FBA] =	sst s10  }
0x35: {  	s10 =	sld [smem:$0x3FB9];
	_ =	sdelay $0x3  }
0x36: {  	p1 =	seq.s32 s10, $0x1;
	s10 =	sld [smem:$0x3FBA];
	_ =	sdelay $0x3  }
0x37: {  	[smem:$0x3FBA] =	sst s10  }
0x38: {  	s10 =	sld [smem:$0x3FBB]  }
0x39: {  	_ = 	snop;
	(pc) =	sbr.ind lr, $3  }
0x3a: {  	_ = 	snop  }
0x3b: {  	_ = 	snop  }
0x3c: {  	p2 =	seq.s32 s10, $0x1;
	s10 =	sld [smem:$0x3FBA]  }
0x3d: {  	_ =	shalt  }
0x3e: {  	_ =	shalt  }
0x3f: {  	_ =	shalt  }
0x40: {  	_ =	shalt  }
0x41: {  	_ =	shalt  }
0x42: {  	_ =	shalt  }
0x43: {  	_ =	shalt  }
0x44: {  	_ =	shalt  }
0x45: {  	_ =	shalt  }
0x46: {  	_ =	shalt  }
0x47: {  	_ =	shalt  }
0x48: {  	_ =	shalt  }
0x49: {  	_ =	shalt  }
0x4a: {  	_ =	shalt  }
0x4b: {  	_ =	shalt  }
0x4c: {  	_ =	shalt  }
0x4d: {  	_ =	shalt  }
0x4e: {  	_ =	shalt  }
0x4f: {  	_ =	shalt  }
0x50: {  	_ =	shalt  }
0x51: {  	_ =	shalt  }
0x52: {  	_ =	shalt  }
0x53: {  	_ =	shalt  }
0x54: {  	_ =	shalt  }
0x55: {  	_ =	shalt  }
0x56: {  	_ =	shalt  }
0x57: {  	_ =	shalt  }
0x58: {  	_ =	shalt  }
0x59: {  	_ =	shalt  }
0x5a: {  	_ =	shalt  }
0x5b: {  	_ =	shalt  }
0x5c: {  	_ =	shalt  }
0x5d: {  	_ =	shalt  }
0x5e: {  	_ =	shalt  }
0x5f: {  	_ =	shalt  }
0x60: {  	_ =	shalt  }
0x61: {  	_ =	shalt  }
0x62: {  	_ =	shalt  }
0x63: {  	_ =	shalt  }
0x64: {  	_ =	shalt  }
0x65: {  	_ =	shalt  }
0x66: {  	_ =	shalt  }
0x67: {  	_ =	shalt  }
0x68: {  	_ =	shalt  }
0x69: {  	_ =	shalt  }
0x6a: {  	_ =	shalt  }
0x6b: {  	_ =	shalt  }
0x6c: {  	_ =	shalt  }
0x6d: {  	_ =	shalt  }
0x6e: {  	_ =	shalt  }
0x6f: {  	_ =	shalt  }
0x70: {  	_ =	shalt  }
0x71: {  	_ =	shalt  }
0x72: {  	_ =	shalt  }
0x73: {  	_ =	shalt  }
0x74: {  	_ =	shalt  }
0x75: {  	_ =	shalt  }
0x76: {  	_ =	shalt  }
0x77: {  	_ =	shalt  }
0x78: {  	_ =	shalt  }
0x79: {  	_ =	shalt  }
0x7a: {  	_ =	shalt  }
0x7b: {  	_ =	shalt  }
0x7c: {  	_ =	shalt  }
0x7d: {  	_ =	shalt  }
0x7e: {  	_ =	shalt  }
0x7f: {  	_ =	shalt  }
0x80: {  	_ =	shalt  }
0x81: {  	_ =	shalt  }
0x82: {  	_ =	shalt  }
0x83: {  	_ =	shalt  }
0x84: {  	_ =	shalt  }
0x85: {  	_ =	shalt  }
0x86: {  	_ =	shalt  }
0x87: {  	_ =	shalt  }
.Lfunc_end0:
.L_simem_size_0:
called_computation_lowered:
.L_overlay_start_0:
0x88: {  	s2 =	sld [smem:$0x3FD9]  }
0x89: {  	s3 =	sld [smem:$0x3FFE];
	_ =	sdelay $0x1  }
0x8a: {  	s1 =	srdreg.scid  }
0x8b: {  	s0 =	sand.u32 $0x1, s1  }
0x8c: {  	s17 =	sshll.u32 s0, $0xA;
	s2 =	sadd.s32 s3, s2  }
0x8d: {  	s2 =	sadd.s32 s2, s17  }
0x8e: {  	[smem:$0x3FC6] =	sst s2  }
0x8f: {  	_ = 	snop  }
0x90: {  	s2 =	sld [smem:$0x3FC9]  }
0x91: {  	s18 =	sld [smem:$0x3FC8];
	(tm) =	ssettm $0x1  }
0x92: {  	s4 =	sld [smem:$0x3FFB];
	_ =	sdelay $0x3  }
0x93: {  	_ =	strace s4  }
0x94: {  	s4 =	sld [smem:$0x3FFC];
	_ =	sdelay $0x3  }
0x95: {  	_ =	strace s4  }
0x96: {  	s4 =	sld [smem:$0x3FFD];
	_ =	sdelay $0x3  }
0x97: {  	_ =	strace s4  }
0x98: {  	_ =	strace $0x8FFFFFFF  }
0x99: {  	s19 =	sld [smem:$0x3FDB];
	_ =	sdelay $0x1  }
0x9a: {  	s5 =	simm.s32 $_scs_section_size  }
0x9b: {  	s6 =	simm.s32 $_size__tile_overlayer_lowered;
	s7 =	simm.s32 $_tile_overlayer_lowered  }
0x9c: {  	s22 =	simm.s32 $0x1BFF;
	s21 =	sshll.u32 s7, $0x1;
	s4 =	sadd.s32 s5, s19  }
0x9d: {  	s8 =	simm.s32 $0x0;
	s20 =	sshll.u32 s6, $0x1;
	s6 =	sadd.s32 s21, s4  }
0x9e: {  	[timem:s8], [sflag:s22] =	dma.local [hbm:s6], s20  }
0x9f: {  	_ =	swait.ge [sflag:s22], s20  }
0xa0: {  	s5 =	ssub.s32 $0x0, s20;
	[sflag:s22] =	ssyncset.done $0x0  }
0xa1: {  	[sflag:s22] =	ssyncadd.s32 s5;
	_ =	sdelay $0x1  }
0xa2: {  	s23 =	simm.s32 $0x1B8B  }
0xa3: {  	_ =	swait.ge [sflag:s23], $0x1  }
0xa4: {  	[sflag:s23] =	ssyncset.done $0x0  }
0xa5: {  	s25 =	simm.s32 $0x1B8E;
	s24 =	sld [smem:$0x3FFE];
	[sflag:s23] =	ssyncadd.s32 $0xFFFFFFFF  }
0xa6: {  	s26 =	simm.s32 $execute0_lowered;
	[smem:$0x3FD2] =	sst s25  }
0xa7: {  	s6 =	sshll.u32 s26, $0x1;
	_ =	strace $0x80000046;
	[dreg:$0x1] =	wrdreg $0xFFFFFFFF  }
0xa8: {  	s28 =	simm.s32 $_size_execute0_lowered;
	s4 =	sadd.s32 s4, s6;
	[dreg:$0x0] =	wrdreg $0x0  }
0xa9: {  	s6 =	sshll.u32 s28, $0x1;
	[dreg:$0x2] =	wrdreg s4  }
0xaa: {  	[dreg:$0x3] =	wrdreg s6  }
0xab: {  	[dreg:$0x4] =	wrdreg $0xC0  }
0xac: {  	_ =	task [dreg:s8], $0x5FFFF  }
0xad: {  	[dreg:$0x1] =	wrdreg $0xFFFFFFFF  }
0xae: {  	[dreg:$0x0] =	wrdreg $0x60  }
0xaf: {  	[dreg:$0x2] =	wrdreg s2  }
0xb0: {  	[dreg:$0x3] =	wrdreg s18  }
0xb1: {  	[dreg:$0x4] =	wrdreg s24  }
0xb2: {  	[dreg:$0x5] =	wrdreg $0x9  }
0xb3: {  	_ =	task.clear_ibuf [dreg:s8], $0x6FFFF;
	_ =	strace $0x90000046  }
0xb4: {  	s29 =	simm.s32 $0x9;
	_ =	strace $0x80000048  }
0xb5: {  	_ =	swait.ge [sflag:s29], $0x1  }
0xb6: {  	[sflag:s29] =	ssyncadd.s32 $0xFFFFFFFF  }
0xb7: {  	_ =	strace $0x90000048  }
0xb8: {  	_ =	sfence  }
0xb9: {  	s30 =	sld [smem:$0x0];
	_ =	sdelay $0x2  }
0xba: {  	s31 =	sshll.u32 s1, $0xD;
	s1 =	sshrl.u32 s1, $0x2  }
0xbb: {  	s3 =	sand.u32 $0x4000, s31;
	s1 =	sadd.s32 s1, s30  }
0xbc: {  	s0 =	sor.u32 s3, s0;
	s1 =	sshll.u32 s1, $0x11  }
0xbd: {  	s0 =	sor.u32 s1, s0  }
0xbe: {  	s0 =	sadd.s32 $0x8F2B, s0  }
0xbf: {  	[sflag:s0] =	ssyncadd.remote.s32 $0x1  }
0xc0: {  	_ =	sfence.sel $0xFFFF  }
0xc1: {  	[dreg:$0x0] =	wrdreg $0xFFFFFFFF;
	(pc) =	sbr.abs _section_cstart, $3  }
0xc2: {  	[dreg:$0x1] =	wrdreg $0xFFFFFFFF  }
0xc3: {  	_ =	task.clear_ibuf [dreg:s8], $0x2FFFF;
	_ =	strace $0x9FFFFFFF  }
0xc4: {  	(tm) =	ssettm $0x7FFFFFFF  }
0xc5: {  	_ =	shalt  }
tec
execute0_lowered:
.L_overlay_start_1:
0x0: {  	(tag) =	ssettag $0x1  }
0x1: {  	s0 =	rddreg [dreg:$0x0]  }
0x2: {  	s1 =	rddreg [dreg:$0x1]  }
0x3: {  	s3 =	rddreg [dreg:$0x2]  }
0x4: {  	s4 =	srdreg.scid;
	s5 =	stileid.u32;
	s2 =	simm.s32 $0x0  }
0x5: {  	s21 =	simm.s32 $0x2000;
	s22 =	simm.s32 $0x1000;
	s28 =	simm.s32 $0x4  }
0x6: {  	s30 =	simm.s32 $0x5;
	s4 =	sand.u32 $0x1, s4;
	s5 =	sshll.u32 s5, $0x1  }
0x7: {  	s31 =	simm.s32 $0x0;
	[smem:$0x7FF] =	sst s2;
	s5 =	sor.u32 s4, s5  }
0x8: {  	_ =	strace $0x80000047;
	s4 =	ssub.s32 $0x2, s4;
	s6 =	sshll.u32 s5, $0x6  }
0x9: {  	s23 =	sshrl.u32 s4, $0x1;
	s16 =	sshll.u32 s5, $0xC;
	s19 =	sadd.s32 s6, s3  }
0xa: {  	s20 =	ssub.s32 s4, s23;
	s24 =	sadd.s32 s0, s16;
	s25 =	sor.u32 $0x200, s16  }
0xb: {  	s26 =	sadd.s32 s1, s16;
	s8 =	sor.u32 $0x400, s16;
	s10 =	sor.u32 $0x600, s16  }
0xc: {  	s12 =	sor.u32 $0x800, s16;
	s14 =	sor.u32 $0xA00, s16;
	s17 =	sor.u32 $0xC00, s16  }
0xd: {  	s18 =	sor.u32 $0xE00, s16;
	s23 =	simm.s32 $0x3000;
	[dreg:$0x4] =	wrdreg s24  }
0xe: {  	[dreg:$0x5] =	wrdreg s26;
	s29 =	sadd.s32 s0, s25;
	s6 =	sadd.s32 s1, s25  }
0xf: {  	s7 =	sadd.s32 s0, s8;
	s8 =	sadd.s32 s1, s8;
	s9 =	sadd.s32 s0, s10  }
0x10: {  	s10 =	sadd.s32 s1, s10;
	s11 =	sadd.s32 s0, s12;
	s12 =	sadd.s32 s1, s12  }
0x11: {  	s13 =	sadd.s32 s0, s14;
	s14 =	sadd.s32 s1, s14;
	s15 =	sadd.s32 s0, s17  }
0x12: {  	s16 =	sadd.s32 s1, s17;
	s17 =	sadd.s32 s0, s18;
	s18 =	sadd.s32 s1, s18  }
0x13: {  	s19 =	sadd.s32 $0x400, s19;
	s20 =	smax.u32 s20, $0x1;
	s24 =	simm.s32 $0x1  }
0x14: {  	v0 =	vimm.s32 $0x0;
	s25 =	simm.s32 $0x3;
	s26 =	simm.s32 $0x2;
	[dreg:$0x6] =	wrdreg s29  }
.LBB2_1:
0x15: {  	s0 =	rddreg [dreg:$0x4]  }
0x16: {  	[tilespmem:s2], [sflag:$0x1] =	stream.linear.gather [hbm4b:s0+s2], $0x1000, $0x38;
	[tilespmem:$0x4200] =	vst v63  }
0x17: {  	s4 =	rddreg [dreg:$0x5]  }
0x18: {  	[tilespmem:s21], [sflag:$0x3] =	stream.linear.gather [hbm4b:s4+s2], $0x1000, $0x38;
	[tilespmem:$0x4200] =	vst v63  }
0x19: {  	s5 =	rddreg [dreg:$0x6]  }
0x1a: {  	[tilespmem:s22], [sflag:$0x2] =	stream.linear.gather [hbm4b:s5+s2], $0x1000, $0x38;
	[tilespmem:$0x4200] =	vst v63  }
0x1b: {  	_ = 	snop  }
0x1c: {  	[tilespmem:s23], [sflag:$0x4] =	stream.linear.gather [hbm4b:s6+s2], $0x1000, $0x38;
	[tilespmem:$0x4200] =	vst v63  }
0x1d: {  	_ =	swait.ge [sflag:s24], $0x1000  }
0x1e: {  	[sflag:s24] =	ssyncset.done $0x0  }
0x1f: {  	s0 =	simm.s32 $0x0;
	[sflag:s24] =	ssyncadd.s32 $0xFFFFF000  }
0x20: {  	s29 =	sand.u32 $0xC00, s2;
	s1 =	sand.u32 $0x40, s0;
	_ =	swait.ge [sflag:s25], $0x1000  }
0x21: {  	s3 =	sand.u32 $0x380, s2;
	s1 =	sor.u32 s1, s29;
	[sflag:s25] =	ssyncset.done $0x0  }
0x22: {  	s1 =	sor.u32 s3, s1;
	[sflag:s25] =	ssyncadd.s32 $0xFFFFF000  }
0x23: {  	v1 =	vld [tilespmem:s1+$0x30]  }
0x24: {  	v2 =	vld [tilespmem:s1+$0x2030]  }
0x25: {  	v4 =	vld [tilespmem:s1+$0x0]  }
0x26: {  	v5 =	vld [tilespmem:s1+$0x2000]  }
0x27: {  	v3 =	vimm.f32 $0.0e+00;
	v6 =	vld [tilespmem:s1+$0x10]  }
0x28: {  	v9 =	vimm.f32 $0.0e+00;
	v10 =	vimm.s32 $0x0;
	v11 =	vimm.f32 $0.0e+00;
	v7 =	vld [tilespmem:s1+$0x2010]  }
0x29: {  	v12 =	vimm.f32 $0.0e+00;
	v13 =	vimm.s32 $0x0;
	v14 =	vimm.s32 $0x0;
	v19 =	vld [tilespmem:s1+$0x20]  }
0x2a: {  	v15 =	vimm.s32 $0x0;
	v17 =	vimm.s32 $0x0;
	v16 =	vimm.s32 $0x0  }
0x2b: {  	v8 =	vsub.f32 v1, v2;
	vm4 =	vgt.f32 v2, $0.0e+00;
	vm1 =	vgt.f32 v4, $0.0e+00  }
0x2c: {  	v4 =	vsub.f32 v4, v5;
	vm6 =	vgt.f32 v5, $0.0e+00;
	vm3 =	vgt.f32 v6, $0.0e+00  }
0x2d: {  	v22 =	vld [tilespmem:s1+$0x2020];
	vm0 =	vgt.f32 v1, $0.0e+00;
	v23 =	vsub.f32 v6, v7;
	vm5 =	vgt.f32 v7, $0.0e+00  }
0x2e: {  	vm2 =	vgt.f32 v19, $0.0e+00;
	v5 =	vimm.s32 $0x0;
	v20 =	vmul.f32 v8, v8  }
0x2f: {  	v6 =	vimm.f32 $0.0e+00;
	v7 =	vimm.s32 $0x0;
	v2 =	vsel vm4, $0x1, v0  }
0x30: {  	v18 =	vsel vm6, $0x1, v0;
	v21 =	vmul.f32 v4, v4;
	v1 =	vnsel vm0, $0x0, v20  }
0x31: {  	s29 =	simm.s32 $0x0;
	s1 =	simm.s32 $0x0;
	v4 =	vimm.f32 $0.0e+00;
	v8 =	vimm.f32 $0.0e+00;
	v1 =	vadd.f32 v1, v3  }
.LBB2_2:
0x32: {  	s0 =	sadd.s32 $0x40, s0;
	v23 =	vmul.f32 v23, v23;
	v19 =	vsub.f32 v19, v22;
	vm7 =	vgt.f32 v22, $0.0e+00;
	s1 =	sadd.s32 $0x200, s1  }
0x33: {  	v22 =	vnsel vm6, $0x0, v21;
	v21 =	vnsel vm1, $0x0, v21;
	v20 =	vnsel vm4, $0x0, v20;
	s29 =	sadd.s32 $0x10, s29;
	s3 =	sand.u32 $0x40, s0;
	s4 =	sand.u32 $0xC00, s1  }
0x34: {  	s5 =	sand.u32 $0x380, s29;
	p0 =	slt.u32 s0, $0xFC0;
	s3 =	sor.u32 s3, s4;
	v24 =	vnsel vm5, $0x0, v23;
	v23 =	vnsel vm3, $0x0, v23;
	v19 =	vmul.f32 v19, v19  }
0x35: {  	v25 =	vsel vm1, $0x1, v0;
	v26 =	vsel vm5, $0x1, v0;
	v27 =	vsel vm3, $0x1, v0;
	s3 =	sor.u32 s5, s3  }
0x36: {  	v30 =	vsel vm7, $0x1, v0;
	v28 =	vld [tilespmem:s3+$0x30];
	v29 =	vnsel vm7, $0x0, v19;
	v19 =	vnsel vm2, $0x0, v19  }
0x37: {  	v32 =	vsel vm0, $0x1, v0;
	v3 =	vadd.f32 v22, v3;
	v22 =	vsel vm2, $0x1, v0;
	v31 =	vld [tilespmem:s3+$0x2030]  }
0x38: {  	v5 =	vadd.s32 v18, v5;
	v4 =	vadd.f32 v21, v4;
	v6 =	vadd.f32 v24, v6;
	v33 =	vld [tilespmem:s3+$0x0]  }
0x39: {  	v7 =	vadd.s32 v25, v7;
	v8 =	vadd.f32 v23, v8;
	v9 =	vadd.f32 v29, v9;
	v18 =	vld [tilespmem:s3+$0x2000]  }
0x3a: {  	v10 =	vadd.s32 v26, v10;
	v12 =	vadd.f32 v20, v12;
	v11 =	vadd.f32 v19, v11;
	v23 =	vld [tilespmem:s3+$0x10]  }
0x3b: {  	v13 =	vadd.s32 v27, v13;
	v14 =	vadd.s32 v30, v14;
	v15 =	vadd.s32 v22, v15;
	v24 =	vld [tilespmem:s3+$0x2010]  }
0x3c: {  	v17 =	vadd.s32 v2, v17;
	v19 =	vld [tilespmem:s3+$0x20];
	v20 =	vsub.f32 v28, v31;
	vm4 =	vgt.f32 v31, $0.0e+00  }
.Ltmp0:
0x3d: {  	v16 =	vadd.s32 v32, v16;
	vm1 =	vgt.f32 v33, $0.0e+00;
	v22 =	vld [tilespmem:s3+$0x2020];
	v2 =	vsel vm4, $0x1, v0;
	(pc) =	sbr.rel @p0 .LBB2_2-.Ltmp0, $4  }
0x3e: {  	v21 =	vsub.f32 v33, v18;
	vm6 =	vgt.f32 v18, $0.0e+00;
	v20 =	vmul.f32 v20, v20  }
0x3f: {  	vm0 =	vgt.f32 v28, $0.0e+00;
	v18 =	vsel vm6, $0x1, v0;
	vm3 =	vgt.f32 v23, $0.0e+00  }
0x40: {  	v21 =	vmul.f32 v21, v21;
	v23 =	vsub.f32 v23, v24;
	v25 =	vnsel vm0, $0x0, v20  }
0x41: {  	vm5 =	vgt.f32 v24, $0.0e+00;
	vm2 =	vgt.f32 v19, $0.0e+00;
	v1 =	vadd.f32 v25, v1  }
0x42: {  	s0 =	simm.s32 $0x0  }
0x43: {  	[tilespmem:s0], [sflag:$0x1] =	stream.linear.gather [hbm4b:s7+s0], $0x1000, $0x38;
	[tilespmem:$0x4200] =	vst v63  }
0x44: {  	_ = 	snop  }
0x45: {  	[tilespmem:s21], [sflag:$0x3] =	stream.linear.gather [hbm4b:s8+s0], $0x1000, $0x38;
	[tilespmem:$0x4200] =	vst v63  }
0x46: {  	_ =	swait.ge [sflag:s26], $0x1000  }
0x47: {  	[sflag:s26] =	ssyncset.done $0x0  }
0x48: {  	s1 =	simm.s32 $0x0;
	[sflag:s26] =	ssyncadd.s32 $0xFFFFF000  }
0x49: {  	v23 =	vmul.f32 v23, v23;
	v19 =	vsub.f32 v19, v22;
	vm7 =	vgt.f32 v22, $0.0e+00;
	s3 =	sand.u32 $0x40, s1;
	s4 =	sand.u32 $0xC00, s0;
	_ =	swait.ge [sflag:s28], $0x1000  }
0x4a: {  	v22 =	vnsel vm6, $0x0, v21;
	v21 =	vnsel vm1, $0x0, v21;
	v20 =	vnsel vm4, $0x0, v20;
	s5 =	sand.u32 $0x380, s0;
	s3 =	sor.u32 s3, s4;
	[sflag:s28] =	ssyncset.done $0x0  }
0x4b: {  	v25 =	vsel vm1, $0x1, v0;
	v26 =	vsel vm5, $0x1, v0;
	v27 =	vsel vm3, $0x1, v0;
	s3 =	sor.u32 s5, s3;
	[sflag:s28] =	ssyncadd.s32 $0xFFFFF000  }
0x4c: {  	v30 =	vsel vm2, $0x1, v0;
	v5 =	vadd.s32 v18, v5;
	v3 =	vadd.f32 v22, v3;
	v22 =	vld [tilespmem:s3+$0x1030]  }
0x4d: {  	v18 =	vsel vm0, $0x1, v0;
	v2 =	vadd.s32 v2, v17;
	v4 =	vadd.f32 v21, v4;
	v21 =	vld [tilespmem:s3+$0x3030]  }
0x4e: {  	v29 =	vsel vm7, $0x1, v0;
	v24 =	vnsel vm5, $0x0, v23;
	v23 =	vnsel vm3, $0x0, v23;
	v60 =	vld [tilespmem:s3+$0x1000]  }
0x4f: {  	v7 =	vadd.s32 v25, v7;
	v19 =	vmul.f32 v19, v19;
	v8 =	vadd.f32 v23, v8;
	v23 =	vld [tilespmem:s3+$0x3000]  }
0x50: {  	v10 =	vadd.s32 v26, v10;
	v12 =	vadd.f32 v20, v12;
	v13 =	vadd.s32 v27, v13;
	v61 =	vld [tilespmem:s3+$0x1010]  }
0x51: {  	v15 =	vadd.s32 v30, v15;
	v28 =	vnsel vm7, $0x0, v19;
	v19 =	vnsel vm2, $0x0, v19;
	v62 =	vld [tilespmem:s3+$0x3010]  }
0x52: {  	v16 =	vadd.s32 v18, v16;
	v6 =	vadd.f32 v24, v6;
	v11 =	vadd.f32 v19, v11;
	v19 =	vld [tilespmem:s3+$0x1020]  }
0x53: {  	v14 =	vadd.s32 v29, v14;
	v9 =	vadd.f32 v28, v9;
	v20 =	vsub.f32 v22, v21  }
0x54: {  	vm4 =	vgt.f32 v21, $0.0e+00;
	vm1 =	vgt.f32 v60, $0.0e+00;
	vm0 =	vgt.f32 v22, $0.0e+00;
	v22 =	vld [tilespmem:s3+$0x3020]  }
0x55: {  	v21 =	vsub.f32 v60, v23;
	vm6 =	vgt.f32 v23, $0.0e+00;
	v20 =	vmul.f32 v20, v20  }
0x56: {  	vm3 =	vgt.f32 v61, $0.0e+00;
	v23 =	vsub.f32 v61, v62;
	vm5 =	vgt.f32 v62, $0.0e+00  }
0x57: {  	vm2 =	vgt.f32 v19, $0.0e+00;
	v17 =	vsel vm4, $0x1, v0;
	v63 =	vnsel vm0, $0x0, v20  }
0x58: {  	s29 =	simm.s32 $0x0;
	v18 =	vsel vm6, $0x1, v0;
	v21 =	vmul.f32 v21, v21;
	v1 =	vadd.f32 v63, v1  }
.LBB2_4:
0x59: {  	s1 =	sadd.s32 $0x40, s1;
	v23 =	vmul.f32 v23, v23;
	v19 =	vsub.f32 v19, v22;
	vm7 =	vgt.f32 v22, $0.0e+00;
	s0 =	sadd.s32 $0x200, s0  }
0x5a: {  	v22 =	vnsel vm6, $0x0, v21;
	v21 =	vnsel vm1, $0x0, v21;
	v20 =	vnsel vm4, $0x0, v20;
	s29 =	sadd.s32 $0x10, s29;
	s3 =	sand.u32 $0x40, s1;
	s4 =	sand.u32 $0xC00, s0  }
0x5b: {  	s5 =	sand.u32 $0x380, s29;
	p0 =	slt.u32 s1, $0xFC0;
	s3 =	sor.u32 s3, s4;
	v24 =	vnsel vm5, $0x0, v23;
	v23 =	vnsel vm3, $0x0, v23;
	v19 =	vmul.f32 v19, v19  }
0x5c: {  	v25 =	vsel vm1, $0x1, v0;
	v26 =	vsel vm5, $0x1, v0;
	v27 =	vsel vm3, $0x1, v0;
	s3 =	sor.u32 s5, s3  }
0x5d: {  	v30 =	vsel vm7, $0x1, v0;
	v28 =	vld [tilespmem:s3+$0x1030];
	v29 =	vnsel vm7, $0x0, v19;
	v19 =	vnsel vm2, $0x0, v19  }
0x5e: {  	v32 =	vsel vm0, $0x1, v0;
	v3 =	vadd.f32 v22, v3;
	v22 =	vsel vm2, $0x1, v0;
	v31 =	vld [tilespmem:s3+$0x3030]  }
0x5f: {  	v5 =	vadd.s32 v18, v5;
	v4 =	vadd.f32 v21, v4;
	v6 =	vadd.f32 v24, v6;
	v33 =	vld [tilespmem:s3+$0x1000]  }
0x60: {  	v7 =	vadd.s32 v25, v7;
	v8 =	vadd.f32 v23, v8;
	v9 =	vadd.f32 v29, v9;
	v18 =	vld [tilespmem:s3+$0x3000]  }
0x61: {  	v10 =	vadd.s32 v26, v10;
	v12 =	vadd.f32 v20, v12;
	v11 =	vadd.f32 v19, v11;
	v23 =	vld [tilespmem:s3+$0x1010]  }
0x62: {  	v13 =	vadd.s32 v27, v13;
	v14 =	vadd.s32 v30, v14;
	v15 =	vadd.s32 v22, v15;
	v24 =	vld [tilespmem:s3+$0x3010]  }
0x63: {  	v2 =	vadd.s32 v17, v2;
	v19 =	vld [tilespmem:s3+$0x1020];
	v20 =	vsub.f32 v28, v31;
	vm4 =	vgt.f32 v31, $0.0e+00  }
.Ltmp1:
0x64: {  	v16 =	vadd.s32 v32, v16;
	vm1 =	vgt.f32 v33, $0.0e+00;
	v22 =	vld [tilespmem:s3+$0x3020];
	v17 =	vsel vm4, $0x1, v0;
	(pc) =	sbr.rel @p0 .LBB2_4-.Ltmp1, $4  }
0x65: {  	v21 =	vsub.f32 v33, v18;
	vm6 =	vgt.f32 v18, $0.0e+00;
	v20 =	vmul.f32 v20, v20  }
0x66: {  	vm0 =	vgt.f32 v28, $0.0e+00;
	v18 =	vsel vm6, $0x1, v0;
	vm3 =	vgt.f32 v23, $0.0e+00  }
0x67: {  	v21 =	vmul.f32 v21, v21;
	v23 =	vsub.f32 v23, v24;
	v25 =	vnsel vm0, $0x0, v20  }
0x68: {  	vm5 =	vgt.f32 v24, $0.0e+00;
	vm2 =	vgt.f32 v19, $0.0e+00;
	v1 =	vadd.f32 v25, v1  }
0x69: {  	s0 =	simm.s32 $0x0  }
0x6a: {  	[tilespmem:s22], [sflag:$0x2] =	stream.linear.gather [hbm4b:s9+s0], $0x1000, $0x38;
	[tilespmem:$0x4200] =	vst v63  }
0x6b: {  	_ = 	snop  }
0x6c: {  	[tilespmem:s23], [sflag:$0x4] =	stream.linear.gather [hbm4b:s10+s0], $0x1000, $0x38;
	[tilespmem:$0x4200] =	vst v63  }
0x6d: {  	_ =	swait.ge [sflag:s24], $0x1000  }
0x6e: {  	[sflag:s24] =	ssyncset.done $0x0  }
0x6f: {  	s1 =	simm.s32 $0x0;
	[sflag:s24] =	ssyncadd.s32 $0xFFFFF000  }
0x70: {  	v23 =	vmul.f32 v23, v23;
	v19 =	vsub.f32 v19, v22;
	vm7 =	vgt.f32 v22, $0.0e+00;
	s3 =	sand.u32 $0x40, s1;
	s4 =	sand.u32 $0xC00, s0;
	_ =	swait.ge [sflag:s25], $0x1000  }
0x71: {  	v22 =	vnsel vm6, $0x0, v21;
	v21 =	vnsel vm1, $0x0, v21;
	v20 =	vnsel vm4, $0x0, v20;
	s5 =	sand.u32 $0x380, s0;
	s3 =	sor.u32 s3, s4;
	[sflag:s25] =	ssyncset.done $0x0  }
0x72: {  	v25 =	vsel vm1, $0x1, v0;
	v26 =	vsel vm5, $0x1, v0;
	v27 =	vsel vm3, $0x1, v0;
	s3 =	sor.u32 s5, s3;
	[sflag:s25] =	ssyncadd.s32 $0xFFFFF000  }
0x73: {  	v30 =	vsel vm2, $0x1, v0;
	v5 =	vadd.s32 v18, v5;
	v3 =	vadd.f32 v22, v3;
	v22 =	vld [tilespmem:s3+$0x30]  }
0x74: {  	v18 =	vsel vm0, $0x1, v0;
	v2 =	vadd.s32 v17, v2;
	v4 =	vadd.f32 v21, v4;
	v21 =	vld [tilespmem:s3+$0x2030]  }
0x75: {  	v29 =	vsel vm7, $0x1, v0;
	v24 =	vnsel vm5, $0x0, v23;
	v23 =	vnsel vm3, $0x0, v23;
	v60 =	vld [tilespmem:s3+$0x0]  }
0x76: {  	v7 =	vadd.s32 v25, v7;
	v19 =	vmul.f32 v19, v19;
	v8 =	vadd.f32 v23, v8;
	v23 =	vld [tilespmem:s3+$0x2000]  }
0x77: {  	v10 =	vadd.s32 v26, v10;
	v12 =	vadd.f32 v20, v12;
	v13 =	vadd.s32 v27, v13;
	v61 =	vld [tilespmem:s3+$0x10]  }
0x78: {  	v15 =	vadd.s32 v30, v15;
	v28 =	vnsel vm7, $0x0, v19;
	v19 =	vnsel vm2, $0x0, v19;
	v62 =	vld [tilespmem:s3+$0x2010]  }
0x79: {  	v16 =	vadd.s32 v18, v16;
	v6 =	vadd.f32 v24, v6;
	v11 =	vadd.f32 v19, v11;
	v19 =	vld [tilespmem:s3+$0x20]  }
0x7a: {  	v14 =	vadd.s32 v29, v14;
	v9 =	vadd.f32 v28, v9;
	v20 =	vsub.f32 v22, v21  }
0x7b: {  	vm4 =	vgt.f32 v21, $0.0e+00;
	vm1 =	vgt.f32 v60, $0.0e+00;
	vm0 =	vgt.f32 v22, $0.0e+00;
	v22 =	vld [tilespmem:s3+$0x2020]  }
0x7c: {  	v21 =	vsub.f32 v60, v23;
	vm6 =	vgt.f32 v23, $0.0e+00;
	v20 =	vmul.f32 v20, v20  }
0x7d: {  	vm3 =	vgt.f32 v61, $0.0e+00;
	v23 =	vsub.f32 v61, v62;
	vm5 =	vgt.f32 v62, $0.0e+00  }
0x7e: {  	vm2 =	vgt.f32 v19, $0.0e+00;
	v17 =	vsel vm4, $0x1, v0;
	v63 =	vnsel vm0, $0x0, v20  }
0x7f: {  	s29 =	simm.s32 $0x0;
	v18 =	vsel vm6, $0x1, v0;
	v21 =	vmul.f32 v21, v21;
	v1 =	vadd.f32 v63, v1  }
.LBB2_6:
0x80: {  	s1 =	sadd.s32 $0x40, s1;
	v23 =	vmul.f32 v23, v23;
	v19 =	vsub.f32 v19, v22;
	vm7 =	vgt.f32 v22, $0.0e+00;
	s0 =	sadd.s32 $0x200, s0  }
0x81: {  	v22 =	vnsel vm6, $0x0, v21;
	v21 =	vnsel vm1, $0x0, v21;
	v20 =	vnsel vm4, $0x0, v20;
	s29 =	sadd.s32 $0x10, s29;
	s3 =	sand.u32 $0x40, s1;
	s4 =	sand.u32 $0xC00, s0  }
0x82: {  	s5 =	sand.u32 $0x380, s29;
	p0 =	slt.u32 s1, $0xFC0;
	s3 =	sor.u32 s3, s4;
	v24 =	vnsel vm5, $0x0, v23;
	v23 =	vnsel vm3, $0x0, v23;
	v19 =	vmul.f32 v19, v19  }
0x83: {  	v25 =	vsel vm1, $0x1, v0;
	v26 =	vsel vm5, $0x1, v0;
	v27 =	vsel vm3, $0x1, v0;
	s3 =	sor.u32 s5, s3  }
0x84: {  	v30 =	vsel vm7, $0x1, v0;
	v28 =	vld [tilespmem:s3+$0x30];
	v29 =	vnsel vm7, $0x0, v19;
	v19 =	vnsel vm2, $0x0, v19  }
0x85: {  	v32 =	vsel vm0, $0x1, v0;
	v3 =	vadd.f32 v22, v3;
	v22 =	vsel vm2, $0x1, v0;
	v31 =	vld [tilespmem:s3+$0x2030]  }
0x86: {  	v5 =	vadd.s32 v18, v5;
	v4 =	vadd.f32 v21, v4;
	v6 =	vadd.f32 v24, v6;
	v33 =	vld [tilespmem:s3+$0x0]  }
0x87: {  	v7 =	vadd.s32 v25, v7;
	v8 =	vadd.f32 v23, v8;
	v9 =	vadd.f32 v29, v9;
	v18 =	vld [tilespmem:s3+$0x2000]  }
0x88: {  	v10 =	vadd.s32 v26, v10;
	v12 =	vadd.f32 v20, v12;
	v11 =	vadd.f32 v19, v11;
	v23 =	vld [tilespmem:s3+$0x10]  }
0x89: {  	v13 =	vadd.s32 v27, v13;
	v14 =	vadd.s32 v30, v14;
	v15 =	vadd.s32 v22, v15;
	v24 =	vld [tilespmem:s3+$0x2010]  }
0x8a: {  	v2 =	vadd.s32 v17, v2;
	v19 =	vld [tilespmem:s3+$0x20];
	v20 =	vsub.f32 v28, v31;
	vm4 =	vgt.f32 v31, $0.0e+00  }
.Ltmp2:
0x8b: {  	v16 =	vadd.s32 v32, v16;
	vm1 =	vgt.f32 v33, $0.0e+00;
	v22 =	vld [tilespmem:s3+$0x2020];
	v17 =	vsel vm4, $0x1, v0;
	(pc) =	sbr.rel @p0 .LBB2_6-.Ltmp2, $4  }
0x8c: {  	v21 =	vsub.f32 v33, v18;
	vm6 =	vgt.f32 v18, $0.0e+00;
	v20 =	vmul.f32 v20, v20  }
0x8d: {  	vm0 =	vgt.f32 v28, $0.0e+00;
	v18 =	vsel vm6, $0x1, v0;
	vm3 =	vgt.f32 v23, $0.0e+00  }
0x8e: {  	v21 =	vmul.f32 v21, v21;
	v23 =	vsub.f32 v23, v24;
	v25 =	vnsel vm0, $0x0, v20  }
0x8f: {  	vm5 =	vgt.f32 v24, $0.0e+00;
	vm2 =	vgt.f32 v19, $0.0e+00;
	v1 =	vadd.f32 v25, v1  }
0x90: {  	s0 =	simm.s32 $0x0  }
0x91: {  	[tilespmem:s0], [sflag:$0x1] =	stream.linear.gather [hbm4b:s11+s0], $0x1000, $0x38;
	[tilespmem:$0x4200] =	vst v63  }
0x92: {  	_ = 	snop  }
0x93: {  	[tilespmem:s21], [sflag:$0x3] =	stream.linear.gather [hbm4b:s12+s0], $0x1000, $0x38;
	[tilespmem:$0x4200] =	vst v63  }
0x94: {  	_ =	swait.ge [sflag:s26], $0x1000  }
0x95: {  	[sflag:s26] =	ssyncset.done $0x0  }
0x96: {  	s1 =	simm.s32 $0x0;
	[sflag:s26] =	ssyncadd.s32 $0xFFFFF000  }
0x97: {  	v23 =	vmul.f32 v23, v23;
	v19 =	vsub.f32 v19, v22;
	vm7 =	vgt.f32 v22, $0.0e+00;
	s3 =	sand.u32 $0x40, s1;
	s4 =	sand.u32 $0xC00, s0;
	_ =	swait.ge [sflag:s28], $0x1000  }
0x98: {  	v22 =	vnsel vm6, $0x0, v21;
	v21 =	vnsel vm1, $0x0, v21;
	v20 =	vnsel vm4, $0x0, v20;
	s5 =	sand.u32 $0x380, s0;
	s3 =	sor.u32 s3, s4;
	[sflag:s28] =	ssyncset.done $0x0  }
0x99: {  	v25 =	vsel vm1, $0x1, v0;
	v26 =	vsel vm5, $0x1, v0;
	v27 =	vsel vm3, $0x1, v0;
	s3 =	sor.u32 s5, s3;
	[sflag:s28] =	ssyncadd.s32 $0xFFFFF000  }
0x9a: {  	v30 =	vsel vm2, $0x1, v0;
	v5 =	vadd.s32 v18, v5;
	v3 =	vadd.f32 v22, v3;
	v22 =	vld [tilespmem:s3+$0x1030]  }
0x9b: {  	v18 =	vsel vm0, $0x1, v0;
	v2 =	vadd.s32 v17, v2;
	v4 =	vadd.f32 v21, v4;
	v21 =	vld [tilespmem:s3+$0x3030]  }
0x9c: {  	v29 =	vsel vm7, $0x1, v0;
	v24 =	vnsel vm5, $0x0, v23;
	v23 =	vnsel vm3, $0x0, v23;
	v60 =	vld [tilespmem:s3+$0x1000]  }
0x9d: {  	v7 =	vadd.s32 v25, v7;
	v19 =	vmul.f32 v19, v19;
	v8 =	vadd.f32 v23, v8;
	v23 =	vld [tilespmem:s3+$0x3000]  }
0x9e: {  	v10 =	vadd.s32 v26, v10;
	v12 =	vadd.f32 v20, v12;
	v13 =	vadd.s32 v27, v13;
	v61 =	vld [tilespmem:s3+$0x1010]  }
0x9f: {  	v15 =	vadd.s32 v30, v15;
	v28 =	vnsel vm7, $0x0, v19;
	v19 =	vnsel vm2, $0x0, v19;
	v62 =	vld [tilespmem:s3+$0x3010]  }
0xa0: {  	v16 =	vadd.s32 v18, v16;
	v6 =	vadd.f32 v24, v6;
	v11 =	vadd.f32 v19, v11;
	v19 =	vld [tilespmem:s3+$0x1020]  }
0xa1: {  	v14 =	vadd.s32 v29, v14;
	v9 =	vadd.f32 v28, v9;
	v20 =	vsub.f32 v22, v21  }
0xa2: {  	vm4 =	vgt.f32 v21, $0.0e+00;
	vm1 =	vgt.f32 v60, $0.0e+00;
	vm0 =	vgt.f32 v22, $0.0e+00;
	v22 =	vld [tilespmem:s3+$0x3020]  }
0xa3: {  	v21 =	vsub.f32 v60, v23;
	vm6 =	vgt.f32 v23, $0.0e+00;
	v20 =	vmul.f32 v20, v20  }
0xa4: {  	vm3 =	vgt.f32 v61, $0.0e+00;
	v23 =	vsub.f32 v61, v62;
	vm5 =	vgt.f32 v62, $0.0e+00  }
0xa5: {  	vm2 =	vgt.f32 v19, $0.0e+00;
	v17 =	vsel vm4, $0x1, v0;
	v63 =	vnsel vm0, $0x0, v20  }
0xa6: {  	s29 =	simm.s32 $0x0;
	v18 =	vsel vm6, $0x1, v0;
	v21 =	vmul.f32 v21, v21;
	v1 =	vadd.f32 v63, v1  }
.LBB2_8:
0xa7: {  	s1 =	sadd.s32 $0x40, s1;
	v23 =	vmul.f32 v23, v23;
	v19 =	vsub.f32 v19, v22;
	vm7 =	vgt.f32 v22, $0.0e+00;
	s0 =	sadd.s32 $0x200, s0  }
0xa8: {  	v22 =	vnsel vm6, $0x0, v21;
	v21 =	vnsel vm1, $0x0, v21;
	v20 =	vnsel vm4, $0x0, v20;
	s29 =	sadd.s32 $0x10, s29;
	s3 =	sand.u32 $0x40, s1;
	s4 =	sand.u32 $0xC00, s0  }
0xa9: {  	s5 =	sand.u32 $0x380, s29;
	p0 =	slt.u32 s1, $0xFC0;
	s3 =	sor.u32 s3, s4;
	v24 =	vnsel vm5, $0x0, v23;
	v23 =	vnsel vm3, $0x0, v23;
	v19 =	vmul.f32 v19, v19  }
0xaa: {  	v25 =	vsel vm1, $0x1, v0;
	v26 =	vsel vm5, $0x1, v0;
	v27 =	vsel vm3, $0x1, v0;
	s3 =	sor.u32 s5, s3  }
0xab: {  	v30 =	vsel vm7, $0x1, v0;
	v28 =	vld [tilespmem:s3+$0x1030];
	v29 =	vnsel vm7, $0x0, v19;
	v19 =	vnsel vm2, $0x0, v19  }
0xac: {  	v32 =	vsel vm0, $0x1, v0;
	v3 =	vadd.f32 v22, v3;
	v22 =	vsel vm2, $0x1, v0;
	v31 =	vld [tilespmem:s3+$0x3030]  }
0xad: {  	v5 =	vadd.s32 v18, v5;
	v4 =	vadd.f32 v21, v4;
	v6 =	vadd.f32 v24, v6;
	v33 =	vld [tilespmem:s3+$0x1000]  }
0xae: {  	v7 =	vadd.s32 v25, v7;
	v8 =	vadd.f32 v23, v8;
	v9 =	vadd.f32 v29, v9;
	v18 =	vld [tilespmem:s3+$0x3000]  }
0xaf: {  	v10 =	vadd.s32 v26, v10;
	v12 =	vadd.f32 v20, v12;
	v11 =	vadd.f32 v19, v11;
	v23 =	vld [tilespmem:s3+$0x1010]  }
0xb0: {  	v13 =	vadd.s32 v27, v13;
	v14 =	vadd.s32 v30, v14;
	v15 =	vadd.s32 v22, v15;
	v24 =	vld [tilespmem:s3+$0x3010]  }
0xb1: {  	v2 =	vadd.s32 v17, v2;
	v19 =	vld [tilespmem:s3+$0x1020];
	v20 =	vsub.f32 v28, v31;
	vm4 =	vgt.f32 v31, $0.0e+00  }
.Ltmp3:
0xb2: {  	v16 =	vadd.s32 v32, v16;
	vm1 =	vgt.f32 v33, $0.0e+00;
	v22 =	vld [tilespmem:s3+$0x3020];
	v17 =	vsel vm4, $0x1, v0;
	(pc) =	sbr.rel @p0 .LBB2_8-.Ltmp3, $4  }
0xb3: {  	v21 =	vsub.f32 v33, v18;
	vm6 =	vgt.f32 v18, $0.0e+00;
	v20 =	vmul.f32 v20, v20  }
0xb4: {  	vm0 =	vgt.f32 v28, $0.0e+00;
	v18 =	vsel vm6, $0x1, v0;
	vm3 =	vgt.f32 v23, $0.0e+00  }
0xb5: {  	v21 =	vmul.f32 v21, v21;
	v23 =	vsub.f32 v23, v24;
	v25 =	vnsel vm0, $0x0, v20  }
0xb6: {  	vm5 =	vgt.f32 v24, $0.0e+00;
	vm2 =	vgt.f32 v19, $0.0e+00;
	v1 =	vadd.f32 v25, v1  }
0xb7: {  	s0 =	simm.s32 $0x0  }
0xb8: {  	[tilespmem:s22], [sflag:$0x2] =	stream.linear.gather [hbm4b:s13+s0], $0x1000, $0x38;
	[tilespmem:$0x4200] =	vst v63  }
0xb9: {  	_ = 	snop  }
0xba: {  	[tilespmem:s23], [sflag:$0x4] =	stream.linear.gather [hbm4b:s14+s0], $0x1000, $0x38;
	[tilespmem:$0x4200] =	vst v63  }
0xbb: {  	_ =	swait.ge [sflag:s24], $0x1000  }
0xbc: {  	[sflag:s24] =	ssyncset.done $0x0  }
0xbd: {  	s1 =	simm.s32 $0x0;
	[sflag:s24] =	ssyncadd.s32 $0xFFFFF000  }
0xbe: {  	v23 =	vmul.f32 v23, v23;
	v19 =	vsub.f32 v19, v22;
	vm7 =	vgt.f32 v22, $0.0e+00;
	s3 =	sand.u32 $0x40, s1;
	s4 =	sand.u32 $0xC00, s0;
	_ =	swait.ge [sflag:s25], $0x1000  }
0xbf: {  	v22 =	vnsel vm6, $0x0, v21;
	v21 =	vnsel vm1, $0x0, v21;
	v20 =	vnsel vm4, $0x0, v20;
	s5 =	sand.u32 $0x380, s0;
	s3 =	sor.u32 s3, s4;
	[sflag:s25] =	ssyncset.done $0x0  }
0xc0: {  	v25 =	vsel vm1, $0x1, v0;
	v26 =	vsel vm5, $0x1, v0;
	v27 =	vsel vm3, $0x1, v0;
	s3 =	sor.u32 s5, s3;
	[sflag:s25] =	ssyncadd.s32 $0xFFFFF000  }
0xc1: {  	v30 =	vsel vm2, $0x1, v0;
	v5 =	vadd.s32 v18, v5;
	v3 =	vadd.f32 v22, v3;
	v22 =	vld [tilespmem:s3+$0x30]  }
0xc2: {  	v18 =	vsel vm0, $0x1, v0;
	v2 =	vadd.s32 v17, v2;
	v4 =	vadd.f32 v21, v4;
	v21 =	vld [tilespmem:s3+$0x2030]  }
0xc3: {  	v29 =	vsel vm7, $0x1, v0;
	v24 =	vnsel vm5, $0x0, v23;
	v23 =	vnsel vm3, $0x0, v23;
	v60 =	vld [tilespmem:s3+$0x0]  }
0xc4: {  	v7 =	vadd.s32 v25, v7;
	v19 =	vmul.f32 v19, v19;
	v8 =	vadd.f32 v23, v8;
	v23 =	vld [tilespmem:s3+$0x2000]  }
0xc5: {  	v10 =	vadd.s32 v26, v10;
	v12 =	vadd.f32 v20, v12;
	v13 =	vadd.s32 v27, v13;
	v61 =	vld [tilespmem:s3+$0x10]  }
0xc6: {  	v15 =	vadd.s32 v30, v15;
	v28 =	vnsel vm7, $0x0, v19;
	v19 =	vnsel vm2, $0x0, v19;
	v62 =	vld [tilespmem:s3+$0x2010]  }
0xc7: {  	v16 =	vadd.s32 v18, v16;
	v6 =	vadd.f32 v24, v6;
	v11 =	vadd.f32 v19, v11;
	v19 =	vld [tilespmem:s3+$0x20]  }
0xc8: {  	v14 =	vadd.s32 v29, v14;
	v9 =	vadd.f32 v28, v9;
	v20 =	vsub.f32 v22, v21  }
0xc9: {  	vm4 =	vgt.f32 v21, $0.0e+00;
	vm1 =	vgt.f32 v60, $0.0e+00;
	vm0 =	vgt.f32 v22, $0.0e+00;
	v22 =	vld [tilespmem:s3+$0x2020]  }
0xca: {  	v21 =	vsub.f32 v60, v23;
	vm6 =	vgt.f32 v23, $0.0e+00;
	v20 =	vmul.f32 v20, v20  }
0xcb: {  	vm3 =	vgt.f32 v61, $0.0e+00;
	v23 =	vsub.f32 v61, v62;
	vm5 =	vgt.f32 v62, $0.0e+00  }
0xcc: {  	vm2 =	vgt.f32 v19, $0.0e+00;
	v17 =	vsel vm4, $0x1, v0;
	v63 =	vnsel vm0, $0x0, v20  }
0xcd: {  	s29 =	simm.s32 $0x0;
	v18 =	vsel vm6, $0x1, v0;
	v21 =	vmul.f32 v21, v21;
	v1 =	vadd.f32 v63, v1  }
.LBB2_10:
0xce: {  	s1 =	sadd.s32 $0x40, s1;
	v23 =	vmul.f32 v23, v23;
	v19 =	vsub.f32 v19, v22;
	vm7 =	vgt.f32 v22, $0.0e+00;
	s0 =	sadd.s32 $0x200, s0  }
0xcf: {  	v22 =	vnsel vm6, $0x0, v21;
	v21 =	vnsel vm1, $0x0, v21;
	v20 =	vnsel vm4, $0x0, v20;
	s29 =	sadd.s32 $0x10, s29;
	s3 =	sand.u32 $0x40, s1;
	s4 =	sand.u32 $0xC00, s0  }
0xd0: {  	s5 =	sand.u32 $0x380, s29;
	p0 =	slt.u32 s1, $0xFC0;
	s3 =	sor.u32 s3, s4;
	v24 =	vnsel vm5, $0x0, v23;
	v23 =	vnsel vm3, $0x0, v23;
	v19 =	vmul.f32 v19, v19  }
0xd1: {  	v25 =	vsel vm1, $0x1, v0;
	v26 =	vsel vm5, $0x1, v0;
	v27 =	vsel vm3, $0x1, v0;
	s3 =	sor.u32 s5, s3  }
0xd2: {  	v30 =	vsel vm7, $0x1, v0;
	v28 =	vld [tilespmem:s3+$0x30];
	v29 =	vnsel vm7, $0x0, v19;
	v19 =	vnsel vm2, $0x0, v19  }
0xd3: {  	v32 =	vsel vm0, $0x1, v0;
	v3 =	vadd.f32 v22, v3;
	v22 =	vsel vm2, $0x1, v0;
	v31 =	vld [tilespmem:s3+$0x2030]  }
0xd4: {  	v5 =	vadd.s32 v18, v5;
	v4 =	vadd.f32 v21, v4;
	v6 =	vadd.f32 v24, v6;
	v33 =	vld [tilespmem:s3+$0x0]  }
0xd5: {  	v7 =	vadd.s32 v25, v7;
	v8 =	vadd.f32 v23, v8;
	v9 =	vadd.f32 v29, v9;
	v18 =	vld [tilespmem:s3+$0x2000]  }
0xd6: {  	v10 =	vadd.s32 v26, v10;
	v12 =	vadd.f32 v20, v12;
	v11 =	vadd.f32 v19, v11;
	v23 =	vld [tilespmem:s3+$0x10]  }
0xd7: {  	v13 =	vadd.s32 v27, v13;
	v14 =	vadd.s32 v30, v14;
	v15 =	vadd.s32 v22, v15;
	v24 =	vld [tilespmem:s3+$0x2010]  }
0xd8: {  	v2 =	vadd.s32 v17, v2;
	v19 =	vld [tilespmem:s3+$0x20];
	v20 =	vsub.f32 v28, v31;
	vm4 =	vgt.f32 v31, $0.0e+00  }
.Ltmp4:
0xd9: {  	v16 =	vadd.s32 v32, v16;
	vm1 =	vgt.f32 v33, $0.0e+00;
	v22 =	vld [tilespmem:s3+$0x2020];
	v17 =	vsel vm4, $0x1, v0;
	(pc) =	sbr.rel @p0 .LBB2_10-.Ltmp4, $4  }
0xda: {  	v21 =	vsub.f32 v33, v18;
	vm6 =	vgt.f32 v18, $0.0e+00;
	v20 =	vmul.f32 v20, v20  }
0xdb: {  	vm0 =	vgt.f32 v28, $0.0e+00;
	v18 =	vsel vm6, $0x1, v0;
	vm3 =	vgt.f32 v23, $0.0e+00  }
0xdc: {  	v21 =	vmul.f32 v21, v21;
	v23 =	vsub.f32 v23, v24;
	v25 =	vnsel vm0, $0x0, v20  }
0xdd: {  	vm5 =	vgt.f32 v24, $0.0e+00;
	vm2 =	vgt.f32 v19, $0.0e+00;
	v1 =	vadd.f32 v25, v1  }
0xde: {  	s0 =	simm.s32 $0x0  }
0xdf: {  	[tilespmem:s0], [sflag:$0x1] =	stream.linear.gather [hbm4b:s15+s0], $0x1000, $0x38;
	[tilespmem:$0x4200] =	vst v63  }
0xe0: {  	_ = 	snop  }
0xe1: {  	[tilespmem:s21], [sflag:$0x3] =	stream.linear.gather [hbm4b:s16+s0], $0x1000, $0x38;
	[tilespmem:$0x4200] =	vst v63  }
0xe2: {  	_ =	swait.ge [sflag:s26], $0x1000  }
0xe3: {  	[sflag:s26] =	ssyncset.done $0x0  }
0xe4: {  	s1 =	simm.s32 $0x0;
	[sflag:s26] =	ssyncadd.s32 $0xFFFFF000  }
0xe5: {  	v23 =	vmul.f32 v23, v23;
	v19 =	vsub.f32 v19, v22;
	vm7 =	vgt.f32 v22, $0.0e+00;
	s3 =	sand.u32 $0x40, s1;
	s4 =	sand.u32 $0xC00, s0;
	_ =	swait.ge [sflag:s28], $0x1000  }
0xe6: {  	v22 =	vnsel vm6, $0x0, v21;
	v21 =	vnsel vm1, $0x0, v21;
	v20 =	vnsel vm4, $0x0, v20;
	s5 =	sand.u32 $0x380, s0;
	s3 =	sor.u32 s3, s4;
	[sflag:s28] =	ssyncset.done $0x0  }
0xe7: {  	v25 =	vsel vm1, $0x1, v0;
	v26 =	vsel vm5, $0x1, v0;
	v27 =	vsel vm3, $0x1, v0;
	s3 =	sor.u32 s5, s3;
	[sflag:s28] =	ssyncadd.s32 $0xFFFFF000  }
0xe8: {  	v30 =	vsel vm2, $0x1, v0;
	v5 =	vadd.s32 v18, v5;
	v3 =	vadd.f32 v22, v3;
	v22 =	vld [tilespmem:s3+$0x1030]  }
0xe9: {  	v18 =	vsel vm0, $0x1, v0;
	v2 =	vadd.s32 v17, v2;
	v4 =	vadd.f32 v21, v4;
	v21 =	vld [tilespmem:s3+$0x3030]  }
0xea: {  	v29 =	vsel vm7, $0x1, v0;
	v24 =	vnsel vm5, $0x0, v23;
	v23 =	vnsel vm3, $0x0, v23;
	v60 =	vld [tilespmem:s3+$0x1000]  }
0xeb: {  	v7 =	vadd.s32 v25, v7;
	v19 =	vmul.f32 v19, v19;
	v8 =	vadd.f32 v23, v8;
	v23 =	vld [tilespmem:s3+$0x3000]  }
0xec: {  	v10 =	vadd.s32 v26, v10;
	v12 =	vadd.f32 v20, v12;
	v13 =	vadd.s32 v27, v13;
	v61 =	vld [tilespmem:s3+$0x1010]  }
0xed: {  	v15 =	vadd.s32 v30, v15;
	v28 =	vnsel vm7, $0x0, v19;
	v19 =	vnsel vm2, $0x0, v19;
	v62 =	vld [tilespmem:s3+$0x3010]  }
0xee: {  	v16 =	vadd.s32 v18, v16;
	v6 =	vadd.f32 v24, v6;
	v11 =	vadd.f32 v19, v11;
	v19 =	vld [tilespmem:s3+$0x1020]  }
0xef: {  	v14 =	vadd.s32 v29, v14;
	v9 =	vadd.f32 v28, v9;
	v20 =	vsub.f32 v22, v21  }
0xf0: {  	vm4 =	vgt.f32 v21, $0.0e+00;
	vm1 =	vgt.f32 v60, $0.0e+00;
	vm0 =	vgt.f32 v22, $0.0e+00;
	v22 =	vld [tilespmem:s3+$0x3020]  }
0xf1: {  	v21 =	vsub.f32 v60, v23;
	vm6 =	vgt.f32 v23, $0.0e+00;
	v20 =	vmul.f32 v20, v20  }
0xf2: {  	vm3 =	vgt.f32 v61, $0.0e+00;
	v23 =	vsub.f32 v61, v62;
	vm5 =	vgt.f32 v62, $0.0e+00  }
0xf3: {  	vm2 =	vgt.f32 v19, $0.0e+00;
	v17 =	vsel vm4, $0x1, v0;
	v63 =	vnsel vm0, $0x0, v20  }
0xf4: {  	s29 =	simm.s32 $0x0;
	v18 =	vsel vm6, $0x1, v0;
	v21 =	vmul.f32 v21, v21;
	v1 =	vadd.f32 v63, v1  }
.LBB2_12:
0xf5: {  	s1 =	sadd.s32 $0x40, s1;
	v23 =	vmul.f32 v23, v23;
	v19 =	vsub.f32 v19, v22;
	vm7 =	vgt.f32 v22, $0.0e+00;
	s0 =	sadd.s32 $0x200, s0  }
0xf6: {  	v22 =	vnsel vm6, $0x0, v21;
	v21 =	vnsel vm1, $0x0, v21;
	v20 =	vnsel vm4, $0x0, v20;
	s29 =	sadd.s32 $0x10, s29;
	s3 =	sand.u32 $0x40, s1;
	s4 =	sand.u32 $0xC00, s0  }
0xf7: {  	s5 =	sand.u32 $0x380, s29;
	p0 =	slt.u32 s1, $0xFC0;
	s3 =	sor.u32 s3, s4;
	v24 =	vnsel vm5, $0x0, v23;
	v23 =	vnsel vm3, $0x0, v23;
	v19 =	vmul.f32 v19, v19  }
0xf8: {  	v25 =	vsel vm1, $0x1, v0;
	v26 =	vsel vm5, $0x1, v0;
	v27 =	vsel vm3, $0x1, v0;
	s3 =	sor.u32 s5, s3  }
0xf9: {  	v30 =	vsel vm7, $0x1, v0;
	v28 =	vld [tilespmem:s3+$0x1030];
	v29 =	vnsel vm7, $0x0, v19;
	v19 =	vnsel vm2, $0x0, v19  }
0xfa: {  	v32 =	vsel vm0, $0x1, v0;
	v3 =	vadd.f32 v22, v3;
	v22 =	vsel vm2, $0x1, v0;
	v31 =	vld [tilespmem:s3+$0x3030]  }
0xfb: {  	v5 =	vadd.s32 v18, v5;
	v4 =	vadd.f32 v21, v4;
	v6 =	vadd.f32 v24, v6;
	v33 =	vld [tilespmem:s3+$0x1000]  }
0xfc: {  	v7 =	vadd.s32 v25, v7;
	v8 =	vadd.f32 v23, v8;
	v9 =	vadd.f32 v29, v9;
	v18 =	vld [tilespmem:s3+$0x3000]  }
0xfd: {  	v10 =	vadd.s32 v26, v10;
	v12 =	vadd.f32 v20, v12;
	v11 =	vadd.f32 v19, v11;
	v23 =	vld [tilespmem:s3+$0x1010]  }
0xfe: {  	v13 =	vadd.s32 v27, v13;
	v14 =	vadd.s32 v30, v14;
	v15 =	vadd.s32 v22, v15;
	v24 =	vld [tilespmem:s3+$0x3010]  }
0xff: {  	v2 =	vadd.s32 v17, v2;
	v19 =	vld [tilespmem:s3+$0x1020];
	v20 =	vsub.f32 v28, v31;
	vm4 =	vgt.f32 v31, $0.0e+00  }
.Ltmp5:
0x100: {  	v16 =	vadd.s32 v32, v16;
	vm1 =	vgt.f32 v33, $0.0e+00;
	v22 =	vld [tilespmem:s3+$0x3020];
	v17 =	vsel vm4, $0x1, v0;
	(pc) =	sbr.rel @p0 .LBB2_12-.Ltmp5, $4  }
0x101: {  	v21 =	vsub.f32 v33, v18;
	vm6 =	vgt.f32 v18, $0.0e+00;
	v20 =	vmul.f32 v20, v20  }
0x102: {  	vm0 =	vgt.f32 v28, $0.0e+00;
	v18 =	vsel vm6, $0x1, v0;
	vm3 =	vgt.f32 v23, $0.0e+00  }
0x103: {  	v21 =	vmul.f32 v21, v21;
	v23 =	vsub.f32 v23, v24;
	v25 =	vnsel vm0, $0x0, v20  }
0x104: {  	vm5 =	vgt.f32 v24, $0.0e+00;
	vm2 =	vgt.f32 v19, $0.0e+00;
	v1 =	vadd.f32 v25, v1  }
0x105: {  	s0 =	simm.s32 $0x0  }
0x106: {  	[tilespmem:s22], [sflag:$0x2] =	stream.linear.gather [hbm4b:s17+s0], $0x1000, $0x38;
	[tilespmem:$0x4200] =	vst v63  }
0x107: {  	_ = 	snop  }
0x108: {  	[tilespmem:s23], [sflag:$0x4] =	stream.linear.gather [hbm4b:s18+s0], $0x1000, $0x38;
	[tilespmem:$0x4200] =	vst v63  }
0x109: {  	_ =	swait.ge [sflag:s24], $0x1000  }
0x10a: {  	[sflag:s24] =	ssyncset.done $0x0  }
0x10b: {  	s1 =	simm.s32 $0x0;
	[sflag:s24] =	ssyncadd.s32 $0xFFFFF000  }
0x10c: {  	v23 =	vmul.f32 v23, v23;
	v19 =	vsub.f32 v19, v22;
	vm7 =	vgt.f32 v22, $0.0e+00;
	s3 =	sand.u32 $0x40, s1;
	s4 =	sand.u32 $0xC00, s0;
	_ =	swait.ge [sflag:s25], $0x1000  }
0x10d: {  	v22 =	vnsel vm6, $0x0, v21;
	v21 =	vnsel vm1, $0x0, v21;
	v20 =	vnsel vm4, $0x0, v20;
	s5 =	sand.u32 $0x380, s0;
	s3 =	sor.u32 s3, s4;
	[sflag:s25] =	ssyncset.done $0x0  }
0x10e: {  	v25 =	vsel vm1, $0x1, v0;
	v26 =	vsel vm5, $0x1, v0;
	v27 =	vsel vm3, $0x1, v0;
	s3 =	sor.u32 s5, s3;
	[sflag:s25] =	ssyncadd.s32 $0xFFFFF000  }
0x10f: {  	v30 =	vsel vm2, $0x1, v0;
	v5 =	vadd.s32 v18, v5;
	v3 =	vadd.f32 v22, v3;
	v22 =	vld [tilespmem:s3+$0x30]  }
0x110: {  	v18 =	vsel vm0, $0x1, v0;
	v2 =	vadd.s32 v17, v2;
	v4 =	vadd.f32 v21, v4;
	v21 =	vld [tilespmem:s3+$0x2030]  }
0x111: {  	v29 =	vsel vm7, $0x1, v0;
	v24 =	vnsel vm5, $0x0, v23;
	v23 =	vnsel vm3, $0x0, v23;
	v60 =	vld [tilespmem:s3+$0x0]  }
0x112: {  	v7 =	vadd.s32 v25, v7;
	v19 =	vmul.f32 v19, v19;
	v8 =	vadd.f32 v23, v8;
	v23 =	vld [tilespmem:s3+$0x2000]  }
0x113: {  	v10 =	vadd.s32 v26, v10;
	v12 =	vadd.f32 v20, v12;
	v13 =	vadd.s32 v27, v13;
	v61 =	vld [tilespmem:s3+$0x10]  }
0x114: {  	v15 =	vadd.s32 v30, v15;
	v28 =	vnsel vm7, $0x0, v19;
	v19 =	vnsel vm2, $0x0, v19;
	v62 =	vld [tilespmem:s3+$0x2010]  }
0x115: {  	v16 =	vadd.s32 v18, v16;
	v6 =	vadd.f32 v24, v6;
	v11 =	vadd.f32 v19, v11;
	v19 =	vld [tilespmem:s3+$0x20]  }
0x116: {  	v14 =	vadd.s32 v29, v14;
	v9 =	vadd.f32 v28, v9;
	v20 =	vsub.f32 v22, v21  }
0x117: {  	vm4 =	vgt.f32 v21, $0.0e+00;
	vm1 =	vgt.f32 v60, $0.0e+00;
	vm0 =	vgt.f32 v22, $0.0e+00;
	v22 =	vld [tilespmem:s3+$0x2020]  }
0x118: {  	v21 =	vsub.f32 v60, v23;
	vm6 =	vgt.f32 v23, $0.0e+00;
	v20 =	vmul.f32 v20, v20  }
0x119: {  	vm3 =	vgt.f32 v61, $0.0e+00;
	v23 =	vsub.f32 v61, v62;
	vm5 =	vgt.f32 v62, $0.0e+00  }
0x11a: {  	vm2 =	vgt.f32 v19, $0.0e+00;
	v17 =	vsel vm4, $0x1, v0;
	v63 =	vnsel vm0, $0x0, v20  }
0x11b: {  	s29 =	simm.s32 $0x0;
	v18 =	vsel vm6, $0x1, v0;
	v21 =	vmul.f32 v21, v21;
	v1 =	vadd.f32 v63, v1  }
.LBB2_14:
0x11c: {  	s1 =	sadd.s32 $0x40, s1;
	v23 =	vmul.f32 v23, v23;
	v19 =	vsub.f32 v19, v22;
	vm7 =	vgt.f32 v22, $0.0e+00;
	s0 =	sadd.s32 $0x200, s0  }
0x11d: {  	v22 =	vnsel vm6, $0x0, v21;
	v21 =	vnsel vm1, $0x0, v21;
	v20 =	vnsel vm4, $0x0, v20;
	s29 =	sadd.s32 $0x10, s29;
	s3 =	sand.u32 $0x40, s1;
	s4 =	sand.u32 $0xC00, s0  }
0x11e: {  	s5 =	sand.u32 $0x380, s29;
	p0 =	slt.u32 s1, $0xFC0;
	s3 =	sor.u32 s3, s4;
	v24 =	vnsel vm5, $0x0, v23;
	v23 =	vnsel vm3, $0x0, v23;
	v19 =	vmul.f32 v19, v19  }
0x11f: {  	v25 =	vsel vm1, $0x1, v0;
	v26 =	vsel vm5, $0x1, v0;
	v27 =	vsel vm3, $0x1, v0;
	s3 =	sor.u32 s5, s3  }
0x120: {  	v30 =	vsel vm7, $0x1, v0;
	v28 =	vld [tilespmem:s3+$0x30];
	v29 =	vnsel vm7, $0x0, v19;
	v19 =	vnsel vm2, $0x0, v19  }
0x121: {  	v32 =	vsel vm0, $0x1, v0;
	v3 =	vadd.f32 v22, v3;
	v22 =	vsel vm2, $0x1, v0;
	v31 =	vld [tilespmem:s3+$0x2030]  }
0x122: {  	v5 =	vadd.s32 v18, v5;
	v4 =	vadd.f32 v21, v4;
	v6 =	vadd.f32 v24, v6;
	v33 =	vld [tilespmem:s3+$0x0]  }
0x123: {  	v7 =	vadd.s32 v25, v7;
	v8 =	vadd.f32 v23, v8;
	v9 =	vadd.f32 v29, v9;
	v18 =	vld [tilespmem:s3+$0x2000]  }
0x124: {  	v10 =	vadd.s32 v26, v10;
	v12 =	vadd.f32 v20, v12;
	v11 =	vadd.f32 v19, v11;
	v23 =	vld [tilespmem:s3+$0x10]  }
0x125: {  	v13 =	vadd.s32 v27, v13;
	v14 =	vadd.s32 v30, v14;
	v15 =	vadd.s32 v22, v15;
	v24 =	vld [tilespmem:s3+$0x2010]  }
0x126: {  	v2 =	vadd.s32 v17, v2;
	v19 =	vld [tilespmem:s3+$0x20];
	v20 =	vsub.f32 v28, v31;
	vm4 =	vgt.f32 v31, $0.0e+00  }
.Ltmp6:
0x127: {  	v16 =	vadd.s32 v32, v16;
	vm1 =	vgt.f32 v33, $0.0e+00;
	v22 =	vld [tilespmem:s3+$0x2020];
	v17 =	vsel vm4, $0x1, v0;
	(pc) =	sbr.rel @p0 .LBB2_14-.Ltmp6, $4  }
0x128: {  	v21 =	vsub.f32 v33, v18;
	vm6 =	vgt.f32 v18, $0.0e+00;
	v20 =	vmul.f32 v20, v20  }
0x129: {  	vm0 =	vgt.f32 v28, $0.0e+00;
	v18 =	vsel vm6, $0x1, v0;
	vm3 =	vgt.f32 v23, $0.0e+00  }
0x12a: {  	v21 =	vmul.f32 v21, v21;
	v23 =	vsub.f32 v23, v24;
	v25 =	vnsel vm0, $0x0, v20  }
0x12b: {  	vm5 =	vgt.f32 v24, $0.0e+00;
	vm2 =	vgt.f32 v19, $0.0e+00;
	v1 =	vadd.f32 v25, v1  }
0x12c: {  	_ =	swait.ge [sflag:s26], $0x1000  }
0x12d: {  	[sflag:s26] =	ssyncset.done $0x0  }
0x12e: {  	s0 =	simm.s32 $0x0;
	s1 =	simm.s32 $0x0;
	[sflag:s26] =	ssyncadd.s32 $0xFFFFF000  }
0x12f: {  	s3 =	sand.u32 $0x40, s1;
	s4 =	sand.u32 $0xC00, s0;
	_ =	swait.ge [sflag:s28], $0x1000  }
0x130: {  	s5 =	sand.u32 $0x380, s0;
	s3 =	sor.u32 s3, s4;
	[sflag:s28] =	ssyncset.done $0x0  }
0x131: {  	v19 =	vsub.f32 v19, v22;
	vm7 =	vgt.f32 v22, $0.0e+00;
	v22 =	vnsel vm6, $0x0, v21;
	s3 =	sor.u32 s5, s3;
	[sflag:s28] =	ssyncadd.s32 $0xFFFFF000  }
0x132: {  	v23 =	vmul.f32 v23, v23;
	v21 =	vnsel vm1, $0x0, v21;
	v3 =	vadd.f32 v22, v3;
	v22 =	vld [tilespmem:s3+$0x1030]  }
0x133: {  	v20 =	vnsel vm4, $0x0, v20;
	v25 =	vsel vm1, $0x1, v0;
	v4 =	vadd.f32 v21, v4;
	v21 =	vld [tilespmem:s3+$0x3030]  }
0x134: {  	v26 =	vsel vm5, $0x1, v0;
	v24 =	vnsel vm5, $0x0, v23;
	v23 =	vnsel vm3, $0x0, v23;
	v60 =	vld [tilespmem:s3+$0x1000]  }
0x135: {  	v27 =	vsel vm3, $0x1, v0;
	v5 =	vadd.s32 v18, v5;
	v18 =	vadd.f32 v23, v8;
	v23 =	vld [tilespmem:s3+$0x3000]  }
0x136: {  	v30 =	vsel vm2, $0x1, v0;
	v31 =	vsel vm0, $0x1, v0;
	v19 =	vmul.f32 v19, v19  }
0x137: {  	v29 =	vsel vm7, $0x1, v0;
	v7 =	vadd.s32 v25, v7;
	v10 =	vadd.s32 v26, v10  }
0x138: {  	v6 =	vadd.f32 v24, v6;
	v28 =	vnsel vm7, $0x0, v19;
	v19 =	vnsel vm2, $0x0, v19;
	v61 =	vld [tilespmem:s3+$0x1010]  }
0x139: {  	v8 =	vadd.s32 v17, v2;
	v19 =	vadd.f32 v19, v11;
	v11 =	vadd.f32 v20, v12;
	v62 =	vld [tilespmem:s3+$0x3010]  }
0x13a: {  	v17 =	vld [tilespmem:s3+$0x1020];
	v20 =	vsub.f32 v22, v21;
	vm2 =	vgt.f32 v21, $0.0e+00;
	v21 =	vsub.f32 v60, v23  }
0x13b: {  	v2 =	vadd.s32 v31, v16;
	v9 =	vadd.f32 v28, v9;
	v12 =	vadd.s32 v27, v13  }
0x13c: {  	v13 =	vadd.s32 v29, v14;
	vm0 =	vgt.f32 v22, $0.0e+00;
	v22 =	vmul.f32 v21, v21;
	v21 =	vld [tilespmem:s3+$0x3020]  }
0x13d: {  	v14 =	vadd.s32 v30, v15;
	vm1 =	vgt.f32 v60, $0.0e+00;
	v20 =	vmul.f32 v20, v20  }
0x13e: {  	vm6 =	vgt.f32 v23, $0.0e+00;
	vm3 =	vgt.f32 v61, $0.0e+00;
	v23 =	vsub.f32 v61, v62  }
0x13f: {  	vm5 =	vgt.f32 v62, $0.0e+00;
	vm4 =	vgt.f32 v17, $0.0e+00;
	v63 =	vnsel vm0, $0x0, v20  }
0x140: {  	s29 =	simm.s32 $0x0;
	v15 =	vsel vm2, $0x1, v0;
	v16 =	vsel vm6, $0x1, v0;
	v1 =	vadd.f32 v63, v1  }
.LBB2_16:
0x141: {  	s1 =	sadd.s32 $0x40, s1;
	v23 =	vmul.f32 v23, v23;
	v17 =	vsub.f32 v17, v21;
	vm7 =	vgt.f32 v21, $0.0e+00;
	s0 =	sadd.s32 $0x200, s0  }
0x142: {  	v21 =	vnsel vm6, $0x0, v22;
	v22 =	vnsel vm1, $0x0, v22;
	v20 =	vnsel vm2, $0x0, v20;
	s29 =	sadd.s32 $0x10, s29;
	s3 =	sand.u32 $0x40, s1;
	s4 =	sand.u32 $0xC00, s0  }
0x143: {  	s5 =	sand.u32 $0x380, s29;
	p0 =	slt.u32 s1, $0xFC0;
	s3 =	sor.u32 s3, s4;
	v24 =	vnsel vm5, $0x0, v23;
	v23 =	vnsel vm3, $0x0, v23;
	v17 =	vmul.f32 v17, v17  }
0x144: {  	v25 =	vsel vm1, $0x1, v0;
	v26 =	vsel vm5, $0x1, v0;
	v27 =	vsel vm3, $0x1, v0;
	s3 =	sor.u32 s5, s3  }
0x145: {  	v30 =	vsel vm7, $0x1, v0;
	v28 =	vld [tilespmem:s3+$0x1030];
	v29 =	vnsel vm7, $0x0, v17;
	v17 =	vnsel vm4, $0x0, v17  }
0x146: {  	v32 =	vsel vm0, $0x1, v0;
	v3 =	vadd.f32 v21, v3;
	v21 =	vsel vm4, $0x1, v0;
	v31 =	vld [tilespmem:s3+$0x3030]  }
0x147: {  	v5 =	vadd.s32 v16, v5;
	v4 =	vadd.f32 v22, v4;
	v6 =	vadd.f32 v24, v6;
	v33 =	vld [tilespmem:s3+$0x1000]  }
0x148: {  	v7 =	vadd.s32 v25, v7;
	v18 =	vadd.f32 v23, v18;
	v9 =	vadd.f32 v29, v9;
	v16 =	vld [tilespmem:s3+$0x3000]  }
0x149: {  	v10 =	vadd.s32 v26, v10;
	v11 =	vadd.f32 v20, v11;
	v19 =	vadd.f32 v17, v19;
	v23 =	vld [tilespmem:s3+$0x1010]  }
0x14a: {  	v12 =	vadd.s32 v27, v12;
	v13 =	vadd.s32 v30, v13;
	v14 =	vadd.s32 v21, v14;
	v24 =	vld [tilespmem:s3+$0x3010]  }
0x14b: {  	v8 =	vadd.s32 v15, v8;
	v17 =	vld [tilespmem:s3+$0x1020];
	v20 =	vsub.f32 v28, v31;
	vm2 =	vgt.f32 v31, $0.0e+00  }
.Ltmp7:
0x14c: {  	v2 =	vadd.s32 v32, v2;
	vm1 =	vgt.f32 v33, $0.0e+00;
	v21 =	vld [tilespmem:s3+$0x3020];
	v15 =	vsel vm2, $0x1, v0;
	(pc) =	sbr.rel @p0 .LBB2_16-.Ltmp7, $4  }
0x14d: {  	v22 =	vsub.f32 v33, v16;
	vm6 =	vgt.f32 v16, $0.0e+00;
	v20 =	vmul.f32 v20, v20  }
0x14e: {  	vm0 =	vgt.f32 v28, $0.0e+00;
	v16 =	vsel vm6, $0x1, v0;
	vm3 =	vgt.f32 v23, $0.0e+00  }
0x14f: {  	v22 =	vmul.f32 v22, v22;
	v23 =	vsub.f32 v23, v24;
	v25 =	vnsel vm0, $0x0, v20  }
0x150: {  	vm5 =	vgt.f32 v24, $0.0e+00;
	vm4 =	vgt.f32 v17, $0.0e+00;
	v1 =	vadd.f32 v25, v1  }
0x151: {  	v17 =	vsub.f32 v17, v21;
	v23 =	vmul.f32 v23, v23;
	vm7 =	vgt.f32 v21, $0.0e+00  }
0x152: {  	v57 =	vnsel vm6, $0x0, v22;
	v58 =	vnsel vm1, $0x0, v22;
	v20 =	vnsel vm2, $0x0, v20  }
0x153: {  	v25 =	vsel vm1, $0x1, v0;
	v26 =	vsel vm5, $0x1, v0;
	v27 =	vsel vm3, $0x1, v0  }
0x154: {  	v59 =	vsel vm4, $0x1, v0;
	v30 =	vsel vm0, $0x1, v0;
	v5 =	vadd.s32 v16, v5  }
0x155: {  	v8 =	vadd.s32 v15, v8;
	v29 =	vsel vm7, $0x1, v0;
	v3 =	vadd.f32 v57, v3  }
0x156: {  	v4 =	vadd.f32 v58, v4;
	v7 =	vadd.s32 v25, v7;
	v10 =	vadd.s32 v26, v10  }
0x157: {  	v11 =	vadd.f32 v20, v11;
	v61 =	vadd.s32 v27, v12;
	v63 =	vadd.s32 v59, v14  }
0x158: {  	v2 =	vadd.s32 v30, v2;
	v17 =	vmul.f32 v17, v17;
	v24 =	vnsel vm5, $0x0, v23  }
0x159: {  	v23 =	vnsel vm3, $0x0, v23;
	v62 =	vadd.s32 v29, v13;
	v5 =	vadd.s32 v5, v10  }
0x15a: {  	v6 =	vadd.f32 v24, v6;
	v60 =	vadd.f32 v23, v18;
	v5 =	vadd.s32 v62, v5  }
0x15b: {  	v28 =	vnsel vm7, $0x0, v17;
	v17 =	vnsel vm4, $0x0, v17;
	v5 =	vadd.s32 v8, v5  }
0x15c: {  	v9 =	vadd.f32 v28, v9;
	v3 =	vadd.f32 v6, v3;
	v6 =	vadd.s32 v7, v61  }
0x15d: {  	v17 =	vadd.f32 v17, v19;
	v4 =	vadd.f32 v60, v4;
	v6 =	vadd.s32 v63, v6  }
0x15e: {  	v5 =	vcvt.s32.f32 v5;
	v3 =	vadd.f32 v9, v3;
	v2 =	vadd.s32 v2, v6  }
0x15f: {  	v4 =	vadd.f32 v17, v4;
	v2 =	vcvt.s32.f32 v2  }
0x160: {  	[tilespmem:$0x4080] =	vst v5;
	v3 =	vadd.f32 v11, v3  }
0x161: {  	s31 =	sadd.s32 $0x1, s31;
	v1 =	vadd.f32 v1, v4;
	[tilespmem:$0x4180] =	vst v2  }
0x162: {  	p0 =	sne.s32 s31, s20;
	[tilespmem:$0x4000] =	vst v3  }
.Ltmp8:
0x163: {  	s0 =	simm.s32 $0x4000;
	[tilespmem:$0x4100] =	vst v1;
	(pc) =	sbr.rel @p0 .LBB2_1-.Ltmp8, $4  }
0x164: {  	[hbm4b:s19+s2] =	stream.linear.scatter [tilespmem:s0], [sflag:$0x5], $0x200, $0x38;
	[tilespmem:$0x4200] =	vst v63  }
0x165: {  	_ =	swait.ge [sflag:s30], $0x200  }
0x166: {  	[sflag:s30] =	ssyncset.done $0x0  }
0x167: {  	[sflag:s30] =	ssyncadd.s32 $0xFFFFFE00  }
0x168: {  	_ =	sfence.sel $0x180000  }
0x169: {  	[bflag:$0x0] =	sbarrier.arrive $0xFFFF  }
0x16a: {  	_ =	strace $0x90000047  }
0x16b: {  	s0 =	stileid.u32;
	[bflag:$0x2] =	sbarrier.arrive $0xFFFF  }
0x16c: {  	p0 =	sne.s32 s0, $0x0;
	s0 =	rddreg [dreg:$0x3]  }
0x16d: {  	s0 =	sadd.s32 @!p0 $0x100000, s0  }
0x16e: {  	[sflag:s0] =	ssyncadd.tile.s32 @!p0 $0x1;
	_ =	shalt  }
.Lfunc_end2:
_tile_overlayer_lowered:
.L_overlay_start_2:
0x16f: {  	(tag) =	ssettag $0x2  }
0x170: {  	s0 =	rddreg [dreg:$0x0];
	s2 =	stileid.u32  }
0x171: {  	s1 =	rddreg [dreg:$0x1];
	p0 =	sne.s32 s2, $0x0  }
0x172: {  	s3 =	rddreg [dreg:$0x2];
	[bflag:$0x3] =	sbarrier.arrive $0xFFFF;
	s2 =	simm.s32 @!p0 $0x1C05  }
0x173: {  	[timem:s3], [sflag:s2] =	dma.local @!p0 [hbm:s0], s1  }
0x174: {  	s0 =	simm.s32 @!p0 $0x5  }
0x175: {  	_ =	swait.ge @!p0 [sflag:s0], s1  }
0x176: {  	s1 =	ssub.s32 @!p0 $0x0, s1;
	[sflag:s0] =	ssyncset.done @!p0 $0x0  }
0x177: {  	[sflag:s0] =	ssyncadd.s32 @!p0 s1  }
0x178: {  	[bflag:$0x3] =	sbarrier.arrive $0xFFFF  }
0x179: {  	_ =	shalt  }

</sc_bundles>
